<compile_context>
chip_gen: v7x
topology: tpu7x:2x2x1
jax: 0.10.2.dev20260603
libtpu: 0.0.44.dev20260713+nightly
codegen_flags: <defaults>
</compile_context>

<pallas_src>
import jax
import jax.numpy as jnp
from jax import lax
from jax.experimental import pallas as pl
from jax.experimental.pallas import tpu as pltpu
from jax.experimental.pallas import tpu_sc as plsc

N = 10000
NN = 10240
E = 320000
EP = 327680
D = 128
G = 64
NC, NS = 2, 16
NW = NC * NS
EPW = EP // NW
CH = 128
NCH = EP // CH
CA = 128
CB = 32
QMAX = CA // 4
EPAD = (NCH + 64) * CH
RB = 1024
NRB = NN // RB
PAD_DST = 10008

_mesh = plsc.VectorSubcoreMesh(
    core_axis_name="c", subcore_axis_name="s", num_cores=NC, num_subcores=NS
)



def _deg_body(dst_hbm, out_hbm, degl, dbuf, sem):
    wid = lax.axis_index("s") * NC + lax.axis_index("c")
    zero16 = jnp.zeros((16,), jnp.float32)

    def zero(i, _):
        degl[pl.ds(i * 16, 16)] = zero16
        return 0

    lax.fori_loop(0, NN // 16, zero, 0)
    pltpu.async_copy(dst_hbm.at[pl.ds(wid * EPW, EPW)], dbuf, sem).wait()
    ones16 = jnp.ones((16,), jnp.float32)

    def body(j, _):
        idx = dbuf[pl.ds(j * 16, 16)]
        plsc.addupdate_scatter(degl, [idx], ones16)
        return 0

    lax.fori_loop(0, EPW // 16, body, 0)
    pltpu.sync_copy(degl, out_hbm.at[wid])


_deg = pl.kernel(
    _deg_body,
    out_type=jax.ShapeDtypeStruct((NW, NN), jnp.float32),
    mesh=_mesh,
    scratch_types=[
        pltpu.VMEM((NN,), jnp.float32),
        pltpu.VMEM((EPW,), jnp.int32),
        pltpu.SemaphoreType.DMA,
    ],
    compiler_params=pltpu.CompilerParams(needs_layout_passes=False),
)



def _scat_body(ts_hbm, src_hbm, dst_hbm, zeros_hbm, out_hbm, acc, rows, sbuf, dbuf, sem):
    cid = lax.axis_index("c")
    sid = lax.axis_index("s")
    zbase = sid * (NN // NS)
    pltpu.sync_copy(zeros_hbm.at[pl.ds(zbase, NN // NS)], acc.at[pl.ds(zbase, NN // NS)])
    plsc.subcore_barrier()

    count = jnp.where(cid == 0, CA, CB)
    hc = count // 4
    cbase = jnp.where(cid == 0, sid * CA, NS * CA + sid * CB)
    for h in range(4):
        hbase = pl.multiple_of(cbase + h * hc, 8)
        pltpu.sync_copy(src_hbm.at[pl.ds(hbase, QMAX)], sbuf)
        pltpu.sync_copy(dst_hbm.at[pl.ds(hbase, QMAX)], dbuf)
        pltpu.async_copy(ts_hbm.at[sbuf.at[0]], rows.at[0], sem)

        def body(j, _):
            par = lax.rem(j, 2)
            pltpu.make_async_copy(ts_hbm.at[sbuf.at[j]], rows.at[par], sem).wait()

            @pl.when(j + 1 < hc)
            def _():
                pltpu.async_copy(ts_hbm.at[sbuf.at[j + 1]], rows.at[1 - par], sem)

            pltpu.sync_copy(rows.at[par], acc.at[dbuf.at[j]], add=True)
            return 0

        lax.fori_loop(0, hc, body, 0)
    plsc.subcore_barrier()
    rpt = NN // NS
    pltpu.sync_copy(acc.at[pl.ds(sid * rpt, rpt)], out_hbm.at[cid, pl.ds(sid * rpt, rpt)])


_scat = pl.kernel(
    _scat_body,
    out_type=jax.ShapeDtypeStruct((NC, NN, D), jnp.float32),
    mesh=_mesh,
    scratch_types=[
        pltpu.VMEM_SHARED((NN, D), jnp.float32),
        pltpu.VMEM((2, CH, D), jnp.float32),
        pltpu.VMEM((QMAX, CH), jnp.int32),
        pltpu.VMEM((QMAX, CH), jnp.int32),
        pltpu.SemaphoreType.DMA,
    ],
)



def _l1_body(degp, x, w, dinv_o, ts_o):
    deg = jnp.sum(degp[...], axis=0) + 1.0
    dinv = lax.rsqrt(deg)
    dinv_o[...] = dinv[:, None]
    ts_o[...] = jnp.dot(x[...], w[...], preferred_element_type=jnp.float32) * dinv[:, None]


_l1 = pl.pallas_call(
    _l1_body,
    grid=(NRB,),
    in_specs=[
        pl.BlockSpec((NW, RB), lambda i: (0, i)),
        pl.BlockSpec((RB, D), lambda i: (i, 0)),
        pl.BlockSpec((D, D), lambda i: (0, 0)),
    ],
    out_specs=[
        pl.BlockSpec((RB, 1), lambda i: (i, 0)),
        pl.BlockSpec((RB, D), lambda i: (i, 0)),
    ],
    out_shape=[
        jax.ShapeDtypeStruct((NN, 1), jnp.float32),
        jax.ShapeDtypeStruct((NN, D), jnp.float32),
    ],
)



def _mid_body(S, ts, dinv, b, w, out):
    h = jnp.maximum(dinv[...] * (S[0] + S[1] + ts[...]) + b[...], 0.0)
    out[...] = jnp.dot(h, w[...], preferred_element_type=jnp.float32) * dinv[...]


_mid = pl.pallas_call(
    _mid_body,
    grid=(NRB,),
    in_specs=[
        pl.BlockSpec((NC, RB, D), lambda i: (0, i, 0)),
        pl.BlockSpec((RB, D), lambda i: (i, 0)),
        pl.BlockSpec((RB, 1), lambda i: (i, 0)),
        pl.BlockSpec((1, D), lambda i: (0, 0)),
        pl.BlockSpec((D, D), lambda i: (0, 0)),
    ],
    out_specs=pl.BlockSpec((RB, D), lambda i: (i, 0)),
    out_shape=jax.ShapeDtypeStruct((NN, D), jnp.float32),
)



def _fin_body(S, ts, dinv, b, bidx, w1, b1, w2, b2, out, pooled, cnt):
    k = pl.program_id(0)
    h = jnp.maximum(dinv[...] * (S[0] + S[1] + ts[...]) + b[...], 0.0)
    gid = lax.broadcasted_iota(jnp.int32, (G, 1), 0)
    mask = (bidx[...] == gid).astype(jnp.float32)
    pm = jnp.dot(mask, h, preferred_element_type=jnp.float32)
    cm = jnp.sum(mask, axis=1, keepdims=True)

    @pl.when(k == 0)
    def _():
        pooled[...] = pm
        cnt[...] = cm

    @pl.when(k > 0)
    def _():
        pooled[...] += pm
        cnt[...] += cm

    @pl.when(k == NRB - 1)
    def _():
        pool = pooled[...] / jnp.maximum(cnt[...], 1.0)
        g = jnp.maximum(
            jnp.dot(pool, w1[...], preferred_element_type=jnp.float32) + b1[...], 0.0
        )
        out[...] = jnp.dot(g, w2[...], preferred_element_type=jnp.float32) + b2[...]


_fin = pl.pallas_call(
    _fin_body,
    grid=(NRB,),
    in_specs=[
        pl.BlockSpec((NC, RB, D), lambda i: (0, i, 0)),
        pl.BlockSpec((RB, D), lambda i: (i, 0)),
        pl.BlockSpec((RB, 1), lambda i: (i, 0)),
        pl.BlockSpec((1, D), lambda i: (0, 0)),
        pl.BlockSpec((1, RB), lambda i: (0, i)),
        pl.BlockSpec((D, D), lambda i: (0, 0)),
        pl.BlockSpec((1, D), lambda i: (0, 0)),
        pl.BlockSpec((D, 1), lambda i: (0, 0)),
        pl.BlockSpec((1, 1), lambda i: (0, 0)),
    ],
    out_specs=pl.BlockSpec((G, 1), lambda i: (0, 0)),
    out_shape=jax.ShapeDtypeStruct((G, 1), jnp.float32),
    scratch_shapes=[
        pltpu.VMEM((G, D), jnp.float32),
        pltpu.VMEM((G, 1), jnp.float32),
    ],
)


def kernel(x, edge_index, batch_idx, W1, b1, Ws, bs, lin1_W, lin1_b, lin2_W, lin2_b):
    src = edge_index[0].astype(jnp.int32)
    dst = edge_index[1].astype(jnp.int32)
    pad = EPAD - E
    srcp = jnp.concatenate([src, jnp.zeros((pad,), jnp.int32)])
    dstp = jnp.concatenate([dst, jnp.full((pad,), PAD_DST, jnp.int32)])
    xp = jnp.pad(x, ((0, NN - N), (0, 0)))
    bidxp = jnp.pad(batch_idx.astype(jnp.int32), (0, NN - N), constant_values=G)

    src2 = srcp.reshape(EPAD // CH, CH)
    dst2 = dstp.reshape(EPAD // CH, CH)

    degp = _deg(dstp[:EP])
    dinv, ts = _l1(degp, xp, W1)
    zrows = jnp.zeros((NN, D), jnp.float32)
    S = _scat(ts, src2, dst2, zrows)
    ts = _mid(S, ts, dinv, b1.reshape(1, D), Ws[0])
    S = _scat(ts, src2, dst2, zrows)
    ts = _mid(S, ts, dinv, bs[0].reshape(1, D), Ws[1])
    S = _scat(ts, src2, dst2, zrows)
    out = _fin(
        S, ts, dinv, bs[1].reshape(1, D),
        bidxp.reshape(1, NN),
        lin1_W, lin1_b.reshape(1, D), lin2_W, lin2_b.reshape(1, 1),
    )
    return out

# --- scband reference (transcript-rebuilt; emitter-appended) ---
"""Pipeline reference for scband-gcngraph-regression-42159398977692 (READ-ONLY COPY).

The authoritative reference and input builder live on the scoring server;
editing this copy changes nothing except your own understanding.
"""

import jax, jax.numpy as jnp
import numpy as np

N_NODES = 10000
N_EDGES = 320000
D_NODE = 128
HID = 128
NUM_LAYERS = 3
N_GRAPHS = 64


def setup_inputs(seed: int = 0) -> dict:
    key = jax.random.key(seed)
    ks = jax.random.split(key, 16)
    x = jax.random.normal(ks[0], (N_NODES, D_NODE), dtype=jnp.float32)
    edge_index = jax.random.randint(ks[1], (2, N_EDGES), 0, N_NODES, dtype=jnp.int64)
    batch_idx = jnp.sort(jax.random.randint(ks[2], (N_NODES,), 0, N_GRAPHS, dtype=jnp.int64))
    s1 = (1.0 / np.sqrt(D_NODE)).astype(np.float32) if isinstance(np.sqrt(D_NODE), np.ndarray) else np.float32(1.0 / np.sqrt(D_NODE))
    sh = np.float32(1.0 / np.sqrt(HID))
    # GCNConv weights stored as [in, out] (apply as h = x @ W + b)
    W1 = jax.random.uniform(ks[3], (D_NODE, HID), dtype=jnp.float32, minval=-s1, maxval=s1)
    b1 = jnp.zeros((HID,), dtype=jnp.float32)
    Ws = jax.random.uniform(ks[4], (NUM_LAYERS - 1, HID, HID), dtype=jnp.float32, minval=-sh, maxval=sh)
    bs = jnp.zeros((NUM_LAYERS - 1, HID), dtype=jnp.float32)
    lin1_W = jax.random.uniform(ks[5], (HID, HID), dtype=jnp.float32, minval=-sh, maxval=sh)
    lin1_b = jnp.zeros((HID,), dtype=jnp.float32)
    lin2_W = jax.random.uniform(ks[6], (HID, 1), dtype=jnp.float32, minval=-sh, maxval=sh)
    lin2_b = jnp.zeros((1,), dtype=jnp.float32)
    return {"x": x, "edge_index": edge_index, "batch_idx": batch_idx,
            "W1": W1, "b1": b1, "Ws": Ws, "bs": bs,
            "lin1_W": lin1_W, "lin1_b": lin1_b, "lin2_W": lin2_W, "lin2_b": lin2_b}


def _gcn_conv(x, edge_index, W, b, n):
    # PyG GCNConv: add self-loops, symmetric normalization D^-1/2 (A+I) D^-1/2, then linear
    loop = jnp.arange(n, dtype=edge_index.dtype)
    src = jnp.concatenate([edge_index[0], loop])
    dst = jnp.concatenate([edge_index[1], loop])
    deg = jax.ops.segment_sum(jnp.ones_like(dst, dtype=x.dtype), dst, num_segments=n)
    dinv = jnp.where(deg > 0, jax.lax.rsqrt(jnp.maximum(deg, 1e-12)), 0.0)
    norm = dinv[src] * dinv[dst]
    h = x @ W
    msg = h[src] * norm[:, None]
    out = jax.ops.segment_sum(msg, dst, num_segments=n)
    return out + b


def _global_mean_pool(x, batch_idx, num_graphs):
    s = jax.ops.segment_sum(x, batch_idx, num_segments=num_graphs)
    cnt = jax.ops.segment_sum(jnp.ones((x.shape[0],), dtype=x.dtype), batch_idx, num_segments=num_graphs)
    return s / jnp.maximum(cnt, 1.0)[:, None]


def reference(x, edge_index, batch_idx, W1, b1, Ws, bs, lin1_W, lin1_b, lin2_W, lin2_b):
    n = x.shape[0]
    h = jax.nn.relu(_gcn_conv(x, edge_index, W1, b1, n))
    # dropout p=0.0 (inference): no-op
    for i in range(Ws.shape[0]):
        h = jax.nn.relu(_gcn_conv(h, edge_index, Ws[i], bs[i], n))
    g = _global_mean_pool(h, batch_idx, N_GRAPHS)
    g = jax.nn.relu(g @ lin1_W + lin1_b)
    out = g @ lin2_W + lin2_b
    return out

if __name__ == "__main__":
    import jax
    _d = setup_inputs()
    print(jax.jit(kernel)(*tuple(_d.values())))

</pallas_src>

<mosaic_0001>
#map = affine_map<(d0, d1) -> (0, 0)>
#map1 = affine_map<(d0, d1) -> (0, 0, 0)>
module attributes {stable_mosaic.version = 14 : i64} {
  func.func @_scat_body(%arg0: i32, %arg1: i32, %arg2: memref<10240x128xf32, #tpu.memory_space<hbm>>, %arg3: memref<2624x128xi32, #tpu.memory_space<hbm>>, %arg4: memref<2624x128xi32, #tpu.memory_space<hbm>>, %arg5: memref<10240x128xf32, #tpu.memory_space<hbm>>, %arg6: memref<2x10240x128xf32, #tpu.memory_space<hbm>>, %arg7: memref<10240x128xf32, #tpu.memory_space<vmem_shared>>, %arg8: memref<2x128x128xf32, #tpu.memory_space<vmem>>, %arg9: memref<32x128xi32, #tpu.memory_space<vmem>>, %arg10: memref<32x128xi32, #tpu.memory_space<vmem>>, %arg11: memref<!tpu.dma_semaphore, #tpu.memory_space<semaphore_mem>>) attributes {dimension_semantics = [#tpu.dimension_semantics<core_parallel>, #tpu.dimension_semantics<subcore_parallel>], iteration_bounds = array<i64: 2, 16>, scalar_prefetch = 0 : i64, scratch_operands = 5 : i64, tpu.core_type = #tpu.core_type<sc_vector_subcore>, window_params = [{transform_indices = #map}, {transform_indices = #map}, {transform_indices = #map}, {transform_indices = #map}, {transform_indices = #map1}]} {
    %mul3A = arith.constant 640 : i32
    %mul3A_0 = arith.muli %arg1, %mul3A : i32
    "tpu.region"() ({
      %run_scoped3A = tpu.sem_alloc : memref<!tpu.dma_semaphore, #tpu.memory_space<semaphore_mem>>
      %dma_start3A_143 = arith.constant 0 : i32
      %dma_start3A_144 = tpu.memref_slice %arg7[%mul3A_0, %dma_start3A_143] : memref<10240x128xf32, #tpu.memory_space<vmem_shared>> -> memref<640x128xf32, #tpu.memory_space<vmem_shared>>
      %dma_start3A_145 = arith.constant 0 : i32
      %dma_start3A_146 = tpu.memref_slice %arg5[%mul3A_0, %dma_start3A_145] : memref<10240x128xf32, #tpu.memory_space<hbm>> -> memref<640x128xf32, #tpu.memory_space<hbm>>
      tpu.enqueue_dma source(%dma_start3A_146 : memref<640x128xf32, #tpu.memory_space<hbm>>) target(%dma_start3A_144 : memref<640x128xf32, #tpu.memory_space<vmem_shared>>) target_semaphore(%run_scoped3A : memref<!tpu.dma_semaphore, #tpu.memory_space<semaphore_mem>>)
      %dma_wait3A = arith.constant 0 : i32
      %dma_wait3A_147 = tpu.memref_slice %arg7[%mul3A_0, %dma_wait3A] : memref<10240x128xf32, #tpu.memory_space<vmem_shared>> -> memref<640x128xf32, #tpu.memory_space<vmem_shared>>
      %dma_wait3A_148 = arith.constant 0 : i32
      %dma_wait3A_149 = tpu.memref_slice %arg5[%mul3A_0, %dma_wait3A_148] : memref<10240x128xf32, #tpu.memory_space<hbm>> -> memref<640x128xf32, #tpu.memory_space<hbm>>
      tpu.wait_dma2 semaphore(%run_scoped3A : memref<!tpu.dma_semaphore, #tpu.memory_space<semaphore_mem>>) src(%dma_wait3A_149 : memref<640x128xf32, #tpu.memory_space<hbm>>) dst(%dma_wait3A_147 : memref<640x128xf32, #tpu.memory_space<vmem_shared>>)
      tpu.yield
    }) : () -> ()
    %barrier3A = arith.constant 0 : index
    tpu.barrier barrier_id(%barrier3A)
    %eq3A = arith.constant 0 : i32
    %eq3A_1 = arith.cmpi eq, %arg0, %eq3A : i32
    %jit3A = arith.constant 128 : i32
    %jit3A_2 = arith.constant 32 : i32
    %select_n3A = arith.select %eq3A_1, %jit3A, %jit3A_2 : i32
    %jit3A_3 = arith.constant 4 : i32
    %div3A = arith.divsi %select_n3A, %jit3A_3 : i32
    %sign3A = arith.constant 0 : i32
    %sign3A_4 = arith.cmpi sgt, %select_n3A, %sign3A : i32
    %sign3A_5 = arith.extui %sign3A_4 : i1 to i32
    %sign3A_6 = arith.constant 0 : i32
    %sign3A_7 = arith.cmpi slt, %select_n3A, %sign3A_6 : i32
    %sign3A_8 = arith.extui %sign3A_7 : i1 to i32
    %sign3A_9 = arith.subi %sign3A_5, %sign3A_8 : i32
    %sign3A_10 = arith.constant 0 : i32
    %sign3A_11 = arith.cmpi sgt, %jit3A_3, %sign3A_10 : i32
    %sign3A_12 = arith.extui %sign3A_11 : i1 to i32
    %sign3A_13 = arith.constant 0 : i32
    %sign3A_14 = arith.cmpi slt, %jit3A_3, %sign3A_13 : i32
    %sign3A_15 = arith.extui %sign3A_14 : i1 to i32
    %sign3A_16 = arith.subi %sign3A_12, %sign3A_15 : i32
    %ne3A = arith.cmpi ne, %sign3A_9, %sign3A_16 : i32
    %rem3A = arith.remsi %select_n3A, %jit3A_3 : i32
    %ne3A_17 = arith.constant 0 : i32
    %ne3A_18 = arith.cmpi ne, %rem3A, %ne3A_17 : i32
    %and3A = arith.andi %ne3A, %ne3A_18 : i1
    %sub3A = arith.constant 1 : i32
    %sub3A_19 = arith.subi %div3A, %sub3A : i32
    %select_n3A_20 = arith.select %and3A, %sub3A_19, %div3A : i32
    %eq3A_21 = arith.constant 0 : i32
    %eq3A_22 = arith.cmpi eq, %arg0, %eq3A_21 : i32
    %mul3A_23 = arith.constant 128 : i32
    %mul3A_24 = arith.muli %arg1, %mul3A_23 : i32
    %mul3A_25 = arith.constant 32 : i32
    %mul3A_26 = arith.muli %arg1, %mul3A_25 : i32
    %add3A = arith.constant 2048 : i32
    %add3A_27 = arith.addi %add3A, %mul3A_26 : i32
    %select_n3A_28 = arith.select %eq3A_22, %mul3A_24, %add3A_27 : i32
    %mul3A_29 = arith.constant 0 : i32
    %mul3A_30 = arith.muli %mul3A_29, %select_n3A_20 : i32
    %add3A_31 = arith.addi %select_n3A_28, %mul3A_30 : i32
    %multiple_of3A = tpu.assume_multiple %add3A_31, 8 : i32
    "tpu.region"() ({
      %run_scoped3A = tpu.sem_alloc : memref<!tpu.dma_semaphore, #tpu.memory_space<semaphore_mem>>
      %dma_start3A_143 = arith.constant 0 : i32
      %dma_start3A_144 = tpu.memref_slice %arg3[%multiple_of3A, %dma_start3A_143] : memref<2624x128xi32, #tpu.memory_space<hbm>> -> memref<32x128xi32, #tpu.memory_space<hbm>>
      %dma_start3A_145 = arith.constant 0 : i32
      %dma_start3A_146 = tpu.memref_slice %arg3[%multiple_of3A, %dma_start3A_145] : memref<2624x128xi32, #tpu.memory_space<hbm>> -> memref<32x128xi32, #tpu.memory_space<hbm>>
      tpu.enqueue_dma source(%dma_start3A_146 : memref<32x128xi32, #tpu.memory_space<hbm>>) target(%arg9 : memref<32x128xi32, #tpu.memory_space<vmem>>) target_semaphore(%run_scoped3A : memref<!tpu.dma_semaphore, #tpu.memory_space<semaphore_mem>>)
      %dma_wait3A = arith.constant 0 : i32
      %dma_wait3A_147 = tpu.memref_slice %arg3[%multiple_of3A, %dma_wait3A] : memref<2624x128xi32, #tpu.memory_space<hbm>> -> memref<32x128xi32, #tpu.memory_space<hbm>>
      %dma_wait3A_148 = arith.constant 0 : i32
      %dma_wait3A_149 = tpu.memref_slice %arg3[%multiple_of3A, %dma_wait3A_148] : memref<2624x128xi32, #tpu.memory_space<hbm>> -> memref<32x128xi32, #tpu.memory_space<hbm>>
      tpu.wait_dma2 semaphore(%run_scoped3A : memref<!tpu.dma_semaphore, #tpu.memory_space<semaphore_mem>>) src(%dma_wait3A_149 : memref<32x128xi32, #tpu.memory_space<hbm>>) dst(%arg9 : memref<32x128xi32, #tpu.memory_space<vmem>>)
      tpu.yield
    }) : () -> ()
    "tpu.region"() ({
      %run_scoped3A = tpu.sem_alloc : memref<!tpu.dma_semaphore, #tpu.memory_space<semaphore_mem>>
      %dma_start3A_143 = arith.constant 0 : i32
      %dma_start3A_144 = tpu.memref_slice %arg4[%multiple_of3A, %dma_start3A_143] : memref<2624x128xi32, #tpu.memory_space<hbm>> -> memref<32x128xi32, #tpu.memory_space<hbm>>
      %dma_start3A_145 = arith.constant 0 : i32
      %dma_start3A_146 = tpu.memref_slice %arg4[%multiple_of3A, %dma_start3A_145] : memref<2624x128xi32, #tpu.memory_space<hbm>> -> memref<32x128xi32, #tpu.memory_space<hbm>>
      tpu.enqueue_dma source(%dma_start3A_146 : memref<32x128xi32, #tpu.memory_space<hbm>>) target(%arg10 : memref<32x128xi32, #tpu.memory_space<vmem>>) target_semaphore(%run_scoped3A : memref<!tpu.dma_semaphore, #tpu.memory_space<semaphore_mem>>)
      %dma_wait3A = arith.constant 0 : i32
      %dma_wait3A_147 = tpu.memref_slice %arg4[%multiple_of3A, %dma_wait3A] : memref<2624x128xi32, #tpu.memory_space<hbm>> -> memref<32x128xi32, #tpu.memory_space<hbm>>
      %dma_wait3A_148 = arith.constant 0 : i32
      %dma_wait3A_149 = tpu.memref_slice %arg4[%multiple_of3A, %dma_wait3A_148] : memref<2624x128xi32, #tpu.memory_space<hbm>> -> memref<32x128xi32, #tpu.memory_space<hbm>>
      tpu.wait_dma2 semaphore(%run_scoped3A : memref<!tpu.dma_semaphore, #tpu.memory_space<semaphore_mem>>) src(%dma_wait3A_149 : memref<32x128xi32, #tpu.memory_space<hbm>>) dst(%arg10 : memref<32x128xi32, #tpu.memory_space<vmem>>)
      tpu.yield
    }) : () -> ()
    %dma_start3A = arith.constant 0 : i32
    %dma_start3A_32 = arith.constant 0 : i32
    %dma_start3A_33 = arith.constant 0 : i32
    %dma_start3A_34 = arith.constant 0 : i32
    %dma_start3A_35 = tpu.memref_slice %arg8[%dma_start3A_32, %dma_start3A_33, %dma_start3A_34] : memref<2x128x128xf32, #tpu.memory_space<vmem>> -> memref<1x128x128xf32, #tpu.memory_space<vmem>>
    %dma_start3A_36 = tpu.memref_squeeze %dma_start3A_35 : memref<1x128x128xf32, #tpu.memory_space<vmem>> -> memref<128x128xf32, #tpu.memory_space<vmem>>
    %dma_start3A_37 = arith.constant 0 : i32
    %dma_start3A_38 = tpu.memref_slice %arg9[%dma_start3A, %dma_start3A_37] : memref<32x128xi32, #tpu.memory_space<vmem>> -> memref<1x128xi32, #tpu.memory_space<vmem>>
    %dma_start3A_39 = tpu.memref_squeeze %dma_start3A_38 : memref<1x128xi32, #tpu.memory_space<vmem>> -> memref<128xi32, #tpu.memory_space<vmem>>
    %dma_start3A_40 = arith.constant 0 : i32
    %dma_start3A_41 = arith.constant 0 : i32
    %dma_start3A_42 = tpu.memref_slice %arg2[%dma_start3A_40, %dma_start3A_41] : memref<10240x128xf32, #tpu.memory_space<hbm>> -> memref<10240x128xf32, #tpu.memory_space<hbm>>
    tpu.enqueue_indirect_dma source(%dma_start3A_42 : memref<10240x128xf32, #tpu.memory_space<hbm>>) target(%dma_start3A_36 : memref<128x128xf32, #tpu.memory_space<vmem>>) offsets(%dma_start3A_39 : memref<128xi32, #tpu.memory_space<vmem>>) semaphore(%arg11 : memref<!tpu.dma_semaphore, #tpu.memory_space<semaphore_mem>>)
    %while3A = arith.constant 0 : i32
    %while3A_43 = arith.constant 0 : i32
    %while3A_44 = arith.subi %select_n3A_20, %while3A : i32
    %while3A_45 = arith.addi %while3A, %while3A_44 : i32
    %while3A_46 = arith.constant 1 : i32
    %while3A_47 = arith.divsi %while3A_44, %while3A_46 : i32
    %while3A_48 = arith.muli %while3A_47, %while3A_46 : i32
    %while3A_49 = arith.addi %while3A, %while3A_48 : i32
    %while3A_50 = arith.constant 1 : i32
    %while3A_51 = scf.for %while3A_143 = %while3A to %while3A_49 step %while3A_50 iter_args(%while3A_144 = %while3A_43) -> (i32)  : i32 {
      %rem3A_145 = arith.constant 2 : i32
      %rem3A_146 = arith.remsi %while3A_143, %rem3A_145 : i32
      %dma_wait3A = arith.constant 0 : i32
      %dma_wait3A_147 = arith.constant 0 : i32
      %dma_wait3A_148 = tpu.memref_slice %arg8[%rem3A_146, %dma_wait3A, %dma_wait3A_147] : memref<2x128x128xf32, #tpu.memory_space<vmem>> -> memref<1x128x128xf32, #tpu.memory_space<vmem>>
      %dma_wait3A_149 = tpu.memref_squeeze %dma_wait3A_148 : memref<1x128x128xf32, #tpu.memory_space<vmem>> -> memref<128x128xf32, #tpu.memory_space<vmem>>
      %dma_wait3A_150 = arith.constant 0 : i32
      %dma_wait3A_151 = tpu.memref_slice %arg9[%while3A_143, %dma_wait3A_150] : memref<32x128xi32, #tpu.memory_space<vmem>> -> memref<1x128xi32, #tpu.memory_space<vmem>>
      %dma_wait3A_152 = tpu.memref_squeeze %dma_wait3A_151 : memref<1x128xi32, #tpu.memory_space<vmem>> -> memref<128xi32, #tpu.memory_space<vmem>>
      %dma_wait3A_153 = arith.constant 0 : i32
      %dma_wait3A_154 = arith.constant 0 : i32
      %dma_wait3A_155 = tpu.memref_slice %arg2[%dma_wait3A_153, %dma_wait3A_154] : memref<10240x128xf32, #tpu.memory_space<hbm>> -> memref<10240x128xf32, #tpu.memory_space<hbm>>
      tpu.wait_indirect_dma semaphore(%arg11 : memref<!tpu.dma_semaphore, #tpu.memory_space<semaphore_mem>>) src(%dma_wait3A_155 : memref<10240x128xf32, #tpu.memory_space<hbm>>) dst(%dma_wait3A_149 : memref<128x128xf32, #tpu.memory_space<vmem>>)
      %add3A_156 = arith.constant 1 : i32
      %add3A_157 = arith.addi %while3A_143, %add3A_156 : i32
      %lt3A = arith.cmpi slt, %add3A_157, %select_n3A_20 : i32
      %convert_element_type3A = arith.extui %lt3A : i1 to i32
      %cond3A = arith.constant 0 : i32
      %cond3A_158 = arith.cmpi ne, %convert_element_type3A, %cond3A : i32
      scf.if %cond3A_158 {
        %add3A_160 = arith.constant 1 : i32
        %add3A_161 = arith.addi %while3A_143, %add3A_160 : i32
        %sub3A_162 = arith.constant 1 : i32
        %sub3A_163 = arith.subi %sub3A_162, %rem3A_146 : i32
        %dma_start3A_164 = arith.constant 0 : i32
        %dma_start3A_165 = arith.constant 0 : i32
        %dma_start3A_166 = tpu.memref_slice %arg8[%sub3A_163, %dma_start3A_164, %dma_start3A_165] : memref<2x128x128xf32, #tpu.memory_space<vmem>> -> memref<1x128x128xf32, #tpu.memory_space<vmem>>
        %dma_start3A_167 = tpu.memref_squeeze %dma_start3A_166 : memref<1x128x128xf32, #tpu.memory_space<vmem>> -> memref<128x128xf32, #tpu.memory_space<vmem>>
        %dma_start3A_168 = arith.constant 0 : i32
        %dma_start3A_169 = tpu.memref_slice %arg9[%add3A_161, %dma_start3A_168] : memref<32x128xi32, #tpu.memory_space<vmem>> -> memref<1x128xi32, #tpu.memory_space<vmem>>
        %dma_start3A_170 = tpu.memref_squeeze %dma_start3A_169 : memref<1x128xi32, #tpu.memory_space<vmem>> -> memref<128xi32, #tpu.memory_space<vmem>>
        %dma_start3A_171 = arith.constant 0 : i32
        %dma_start3A_172 = arith.constant 0 : i32
        %dma_start3A_173 = tpu.memref_slice %arg2[%dma_start3A_171, %dma_start3A_172] : memref<10240x128xf32, #tpu.memory_space<hbm>> -> memref<10240x128xf32, #tpu.memory_space<hbm>>
        tpu.enqueue_indirect_dma source(%dma_start3A_173 : memref<10240x128xf32, #tpu.memory_space<hbm>>) target(%dma_start3A_167 : memref<128x128xf32, #tpu.memory_space<vmem>>) offsets(%dma_start3A_170 : memref<128xi32, #tpu.memory_space<vmem>>) semaphore(%arg11 : memref<!tpu.dma_semaphore, #tpu.memory_space<semaphore_mem>>)
      } else {
      }
      "tpu.region"() ({
        %run_scoped3A = tpu.sem_alloc : memref<!tpu.dma_semaphore, #tpu.memory_space<semaphore_mem>>
        %dma_start3A_160 = arith.constant 0 : i32
        %dma_start3A_161 = arith.constant 0 : i32
        %dma_start3A_162 = tpu.memref_slice %arg8[%rem3A_146, %dma_start3A_160, %dma_start3A_161] : memref<2x128x128xf32, #tpu.memory_space<vmem>> -> memref<1x128x128xf32, #tpu.memory_space<vmem>>
        %dma_start3A_163 = tpu.memref_squeeze %dma_start3A_162 : memref<1x128x128xf32, #tpu.memory_space<vmem>> -> memref<128x128xf32, #tpu.memory_space<vmem>>
        %dma_start3A_164 = arith.constant 0 : i32
        %dma_start3A_165 = tpu.memref_slice %arg10[%while3A_143, %dma_start3A_164] : memref<32x128xi32, #tpu.memory_space<vmem>> -> memref<1x128xi32, #tpu.memory_space<vmem>>
        %dma_start3A_166 = tpu.memref_squeeze %dma_start3A_165 : memref<1x128xi32, #tpu.memory_space<vmem>> -> memref<128xi32, #tpu.memory_space<vmem>>
        %dma_start3A_167 = arith.constant 0 : i32
        %dma_start3A_168 = arith.constant 0 : i32
        %dma_start3A_169 = tpu.memref_slice %arg7[%dma_start3A_167, %dma_start3A_168] : memref<10240x128xf32, #tpu.memory_space<vmem_shared>> -> memref<10240x128xf32, #tpu.memory_space<vmem_shared>>
        tpu.enqueue_indirect_dma source(%dma_start3A_163 : memref<128x128xf32, #tpu.memory_space<vmem>>) target(%dma_start3A_169 : memref<10240x128xf32, #tpu.memory_space<vmem_shared>>) offsets(%dma_start3A_166 : memref<128xi32, #tpu.memory_space<vmem>>) semaphore(%run_scoped3A : memref<!tpu.dma_semaphore, #tpu.memory_space<semaphore_mem>>) {add = true}
        %dma_wait3A_170 = arith.constant 0 : i32
        %dma_wait3A_171 = arith.constant 0 : i32
        %dma_wait3A_172 = tpu.memref_slice %arg8[%rem3A_146, %dma_wait3A_170, %dma_wait3A_171] : memref<2x128x128xf32, #tpu.memory_space<vmem>> -> memref<1x128x128xf32, #tpu.memory_space<vmem>>
        %dma_wait3A_173 = tpu.memref_squeeze %dma_wait3A_172 : memref<1x128x128xf32, #tpu.memory_space<vmem>> -> memref<128x128xf32, #tpu.memory_space<vmem>>
        %dma_wait3A_174 = arith.constant 0 : i32
        %dma_wait3A_175 = tpu.memref_slice %arg10[%while3A_143, %dma_wait3A_174] : memref<32x128xi32, #tpu.memory_space<vmem>> -> memref<1x128xi32, #tpu.memory_space<vmem>>
        %dma_wait3A_176 = tpu.memref_squeeze %dma_wait3A_175 : memref<1x128xi32, #tpu.memory_space<vmem>> -> memref<128xi32, #tpu.memory_space<vmem>>
        %dma_wait3A_177 = arith.constant 0 : i32
        %dma_wait3A_178 = arith.constant 0 : i32
        %dma_wait3A_179 = tpu.memref_slice %arg7[%dma_wait3A_177, %dma_wait3A_178] : memref<10240x128xf32, #tpu.memory_space<vmem_shared>> -> memref<10240x128xf32, #tpu.memory_space<vmem_shared>>
        tpu.wait_indirect_dma semaphore(%run_scoped3A : memref<!tpu.dma_semaphore, #tpu.memory_space<semaphore_mem>>) src(%dma_wait3A_173 : memref<128x128xf32, #tpu.memory_space<vmem>>) dst(%dma_wait3A_179 : memref<10240x128xf32, #tpu.memory_space<vmem_shared>>)
        tpu.yield
      }) : () -> ()
      %while3A_159 = arith.constant 0 : i32
      scf.yield %while3A_159 : i32
    }
    %while3A_52 = arith.constant 1 : i32
    %while3A_53 = scf.for %while3A_143 = %while3A_49 to %while3A_45 step %while3A_52 iter_args(%while3A_144 = %while3A_51) -> (i32)  : i32 {
      %rem3A_145 = arith.constant 2 : i32
      %rem3A_146 = arith.remsi %while3A_143, %rem3A_145 : i32
      %dma_wait3A = arith.constant 0 : i32
      %dma_wait3A_147 = arith.constant 0 : i32
      %dma_wait3A_148 = tpu.memref_slice %arg8[%rem3A_146, %dma_wait3A, %dma_wait3A_147] : memref<2x128x128xf32, #tpu.memory_space<vmem>> -> memref<1x128x128xf32, #tpu.memory_space<vmem>>
      %dma_wait3A_149 = tpu.memref_squeeze %dma_wait3A_148 : memref<1x128x128xf32, #tpu.memory_space<vmem>> -> memref<128x128xf32, #tpu.memory_space<vmem>>
      %dma_wait3A_150 = arith.constant 0 : i32
      %dma_wait3A_151 = tpu.memref_slice %arg9[%while3A_143, %dma_wait3A_150] : memref<32x128xi32, #tpu.memory_space<vmem>> -> memref<1x128xi32, #tpu.memory_space<vmem>>
      %dma_wait3A_152 = tpu.memref_squeeze %dma_wait3A_151 : memref<1x128xi32, #tpu.memory_space<vmem>> -> memref<128xi32, #tpu.memory_space<vmem>>
      %dma_wait3A_153 = arith.constant 0 : i32
      %dma_wait3A_154 = arith.constant 0 : i32
      %dma_wait3A_155 = tpu.memref_slice %arg2[%dma_wait3A_153, %dma_wait3A_154] : memref<10240x128xf32, #tpu.memory_space<hbm>> -> memref<10240x128xf32, #tpu.memory_space<hbm>>
      tpu.wait_indirect_dma semaphore(%arg11 : memref<!tpu.dma_semaphore, #tpu.memory_space<semaphore_mem>>) src(%dma_wait3A_155 : memref<10240x128xf32, #tpu.memory_space<hbm>>) dst(%dma_wait3A_149 : memref<128x128xf32, #tpu.memory_space<vmem>>)
      %add3A_156 = arith.constant 1 : i32
      %add3A_157 = arith.addi %while3A_143, %add3A_156 : i32
      %lt3A = arith.cmpi slt, %add3A_157, %select_n3A_20 : i32
      %convert_element_type3A = arith.extui %lt3A : i1 to i32
      %cond3A = arith.constant 0 : i32
      %cond3A_158 = arith.cmpi ne, %convert_element_type3A, %cond3A : i32
      scf.if %cond3A_158 {
        %add3A_160 = arith.constant 1 : i32
        %add3A_161 = arith.addi %while3A_143, %add3A_160 : i32
        %sub3A_162 = arith.constant 1 : i32
        %sub3A_163 = arith.subi %sub3A_162, %rem3A_146 : i32
        %dma_start3A_164 = arith.constant 0 : i32
        %dma_start3A_165 = arith.constant 0 : i32
        %dma_start3A_166 = tpu.memref_slice %arg8[%sub3A_163, %dma_start3A_164, %dma_start3A_165] : memref<2x128x128xf32, #tpu.memory_space<vmem>> -> memref<1x128x128xf32, #tpu.memory_space<vmem>>
        %dma_start3A_167 = tpu.memref_squeeze %dma_start3A_166 : memref<1x128x128xf32, #tpu.memory_space<vmem>> -> memref<128x128xf32, #tpu.memory_space<vmem>>
        %dma_start3A_168 = arith.constant 0 : i32
        %dma_start3A_169 = tpu.memref_slice %arg9[%add3A_161, %dma_start3A_168] : memref<32x128xi32, #tpu.memory_space<vmem>> -> memref<1x128xi32, #tpu.memory_space<vmem>>
        %dma_start3A_170 = tpu.memref_squeeze %dma_start3A_169 : memref<1x128xi32, #tpu.memory_space<vmem>> -> memref<128xi32, #tpu.memory_space<vmem>>
        %dma_start3A_171 = arith.constant 0 : i32
        %dma_start3A_172 = arith.constant 0 : i32
        %dma_start3A_173 = tpu.memref_slice %arg2[%dma_start3A_171, %dma_start3A_172] : memref<10240x128xf32, #tpu.memory_space<hbm>> -> memref<10240x128xf32, #tpu.memory_space<hbm>>
        tpu.enqueue_indirect_dma source(%dma_start3A_173 : memref<10240x128xf32, #tpu.memory_space<hbm>>) target(%dma_start3A_167 : memref<128x128xf32, #tpu.memory_space<vmem>>) offsets(%dma_start3A_170 : memref<128xi32, #tpu.memory_space<vmem>>) semaphore(%arg11 : memref<!tpu.dma_semaphore, #tpu.memory_space<semaphore_mem>>)
      } else {
      }
      "tpu.region"() ({
        %run_scoped3A = tpu.sem_alloc : memref<!tpu.dma_semaphore, #tpu.memory_space<semaphore_mem>>
        %dma_start3A_160 = arith.constant 0 : i32
        %dma_start3A_161 = arith.constant 0 : i32
        %dma_start3A_162 = tpu.memref_slice %arg8[%rem3A_146, %dma_start3A_160, %dma_start3A_161] : memref<2x128x128xf32, #tpu.memory_space<vmem>> -> memref<1x128x128xf32, #tpu.memory_space<vmem>>
        %dma_start3A_163 = tpu.memref_squeeze %dma_start3A_162 : memref<1x128x128xf32, #tpu.memory_space<vmem>> -> memref<128x128xf32, #tpu.memory_space<vmem>>
        %dma_start3A_164 = arith.constant 0 : i32
        %dma_start3A_165 = tpu.memref_slice %arg10[%while3A_143, %dma_start3A_164] : memref<32x128xi32, #tpu.memory_space<vmem>> -> memref<1x128xi32, #tpu.memory_space<vmem>>
        %dma_start3A_166 = tpu.memref_squeeze %dma_start3A_165 : memref<1x128xi32, #tpu.memory_space<vmem>> -> memref<128xi32, #tpu.memory_space<vmem>>
        %dma_start3A_167 = arith.constant 0 : i32
        %dma_start3A_168 = arith.constant 0 : i32
        %dma_start3A_169 = tpu.memref_slice %arg7[%dma_start3A_167, %dma_start3A_168] : memref<10240x128xf32, #tpu.memory_space<vmem_shared>> -> memref<10240x128xf32, #tpu.memory_space<vmem_shared>>
        tpu.enqueue_indirect_dma source(%dma_start3A_163 : memref<128x128xf32, #tpu.memory_space<vmem>>) target(%dma_start3A_169 : memref<10240x128xf32, #tpu.memory_space<vmem_shared>>) offsets(%dma_start3A_166 : memref<128xi32, #tpu.memory_space<vmem>>) semaphore(%run_scoped3A : memref<!tpu.dma_semaphore, #tpu.memory_space<semaphore_mem>>) {add = true}
        %dma_wait3A_170 = arith.constant 0 : i32
        %dma_wait3A_171 = arith.constant 0 : i32
        %dma_wait3A_172 = tpu.memref_slice %arg8[%rem3A_146, %dma_wait3A_170, %dma_wait3A_171] : memref<2x128x128xf32, #tpu.memory_space<vmem>> -> memref<1x128x128xf32, #tpu.memory_space<vmem>>
        %dma_wait3A_173 = tpu.memref_squeeze %dma_wait3A_172 : memref<1x128x128xf32, #tpu.memory_space<vmem>> -> memref<128x128xf32, #tpu.memory_space<vmem>>
        %dma_wait3A_174 = arith.constant 0 : i32
        %dma_wait3A_175 = tpu.memref_slice %arg10[%while3A_143, %dma_wait3A_174] : memref<32x128xi32, #tpu.memory_space<vmem>> -> memref<1x128xi32, #tpu.memory_space<vmem>>
        %dma_wait3A_176 = tpu.memref_squeeze %dma_wait3A_175 : memref<1x128xi32, #tpu.memory_space<vmem>> -> memref<128xi32, #tpu.memory_space<vmem>>
        %dma_wait3A_177 = arith.constant 0 : i32
        %dma_wait3A_178 = arith.constant 0 : i32
        %dma_wait3A_179 = tpu.memref_slice %arg7[%dma_wait3A_177, %dma_wait3A_178] : memref<10240x128xf32, #tpu.memory_space<vmem_shared>> -> memref<10240x128xf32, #tpu.memory_space<vmem_shared>>
        tpu.wait_indirect_dma semaphore(%run_scoped3A : memref<!tpu.dma_semaphore, #tpu.memory_space<semaphore_mem>>) src(%dma_wait3A_173 : memref<128x128xf32, #tpu.memory_space<vmem>>) dst(%dma_wait3A_179 : memref<10240x128xf32, #tpu.memory_space<vmem_shared>>)
        tpu.yield
      }) : () -> ()
      %while3A_159 = arith.constant 0 : i32
      scf.yield %while3A_159 : i32
    }
    %mul3A_54 = arith.constant 1 : i32
    %mul3A_55 = arith.muli %mul3A_54, %select_n3A_20 : i32
    %add3A_56 = arith.addi %select_n3A_28, %mul3A_55 : i32
    %multiple_of3A_57 = tpu.assume_multiple %add3A_56, 8 : i32
    "tpu.region"() ({
      %run_scoped3A = tpu.sem_alloc : memref<!tpu.dma_semaphore, #tpu.memory_space<semaphore_mem>>
      %dma_start3A_143 = arith.constant 0 : i32
      %dma_start3A_144 = tpu.memref_slice %arg3[%multiple_of3A_57, %dma_start3A_143] : memref<2624x128xi32, #tpu.memory_space<hbm>> -> memref<32x128xi32, #tpu.memory_space<hbm>>
      %dma_start3A_145 = arith.constant 0 : i32
      %dma_start3A_146 = tpu.memref_slice %arg3[%multiple_of3A_57, %dma_start3A_145] : memref<2624x128xi32, #tpu.memory_space<hbm>> -> memref<32x128xi32, #tpu.memory_space<hbm>>
      tpu.enqueue_dma source(%dma_start3A_146 : memref<32x128xi32, #tpu.memory_space<hbm>>) target(%arg9 : memref<32x128xi32, #tpu.memory_space<vmem>>) target_semaphore(%run_scoped3A : memref<!tpu.dma_semaphore, #tpu.memory_space<semaphore_mem>>)
      %dma_wait3A = arith.constant 0 : i32
      %dma_wait3A_147 = tpu.memref_slice %arg3[%multiple_of3A_57, %dma_wait3A] : memref<2624x128xi32, #tpu.memory_space<hbm>> -> memref<32x128xi32, #tpu.memory_space<hbm>>
      %dma_wait3A_148 = arith.constant 0 : i32
      %dma_wait3A_149 = tpu.memref_slice %arg3[%multiple_of3A_57, %dma_wait3A_148] : memref<2624x128xi32, #tpu.memory_space<hbm>> -> memref<32x128xi32, #tpu.memory_space<hbm>>
      tpu.wait_dma2 semaphore(%run_scoped3A : memref<!tpu.dma_semaphore, #tpu.memory_space<semaphore_mem>>) src(%dma_wait3A_149 : memref<32x128xi32, #tpu.memory_space<hbm>>) dst(%arg9 : memref<32x128xi32, #tpu.memory_space<vmem>>)
      tpu.yield
    }) : () -> ()
    "tpu.region"() ({
      %run_scoped3A = tpu.sem_alloc : memref<!tpu.dma_semaphore, #tpu.memory_space<semaphore_mem>>
      %dma_start3A_143 = arith.constant 0 : i32
      %dma_start3A_144 = tpu.memref_slice %arg4[%multiple_of3A_57, %dma_start3A_143] : memref<2624x128xi32, #tpu.memory_space<hbm>> -> memref<32x128xi32, #tpu.memory_space<hbm>>
      %dma_start3A_145 = arith.constant 0 : i32
      %dma_start3A_146 = tpu.memref_slice %arg4[%multiple_of3A_57, %dma_start3A_145] : memref<2624x128xi32, #tpu.memory_space<hbm>> -> memref<32x128xi32, #tpu.memory_space<hbm>>
      tpu.enqueue_dma source(%dma_start3A_146 : memref<32x128xi32, #tpu.memory_space<hbm>>) target(%arg10 : memref<32x128xi32, #tpu.memory_space<vmem>>) target_semaphore(%run_scoped3A : memref<!tpu.dma_semaphore, #tpu.memory_space<semaphore_mem>>)
      %dma_wait3A = arith.constant 0 : i32
      %dma_wait3A_147 = tpu.memref_slice %arg4[%multiple_of3A_57, %dma_wait3A] : memref<2624x128xi32, #tpu.memory_space<hbm>> -> memref<32x128xi32, #tpu.memory_space<hbm>>
      %dma_wait3A_148 = arith.constant 0 : i32
      %dma_wait3A_149 = tpu.memref_slice %arg4[%multiple_of3A_57, %dma_wait3A_148] : memref<2624x128xi32, #tpu.memory_space<hbm>> -> memref<32x128xi32, #tpu.memory_space<hbm>>
      tpu.wait_dma2 semaphore(%run_scoped3A : memref<!tpu.dma_semaphore, #tpu.memory_space<semaphore_mem>>) src(%dma_wait3A_149 : memref<32x128xi32, #tpu.memory_space<hbm>>) dst(%arg10 : memref<32x128xi32, #tpu.memory_space<vmem>>)
      tpu.yield
    }) : () -> ()
    %dma_start3A_58 = arith.constant 0 : i32
    %dma_start3A_59 = arith.constant 0 : i32
    %dma_start3A_60 = arith.constant 0 : i32
    %dma_start3A_61 = arith.constant 0 : i32
    %dma_start3A_62 = tpu.memref_slice %arg8[%dma_start3A_59, %dma_start3A_60, %dma_start3A_61] : memref<2x128x128xf32, #tpu.memory_space<vmem>> -> memref<1x128x128xf32, #tpu.memory_space<vmem>>
    %dma_start3A_63 = tpu.memref_squeeze %dma_start3A_62 : memref<1x128x128xf32, #tpu.memory_space<vmem>> -> memref<128x128xf32, #tpu.memory_space<vmem>>
    %dma_start3A_64 = arith.constant 0 : i32
    %dma_start3A_65 = tpu.memref_slice %arg9[%dma_start3A_58, %dma_start3A_64] : memref<32x128xi32, #tpu.memory_space<vmem>> -> memref<1x128xi32, #tpu.memory_space<vmem>>
    %dma_start3A_66 = tpu.memref_squeeze %dma_start3A_65 : memref<1x128xi32, #tpu.memory_space<vmem>> -> memref<128xi32, #tpu.memory_space<vmem>>
    %dma_start3A_67 = arith.constant 0 : i32
    %dma_start3A_68 = arith.constant 0 : i32
    %dma_start3A_69 = tpu.memref_slice %arg2[%dma_start3A_67, %dma_start3A_68] : memref<10240x128xf32, #tpu.memory_space<hbm>> -> memref<10240x128xf32, #tpu.memory_space<hbm>>
    tpu.enqueue_indirect_dma source(%dma_start3A_69 : memref<10240x128xf32, #tpu.memory_space<hbm>>) target(%dma_start3A_63 : memref<128x128xf32, #tpu.memory_space<vmem>>) offsets(%dma_start3A_66 : memref<128xi32, #tpu.memory_space<vmem>>) semaphore(%arg11 : memref<!tpu.dma_semaphore, #tpu.memory_space<semaphore_mem>>)
    %while3A_70 = arith.constant 0 : i32
    %while3A_71 = arith.constant 0 : i32
    %while3A_72 = arith.subi %select_n3A_20, %while3A_70 : i32
    %while3A_73 = arith.addi %while3A_70, %while3A_72 : i32
    %while3A_74 = arith.constant 1 : i32
    %while3A_75 = arith.divsi %while3A_72, %while3A_74 : i32
    %while3A_76 = arith.muli %while3A_75, %while3A_74 : i32
    %while3A_77 = arith.addi %while3A_70, %while3A_76 : i32
    %while3A_78 = arith.constant 1 : i32
    %while3A_79 = scf.for %while3A_143 = %while3A_70 to %while3A_77 step %while3A_78 iter_args(%while3A_144 = %while3A_71) -> (i32)  : i32 {
      %rem3A_145 = arith.constant 2 : i32
      %rem3A_146 = arith.remsi %while3A_143, %rem3A_145 : i32
      %dma_wait3A = arith.constant 0 : i32
      %dma_wait3A_147 = arith.constant 0 : i32
      %dma_wait3A_148 = tpu.memref_slice %arg8[%rem3A_146, %dma_wait3A, %dma_wait3A_147] : memref<2x128x128xf32, #tpu.memory_space<vmem>> -> memref<1x128x128xf32, #tpu.memory_space<vmem>>
      %dma_wait3A_149 = tpu.memref_squeeze %dma_wait3A_148 : memref<1x128x128xf32, #tpu.memory_space<vmem>> -> memref<128x128xf32, #tpu.memory_space<vmem>>
      %dma_wait3A_150 = arith.constant 0 : i32
      %dma_wait3A_151 = tpu.memref_slice %arg9[%while3A_143, %dma_wait3A_150] : memref<32x128xi32, #tpu.memory_space<vmem>> -> memref<1x128xi32, #tpu.memory_space<vmem>>
      %dma_wait3A_152 = tpu.memref_squeeze %dma_wait3A_151 : memref<1x128xi32, #tpu.memory_space<vmem>> -> memref<128xi32, #tpu.memory_space<vmem>>
      %dma_wait3A_153 = arith.constant 0 : i32
      %dma_wait3A_154 = arith.constant 0 : i32
      %dma_wait3A_155 = tpu.memref_slice %arg2[%dma_wait3A_153, %dma_wait3A_154] : memref<10240x128xf32, #tpu.memory_space<hbm>> -> memref<10240x128xf32, #tpu.memory_space<hbm>>
      tpu.wait_indirect_dma semaphore(%arg11 : memref<!tpu.dma_semaphore, #tpu.memory_space<semaphore_mem>>) src(%dma_wait3A_155 : memref<10240x128xf32, #tpu.memory_space<hbm>>) dst(%dma_wait3A_149 : memref<128x128xf32, #tpu.memory_space<vmem>>)
      %add3A_156 = arith.constant 1 : i32
      %add3A_157 = arith.addi %while3A_143, %add3A_156 : i32
      %lt3A = arith.cmpi slt, %add3A_157, %select_n3A_20 : i32
      %convert_element_type3A = arith.extui %lt3A : i1 to i32
      %cond3A = arith.constant 0 : i32
      %cond3A_158 = arith.cmpi ne, %convert_element_type3A, %cond3A : i32
      scf.if %cond3A_158 {
        %add3A_160 = arith.constant 1 : i32
        %add3A_161 = arith.addi %while3A_143, %add3A_160 : i32
        %sub3A_162 = arith.constant 1 : i32
        %sub3A_163 = arith.subi %sub3A_162, %rem3A_146 : i32
        %dma_start3A_164 = arith.constant 0 : i32
        %dma_start3A_165 = arith.constant 0 : i32
        %dma_start3A_166 = tpu.memref_slice %arg8[%sub3A_163, %dma_start3A_164, %dma_start3A_165] : memref<2x128x128xf32, #tpu.memory_space<vmem>> -> memref<1x128x128xf32, #tpu.memory_space<vmem>>
        %dma_start3A_167 = tpu.memref_squeeze %dma_start3A_166 : memref<1x128x128xf32, #tpu.memory_space<vmem>> -> memref<128x128xf32, #tpu.memory_space<vmem>>
        %dma_start3A_168 = arith.constant 0 : i32
        %dma_start3A_169 = tpu.memref_slice %arg9[%add3A_161, %dma_start3A_168] : memref<32x128xi32, #tpu.memory_space<vmem>> -> memref<1x128xi32, #tpu.memory_space<vmem>>
        %dma_start3A_170 = tpu.memref_squeeze %dma_start3A_169 : memref<1x128xi32, #tpu.memory_space<vmem>> -> memref<128xi32, #tpu.memory_space<vmem>>
        %dma_start3A_171 = arith.constant 0 : i32
        %dma_start3A_172 = arith.constant 0 : i32
        %dma_start3A_173 = tpu.memref_slice %arg2[%dma_start3A_171, %dma_start3A_172] : memref<10240x128xf32, #tpu.memory_space<hbm>> -> memref<10240x128xf32, #tpu.memory_space<hbm>>
        tpu.enqueue_indirect_dma source(%dma_start3A_173 : memref<10240x128xf32, #tpu.memory_space<hbm>>) target(%dma_start3A_167 : memref<128x128xf32, #tpu.memory_space<vmem>>) offsets(%dma_start3A_170 : memref<128xi32, #tpu.memory_space<vmem>>) semaphore(%arg11 : memref<!tpu.dma_semaphore, #tpu.memory_space<semaphore_mem>>)
      } else {
      }
      "tpu.region"() ({
        %run_scoped3A = tpu.sem_alloc : memref<!tpu.dma_semaphore, #tpu.memory_space<semaphore_mem>>
        %dma_start3A_160 = arith.constant 0 : i32
        %dma_start3A_161 = arith.constant 0 : i32
        %dma_start3A_162 = tpu.memref_slice %arg8[%rem3A_146, %dma_start3A_160, %dma_start3A_161] : memref<2x128x128xf32, #tpu.memory_space<vmem>> -> memref<1x128x128xf32, #tpu.memory_space<vmem>>
        %dma_start3A_163 = tpu.memref_squeeze %dma_start3A_162 : memref<1x128x128xf32, #tpu.memory_space<vmem>> -> memref<128x128xf32, #tpu.memory_space<vmem>>
        %dma_start3A_164 = arith.constant 0 : i32
        %dma_start3A_165 = tpu.memref_slice %arg10[%while3A_143, %dma_start3A_164] : memref<32x128xi32, #tpu.memory_space<vmem>> -> memref<1x128xi32, #tpu.memory_space<vmem>>
        %dma_start3A_166 = tpu.memref_squeeze %dma_start3A_165 : memref<1x128xi32, #tpu.memory_space<vmem>> -> memref<128xi32, #tpu.memory_space<vmem>>
        %dma_start3A_167 = arith.constant 0 : i32
        %dma_start3A_168 = arith.constant 0 : i32
        %dma_start3A_169 = tpu.memref_slice %arg7[%dma_start3A_167, %dma_start3A_168] : memref<10240x128xf32, #tpu.memory_space<vmem_shared>> -> memref<10240x128xf32, #tpu.memory_space<vmem_shared>>
        tpu.enqueue_indirect_dma source(%dma_start3A_163 : memref<128x128xf32, #tpu.memory_space<vmem>>) target(%dma_start3A_169 : memref<10240x128xf32, #tpu.memory_space<vmem_shared>>) offsets(%dma_start3A_166 : memref<128xi32, #tpu.memory_space<vmem>>) semaphore(%run_scoped3A : memref<!tpu.dma_semaphore, #tpu.memory_space<semaphore_mem>>) {add = true}
        %dma_wait3A_170 = arith.constant 0 : i32
        %dma_wait3A_171 = arith.constant 0 : i32
        %dma_wait3A_172 = tpu.memref_slice %arg8[%rem3A_146, %dma_wait3A_170, %dma_wait3A_171] : memref<2x128x128xf32, #tpu.memory_space<vmem>> -> memref<1x128x128xf32, #tpu.memory_space<vmem>>
        %dma_wait3A_173 = tpu.memref_squeeze %dma_wait3A_172 : memref<1x128x128xf32, #tpu.memory_space<vmem>> -> memref<128x128xf32, #tpu.memory_space<vmem>>
        %dma_wait3A_174 = arith.constant 0 : i32
        %dma_wait3A_175 = tpu.memref_slice %arg10[%while3A_143, %dma_wait3A_174] : memref<32x128xi32, #tpu.memory_space<vmem>> -> memref<1x128xi32, #tpu.memory_space<vmem>>
        %dma_wait3A_176 = tpu.memref_squeeze %dma_wait3A_175 : memref<1x128xi32, #tpu.memory_space<vmem>> -> memref<128xi32, #tpu.memory_space<vmem>>
        %dma_wait3A_177 = arith.constant 0 : i32
        %dma_wait3A_178 = arith.constant 0 : i32
        %dma_wait3A_179 = tpu.memref_slice %arg7[%dma_wait3A_177, %dma_wait3A_178] : memref<10240x128xf32, #tpu.memory_space<vmem_shared>> -> memref<10240x128xf32, #tpu.memory_space<vmem_shared>>
        tpu.wait_indirect_dma semaphore(%run_scoped3A : memref<!tpu.dma_semaphore, #tpu.memory_space<semaphore_mem>>) src(%dma_wait3A_173 : memref<128x128xf32, #tpu.memory_space<vmem>>) dst(%dma_wait3A_179 : memref<10240x128xf32, #tpu.memory_space<vmem_shared>>)
        tpu.yield
      }) : () -> ()
      %while3A_159 = arith.constant 0 : i32
      scf.yield %while3A_159 : i32
    }
    %while3A_80 = arith.constant 1 : i32
    %while3A_81 = scf.for %while3A_143 = %while3A_77 to %while3A_73 step %while3A_80 iter_args(%while3A_144 = %while3A_79) -> (i32)  : i32 {
      %rem3A_145 = arith.constant 2 : i32
      %rem3A_146 = arith.remsi %while3A_143, %rem3A_145 : i32
      %dma_wait3A = arith.constant 0 : i32
      %dma_wait3A_147 = arith.constant 0 : i32
      %dma_wait3A_148 = tpu.memref_slice %arg8[%rem3A_146, %dma_wait3A, %dma_wait3A_147] : memref<2x128x128xf32, #tpu.memory_space<vmem>> -> memref<1x128x128xf32, #tpu.memory_space<vmem>>
      %dma_wait3A_149 = tpu.memref_squeeze %dma_wait3A_148 : memref<1x128x128xf32, #tpu.memory_space<vmem>> -> memref<128x128xf32, #tpu.memory_space<vmem>>
      %dma_wait3A_150 = arith.constant 0 : i32
      %dma_wait3A_151 = tpu.memref_slice %arg9[%while3A_143, %dma_wait3A_150] : memref<32x128xi32, #tpu.memory_space<vmem>> -> memref<1x128xi32, #tpu.memory_space<vmem>>
      %dma_wait3A_152 = tpu.memref_squeeze %dma_wait3A_151 : memref<1x128xi32, #tpu.memory_space<vmem>> -> memref<128xi32, #tpu.memory_space<vmem>>
      %dma_wait3A_153 = arith.constant 0 : i32
      %dma_wait3A_154 = arith.constant 0 : i32
      %dma_wait3A_155 = tpu.memref_slice %arg2[%dma_wait3A_153, %dma_wait3A_154] : memref<10240x128xf32, #tpu.memory_space<hbm>> -> memref<10240x128xf32, #tpu.memory_space<hbm>>
      tpu.wait_indirect_dma semaphore(%arg11 : memref<!tpu.dma_semaphore, #tpu.memory_space<semaphore_mem>>) src(%dma_wait3A_155 : memref<10240x128xf32, #tpu.memory_space<hbm>>) dst(%dma_wait3A_149 : memref<128x128xf32, #tpu.memory_space<vmem>>)
      %add3A_156 = arith.constant 1 : i32
      %add3A_157 = arith.addi %while3A_143, %add3A_156 : i32
      %lt3A = arith.cmpi slt, %add3A_157, %select_n3A_20 : i32
      %convert_element_type3A = arith.extui %lt3A : i1 to i32
      %cond3A = arith.constant 0 : i32
      %cond3A_158 = arith.cmpi ne, %convert_element_type3A, %cond3A : i32
      scf.if %cond3A_158 {
        %add3A_160 = arith.constant 1 : i32
        %add3A_161 = arith.addi %while3A_143, %add3A_160 : i32
        %sub3A_162 = arith.constant 1 : i32
        %sub3A_163 = arith.subi %sub3A_162, %rem3A_146 : i32
        %dma_start3A_164 = arith.constant 0 : i32
        %dma_start3A_165 = arith.constant 0 : i32
        %dma_start3A_166 = tpu.memref_slice %arg8[%sub3A_163, %dma_start3A_164, %dma_start3A_165] : memref<2x128x128xf32, #tpu.memory_space<vmem>> -> memref<1x128x128xf32, #tpu.memory_space<vmem>>
        %dma_start3A_167 = tpu.memref_squeeze %dma_start3A_166 : memref<1x128x128xf32, #tpu.memory_space<vmem>> -> memref<128x128xf32, #tpu.memory_space<vmem>>
        %dma_start3A_168 = arith.constant 0 : i32
        %dma_start3A_169 = tpu.memref_slice %arg9[%add3A_161, %dma_start3A_168] : memref<32x128xi32, #tpu.memory_space<vmem>> -> memref<1x128xi32, #tpu.memory_space<vmem>>
        %dma_start3A_170 = tpu.memref_squeeze %dma_start3A_169 : memref<1x128xi32, #tpu.memory_space<vmem>> -> memref<128xi32, #tpu.memory_space<vmem>>
        %dma_start3A_171 = arith.constant 0 : i32
        %dma_start3A_172 = arith.constant 0 : i32
        %dma_start3A_173 = tpu.memref_slice %arg2[%dma_start3A_171, %dma_start3A_172] : memref<10240x128xf32, #tpu.memory_space<hbm>> -> memref<10240x128xf32, #tpu.memory_space<hbm>>
        tpu.enqueue_indirect_dma source(%dma_start3A_173 : memref<10240x128xf32, #tpu.memory_space<hbm>>) target(%dma_start3A_167 : memref<128x128xf32, #tpu.memory_space<vmem>>) offsets(%dma_start3A_170 : memref<128xi32, #tpu.memory_space<vmem>>) semaphore(%arg11 : memref<!tpu.dma_semaphore, #tpu.memory_space<semaphore_mem>>)
      } else {
      }
      "tpu.region"() ({
        %run_scoped3A = tpu.sem_alloc : memref<!tpu.dma_semaphore, #tpu.memory_space<semaphore_mem>>
        %dma_start3A_160 = arith.constant 0 : i32
        %dma_start3A_161 = arith.constant 0 : i32
        %dma_start3A_162 = tpu.memref_slice %arg8[%rem3A_146, %dma_start3A_160, %dma_start3A_161] : memref<2x128x128xf32, #tpu.memory_space<vmem>> -> memref<1x128x128xf32, #tpu.memory_space<vmem>>
        %dma_start3A_163 = tpu.memref_squeeze %dma_start3A_162 : memref<1x128x128xf32, #tpu.memory_space<vmem>> -> memref<128x128xf32, #tpu.memory_space<vmem>>
        %dma_start3A_164 = arith.constant 0 : i32
        %dma_start3A_165 = tpu.memref_slice %arg10[%while3A_143, %dma_start3A_164] : memref<32x128xi32, #tpu.memory_space<vmem>> -> memref<1x128xi32, #tpu.memory_space<vmem>>
        %dma_start3A_166 = tpu.memref_squeeze %dma_start3A_165 : memref<1x128xi32, #tpu.memory_space<vmem>> -> memref<128xi32, #tpu.memory_space<vmem>>
        %dma_start3A_167 = arith.constant 0 : i32
        %dma_start3A_168 = arith.constant 0 : i32
        %dma_start3A_169 = tpu.memref_slice %arg7[%dma_start3A_167, %dma_start3A_168] : memref<10240x128xf32, #tpu.memory_space<vmem_shared>> -> memref<10240x128xf32, #tpu.memory_space<vmem_shared>>
        tpu.enqueue_indirect_dma source(%dma_start3A_163 : memref<128x128xf32, #tpu.memory_space<vmem>>) target(%dma_start3A_169 : memref<10240x128xf32, #tpu.memory_space<vmem_shared>>) offsets(%dma_start3A_166 : memref<128xi32, #tpu.memory_space<vmem>>) semaphore(%run_scoped3A : memref<!tpu.dma_semaphore, #tpu.memory_space<semaphore_mem>>) {add = true}
        %dma_wait3A_170 = arith.constant 0 : i32
        %dma_wait3A_171 = arith.constant 0 : i32
        %dma_wait3A_172 = tpu.memref_slice %arg8[%rem3A_146, %dma_wait3A_170, %dma_wait3A_171] : memref<2x128x128xf32, #tpu.memory_space<vmem>> -> memref<1x128x128xf32, #tpu.memory_space<vmem>>
        %dma_wait3A_173 = tpu.memref_squeeze %dma_wait3A_172 : memref<1x128x128xf32, #tpu.memory_space<vmem>> -> memref<128x128xf32, #tpu.memory_space<vmem>>
        %dma_wait3A_174 = arith.constant 0 : i32
        %dma_wait3A_175 = tpu.memref_slice %arg10[%while3A_143, %dma_wait3A_174] : memref<32x128xi32, #tpu.memory_space<vmem>> -> memref<1x128xi32, #tpu.memory_space<vmem>>
        %dma_wait3A_176 = tpu.memref_squeeze %dma_wait3A_175 : memref<1x128xi32, #tpu.memory_space<vmem>> -> memref<128xi32, #tpu.memory_space<vmem>>
        %dma_wait3A_177 = arith.constant 0 : i32
        %dma_wait3A_178 = arith.constant 0 : i32
        %dma_wait3A_179 = tpu.memref_slice %arg7[%dma_wait3A_177, %dma_wait3A_178] : memref<10240x128xf32, #tpu.memory_space<vmem_shared>> -> memref<10240x128xf32, #tpu.memory_space<vmem_shared>>
        tpu.wait_indirect_dma semaphore(%run_scoped3A : memref<!tpu.dma_semaphore, #tpu.memory_space<semaphore_mem>>) src(%dma_wait3A_173 : memref<128x128xf32, #tpu.memory_space<vmem>>) dst(%dma_wait3A_179 : memref<10240x128xf32, #tpu.memory_space<vmem_shared>>)
        tpu.yield
      }) : () -> ()
      %while3A_159 = arith.constant 0 : i32
      scf.yield %while3A_159 : i32
    }
    %mul3A_82 = arith.constant 2 : i32
    %mul3A_83 = arith.muli %mul3A_82, %select_n3A_20 : i32
    %add3A_84 = arith.addi %select_n3A_28, %mul3A_83 : i32
    %multiple_of3A_85 = tpu.assume_multiple %add3A_84, 8 : i32
    "tpu.region"() ({
      %run_scoped3A = tpu.sem_alloc : memref<!tpu.dma_semaphore, #tpu.memory_space<semaphore_mem>>
      %dma_start3A_143 = arith.constant 0 : i32
      %dma_start3A_144 = tpu.memref_slice %arg3[%multiple_of3A_85, %dma_start3A_143] : memref<2624x128xi32, #tpu.memory_space<hbm>> -> memref<32x128xi32, #tpu.memory_space<hbm>>
      %dma_start3A_145 = arith.constant 0 : i32
      %dma_start3A_146 = tpu.memref_slice %arg3[%multiple_of3A_85, %dma_start3A_145] : memref<2624x128xi32, #tpu.memory_space<hbm>> -> memref<32x128xi32, #tpu.memory_space<hbm>>
      tpu.enqueue_dma source(%dma_start3A_146 : memref<32x128xi32, #tpu.memory_space<hbm>>) target(%arg9 : memref<32x128xi32, #tpu.memory_space<vmem>>) target_semaphore(%run_scoped3A : memref<!tpu.dma_semaphore, #tpu.memory_space<semaphore_mem>>)
      %dma_wait3A = arith.constant 0 : i32
      %dma_wait3A_147 = tpu.memref_slice %arg3[%multiple_of3A_85, %dma_wait3A] : memref<2624x128xi32, #tpu.memory_space<hbm>> -> memref<32x128xi32, #tpu.memory_space<hbm>>
      %dma_wait3A_148 = arith.constant 0 : i32
      %dma_wait3A_149 = tpu.memref_slice %arg3[%multiple_of3A_85, %dma_wait3A_148] : memref<2624x128xi32, #tpu.memory_space<hbm>> -> memref<32x128xi32, #tpu.memory_space<hbm>>
      tpu.wait_dma2 semaphore(%run_scoped3A : memref<!tpu.dma_semaphore, #tpu.memory_space<semaphore_mem>>) src(%dma_wait3A_149 : memref<32x128xi32, #tpu.memory_space<hbm>>) dst(%arg9 : memref<32x128xi32, #tpu.memory_space<vmem>>)
      tpu.yield
    }) : () -> ()
    "tpu.region"() ({
      %run_scoped3A = tpu.sem_alloc : memref<!tpu.dma_semaphore, #tpu.memory_space<semaphore_mem>>
      %dma_start3A_143 = arith.constant 0 : i32
      %dma_start3A_144 = tpu.memref_slice %arg4[%multiple_of3A_85, %dma_start3A_143] : memref<2624x128xi32, #tpu.memory_space<hbm>> -> memref<32x128xi32, #tpu.memory_space<hbm>>
      %dma_start3A_145 = arith.constant 0 : i32
      %dma_start3A_146 = tpu.memref_slice %arg4[%multiple_of3A_85, %dma_start3A_145] : memref<2624x128xi32, #tpu.memory_space<hbm>> -> memref<32x128xi32, #tpu.memory_space<hbm>>
      tpu.enqueue_dma source(%dma_start3A_146 : memref<32x128xi32, #tpu.memory_space<hbm>>) target(%arg10 : memref<32x128xi32, #tpu.memory_space<vmem>>) target_semaphore(%run_scoped3A : memref<!tpu.dma_semaphore, #tpu.memory_space<semaphore_mem>>)
      %dma_wait3A = arith.constant 0 : i32
      %dma_wait3A_147 = tpu.memref_slice %arg4[%multiple_of3A_85, %dma_wait3A] : memref<2624x128xi32, #tpu.memory_space<hbm>> -> memref<32x128xi32, #tpu.memory_space<hbm>>
      %dma_wait3A_148 = arith.constant 0 : i32
      %dma_wait3A_149 = tpu.memref_slice %arg4[%multiple_of3A_85, %dma_wait3A_148] : memref<2624x128xi32, #tpu.memory_space<hbm>> -> memref<32x128xi32, #tpu.memory_space<hbm>>
      tpu.wait_dma2 semaphore(%run_scoped3A : memref<!tpu.dma_semaphore, #tpu.memory_space<semaphore_mem>>) src(%dma_wait3A_149 : memref<32x128xi32, #tpu.memory_space<hbm>>) dst(%arg10 : memref<32x128xi32, #tpu.memory_space<vmem>>)
      tpu.yield
    }) : () -> ()
    %dma_start3A_86 = arith.constant 0 : i32
    %dma_start3A_87 = arith.constant 0 : i32
    %dma_start3A_88 = arith.constant 0 : i32
    %dma_start3A_89 = arith.constant 0 : i32
    %dma_start3A_90 = tpu.memref_slice %arg8[%dma_start3A_87, %dma_start3A_88, %dma_start3A_89] : memref<2x128x128xf32, #tpu.memory_space<vmem>> -> memref<1x128x128xf32, #tpu.memory_space<vmem>>
    %dma_start3A_91 = tpu.memref_squeeze %dma_start3A_90 : memref<1x128x128xf32, #tpu.memory_space<vmem>> -> memref<128x128xf32, #tpu.memory_space<vmem>>
    %dma_start3A_92 = arith.constant 0 : i32
    %dma_start3A_93 = tpu.memref_slice %arg9[%dma_start3A_86, %dma_start3A_92] : memref<32x128xi32, #tpu.memory_space<vmem>> -> memref<1x128xi32, #tpu.memory_space<vmem>>
    %dma_start3A_94 = tpu.memref_squeeze %dma_start3A_93 : memref<1x128xi32, #tpu.memory_space<vmem>> -> memref<128xi32, #tpu.memory_space<vmem>>
    %dma_start3A_95 = arith.constant 0 : i32
    %dma_start3A_96 = arith.constant 0 : i32
    %dma_start3A_97 = tpu.memref_slice %arg2[%dma_start3A_95, %dma_start3A_96] : memref<10240x128xf32, #tpu.memory_space<hbm>> -> memref<10240x128xf32, #tpu.memory_space<hbm>>
    tpu.enqueue_indirect_dma source(%dma_start3A_97 : memref<10240x128xf32, #tpu.memory_space<hbm>>) target(%dma_start3A_91 : memref<128x128xf32, #tpu.memory_space<vmem>>) offsets(%dma_start3A_94 : memref<128xi32, #tpu.memory_space<vmem>>) semaphore(%arg11 : memref<!tpu.dma_semaphore, #tpu.memory_space<semaphore_mem>>)
    %while3A_98 = arith.constant 0 : i32
    %while3A_99 = arith.constant 0 : i32
    %while3A_100 = arith.subi %select_n3A_20, %while3A_98 : i32
    %while3A_101 = arith.addi %while3A_98, %while3A_100 : i32
    %while3A_102 = arith.constant 1 : i32
    %while3A_103 = arith.divsi %while3A_100, %while3A_102 : i32
    %while3A_104 = arith.muli %while3A_103, %while3A_102 : i32
    %while3A_105 = arith.addi %while3A_98, %while3A_104 : i32
    %while3A_106 = arith.constant 1 : i32
    %while3A_107 = scf.for %while3A_143 = %while3A_98 to %while3A_105 step %while3A_106 iter_args(%while3A_144 = %while3A_99) -> (i32)  : i32 {
      %rem3A_145 = arith.constant 2 : i32
      %rem3A_146 = arith.remsi %while3A_143, %rem3A_145 : i32
      %dma_wait3A = arith.constant 0 : i32
      %dma_wait3A_147 = arith.constant 0 : i32
      %dma_wait3A_148 = tpu.memref_slice %arg8[%rem3A_146, %dma_wait3A, %dma_wait3A_147] : memref<2x128x128xf32, #tpu.memory_space<vmem>> -> memref<1x128x128xf32, #tpu.memory_space<vmem>>
      %dma_wait3A_149 = tpu.memref_squeeze %dma_wait3A_148 : memref<1x128x128xf32, #tpu.memory_space<vmem>> -> memref<128x128xf32, #tpu.memory_space<vmem>>
      %dma_wait3A_150 = arith.constant 0 : i32
      %dma_wait3A_151 = tpu.memref_slice %arg9[%while3A_143, %dma_wait3A_150] : memref<32x128xi32, #tpu.memory_space<vmem>> -> memref<1x128xi32, #tpu.memory_space<vmem>>
      %dma_wait3A_152 = tpu.memref_squeeze %dma_wait3A_151 : memref<1x128xi32, #tpu.memory_space<vmem>> -> memref<128xi32, #tpu.memory_space<vmem>>
      %dma_wait3A_153 = arith.constant 0 : i32
      %dma_wait3A_154 = arith.constant 0 : i32
      %dma_wait3A_155 = tpu.memref_slice %arg2[%dma_wait3A_153, %dma_wait3A_154] : memref<10240x128xf32, #tpu.memory_space<hbm>> -> memref<10240x128xf32, #tpu.memory_space<hbm>>
      tpu.wait_indirect_dma semaphore(%arg11 : memref<!tpu.dma_semaphore, #tpu.memory_space<semaphore_mem>>) src(%dma_wait3A_155 : memref<10240x128xf32, #tpu.memory_space<hbm>>) dst(%dma_wait3A_149 : memref<128x128xf32, #tpu.memory_space<vmem>>)
      %add3A_156 = arith.constant 1 : i32
      %add3A_157 = arith.addi %while3A_143, %add3A_156 : i32
      %lt3A = arith.cmpi slt, %add3A_157, %select_n3A_20 : i32
      %convert_element_type3A = arith.extui %lt3A : i1 to i32
      %cond3A = arith.constant 0 : i32
      %cond3A_158 = arith.cmpi ne, %convert_element_type3A, %cond3A : i32
      scf.if %cond3A_158 {
        %add3A_160 = arith.constant 1 : i32
        %add3A_161 = arith.addi %while3A_143, %add3A_160 : i32
        %sub3A_162 = arith.constant 1 : i32
        %sub3A_163 = arith.subi %sub3A_162, %rem3A_146 : i32
        %dma_start3A_164 = arith.constant 0 : i32
        %dma_start3A_165 = arith.constant 0 : i32
        %dma_start3A_166 = tpu.memref_slice %arg8[%sub3A_163, %dma_start3A_164, %dma_start3A_165] : memref<2x128x128xf32, #tpu.memory_space<vmem>> -> memref<1x128x128xf32, #tpu.memory_space<vmem>>
        %dma_start3A_167 = tpu.memref_squeeze %dma_start3A_166 : memref<1x128x128xf32, #tpu.memory_space<vmem>> -> memref<128x128xf32, #tpu.memory_space<vmem>>
        %dma_start3A_168 = arith.constant 0 : i32
        %dma_start3A_169 = tpu.memref_slice %arg9[%add3A_161, %dma_start3A_168] : memref<32x128xi32, #tpu.memory_space<vmem>> -> memref<1x128xi32, #tpu.memory_space<vmem>>
        %dma_start3A_170 = tpu.memref_squeeze %dma_start3A_169 : memref<1x128xi32, #tpu.memory_space<vmem>> -> memref<128xi32, #tpu.memory_space<vmem>>
        %dma_start3A_171 = arith.constant 0 : i32
        %dma_start3A_172 = arith.constant 0 : i32
        %dma_start3A_173 = tpu.memref_slice %arg2[%dma_start3A_171, %dma_start3A_172] : memref<10240x128xf32, #tpu.memory_space<hbm>> -> memref<10240x128xf32, #tpu.memory_space<hbm>>
        tpu.enqueue_indirect_dma source(%dma_start3A_173 : memref<10240x128xf32, #tpu.memory_space<hbm>>) target(%dma_start3A_167 : memref<128x128xf32, #tpu.memory_space<vmem>>) offsets(%dma_start3A_170 : memref<128xi32, #tpu.memory_space<vmem>>) semaphore(%arg11 : memref<!tpu.dma_semaphore, #tpu.memory_space<semaphore_mem>>)
      } else {
      }
      "tpu.region"() ({
        %run_scoped3A = tpu.sem_alloc : memref<!tpu.dma_semaphore, #tpu.memory_space<semaphore_mem>>
        %dma_start3A_160 = arith.constant 0 : i32
        %dma_start3A_161 = arith.constant 0 : i32
        %dma_start3A_162 = tpu.memref_slice %arg8[%rem3A_146, %dma_start3A_160, %dma_start3A_161] : memref<2x128x128xf32, #tpu.memory_space<vmem>> -> memref<1x128x128xf32, #tpu.memory_space<vmem>>
        %dma_start3A_163 = tpu.memref_squeeze %dma_start3A_162 : memref<1x128x128xf32, #tpu.memory_space<vmem>> -> memref<128x128xf32, #tpu.memory_space<vmem>>
        %dma_start3A_164 = arith.constant 0 : i32
        %dma_start3A_165 = tpu.memref_slice %arg10[%while3A_143, %dma_start3A_164] : memref<32x128xi32, #tpu.memory_space<vmem>> -> memref<1x128xi32, #tpu.memory_space<vmem>>
        %dma_start3A_166 = tpu.memref_squeeze %dma_start3A_165 : memref<1x128xi32, #tpu.memory_space<vmem>> -> memref<128xi32, #tpu.memory_space<vmem>>
        %dma_start3A_167 = arith.constant 0 : i32
        %dma_start3A_168 = arith.constant 0 : i32
        %dma_start3A_169 = tpu.memref_slice %arg7[%dma_start3A_167, %dma_start3A_168] : memref<10240x128xf32, #tpu.memory_space<vmem_shared>> -> memref<10240x128xf32, #tpu.memory_space<vmem_shared>>
        tpu.enqueue_indirect_dma source(%dma_start3A_163 : memref<128x128xf32, #tpu.memory_space<vmem>>) target(%dma_start3A_169 : memref<10240x128xf32, #tpu.memory_space<vmem_shared>>) offsets(%dma_start3A_166 : memref<128xi32, #tpu.memory_space<vmem>>) semaphore(%run_scoped3A : memref<!tpu.dma_semaphore, #tpu.memory_space<semaphore_mem>>) {add = true}
        %dma_wait3A_170 = arith.constant 0 : i32
        %dma_wait3A_171 = arith.constant 0 : i32
        %dma_wait3A_172 = tpu.memref_slice %arg8[%rem3A_146, %dma_wait3A_170, %dma_wait3A_171] : memref<2x128x128xf32, #tpu.memory_space<vmem>> -> memref<1x128x128xf32, #tpu.memory_space<vmem>>
        %dma_wait3A_173 = tpu.memref_squeeze %dma_wait3A_172 : memref<1x128x128xf32, #tpu.memory_space<vmem>> -> memref<128x128xf32, #tpu.memory_space<vmem>>
        %dma_wait3A_174 = arith.constant 0 : i32
        %dma_wait3A_175 = tpu.memref_slice %arg10[%while3A_143, %dma_wait3A_174] : memref<32x128xi32, #tpu.memory_space<vmem>> -> memref<1x128xi32, #tpu.memory_space<vmem>>
        %dma_wait3A_176 = tpu.memref_squeeze %dma_wait3A_175 : memref<1x128xi32, #tpu.memory_space<vmem>> -> memref<128xi32, #tpu.memory_space<vmem>>
        %dma_wait3A_177 = arith.constant 0 : i32
        %dma_wait3A_178 = arith.constant 0 : i32
        %dma_wait3A_179 = tpu.memref_slice %arg7[%dma_wait3A_177, %dma_wait3A_178] : memref<10240x128xf32, #tpu.memory_space<vmem_shared>> -> memref<10240x128xf32, #tpu.memory_space<vmem_shared>>
        tpu.wait_indirect_dma semaphore(%run_scoped3A : memref<!tpu.dma_semaphore, #tpu.memory_space<semaphore_mem>>) src(%dma_wait3A_173 : memref<128x128xf32, #tpu.memory_space<vmem>>) dst(%dma_wait3A_179 : memref<10240x128xf32, #tpu.memory_space<vmem_shared>>)
        tpu.yield
      }) : () -> ()
      %while3A_159 = arith.constant 0 : i32
      scf.yield %while3A_159 : i32
    }
    %while3A_108 = arith.constant 1 : i32
    %while3A_109 = scf.for %while3A_143 = %while3A_105 to %while3A_101 step %while3A_108 iter_args(%while3A_144 = %while3A_107) -> (i32)  : i32 {
      %rem3A_145 = arith.constant 2 : i32
      %rem3A_146 = arith.remsi %while3A_143, %rem3A_145 : i32
      %dma_wait3A = arith.constant 0 : i32
      %dma_wait3A_147 = arith.constant 0 : i32
      %dma_wait3A_148 = tpu.memref_slice %arg8[%rem3A_146, %dma_wait3A, %dma_wait3A_147] : memref<2x128x128xf32, #tpu.memory_space<vmem>> -> memref<1x128x128xf32, #tpu.memory_space<vmem>>
      %dma_wait3A_149 = tpu.memref_squeeze %dma_wait3A_148 : memref<1x128x128xf32, #tpu.memory_space<vmem>> -> memref<128x128xf32, #tpu.memory_space<vmem>>
      %dma_wait3A_150 = arith.constant 0 : i32
      %dma_wait3A_151 = tpu.memref_slice %arg9[%while3A_143, %dma_wait3A_150] : memref<32x128xi32, #tpu.memory_space<vmem>> -> memref<1x128xi32, #tpu.memory_space<vmem>>
      %dma_wait3A_152 = tpu.memref_squeeze %dma_wait3A_151 : memref<1x128xi32, #tpu.memory_space<vmem>> -> memref<128xi32, #tpu.memory_space<vmem>>
      %dma_wait3A_153 = arith.constant 0 : i32
      %dma_wait3A_154 = arith.constant 0 : i32
      %dma_wait3A_155 = tpu.memref_slice %arg2[%dma_wait3A_153, %dma_wait3A_154] : memref<10240x128xf32, #tpu.memory_space<hbm>> -> memref<10240x128xf32, #tpu.memory_space<hbm>>
      tpu.wait_indirect_dma semaphore(%arg11 : memref<!tpu.dma_semaphore, #tpu.memory_space<semaphore_mem>>) src(%dma_wait3A_155 : memref<10240x128xf32, #tpu.memory_space<hbm>>) dst(%dma_wait3A_149 : memref<128x128xf32, #tpu.memory_space<vmem>>)
      %add3A_156 = arith.constant 1 : i32
      %add3A_157 = arith.addi %while3A_143, %add3A_156 : i32
      %lt3A = arith.cmpi slt, %add3A_157, %select_n3A_20 : i32
      %convert_element_type3A = arith.extui %lt3A : i1 to i32
      %cond3A = arith.constant 0 : i32
      %cond3A_158 = arith.cmpi ne, %convert_element_type3A, %cond3A : i32
      scf.if %cond3A_158 {
        %add3A_160 = arith.constant 1 : i32
        %add3A_161 = arith.addi %while3A_143, %add3A_160 : i32
        %sub3A_162 = arith.constant 1 : i32
        %sub3A_163 = arith.subi %sub3A_162, %rem3A_146 : i32
        %dma_start3A_164 = arith.constant 0 : i32
        %dma_start3A_165 = arith.constant 0 : i32
        %dma_start3A_166 = tpu.memref_slice %arg8[%sub3A_163, %dma_start3A_164, %dma_start3A_165] : memref<2x128x128xf32, #tpu.memory_space<vmem>> -> memref<1x128x128xf32, #tpu.memory_space<vmem>>
        %dma_start3A_167 = tpu.memref_squeeze %dma_start3A_166 : memref<1x128x128xf32, #tpu.memory_space<vmem>> -> memref<128x128xf32, #tpu.memory_space<vmem>>
        %dma_start3A_168 = arith.constant 0 : i32
        %dma_start3A_169 = tpu.memref_slice %arg9[%add3A_161, %dma_start3A_168] : memref<32x128xi32, #tpu.memory_space<vmem>> -> memref<1x128xi32, #tpu.memory_space<vmem>>
        %dma_start3A_170 = tpu.memref_squeeze %dma_start3A_169 : memref<1x128xi32, #tpu.memory_space<vmem>> -> memref<128xi32, #tpu.memory_space<vmem>>
        %dma_start3A_171 = arith.constant 0 : i32
        %dma_start3A_172 = arith.constant 0 : i32
        %dma_start3A_173 = tpu.memref_slice %arg2[%dma_start3A_171, %dma_start3A_172] : memref<10240x128xf32, #tpu.memory_space<hbm>> -> memref<10240x128xf32, #tpu.memory_space<hbm>>
        tpu.enqueue_indirect_dma source(%dma_start3A_173 : memref<10240x128xf32, #tpu.memory_space<hbm>>) target(%dma_start3A_167 : memref<128x128xf32, #tpu.memory_space<vmem>>) offsets(%dma_start3A_170 : memref<128xi32, #tpu.memory_space<vmem>>) semaphore(%arg11 : memref<!tpu.dma_semaphore, #tpu.memory_space<semaphore_mem>>)
      } else {
      }
      "tpu.region"() ({
        %run_scoped3A = tpu.sem_alloc : memref<!tpu.dma_semaphore, #tpu.memory_space<semaphore_mem>>
        %dma_start3A_160 = arith.constant 0 : i32
        %dma_start3A_161 = arith.constant 0 : i32
        %dma_start3A_162 = tpu.memref_slice %arg8[%rem3A_146, %dma_start3A_160, %dma_start3A_161] : memref<2x128x128xf32, #tpu.memory_space<vmem>> -> memref<1x128x128xf32, #tpu.memory_space<vmem>>
        %dma_start3A_163 = tpu.memref_squeeze %dma_start3A_162 : memref<1x128x128xf32, #tpu.memory_space<vmem>> -> memref<128x128xf32, #tpu.memory_space<vmem>>
        %dma_start3A_164 = arith.constant 0 : i32
        %dma_start3A_165 = tpu.memref_slice %arg10[%while3A_143, %dma_start3A_164] : memref<32x128xi32, #tpu.memory_space<vmem>> -> memref<1x128xi32, #tpu.memory_space<vmem>>
        %dma_start3A_166 = tpu.memref_squeeze %dma_start3A_165 : memref<1x128xi32, #tpu.memory_space<vmem>> -> memref<128xi32, #tpu.memory_space<vmem>>
        %dma_start3A_167 = arith.constant 0 : i32
        %dma_start3A_168 = arith.constant 0 : i32
        %dma_start3A_169 = tpu.memref_slice %arg7[%dma_start3A_167, %dma_start3A_168] : memref<10240x128xf32, #tpu.memory_space<vmem_shared>> -> memref<10240x128xf32, #tpu.memory_space<vmem_shared>>
        tpu.enqueue_indirect_dma source(%dma_start3A_163 : memref<128x128xf32, #tpu.memory_space<vmem>>) target(%dma_start3A_169 : memref<10240x128xf32, #tpu.memory_space<vmem_shared>>) offsets(%dma_start3A_166 : memref<128xi32, #tpu.memory_space<vmem>>) semaphore(%run_scoped3A : memref<!tpu.dma_semaphore, #tpu.memory_space<semaphore_mem>>) {add = true}
        %dma_wait3A_170 = arith.constant 0 : i32
        %dma_wait3A_171 = arith.constant 0 : i32
        %dma_wait3A_172 = tpu.memref_slice %arg8[%rem3A_146, %dma_wait3A_170, %dma_wait3A_171] : memref<2x128x128xf32, #tpu.memory_space<vmem>> -> memref<1x128x128xf32, #tpu.memory_space<vmem>>
        %dma_wait3A_173 = tpu.memref_squeeze %dma_wait3A_172 : memref<1x128x128xf32, #tpu.memory_space<vmem>> -> memref<128x128xf32, #tpu.memory_space<vmem>>
        %dma_wait3A_174 = arith.constant 0 : i32
        %dma_wait3A_175 = tpu.memref_slice %arg10[%while3A_143, %dma_wait3A_174] : memref<32x128xi32, #tpu.memory_space<vmem>> -> memref<1x128xi32, #tpu.memory_space<vmem>>
        %dma_wait3A_176 = tpu.memref_squeeze %dma_wait3A_175 : memref<1x128xi32, #tpu.memory_space<vmem>> -> memref<128xi32, #tpu.memory_space<vmem>>
        %dma_wait3A_177 = arith.constant 0 : i32
        %dma_wait3A_178 = arith.constant 0 : i32
        %dma_wait3A_179 = tpu.memref_slice %arg7[%dma_wait3A_177, %dma_wait3A_178] : memref<10240x128xf32, #tpu.memory_space<vmem_shared>> -> memref<10240x128xf32, #tpu.memory_space<vmem_shared>>
        tpu.wait_indirect_dma semaphore(%run_scoped3A : memref<!tpu.dma_semaphore, #tpu.memory_space<semaphore_mem>>) src(%dma_wait3A_173 : memref<128x128xf32, #tpu.memory_space<vmem>>) dst(%dma_wait3A_179 : memref<10240x128xf32, #tpu.memory_space<vmem_shared>>)
        tpu.yield
      }) : () -> ()
      %while3A_159 = arith.constant 0 : i32
      scf.yield %while3A_159 : i32
    }
    %mul3A_110 = arith.constant 3 : i32
    %mul3A_111 = arith.muli %mul3A_110, %select_n3A_20 : i32
    %add3A_112 = arith.addi %select_n3A_28, %mul3A_111 : i32
    %multiple_of3A_113 = tpu.assume_multiple %add3A_112, 8 : i32
    "tpu.region"() ({
      %run_scoped3A = tpu.sem_alloc : memref<!tpu.dma_semaphore, #tpu.memory_space<semaphore_mem>>
      %dma_start3A_143 = arith.constant 0 : i32
      %dma_start3A_144 = tpu.memref_slice %arg3[%multiple_of3A_113, %dma_start3A_143] : memref<2624x128xi32, #tpu.memory_space<hbm>> -> memref<32x128xi32, #tpu.memory_space<hbm>>
      %dma_start3A_145 = arith.constant 0 : i32
      %dma_start3A_146 = tpu.memref_slice %arg3[%multiple_of3A_113, %dma_start3A_145] : memref<2624x128xi32, #tpu.memory_space<hbm>> -> memref<32x128xi32, #tpu.memory_space<hbm>>
      tpu.enqueue_dma source(%dma_start3A_146 : memref<32x128xi32, #tpu.memory_space<hbm>>) target(%arg9 : memref<32x128xi32, #tpu.memory_space<vmem>>) target_semaphore(%run_scoped3A : memref<!tpu.dma_semaphore, #tpu.memory_space<semaphore_mem>>)
      %dma_wait3A = arith.constant 0 : i32
      %dma_wait3A_147 = tpu.memref_slice %arg3[%multiple_of3A_113, %dma_wait3A] : memref<2624x128xi32, #tpu.memory_space<hbm>> -> memref<32x128xi32, #tpu.memory_space<hbm>>
      %dma_wait3A_148 = arith.constant 0 : i32
      %dma_wait3A_149 = tpu.memref_slice %arg3[%multiple_of3A_113, %dma_wait3A_148] : memref<2624x128xi32, #tpu.memory_space<hbm>> -> memref<32x128xi32, #tpu.memory_space<hbm>>
      tpu.wait_dma2 semaphore(%run_scoped3A : memref<!tpu.dma_semaphore, #tpu.memory_space<semaphore_mem>>) src(%dma_wait3A_149 : memref<32x128xi32, #tpu.memory_space<hbm>>) dst(%arg9 : memref<32x128xi32, #tpu.memory_space<vmem>>)
      tpu.yield
    }) : () -> ()
    "tpu.region"() ({
      %run_scoped3A = tpu.sem_alloc : memref<!tpu.dma_semaphore, #tpu.memory_space<semaphore_mem>>
      %dma_start3A_143 = arith.constant 0 : i32
      %dma_start3A_144 = tpu.memref_slice %arg4[%multiple_of3A_113, %dma_start3A_143] : memref<2624x128xi32, #tpu.memory_space<hbm>> -> memref<32x128xi32, #tpu.memory_space<hbm>>
      %dma_start3A_145 = arith.constant 0 : i32
      %dma_start3A_146 = tpu.memref_slice %arg4[%multiple_of3A_113, %dma_start3A_145] : memref<2624x128xi32, #tpu.memory_space<hbm>> -> memref<32x128xi32, #tpu.memory_space<hbm>>
      tpu.enqueue_dma source(%dma_start3A_146 : memref<32x128xi32, #tpu.memory_space<hbm>>) target(%arg10 : memref<32x128xi32, #tpu.memory_space<vmem>>) target_semaphore(%run_scoped3A : memref<!tpu.dma_semaphore, #tpu.memory_space<semaphore_mem>>)
      %dma_wait3A = arith.constant 0 : i32
      %dma_wait3A_147 = tpu.memref_slice %arg4[%multiple_of3A_113, %dma_wait3A] : memref<2624x128xi32, #tpu.memory_space<hbm>> -> memref<32x128xi32, #tpu.memory_space<hbm>>
      %dma_wait3A_148 = arith.constant 0 : i32
      %dma_wait3A_149 = tpu.memref_slice %arg4[%multiple_of3A_113, %dma_wait3A_148] : memref<2624x128xi32, #tpu.memory_space<hbm>> -> memref<32x128xi32, #tpu.memory_space<hbm>>
      tpu.wait_dma2 semaphore(%run_scoped3A : memref<!tpu.dma_semaphore, #tpu.memory_space<semaphore_mem>>) src(%dma_wait3A_149 : memref<32x128xi32, #tpu.memory_space<hbm>>) dst(%arg10 : memref<32x128xi32, #tpu.memory_space<vmem>>)
      tpu.yield
    }) : () -> ()
    %dma_start3A_114 = arith.constant 0 : i32
    %dma_start3A_115 = arith.constant 0 : i32
    %dma_start3A_116 = arith.constant 0 : i32
    %dma_start3A_117 = arith.constant 0 : i32
    %dma_start3A_118 = tpu.memref_slice %arg8[%dma_start3A_115, %dma_start3A_116, %dma_start3A_117] : memref<2x128x128xf32, #tpu.memory_space<vmem>> -> memref<1x128x128xf32, #tpu.memory_space<vmem>>
    %dma_start3A_119 = tpu.memref_squeeze %dma_start3A_118 : memref<1x128x128xf32, #tpu.memory_space<vmem>> -> memref<128x128xf32, #tpu.memory_space<vmem>>
    %dma_start3A_120 = arith.constant 0 : i32
    %dma_start3A_121 = tpu.memref_slice %arg9[%dma_start3A_114, %dma_start3A_120] : memref<32x128xi32, #tpu.memory_space<vmem>> -> memref<1x128xi32, #tpu.memory_space<vmem>>
    %dma_start3A_122 = tpu.memref_squeeze %dma_start3A_121 : memref<1x128xi32, #tpu.memory_space<vmem>> -> memref<128xi32, #tpu.memory_space<vmem>>
    %dma_start3A_123 = arith.constant 0 : i32
    %dma_start3A_124 = arith.constant 0 : i32
    %dma_start3A_125 = tpu.memref_slice %arg2[%dma_start3A_123, %dma_start3A_124] : memref<10240x128xf32, #tpu.memory_space<hbm>> -> memref<10240x128xf32, #tpu.memory_space<hbm>>
    tpu.enqueue_indirect_dma source(%dma_start3A_125 : memref<10240x128xf32, #tpu.memory_space<hbm>>) target(%dma_start3A_119 : memref<128x128xf32, #tpu.memory_space<vmem>>) offsets(%dma_start3A_122 : memref<128xi32, #tpu.memory_space<vmem>>) semaphore(%arg11 : memref<!tpu.dma_semaphore, #tpu.memory_space<semaphore_mem>>)
    %while3A_126 = arith.constant 0 : i32
    %while3A_127 = arith.constant 0 : i32
    %while3A_128 = arith.subi %select_n3A_20, %while3A_126 : i32
    %while3A_129 = arith.addi %while3A_126, %while3A_128 : i32
    %while3A_130 = arith.constant 1 : i32
    %while3A_131 = arith.divsi %while3A_128, %while3A_130 : i32
    %while3A_132 = arith.muli %while3A_131, %while3A_130 : i32
    %while3A_133 = arith.addi %while3A_126, %while3A_132 : i32
    %while3A_134 = arith.constant 1 : i32
    %while3A_135 = scf.for %while3A_143 = %while3A_126 to %while3A_133 step %while3A_134 iter_args(%while3A_144 = %while3A_127) -> (i32)  : i32 {
      %rem3A_145 = arith.constant 2 : i32
      %rem3A_146 = arith.remsi %while3A_143, %rem3A_145 : i32
      %dma_wait3A = arith.constant 0 : i32
      %dma_wait3A_147 = arith.constant 0 : i32
      %dma_wait3A_148 = tpu.memref_slice %arg8[%rem3A_146, %dma_wait3A, %dma_wait3A_147] : memref<2x128x128xf32, #tpu.memory_space<vmem>> -> memref<1x128x128xf32, #tpu.memory_space<vmem>>
      %dma_wait3A_149 = tpu.memref_squeeze %dma_wait3A_148 : memref<1x128x128xf32, #tpu.memory_space<vmem>> -> memref<128x128xf32, #tpu.memory_space<vmem>>
      %dma_wait3A_150 = arith.constant 0 : i32
      %dma_wait3A_151 = tpu.memref_slice %arg9[%while3A_143, %dma_wait3A_150] : memref<32x128xi32, #tpu.memory_space<vmem>> -> memref<1x128xi32, #tpu.memory_space<vmem>>
      %dma_wait3A_152 = tpu.memref_squeeze %dma_wait3A_151 : memref<1x128xi32, #tpu.memory_space<vmem>> -> memref<128xi32, #tpu.memory_space<vmem>>
      %dma_wait3A_153 = arith.constant 0 : i32
      %dma_wait3A_154 = arith.constant 0 : i32
      %dma_wait3A_155 = tpu.memref_slice %arg2[%dma_wait3A_153, %dma_wait3A_154] : memref<10240x128xf32, #tpu.memory_space<hbm>> -> memref<10240x128xf32, #tpu.memory_space<hbm>>
      tpu.wait_indirect_dma semaphore(%arg11 : memref<!tpu.dma_semaphore, #tpu.memory_space<semaphore_mem>>) src(%dma_wait3A_155 : memref<10240x128xf32, #tpu.memory_space<hbm>>) dst(%dma_wait3A_149 : memref<128x128xf32, #tpu.memory_space<vmem>>)
      %add3A_156 = arith.constant 1 : i32
      %add3A_157 = arith.addi %while3A_143, %add3A_156 : i32
      %lt3A = arith.cmpi slt, %add3A_157, %select_n3A_20 : i32
      %convert_element_type3A = arith.extui %lt3A : i1 to i32
      %cond3A = arith.constant 0 : i32
      %cond3A_158 = arith.cmpi ne, %convert_element_type3A, %cond3A : i32
      scf.if %cond3A_158 {
        %add3A_160 = arith.constant 1 : i32
        %add3A_161 = arith.addi %while3A_143, %add3A_160 : i32
        %sub3A_162 = arith.constant 1 : i32
        %sub3A_163 = arith.subi %sub3A_162, %rem3A_146 : i32
        %dma_start3A_164 = arith.constant 0 : i32
        %dma_start3A_165 = arith.constant 0 : i32
        %dma_start3A_166 = tpu.memref_slice %arg8[%sub3A_163, %dma_start3A_164, %dma_start3A_165] : memref<2x128x128xf32, #tpu.memory_space<vmem>> -> memref<1x128x128xf32, #tpu.memory_space<vmem>>
        %dma_start3A_167 = tpu.memref_squeeze %dma_start3A_166 : memref<1x128x128xf32, #tpu.memory_space<vmem>> -> memref<128x128xf32, #tpu.memory_space<vmem>>
        %dma_start3A_168 = arith.constant 0 : i32
        %dma_start3A_169 = tpu.memref_slice %arg9[%add3A_161, %dma_start3A_168] : memref<32x128xi32, #tpu.memory_space<vmem>> -> memref<1x128xi32, #tpu.memory_space<vmem>>
        %dma_start3A_170 = tpu.memref_squeeze %dma_start3A_169 : memref<1x128xi32, #tpu.memory_space<vmem>> -> memref<128xi32, #tpu.memory_space<vmem>>
        %dma_start3A_171 = arith.constant 0 : i32
        %dma_start3A_172 = arith.constant 0 : i32
        %dma_start3A_173 = tpu.memref_slice %arg2[%dma_start3A_171, %dma_start3A_172] : memref<10240x128xf32, #tpu.memory_space<hbm>> -> memref<10240x128xf32, #tpu.memory_space<hbm>>
        tpu.enqueue_indirect_dma source(%dma_start3A_173 : memref<10240x128xf32, #tpu.memory_space<hbm>>) target(%dma_start3A_167 : memref<128x128xf32, #tpu.memory_space<vmem>>) offsets(%dma_start3A_170 : memref<128xi32, #tpu.memory_space<vmem>>) semaphore(%arg11 : memref<!tpu.dma_semaphore, #tpu.memory_space<semaphore_mem>>)
      } else {
      }
      "tpu.region"() ({
        %run_scoped3A = tpu.sem_alloc : memref<!tpu.dma_semaphore, #tpu.memory_space<semaphore_mem>>
        %dma_start3A_160 = arith.constant 0 : i32
        %dma_start3A_161 = arith.constant 0 : i32
        %dma_start3A_162 = tpu.memref_slice %arg8[%rem3A_146, %dma_start3A_160, %dma_start3A_161] : memref<2x128x128xf32, #tpu.memory_space<vmem>> -> memref<1x128x128xf32, #tpu.memory_space<vmem>>
        %dma_start3A_163 = tpu.memref_squeeze %dma_start3A_162 : memref<1x128x128xf32, #tpu.memory_space<vmem>> -> memref<128x128xf32, #tpu.memory_space<vmem>>
        %dma_start3A_164 = arith.constant 0 : i32
        %dma_start3A_165 = tpu.memref_slice %arg10[%while3A_143, %dma_start3A_164] : memref<32x128xi32, #tpu.memory_space<vmem>> -> memref<1x128xi32, #tpu.memory_space<vmem>>
        %dma_start3A_166 = tpu.memref_squeeze %dma_start3A_165 : memref<1x128xi32, #tpu.memory_space<vmem>> -> memref<128xi32, #tpu.memory_space<vmem>>
        %dma_start3A_167 = arith.constant 0 : i32
        %dma_start3A_168 = arith.constant 0 : i32
        %dma_start3A_169 = tpu.memref_slice %arg7[%dma_start3A_167, %dma_start3A_168] : memref<10240x128xf32, #tpu.memory_space<vmem_shared>> -> memref<10240x128xf32, #tpu.memory_space<vmem_shared>>
        tpu.enqueue_indirect_dma source(%dma_start3A_163 : memref<128x128xf32, #tpu.memory_space<vmem>>) target(%dma_start3A_169 : memref<10240x128xf32, #tpu.memory_space<vmem_shared>>) offsets(%dma_start3A_166 : memref<128xi32, #tpu.memory_space<vmem>>) semaphore(%run_scoped3A : memref<!tpu.dma_semaphore, #tpu.memory_space<semaphore_mem>>) {add = true}
        %dma_wait3A_170 = arith.constant 0 : i32
        %dma_wait3A_171 = arith.constant 0 : i32
        %dma_wait3A_172 = tpu.memref_slice %arg8[%rem3A_146, %dma_wait3A_170, %dma_wait3A_171] : memref<2x128x128xf32, #tpu.memory_space<vmem>> -> memref<1x128x128xf32, #tpu.memory_space<vmem>>
        %dma_wait3A_173 = tpu.memref_squeeze %dma_wait3A_172 : memref<1x128x128xf32, #tpu.memory_space<vmem>> -> memref<128x128xf32, #tpu.memory_space<vmem>>
        %dma_wait3A_174 = arith.constant 0 : i32
        %dma_wait3A_175 = tpu.memref_slice %arg10[%while3A_143, %dma_wait3A_174] : memref<32x128xi32, #tpu.memory_space<vmem>> -> memref<1x128xi32, #tpu.memory_space<vmem>>
        %dma_wait3A_176 = tpu.memref_squeeze %dma_wait3A_175 : memref<1x128xi32, #tpu.memory_space<vmem>> -> memref<128xi32, #tpu.memory_space<vmem>>
        %dma_wait3A_177 = arith.constant 0 : i32
        %dma_wait3A_178 = arith.constant 0 : i32
        %dma_wait3A_179 = tpu.memref_slice %arg7[%dma_wait3A_177, %dma_wait3A_178] : memref<10240x128xf32, #tpu.memory_space<vmem_shared>> -> memref<10240x128xf32, #tpu.memory_space<vmem_shared>>
        tpu.wait_indirect_dma semaphore(%run_scoped3A : memref<!tpu.dma_semaphore, #tpu.memory_space<semaphore_mem>>) src(%dma_wait3A_173 : memref<128x128xf32, #tpu.memory_space<vmem>>) dst(%dma_wait3A_179 : memref<10240x128xf32, #tpu.memory_space<vmem_shared>>)
        tpu.yield
      }) : () -> ()
      %while3A_159 = arith.constant 0 : i32
      scf.yield %while3A_159 : i32
    }
    %while3A_136 = arith.constant 1 : i32
    %while3A_137 = scf.for %while3A_143 = %while3A_133 to %while3A_129 step %while3A_136 iter_args(%while3A_144 = %while3A_135) -> (i32)  : i32 {
      %rem3A_145 = arith.constant 2 : i32
      %rem3A_146 = arith.remsi %while3A_143, %rem3A_145 : i32
      %dma_wait3A = arith.constant 0 : i32
      %dma_wait3A_147 = arith.constant 0 : i32
      %dma_wait3A_148 = tpu.memref_slice %arg8[%rem3A_146, %dma_wait3A, %dma_wait3A_147] : memref<2x128x128xf32, #tpu.memory_space<vmem>> -> memref<1x128x128xf32, #tpu.memory_space<vmem>>
      %dma_wait3A_149 = tpu.memref_squeeze %dma_wait3A_148 : memref<1x128x128xf32, #tpu.memory_space<vmem>> -> memref<128x128xf32, #tpu.memory_space<vmem>>
      %dma_wait3A_150 = arith.constant 0 : i32
      %dma_wait3A_151 = tpu.memref_slice %arg9[%while3A_143, %dma_wait3A_150] : memref<32x128xi32, #tpu.memory_space<vmem>> -> memref<1x128xi32, #tpu.memory_space<vmem>>
      %dma_wait3A_152 = tpu.memref_squeeze %dma_wait3A_151 : memref<1x128xi32, #tpu.memory_space<vmem>> -> memref<128xi32, #tpu.memory_space<vmem>>
      %dma_wait3A_153 = arith.constant 0 : i32
      %dma_wait3A_154 = arith.constant 0 : i32
      %dma_wait3A_155 = tpu.memref_slice %arg2[%dma_wait3A_153, %dma_wait3A_154] : memref<10240x128xf32, #tpu.memory_space<hbm>> -> memref<10240x128xf32, #tpu.memory_space<hbm>>
      tpu.wait_indirect_dma semaphore(%arg11 : memref<!tpu.dma_semaphore, #tpu.memory_space<semaphore_mem>>) src(%dma_wait3A_155 : memref<10240x128xf32, #tpu.memory_space<hbm>>) dst(%dma_wait3A_149 : memref<128x128xf32, #tpu.memory_space<vmem>>)
      %add3A_156 = arith.constant 1 : i32
      %add3A_157 = arith.addi %while3A_143, %add3A_156 : i32
      %lt3A = arith.cmpi slt, %add3A_157, %select_n3A_20 : i32
      %convert_element_type3A = arith.extui %lt3A : i1 to i32
      %cond3A = arith.constant 0 : i32
      %cond3A_158 = arith.cmpi ne, %convert_element_type3A, %cond3A : i32
      scf.if %cond3A_158 {
        %add3A_160 = arith.constant 1 : i32
        %add3A_161 = arith.addi %while3A_143, %add3A_160 : i32
        %sub3A_162 = arith.constant 1 : i32
        %sub3A_163 = arith.subi %sub3A_162, %rem3A_146 : i32
        %dma_start3A_164 = arith.constant 0 : i32
        %dma_start3A_165 = arith.constant 0 : i32
        %dma_start3A_166 = tpu.memref_slice %arg8[%sub3A_163, %dma_start3A_164, %dma_start3A_165] : memref<2x128x128xf32, #tpu.memory_space<vmem>> -> memref<1x128x128xf32, #tpu.memory_space<vmem>>
        %dma_start3A_167 = tpu.memref_squeeze %dma_start3A_166 : memref<1x128x128xf32, #tpu.memory_space<vmem>> -> memref<128x128xf32, #tpu.memory_space<vmem>>
        %dma_start3A_168 = arith.constant 0 : i32
        %dma_start3A_169 = tpu.memref_slice %arg9[%add3A_161, %dma_start3A_168] : memref<32x128xi32, #tpu.memory_space<vmem>> -> memref<1x128xi32, #tpu.memory_space<vmem>>
        %dma_start3A_170 = tpu.memref_squeeze %dma_start3A_169 : memref<1x128xi32, #tpu.memory_space<vmem>> -> memref<128xi32, #tpu.memory_space<vmem>>
        %dma_start3A_171 = arith.constant 0 : i32
        %dma_start3A_172 = arith.constant 0 : i32
        %dma_start3A_173 = tpu.memref_slice %arg2[%dma_start3A_171, %dma_start3A_172] : memref<10240x128xf32, #tpu.memory_space<hbm>> -> memref<10240x128xf32, #tpu.memory_space<hbm>>
        tpu.enqueue_indirect_dma source(%dma_start3A_173 : memref<10240x128xf32, #tpu.memory_space<hbm>>) target(%dma_start3A_167 : memref<128x128xf32, #tpu.memory_space<vmem>>) offsets(%dma_start3A_170 : memref<128xi32, #tpu.memory_space<vmem>>) semaphore(%arg11 : memref<!tpu.dma_semaphore, #tpu.memory_space<semaphore_mem>>)
      } else {
      }
      "tpu.region"() ({
        %run_scoped3A = tpu.sem_alloc : memref<!tpu.dma_semaphore, #tpu.memory_space<semaphore_mem>>
        %dma_start3A_160 = arith.constant 0 : i32
        %dma_start3A_161 = arith.constant 0 : i32
        %dma_start3A_162 = tpu.memref_slice %arg8[%rem3A_146, %dma_start3A_160, %dma_start3A_161] : memref<2x128x128xf32, #tpu.memory_space<vmem>> -> memref<1x128x128xf32, #tpu.memory_space<vmem>>
        %dma_start3A_163 = tpu.memref_squeeze %dma_start3A_162 : memref<1x128x128xf32, #tpu.memory_space<vmem>> -> memref<128x128xf32, #tpu.memory_space<vmem>>
        %dma_start3A_164 = arith.constant 0 : i32
        %dma_start3A_165 = tpu.memref_slice %arg10[%while3A_143, %dma_start3A_164] : memref<32x128xi32, #tpu.memory_space<vmem>> -> memref<1x128xi32, #tpu.memory_space<vmem>>
        %dma_start3A_166 = tpu.memref_squeeze %dma_start3A_165 : memref<1x128xi32, #tpu.memory_space<vmem>> -> memref<128xi32, #tpu.memory_space<vmem>>
        %dma_start3A_167 = arith.constant 0 : i32
        %dma_start3A_168 = arith.constant 0 : i32
        %dma_start3A_169 = tpu.memref_slice %arg7[%dma_start3A_167, %dma_start3A_168] : memref<10240x128xf32, #tpu.memory_space<vmem_shared>> -> memref<10240x128xf32, #tpu.memory_space<vmem_shared>>
        tpu.enqueue_indirect_dma source(%dma_start3A_163 : memref<128x128xf32, #tpu.memory_space<vmem>>) target(%dma_start3A_169 : memref<10240x128xf32, #tpu.memory_space<vmem_shared>>) offsets(%dma_start3A_166 : memref<128xi32, #tpu.memory_space<vmem>>) semaphore(%run_scoped3A : memref<!tpu.dma_semaphore, #tpu.memory_space<semaphore_mem>>) {add = true}
        %dma_wait3A_170 = arith.constant 0 : i32
        %dma_wait3A_171 = arith.constant 0 : i32
        %dma_wait3A_172 = tpu.memref_slice %arg8[%rem3A_146, %dma_wait3A_170, %dma_wait3A_171] : memref<2x128x128xf32, #tpu.memory_space<vmem>> -> memref<1x128x128xf32, #tpu.memory_space<vmem>>
        %dma_wait3A_173 = tpu.memref_squeeze %dma_wait3A_172 : memref<1x128x128xf32, #tpu.memory_space<vmem>> -> memref<128x128xf32, #tpu.memory_space<vmem>>
        %dma_wait3A_174 = arith.constant 0 : i32
        %dma_wait3A_175 = tpu.memref_slice %arg10[%while3A_143, %dma_wait3A_174] : memref<32x128xi32, #tpu.memory_space<vmem>> -> memref<1x128xi32, #tpu.memory_space<vmem>>
        %dma_wait3A_176 = tpu.memref_squeeze %dma_wait3A_175 : memref<1x128xi32, #tpu.memory_space<vmem>> -> memref<128xi32, #tpu.memory_space<vmem>>
        %dma_wait3A_177 = arith.constant 0 : i32
        %dma_wait3A_178 = arith.constant 0 : i32
        %dma_wait3A_179 = tpu.memref_slice %arg7[%dma_wait3A_177, %dma_wait3A_178] : memref<10240x128xf32, #tpu.memory_space<vmem_shared>> -> memref<10240x128xf32, #tpu.memory_space<vmem_shared>>
        tpu.wait_indirect_dma semaphore(%run_scoped3A : memref<!tpu.dma_semaphore, #tpu.memory_space<semaphore_mem>>) src(%dma_wait3A_173 : memref<128x128xf32, #tpu.memory_space<vmem>>) dst(%dma_wait3A_179 : memref<10240x128xf32, #tpu.memory_space<vmem_shared>>)
        tpu.yield
      }) : () -> ()
      %while3A_159 = arith.constant 0 : i32
      scf.yield %while3A_159 : i32
    }
    %barrier3A_138 = arith.constant 0 : index
    tpu.barrier barrier_id(%barrier3A_138)
    %mul3A_139 = arith.constant 640 : i32
    %mul3A_140 = arith.muli %arg1, %mul3A_139 : i32
    %mul3A_141 = arith.constant 640 : i32
    %mul3A_142 = arith.muli %arg1, %mul3A_141 : i32
    "tpu.region"() ({
      %run_scoped3A = tpu.sem_alloc : memref<!tpu.dma_semaphore, #tpu.memory_space<semaphore_mem>>
      %dma_start3A_143 = arith.constant 0 : i32
      %dma_start3A_144 = tpu.memref_slice %arg6[%arg0, %mul3A_142, %dma_start3A_143] : memref<2x10240x128xf32, #tpu.memory_space<hbm>> -> memref<1x640x128xf32, #tpu.memory_space<hbm>>
      %dma_start3A_145 = tpu.memref_squeeze %dma_start3A_144 : memref<1x640x128xf32, #tpu.memory_space<hbm>> -> memref<640x128xf32, #tpu.memory_space<hbm>>
      %dma_start3A_146 = arith.constant 0 : i32
      %dma_start3A_147 = tpu.memref_slice %arg7[%mul3A_140, %dma_start3A_146] : memref<10240x128xf32, #tpu.memory_space<vmem_shared>> -> memref<640x128xf32, #tpu.memory_space<vmem_shared>>
      tpu.enqueue_dma source(%dma_start3A_147 : memref<640x128xf32, #tpu.memory_space<vmem_shared>>) target(%dma_start3A_145 : memref<640x128xf32, #tpu.memory_space<hbm>>) target_semaphore(%run_scoped3A : memref<!tpu.dma_semaphore, #tpu.memory_space<semaphore_mem>>)
      %dma_wait3A = arith.constant 0 : i32
      %dma_wait3A_148 = tpu.memref_slice %arg6[%arg0, %mul3A_142, %dma_wait3A] : memref<2x10240x128xf32, #tpu.memory_space<hbm>> -> memref<1x640x128xf32, #tpu.memory_space<hbm>>
      %dma_wait3A_149 = tpu.memref_squeeze %dma_wait3A_148 : memref<1x640x128xf32, #tpu.memory_space<hbm>> -> memref<640x128xf32, #tpu.memory_space<hbm>>
      %dma_wait3A_150 = arith.constant 0 : i32
      %dma_wait3A_151 = tpu.memref_slice %arg7[%mul3A_140, %dma_wait3A_150] : memref<10240x128xf32, #tpu.memory_space<vmem_shared>> -> memref<640x128xf32, #tpu.memory_space<vmem_shared>>
      tpu.wait_dma2 semaphore(%run_scoped3A : memref<!tpu.dma_semaphore, #tpu.memory_space<semaphore_mem>>) src(%dma_wait3A_151 : memref<640x128xf32, #tpu.memory_space<vmem_shared>>) dst(%dma_wait3A_149 : memref<640x128xf32, #tpu.memory_space<hbm>>)
      tpu.yield
    }) : () -> ()
    return
  }
}

#map = affine_map<(d0, d1) -> (0)>
#map1 = affine_map<(d0, d1) -> (0, 0)>
module attributes {stable_mosaic.version = 14 : i64} {
  func.func @_deg_body(%arg0: i32, %arg1: i32, %arg2: memref<327680xi32, #tpu.memory_space<hbm>>, %arg3: memref<32x10240xf32, #tpu.memory_space<hbm>>, %arg4: memref<10240xf32, #tpu.memory_space<vmem>>, %arg5: memref<10240xi32, #tpu.memory_space<vmem>>, %arg6: memref<!tpu.dma_semaphore, #tpu.memory_space<semaphore_mem>>) attributes {dimension_semantics = [#tpu.dimension_semantics<core_parallel>, #tpu.dimension_semantics<subcore_parallel>], iteration_bounds = array<i64: 2, 16>, scalar_prefetch = 0 : i64, scratch_operands = 3 : i64, tpu.core_type = #tpu.core_type<sc_vector_subcore>, window_params = [{transform_indices = #map}, {transform_indices = #map1}]} {
    %mul3A = arith.constant 2 : i32
    %mul3A_0 = arith.muli %arg1, %mul3A : i32
    %add3A = arith.addi %mul3A_0, %arg0 : i32
    %broadcast_in_dim3A = arith.constant 0.000000e+00 : f32
    %broadcast_in_dim3A_1 = vector.broadcast %broadcast_in_dim3A : f32 to vector<16xf32>
    %scan3A = arith.constant 0 : i32
    %scan3A_2 = arith.constant 0 : i32
    %scan3A_3 = arith.constant 640 : i32
    %scan3A_4 = arith.addi %scan3A_2, %scan3A_3 : i32
    %scan3A_5 = arith.constant 1 : i32
    %scan3A_6 = scf.for %scan3A_21 = %scan3A_2 to %scan3A_4 step %scan3A_5 iter_args(%scan3A_22 = %scan3A) -> (i32)  : i32 {
      %mul3A_23 = arith.constant 16 : i32
      %mul3A_24 = arith.muli %scan3A_21, %mul3A_23 : i32
      %swap3A = arith.index_cast %mul3A_24 : i32 to index
      %swap3A_25 = tpu.vector_load %arg4[%swap3A] {strides = array<i32>} : memref<10240xf32, #tpu.memory_space<vmem>>, vector<16xf32>,
      tpu.vector_store %arg4[%swap3A], %broadcast_in_dim3A_1 {strides = array<i32>} : memref<10240xf32, #tpu.memory_space<vmem>>, vector<16xf32>,
      %scan3A_26 = arith.constant 0 : i32
      scf.yield %scan3A_26 : i32
    }
    %scan3A_7 = arith.constant 640 : i32
    %mul3A_8 = arith.constant 10240 : i32
    %mul3A_9 = arith.muli %add3A, %mul3A_8 : i32
    %dma_start3A = tpu.memref_slice %arg2[%mul3A_9] : memref<327680xi32, #tpu.memory_space<hbm>> -> memref<10240xi32, #tpu.memory_space<hbm>>
    %dma_start3A_10 = tpu.memref_slice %arg2[%mul3A_9] : memref<327680xi32, #tpu.memory_space<hbm>> -> memref<10240xi32, #tpu.memory_space<hbm>>
    tpu.enqueue_dma source(%dma_start3A_10 : memref<10240xi32, #tpu.memory_space<hbm>>) target(%arg5 : memref<10240xi32, #tpu.memory_space<vmem>>) target_semaphore(%arg6 : memref<!tpu.dma_semaphore, #tpu.memory_space<semaphore_mem>>)
    %dma_wait3A = tpu.memref_slice %arg2[%mul3A_9] : memref<327680xi32, #tpu.memory_space<hbm>> -> memref<10240xi32, #tpu.memory_space<hbm>>
    %dma_wait3A_11 = tpu.memref_slice %arg2[%mul3A_9] : memref<327680xi32, #tpu.memory_space<hbm>> -> memref<10240xi32, #tpu.memory_space<hbm>>
    tpu.wait_dma2 semaphore(%arg6 : memref<!tpu.dma_semaphore, #tpu.memory_space<semaphore_mem>>) src(%dma_wait3A_11 : memref<10240xi32, #tpu.memory_space<hbm>>) dst(%arg5 : memref<10240xi32, #tpu.memory_space<vmem>>)
    %broadcast_in_dim3A_12 = arith.constant 1.000000e+00 : f32
    %broadcast_in_dim3A_13 = vector.broadcast %broadcast_in_dim3A_12 : f32 to vector<16xf32>
    %scan3A_14 = arith.constant 0 : i32
    %scan3A_15 = arith.constant 0 : i32
    %scan3A_16 = arith.constant 640 : i32
    %scan3A_17 = arith.addi %scan3A_15, %scan3A_16 : i32
    %scan3A_18 = arith.constant 1 : i32
    %scan3A_19 = scf.for %scan3A_21 = %scan3A_15 to %scan3A_17 step %scan3A_18 iter_args(%scan3A_22 = %scan3A_14) -> (i32)  : i32 {
      %mul3A_23 = arith.constant 16 : i32
      %mul3A_24 = arith.muli %scan3A_21, %mul3A_23 : i32
      %get3A = arith.index_cast %mul3A_24 : i32 to index
      %get3A_25 = tpu.vector_load %arg5[%get3A] {strides = array<i32>} : memref<10240xi32, #tpu.memory_space<vmem>>, vector<16xi32>,
      tpu.vector_store_idx %arg4[%get3A_25], %broadcast_in_dim3A_13 {add = true} : memref<10240xf32, #tpu.memory_space<vmem>>[vector<16xi32>], vector<16xf32>,
      %scan3A_26 = arith.constant 0 : i32
      scf.yield %scan3A_26 : i32
    }
    %scan3A_20 = arith.constant 640 : i32
    "tpu.region"() ({
      %run_scoped3A = tpu.sem_alloc : memref<!tpu.dma_semaphore, #tpu.memory_space<semaphore_mem>>
      %dma_start3A_21 = arith.constant 0 : i32
      %dma_start3A_22 = tpu.memref_slice %arg3[%add3A, %dma_start3A_21] : memref<32x10240xf32, #tpu.memory_space<hbm>> -> memref<1x10240xf32, #tpu.memory_space<hbm>>
      %dma_start3A_23 = tpu.memref_squeeze %dma_start3A_22 : memref<1x10240xf32, #tpu.memory_space<hbm>> -> memref<10240xf32, #tpu.memory_space<hbm>>
      %dma_start3A_24 = arith.constant 0 : i32
      %dma_start3A_25 = tpu.memref_slice %arg3[%add3A, %dma_start3A_24] : memref<32x10240xf32, #tpu.memory_space<hbm>> -> memref<1x10240xf32, #tpu.memory_space<hbm>>
      %dma_start3A_26 = tpu.memref_squeeze %dma_start3A_25 : memref<1x10240xf32, #tpu.memory_space<hbm>> -> memref<10240xf32, #tpu.memory_space<hbm>>
      tpu.enqueue_dma source(%arg4 : memref<10240xf32, #tpu.memory_space<vmem>>) target(%dma_start3A_26 : memref<10240xf32, #tpu.memory_space<hbm>>) target_semaphore(%run_scoped3A : memref<!tpu.dma_semaphore, #tpu.memory_space<semaphore_mem>>)
      %dma_wait3A_27 = arith.constant 0 : i32
      %dma_wait3A_28 = tpu.memref_slice %arg3[%add3A, %dma_wait3A_27] : memref<32x10240xf32, #tpu.memory_space<hbm>> -> memref<1x10240xf32, #tpu.memory_space<hbm>>
      %dma_wait3A_29 = tpu.memref_squeeze %dma_wait3A_28 : memref<1x10240xf32, #tpu.memory_space<hbm>> -> memref<10240xf32, #tpu.memory_space<hbm>>
      %dma_wait3A_30 = arith.constant 0 : i32
      %dma_wait3A_31 = tpu.memref_slice %arg3[%add3A, %dma_wait3A_30] : memref<32x10240xf32, #tpu.memory_space<hbm>> -> memref<1x10240xf32, #tpu.memory_space<hbm>>
      %dma_wait3A_32 = tpu.memref_squeeze %dma_wait3A_31 : memref<1x10240xf32, #tpu.memory_space<hbm>> -> memref<10240xf32, #tpu.memory_space<hbm>>
      tpu.wait_dma2 semaphore(%run_scoped3A : memref<!tpu.dma_semaphore, #tpu.memory_space<semaphore_mem>>) src(%arg4 : memref<10240xf32, #tpu.memory_space<vmem>>) dst(%dma_wait3A_32 : memref<10240xf32, #tpu.memory_space<hbm>>)
      tpu.yield
    }) : () -> ()
    return
  }
}

#map = affine_map<(d0, d1) -> (0, 0)>
#map1 = affine_map<(d0, d1) -> (0, 0, 0)>
module attributes {stable_mosaic.version = 14 : i64} {
  func.func @_scat_body(%arg0: i32, %arg1: i32, %arg2: memref<10240x128xf32, #tpu.memory_space<hbm>>, %arg3: memref<2624x128xi32, #tpu.memory_space<hbm>>, %arg4: memref<2624x128xi32, #tpu.memory_space<hbm>>, %arg5: memref<10240x128xf32, #tpu.memory_space<hbm>>, %arg6: memref<2x10240x128xf32, #tpu.memory_space<hbm>>, %arg7: memref<10240x128xf32, #tpu.memory_space<vmem_shared>>, %arg8: memref<2x128x128xf32, #tpu.memory_space<vmem>>, %arg9: memref<32x128xi32, #tpu.memory_space<vmem>>, %arg10: memref<32x128xi32, #tpu.memory_space<vmem>>, %arg11: memref<!tpu.dma_semaphore, #tpu.memory_space<semaphore_mem>>) attributes {dimension_semantics = [#tpu.dimension_semantics<core_parallel>, #tpu.dimension_semantics<subcore_parallel>], iteration_bounds = array<i64: 2, 16>, scalar_prefetch = 0 : i64, scratch_operands = 5 : i64, tpu.core_type = #tpu.core_type<sc_vector_subcore>, window_params = [{transform_indices = #map}, {transform_indices = #map}, {transform_indices = #map}, {transform_indices = #map}, {transform_indices = #map1}]} {
    %mul3A = arith.constant 640 : i32
    %mul3A_0 = arith.muli %arg1, %mul3A : i32
    "tpu.region"() ({
      %run_scoped3A = tpu.sem_alloc : memref<!tpu.dma_semaphore, #tpu.memory_space<semaphore_mem>>
      %dma_start3A_143 = arith.constant 0 : i32
      %dma_start3A_144 = tpu.memref_slice %arg7[%mul3A_0, %dma_start3A_143] : memref<10240x128xf32, #tpu.memory_space<vmem_shared>> -> memref<640x128xf32, #tpu.memory_space<vmem_shared>>
      %dma_start3A_145 = arith.constant 0 : i32
      %dma_start3A_146 = tpu.memref_slice %arg5[%mul3A_0, %dma_start3A_145] : memref<10240x128xf32, #tpu.memory_space<hbm>> -> memref<640x128xf32, #tpu.memory_space<hbm>>
      tpu.enqueue_dma source(%dma_start3A_146 : memref<640x128xf32, #tpu.memory_space<hbm>>) target(%dma_start3A_144 : memref<640x128xf32, #tpu.memory_space<vmem_shared>>) target_semaphore(%run_scoped3A : memref<!tpu.dma_semaphore, #tpu.memory_space<semaphore_mem>>)
      %dma_wait3A = arith.constant 0 : i32
      %dma_wait3A_147 = tpu.memref_slice %arg7[%mul3A_0, %dma_wait3A] : memref<10240x128xf32, #tpu.memory_space<vmem_shared>> -> memref<640x128xf32, #tpu.memory_space<vmem_shared>>
      %dma_wait3A_148 = arith.constant 0 : i32
      %dma_wait3A_149 = tpu.memref_slice %arg5[%mul3A_0, %dma_wait3A_148] : memref<10240x128xf32, #tpu.memory_space<hbm>> -> memref<640x128xf32, #tpu.memory_space<hbm>>
      tpu.wait_dma2 semaphore(%run_scoped3A : memref<!tpu.dma_semaphore, #tpu.memory_space<semaphore_mem>>) src(%dma_wait3A_149 : memref<640x128xf32, #tpu.memory_space<hbm>>) dst(%dma_wait3A_147 : memref<640x128xf32, #tpu.memory_space<vmem_shared>>)
      tpu.yield
    }) : () -> ()
    %barrier3A = arith.constant 0 : index
    tpu.barrier barrier_id(%barrier3A)
    %eq3A = arith.constant 0 : i32
    %eq3A_1 = arith.cmpi eq, %arg0, %eq3A : i32
    %jit3A = arith.constant 128 : i32
    %jit3A_2 = arith.constant 32 : i32
    %select_n3A = arith.select %eq3A_1, %jit3A, %jit3A_2 : i32
    %jit3A_3 = arith.constant 4 : i32
    %div3A = arith.divsi %select_n3A, %jit3A_3 : i32
    %sign3A = arith.constant 0 : i32
    %sign3A_4 = arith.cmpi sgt, %select_n3A, %sign3A : i32
    %sign3A_5 = arith.extui %sign3A_4 : i1 to i32
    %sign3A_6 = arith.constant 0 : i32
    %sign3A_7 = arith.cmpi slt, %select_n3A, %sign3A_6 : i32
    %sign3A_8 = arith.extui %sign3A_7 : i1 to i32
    %sign3A_9 = arith.subi %sign3A_5, %sign3A_8 : i32
    %sign3A_10 = arith.constant 0 : i32
    %sign3A_11 = arith.cmpi sgt, %jit3A_3, %sign3A_10 : i32
    %sign3A_12 = arith.extui %sign3A_11 : i1 to i32
    %sign3A_13 = arith.constant 0 : i32
    %sign3A_14 = arith.cmpi slt, %jit3A_3, %sign3A_13 : i32
    %sign3A_15 = arith.extui %sign3A_14 : i1 to i32
    %sign3A_16 = arith.subi %sign3A_12, %sign3A_15 : i32
    %ne3A = arith.cmpi ne, %sign3A_9, %sign3A_16 : i32
    %rem3A = arith.remsi %select_n3A, %jit3A_3 : i32
    %ne3A_17 = arith.constant 0 : i32
    %ne3A_18 = arith.cmpi ne, %rem3A, %ne3A_17 : i32
    %and3A = arith.andi %ne3A, %ne3A_18 : i1
    %sub3A = arith.constant 1 : i32
    %sub3A_19 = arith.subi %div3A, %sub3A : i32
    %select_n3A_20 = arith.select %and3A, %sub3A_19, %div3A : i32
    %eq3A_21 = arith.constant 0 : i32
    %eq3A_22 = arith.cmpi eq, %arg0, %eq3A_21 : i32
    %mul3A_23 = arith.constant 128 : i32
    %mul3A_24 = arith.muli %arg1, %mul3A_23 : i32
    %mul3A_25 = arith.constant 32 : i32
    %mul3A_26 = arith.muli %arg1, %mul3A_25 : i32
    %add3A = arith.constant 2048 : i32
    %add3A_27 = arith.addi %add3A, %mul3A_26 : i32
    %select_n3A_28 = arith.select %eq3A_22, %mul3A_24, %add3A_27 : i32
    %mul3A_29 = arith.constant 0 : i32
    %mul3A_30 = arith.muli %mul3A_29, %select_n3A_20 : i32
    %add3A_31 = arith.addi %select_n3A_28, %mul3A_30 : i32
    %multiple_of3A = tpu.assume_multiple %add3A_31, 8 : i32
    "tpu.region"() ({
      %run_scoped3A = tpu.sem_alloc : memref<!tpu.dma_semaphore, #tpu.memory_space<semaphore_mem>>
      %dma_start3A_143 = arith.constant 0 : i32
      %dma_start3A_144 = tpu.memref_slice %arg3[%multiple_of3A, %dma_start3A_143] : memref<2624x128xi32, #tpu.memory_space<hbm>> -> memref<32x128xi32, #tpu.memory_space<hbm>>
      %dma_start3A_145 = arith.constant 0 : i32
      %dma_start3A_146 = tpu.memref_slice %arg3[%multiple_of3A, %dma_start3A_145] : memref<2624x128xi32, #tpu.memory_space<hbm>> -> memref<32x128xi32, #tpu.memory_space<hbm>>
      tpu.enqueue_dma source(%dma_start3A_146 : memref<32x128xi32, #tpu.memory_space<hbm>>) target(%arg9 : memref<32x128xi32, #tpu.memory_space<vmem>>) target_semaphore(%run_scoped3A : memref<!tpu.dma_semaphore, #tpu.memory_space<semaphore_mem>>)
      %dma_wait3A = arith.constant 0 : i32
      %dma_wait3A_147 = tpu.memref_slice %arg3[%multiple_of3A, %dma_wait3A] : memref<2624x128xi32, #tpu.memory_space<hbm>> -> memref<32x128xi32, #tpu.memory_space<hbm>>
      %dma_wait3A_148 = arith.constant 0 : i32
      %dma_wait3A_149 = tpu.memref_slice %arg3[%multiple_of3A, %dma_wait3A_148] : memref<2624x128xi32, #tpu.memory_space<hbm>> -> memref<32x128xi32, #tpu.memory_space<hbm>>
      tpu.wait_dma2 semaphore(%run_scoped3A : memref<!tpu.dma_semaphore, #tpu.memory_space<semaphore_mem>>) src(%dma_wait3A_149 : memref<32x128xi32, #tpu.memory_space<hbm>>) dst(%arg9 : memref<32x128xi32, #tpu.memory_space<vmem>>)
      tpu.yield
    }) : () -> ()
    "tpu.region"() ({
      %run_scoped3A = tpu.sem_alloc : memref<!tpu.dma_semaphore, #tpu.memory_space<semaphore_mem>>
      %dma_start3A_143 = arith.constant 0 : i32
      %dma_start3A_144 = tpu.memref_slice %arg4[%multiple_of3A, %dma_start3A_143] : memref<2624x128xi32, #tpu.memory_space<hbm>> -> memref<32x128xi32, #tpu.memory_space<hbm>>
      %dma_start3A_145 = arith.constant 0 : i32
      %dma_start3A_146 = tpu.memref_slice %arg4[%multiple_of3A, %dma_start3A_145] : memref<2624x128xi32, #tpu.memory_space<hbm>> -> memref<32x128xi32, #tpu.memory_space<hbm>>
      tpu.enqueue_dma source(%dma_start3A_146 : memref<32x128xi32, #tpu.memory_space<hbm>>) target(%arg10 : memref<32x128xi32, #tpu.memory_space<vmem>>) target_semaphore(%run_scoped3A : memref<!tpu.dma_semaphore, #tpu.memory_space<semaphore_mem>>)
      %dma_wait3A = arith.constant 0 : i32
      %dma_wait3A_147 = tpu.memref_slice %arg4[%multiple_of3A, %dma_wait3A] : memref<2624x128xi32, #tpu.memory_space<hbm>> -> memref<32x128xi32, #tpu.memory_space<hbm>>
      %dma_wait3A_148 = arith.constant 0 : i32
      %dma_wait3A_149 = tpu.memref_slice %arg4[%multiple_of3A, %dma_wait3A_148] : memref<2624x128xi32, #tpu.memory_space<hbm>> -> memref<32x128xi32, #tpu.memory_space<hbm>>
      tpu.wait_dma2 semaphore(%run_scoped3A : memref<!tpu.dma_semaphore, #tpu.memory_space<semaphore_mem>>) src(%dma_wait3A_149 : memref<32x128xi32, #tpu.memory_space<hbm>>) dst(%arg10 : memref<32x128xi32, #tpu.memory_space<vmem>>)
      tpu.yield
    }) : () -> ()
    %dma_start3A = arith.constant 0 : i32
    %dma_start3A_32 = arith.constant 0 : i32
    %dma_start3A_33 = arith.constant 0 : i32
    %dma_start3A_34 = arith.constant 0 : i32
    %dma_start3A_35 = tpu.memref_slice %arg8[%dma_start3A_32, %dma_start3A_33, %dma_start3A_34] : memref<2x128x128xf32, #tpu.memory_space<vmem>> -> memref<1x128x128xf32, #tpu.memory_space<vmem>>
    %dma_start3A_36 = tpu.memref_squeeze %dma_start3A_35 : memref<1x128x128xf32, #tpu.memory_space<vmem>> -> memref<128x128xf32, #tpu.memory_space<vmem>>
    %dma_start3A_37 = arith.constant 0 : i32
    %dma_start3A_38 = tpu.memref_slice %arg9[%dma_start3A, %dma_start3A_37] : memref<32x128xi32, #tpu.memory_space<vmem>> -> memref<1x128xi32, #tpu.memory_space<vmem>>
    %dma_start3A_39 = tpu.memref_squeeze %dma_start3A_38 : memref<1x128xi32, #tpu.memory_space<vmem>> -> memref<128xi32, #tpu.memory_space<vmem>>
    %dma_start3A_40 = arith.constant 0 : i32
    %dma_start3A_41 = arith.constant 0 : i32
    %dma_start3A_42 = tpu.memref_slice %arg2[%dma_start3A_40, %dma_start3A_41] : memref<10240x128xf32, #tpu.memory_space<hbm>> -> memref<10240x128xf32, #tpu.memory_space<hbm>>
    tpu.enqueue_indirect_dma source(%dma_start3A_42 : memref<10240x128xf32, #tpu.memory_space<hbm>>) target(%dma_start3A_36 : memref<128x128xf32, #tpu.memory_space<vmem>>) offsets(%dma_start3A_39 : memref<128xi32, #tpu.memory_space<vmem>>) semaphore(%arg11 : memref<!tpu.dma_semaphore, #tpu.memory_space<semaphore_mem>>)
    %while3A = arith.constant 0 : i32
    %while3A_43 = arith.constant 0 : i32
    %while3A_44 = arith.subi %select_n3A_20, %while3A : i32
    %while3A_45 = arith.addi %while3A, %while3A_44 : i32
    %while3A_46 = arith.constant 1 : i32
    %while3A_47 = arith.divsi %while3A_44, %while3A_46 : i32
    %while3A_48 = arith.muli %while3A_47, %while3A_46 : i32
    %while3A_49 = arith.addi %while3A, %while3A_48 : i32
    %while3A_50 = arith.constant 1 : i32
    %while3A_51 = scf.for %while3A_143 = %while3A to %while3A_49 step %while3A_50 iter_args(%while3A_144 = %while3A_43) -> (i32)  : i32 {
      %rem3A_145 = arith.constant 2 : i32
      %rem3A_146 = arith.remsi %while3A_143, %rem3A_145 : i32
      %dma_wait3A = arith.constant 0 : i32
      %dma_wait3A_147 = arith.constant 0 : i32
      %dma_wait3A_148 = tpu.memref_slice %arg8[%rem3A_146, %dma_wait3A, %dma_wait3A_147] : memref<2x128x128xf32, #tpu.memory_space<vmem>> -> memref<1x128x128xf32, #tpu.memory_space<vmem>>
      %dma_wait3A_149 = tpu.memref_squeeze %dma_wait3A_148 : memref<1x128x128xf32, #tpu.memory_space<vmem>> -> memref<128x128xf32, #tpu.memory_space<vmem>>
      %dma_wait3A_150 = arith.constant 0 : i32
      %dma_wait3A_151 = tpu.memref_slice %arg9[%while3A_143, %dma_wait3A_150] : memref<32x128xi32, #tpu.memory_space<vmem>> -> memref<1x128xi32, #tpu.memory_space<vmem>>
      %dma_wait3A_152 = tpu.memref_squeeze %dma_wait3A_151 : memref<1x128xi32, #tpu.memory_space<vmem>> -> memref<128xi32, #tpu.memory_space<vmem>>
      %dma_wait3A_153 = arith.constant 0 : i32
      %dma_wait3A_154 = arith.constant 0 : i32
      %dma_wait3A_155 = tpu.memref_slice %arg2[%dma_wait3A_153, %dma_wait3A_154] : memref<10240x128xf32, #tpu.memory_space<hbm>> -> memref<10240x128xf32, #tpu.memory_space<hbm>>
      tpu.wait_indirect_dma semaphore(%arg11 : memref<!tpu.dma_semaphore, #tpu.memory_space<semaphore_mem>>) src(%dma_wait3A_155 : memref<10240x128xf32, #tpu.memory_space<hbm>>) dst(%dma_wait3A_149 : memref<128x128xf32, #tpu.memory_space<vmem>>)
      %add3A_156 = arith.constant 1 : i32
      %add3A_157 = arith.addi %while3A_143, %add3A_156 : i32
      %lt3A = arith.cmpi slt, %add3A_157, %select_n3A_20 : i32
      %convert_element_type3A = arith.extui %lt3A : i1 to i32
      %cond3A = arith.constant 0 : i32
      %cond3A_158 = arith.cmpi ne, %convert_element_type3A, %cond3A : i32
      scf.if %cond3A_158 {
        %add3A_160 = arith.constant 1 : i32
        %add3A_161 = arith.addi %while3A_143, %add3A_160 : i32
        %sub3A_162 = arith.constant 1 : i32
        %sub3A_163 = arith.subi %sub3A_162, %rem3A_146 : i32
        %dma_start3A_164 = arith.constant 0 : i32
        %dma_start3A_165 = arith.constant 0 : i32
        %dma_start3A_166 = tpu.memref_slice %arg8[%sub3A_163, %dma_start3A_164, %dma_start3A_165] : memref<2x128x128xf32, #tpu.memory_space<vmem>> -> memref<1x128x128xf32, #tpu.memory_space<vmem>>
        %dma_start3A_167 = tpu.memref_squeeze %dma_start3A_166 : memref<1x128x128xf32, #tpu.memory_space<vmem>> -> memref<128x128xf32, #tpu.memory_space<vmem>>
        %dma_start3A_168 = arith.constant 0 : i32
        %dma_start3A_169 = tpu.memref_slice %arg9[%add3A_161, %dma_start3A_168] : memref<32x128xi32, #tpu.memory_space<vmem>> -> memref<1x128xi32, #tpu.memory_space<vmem>>
        %dma_start3A_170 = tpu.memref_squeeze %dma_start3A_169 : memref<1x128xi32, #tpu.memory_space<vmem>> -> memref<128xi32, #tpu.memory_space<vmem>>
        %dma_start3A_171 = arith.constant 0 : i32
        %dma_start3A_172 = arith.constant 0 : i32
        %dma_start3A_173 = tpu.memref_slice %arg2[%dma_start3A_171, %dma_start3A_172] : memref<10240x128xf32, #tpu.memory_space<hbm>> -> memref<10240x128xf32, #tpu.memory_space<hbm>>
        tpu.enqueue_indirect_dma source(%dma_start3A_173 : memref<10240x128xf32, #tpu.memory_space<hbm>>) target(%dma_start3A_167 : memref<128x128xf32, #tpu.memory_space<vmem>>) offsets(%dma_start3A_170 : memref<128xi32, #tpu.memory_space<vmem>>) semaphore(%arg11 : memref<!tpu.dma_semaphore, #tpu.memory_space<semaphore_mem>>)
      } else {
      }
      "tpu.region"() ({
        %run_scoped3A = tpu.sem_alloc : memref<!tpu.dma_semaphore, #tpu.memory_space<semaphore_mem>>
        %dma_start3A_160 = arith.constant 0 : i32
        %dma_start3A_161 = arith.constant 0 : i32
        %dma_start3A_162 = tpu.memref_slice %arg8[%rem3A_146, %dma_start3A_160, %dma_start3A_161] : memref<2x128x128xf32, #tpu.memory_space<vmem>> -> memref<1x128x128xf32, #tpu.memory_space<vmem>>
        %dma_start3A_163 = tpu.memref_squeeze %dma_start3A_162 : memref<1x128x128xf32, #tpu.memory_space<vmem>> -> memref<128x128xf32, #tpu.memory_space<vmem>>
        %dma_start3A_164 = arith.constant 0 : i32
        %dma_start3A_165 = tpu.memref_slice %arg10[%while3A_143, %dma_start3A_164] : memref<32x128xi32, #tpu.memory_space<vmem>> -> memref<1x128xi32, #tpu.memory_space<vmem>>
        %dma_start3A_166 = tpu.memref_squeeze %dma_start3A_165 : memref<1x128xi32, #tpu.memory_space<vmem>> -> memref<128xi32, #tpu.memory_space<vmem>>
        %dma_start3A_167 = arith.constant 0 : i32
        %dma_start3A_168 = arith.constant 0 : i32
        %dma_start3A_169 = tpu.memref_slice %arg7[%dma_start3A_167, %dma_start3A_168] : memref<10240x128xf32, #tpu.memory_space<vmem_shared>> -> memref<10240x128xf32, #tpu.memory_space<vmem_shared>>
        tpu.enqueue_indirect_dma source(%dma_start3A_163 : memref<128x128xf32, #tpu.memory_space<vmem>>) target(%dma_start3A_169 : memref<10240x128xf32, #tpu.memory_space<vmem_shared>>) offsets(%dma_start3A_166 : memref<128xi32, #tpu.memory_space<vmem>>) semaphore(%run_scoped3A : memref<!tpu.dma_semaphore, #tpu.memory_space<semaphore_mem>>) {add = true}
        %dma_wait3A_170 = arith.constant 0 : i32
        %dma_wait3A_171 = arith.constant 0 : i32
        %dma_wait3A_172 = tpu.memref_slice %arg8[%rem3A_146, %dma_wait3A_170, %dma_wait3A_171] : memref<2x128x128xf32, #tpu.memory_space<vmem>> -> memref<1x128x128xf32, #tpu.memory_space<vmem>>
        %dma_wait3A_173 = tpu.memref_squeeze %dma_wait3A_172 : memref<1x128x128xf32, #tpu.memory_space<vmem>> -> memref<128x128xf32, #tpu.memory_space<vmem>>
        %dma_wait3A_174 = arith.constant 0 : i32
        %dma_wait3A_175 = tpu.memref_slice %arg10[%while3A_143, %dma_wait3A_174] : memref<32x128xi32, #tpu.memory_space<vmem>> -> memref<1x128xi32, #tpu.memory_space<vmem>>
        %dma_wait3A_176 = tpu.memref_squeeze %dma_wait3A_175 : memref<1x128xi32, #tpu.memory_space<vmem>> -> memref<128xi32, #tpu.memory_space<vmem>>
        %dma_wait3A_177 = arith.constant 0 : i32
        %dma_wait3A_178 = arith.constant 0 : i32
        %dma_wait3A_179 = tpu.memref_slice %arg7[%dma_wait3A_177, %dma_wait3A_178] : memref<10240x128xf32, #tpu.memory_space<vmem_shared>> -> memref<10240x128xf32, #tpu.memory_space<vmem_shared>>
        tpu.wait_indirect_dma semaphore(%run_scoped3A : memref<!tpu.dma_semaphore, #tpu.memory_space<semaphore_mem>>) src(%dma_wait3A_173 : memref<128x128xf32, #tpu.memory_space<vmem>>) dst(%dma_wait3A_179 : memref<10240x128xf32, #tpu.memory_space<vmem_shared>>)
        tpu.yield
      }) : () -> ()
      %while3A_159 = arith.constant 0 : i32
      scf.yield %while3A_159 : i32
    }
    %while3A_52 = arith.constant 1 : i32
    %while3A_53 = scf.for %while3A_143 = %while3A_49 to %while3A_45 step %while3A_52 iter_args(%while3A_144 = %while3A_51) -> (i32)  : i32 {
      %rem3A_145 = arith.constant 2 : i32
      %rem3A_146 = arith.remsi %while3A_143, %rem3A_145 : i32
      %dma_wait3A = arith.constant 0 : i32
      %dma_wait3A_147 = arith.constant 0 : i32
      %dma_wait3A_148 = tpu.memref_slice %arg8[%rem3A_146, %dma_wait3A, %dma_wait3A_147] : memref<2x128x128xf32, #tpu.memory_space<vmem>> -> memref<1x128x128xf32, #tpu.memory_space<vmem>>
      %dma_wait3A_149 = tpu.memref_squeeze %dma_wait3A_148 : memref<1x128x128xf32, #tpu.memory_space<vmem>> -> memref<128x128xf32, #tpu.memory_space<vmem>>
      %dma_wait3A_150 = arith.constant 0 : i32
      %dma_wait3A_151 = tpu.memref_slice %arg9[%while3A_143, %dma_wait3A_150] : memref<32x128xi32, #tpu.memory_space<vmem>> -> memref<1x128xi32, #tpu.memory_space<vmem>>
      %dma_wait3A_152 = tpu.memref_squeeze %dma_wait3A_151 : memref<1x128xi32, #tpu.memory_space<vmem>> -> memref<128xi32, #tpu.memory_space<vmem>>
      %dma_wait3A_153 = arith.constant 0 : i32
      %dma_wait3A_154 = arith.constant 0 : i32
      %dma_wait3A_155 = tpu.memref_slice %arg2[%dma_wait3A_153, %dma_wait3A_154] : memref<10240x128xf32, #tpu.memory_space<hbm>> -> memref<10240x128xf32, #tpu.memory_space<hbm>>
      tpu.wait_indirect_dma semaphore(%arg11 : memref<!tpu.dma_semaphore, #tpu.memory_space<semaphore_mem>>) src(%dma_wait3A_155 : memref<10240x128xf32, #tpu.memory_space<hbm>>) dst(%dma_wait3A_149 : memref<128x128xf32, #tpu.memory_space<vmem>>)
      %add3A_156 = arith.constant 1 : i32
      %add3A_157 = arith.addi %while3A_143, %add3A_156 : i32
      %lt3A = arith.cmpi slt, %add3A_157, %select_n3A_20 : i32
      %convert_element_type3A = arith.extui %lt3A : i1 to i32
      %cond3A = arith.constant 0 : i32
      %cond3A_158 = arith.cmpi ne, %convert_element_type3A, %cond3A : i32
      scf.if %cond3A_158 {
        %add3A_160 = arith.constant 1 : i32
        %add3A_161 = arith.addi %while3A_143, %add3A_160 : i32
        %sub3A_162 = arith.constant 1 : i32
        %sub3A_163 = arith.subi %sub3A_162, %rem3A_146 : i32
        %dma_start3A_164 = arith.constant 0 : i32
        %dma_start3A_165 = arith.constant 0 : i32
        %dma_start3A_166 = tpu.memref_slice %arg8[%sub3A_163, %dma_start3A_164, %dma_start3A_165] : memref<2x128x128xf32, #tpu.memory_space<vmem>> -> memref<1x128x128xf32, #tpu.memory_space<vmem>>
        %dma_start3A_167 = tpu.memref_squeeze %dma_start3A_166 : memref<1x128x128xf32, #tpu.memory_space<vmem>> -> memref<128x128xf32, #tpu.memory_space<vmem>>
        %dma_start3A_168 = arith.constant 0 : i32
        %dma_start3A_169 = tpu.memref_slice %arg9[%add3A_161, %dma_start3A_168] : memref<32x128xi32, #tpu.memory_space<vmem>> -> memref<1x128xi32, #tpu.memory_space<vmem>>
        %dma_start3A_170 = tpu.memref_squeeze %dma_start3A_169 : memref<1x128xi32, #tpu.memory_space<vmem>> -> memref<128xi32, #tpu.memory_space<vmem>>
        %dma_start3A_171 = arith.constant 0 : i32
        %dma_start3A_172 = arith.constant 0 : i32
        %dma_start3A_173 = tpu.memref_slice %arg2[%dma_start3A_171, %dma_start3A_172] : memref<10240x128xf32, #tpu.memory_space<hbm>> -> memref<10240x128xf32, #tpu.memory_space<hbm>>
        tpu.enqueue_indirect_dma source(%dma_start3A_173 : memref<10240x128xf32, #tpu.memory_space<hbm>>) target(%dma_start3A_167 : memref<128x128xf32, #tpu.memory_space<vmem>>) offsets(%dma_start3A_170 : memref<128xi32, #tpu.memory_space<vmem>>) semaphore(%arg11 : memref<!tpu.dma_semaphore, #tpu.memory_space<semaphore_mem>>)
      } else {
      }
      "tpu.region"() ({
        %run_scoped3A = tpu.sem_alloc : memref<!tpu.dma_semaphore, #tpu.memory_space<semaphore_mem>>
        %dma_start3A_160 = arith.constant 0 : i32
        %dma_start3A_161 = arith.constant 0 : i32
        %dma_start3A_162 = tpu.memref_slice %arg8[%rem3A_146, %dma_start3A_160, %dma_start3A_161] : memref<2x128x128xf32, #tpu.memory_space<vmem>> -> memref<1x128x128xf32, #tpu.memory_space<vmem>>
        %dma_start3A_163 = tpu.memref_squeeze %dma_start3A_162 : memref<1x128x128xf32, #tpu.memory_space<vmem>> -> memref<128x128xf32, #tpu.memory_space<vmem>>
        %dma_start3A_164 = arith.constant 0 : i32
        %dma_start3A_165 = tpu.memref_slice %arg10[%while3A_143, %dma_start3A_164] : memref<32x128xi32, #tpu.memory_space<vmem>> -> memref<1x128xi32, #tpu.memory_space<vmem>>
        %dma_start3A_166 = tpu.memref_squeeze %dma_start3A_165 : memref<1x128xi32, #tpu.memory_space<vmem>> -> memref<128xi32, #tpu.memory_space<vmem>>
        %dma_start3A_167 = arith.constant 0 : i32
        %dma_start3A_168 = arith.constant 0 : i32
        %dma_start3A_169 = tpu.memref_slice %arg7[%dma_start3A_167, %dma_start3A_168] : memref<10240x128xf32, #tpu.memory_space<vmem_shared>> -> memref<10240x128xf32, #tpu.memory_space<vmem_shared>>
        tpu.enqueue_indirect_dma source(%dma_start3A_163 : memref<128x128xf32, #tpu.memory_space<vmem>>) target(%dma_start3A_169 : memref<10240x128xf32, #tpu.memory_space<vmem_shared>>) offsets(%dma_start3A_166 : memref<128xi32, #tpu.memory_space<vmem>>) semaphore(%run_scoped3A : memref<!tpu.dma_semaphore, #tpu.memory_space<semaphore_mem>>) {add = true}
        %dma_wait3A_170 = arith.constant 0 : i32
        %dma_wait3A_171 = arith.constant 0 : i32
        %dma_wait3A_172 = tpu.memref_slice %arg8[%rem3A_146, %dma_wait3A_170, %dma_wait3A_171] : memref<2x128x128xf32, #tpu.memory_space<vmem>> -> memref<1x128x128xf32, #tpu.memory_space<vmem>>
        %dma_wait3A_173 = tpu.memref_squeeze %dma_wait3A_172 : memref<1x128x128xf32, #tpu.memory_space<vmem>> -> memref<128x128xf32, #tpu.memory_space<vmem>>
        %dma_wait3A_174 = arith.constant 0 : i32
        %dma_wait3A_175 = tpu.memref_slice %arg10[%while3A_143, %dma_wait3A_174] : memref<32x128xi32, #tpu.memory_space<vmem>> -> memref<1x128xi32, #tpu.memory_space<vmem>>
        %dma_wait3A_176 = tpu.memref_squeeze %dma_wait3A_175 : memref<1x128xi32, #tpu.memory_space<vmem>> -> memref<128xi32, #tpu.memory_space<vmem>>
        %dma_wait3A_177 = arith.constant 0 : i32
        %dma_wait3A_178 = arith.constant 0 : i32
        %dma_wait3A_179 = tpu.memref_slice %arg7[%dma_wait3A_177, %dma_wait3A_178] : memref<10240x128xf32, #tpu.memory_space<vmem_shared>> -> memref<10240x128xf32, #tpu.memory_space<vmem_shared>>
        tpu.wait_indirect_dma semaphore(%run_scoped3A : memref<!tpu.dma_semaphore, #tpu.memory_space<semaphore_mem>>) src(%dma_wait3A_173 : memref<128x128xf32, #tpu.memory_space<vmem>>) dst(%dma_wait3A_179 : memref<10240x128xf32, #tpu.memory_space<vmem_shared>>)
        tpu.yield
      }) : () -> ()
      %while3A_159 = arith.constant 0 : i32
      scf.yield %while3A_159 : i32
    }
    %mul3A_54 = arith.constant 1 : i32
    %mul3A_55 = arith.muli %mul3A_54, %select_n3A_20 : i32
    %add3A_56 = arith.addi %select_n3A_28, %mul3A_55 : i32
    %multiple_of3A_57 = tpu.assume_multiple %add3A_56, 8 : i32
    "tpu.region"() ({
      %run_scoped3A = tpu.sem_alloc : memref<!tpu.dma_semaphore, #tpu.memory_space<semaphore_mem>>
      %dma_start3A_143 = arith.constant 0 : i32
      %dma_start3A_144 = tpu.memref_slice %arg3[%multiple_of3A_57, %dma_start3A_143] : memref<2624x128xi32, #tpu.memory_space<hbm>> -> memref<32x128xi32, #tpu.memory_space<hbm>>
      %dma_start3A_145 = arith.constant 0 : i32
      %dma_start3A_146 = tpu.memref_slice %arg3[%multiple_of3A_57, %dma_start3A_145] : memref<2624x128xi32, #tpu.memory_space<hbm>> -> memref<32x128xi32, #tpu.memory_space<hbm>>
      tpu.enqueue_dma source(%dma_start3A_146 : memref<32x128xi32, #tpu.memory_space<hbm>>) target(%arg9 : memref<32x128xi32, #tpu.memory_space<vmem>>) target_semaphore(%run_scoped3A : memref<!tpu.dma_semaphore, #tpu.memory_space<semaphore_mem>>)
      %dma_wait3A = arith.constant 0 : i32
      %dma_wait3A_147 = tpu.memref_slice %arg3[%multiple_of3A_57, %dma_wait3A] : memref<2624x128xi32, #tpu.memory_space<hbm>> -> memref<32x128xi32, #tpu.memory_space<hbm>>
      %dma_wait3A_148 = arith.constant 0 : i32
      %dma_wait3A_149 = tpu.memref_slice %arg3[%multiple_of3A_57, %dma_wait3A_148] : memref<2624x128xi32, #tpu.memory_space<hbm>> -> memref<32x128xi32, #tpu.memory_space<hbm>>
      tpu.wait_dma2 semaphore(%run_scoped3A : memref<!tpu.dma_semaphore, #tpu.memory_space<semaphore_mem>>) src(%dma_wait3A_149 : memref<32x128xi32, #tpu.memory_space<hbm>>) dst(%arg9 : memref<32x128xi32, #tpu.memory_space<vmem>>)
      tpu.yield
    }) : () -> ()
    "tpu.region"() ({
      %run_scoped3A = tpu.sem_alloc : memref<!tpu.dma_semaphore, #tpu.memory_space<semaphore_mem>>
      %dma_start3A_143 = arith.constant 0 : i32
      %dma_start3A_144 = tpu.memref_slice %arg4[%multiple_of3A_57, %dma_start3A_143] : memref<2624x128xi32, #tpu.memory_space<hbm>> -> memref<32x128xi32, #tpu.memory_space<hbm>>
      %dma_start3A_145 = arith.constant 0 : i32
      %dma_start3A_146 = tpu.memref_slice %arg4[%multiple_of3A_57, %dma_start3A_145] : memref<2624x128xi32, #tpu.memory_space<hbm>> -> memref<32x128xi32, #tpu.memory_space<hbm>>
      tpu.enqueue_dma source(%dma_start3A_146 : memref<32x128xi32, #tpu.memory_space<hbm>>) target(%arg10 : memref<32x128xi32, #tpu.memory_space<vmem>>) target_semaphore(%run_scoped3A : memref<!tpu.dma_semaphore, #tpu.memory_space<semaphore_mem>>)
      %dma_wait3A = arith.constant 0 : i32
      %dma_wait3A_147 = tpu.memref_slice %arg4[%multiple_of3A_57, %dma_wait3A] : memref<2624x128xi32, #tpu.memory_space<hbm>> -> memref<32x128xi32, #tpu.memory_space<hbm>>
      %dma_wait3A_148 = arith.constant 0 : i32
      %dma_wait3A_149 = tpu.memref_slice %arg4[%multiple_of3A_57, %dma_wait3A_148] : memref<2624x128xi32, #tpu.memory_space<hbm>> -> memref<32x128xi32, #tpu.memory_space<hbm>>
      tpu.wait_dma2 semaphore(%run_scoped3A : memref<!tpu.dma_semaphore, #tpu.memory_space<semaphore_mem>>) src(%dma_wait3A_149 : memref<32x128xi32, #tpu.memory_space<hbm>>) dst(%arg10 : memref<32x128xi32, #tpu.memory_space<vmem>>)
      tpu.yield
    }) : () -> ()
    %dma_start3A_58 = arith.constant 0 : i32
    %dma_start3A_59 = arith.constant 0 : i32
    %dma_start3A_60 = arith.constant 0 : i32
    %dma_start3A_61 = arith.constant 0 : i32
    %dma_start3A_62 = tpu.memref_slice %arg8[%dma_start3A_59, %dma_start3A_60, %dma_start3A_61] : memref<2x128x128xf32, #tpu.memory_space<vmem>> -> memref<1x128x128xf32, #tpu.memory_space<vmem>>
    %dma_start3A_63 = tpu.memref_squeeze %dma_start3A_62 : memref<1x128x128xf32, #tpu.memory_space<vmem>> -> memref<128x128xf32, #tpu.memory_space<vmem>>
    %dma_start3A_64 = arith.constant 0 : i32
    %dma_start3A_65 = tpu.memref_slice %arg9[%dma_start3A_58, %dma_start3A_64] : memref<32x128xi32, #tpu.memory_space<vmem>> -> memref<1x128xi32, #tpu.memory_space<vmem>>
    %dma_start3A_66 = tpu.memref_squeeze %dma_start3A_65 : memref<1x128xi32, #tpu.memory_space<vmem>> -> memref<128xi32, #tpu.memory_space<vmem>>
    %dma_start3A_67 = arith.constant 0 : i32
    %dma_start3A_68 = arith.constant 0 : i32
    %dma_start3A_69 = tpu.memref_slice %arg2[%dma_start3A_67, %dma_start3A_68] : memref<10240x128xf32, #tpu.memory_space<hbm>> -> memref<10240x128xf32, #tpu.memory_space<hbm>>
    tpu.enqueue_indirect_dma source(%dma_start3A_69 : memref<10240x128xf32, #tpu.memory_space<hbm>>) target(%dma_start3A_63 : memref<128x128xf32, #tpu.memory_space<vmem>>) offsets(%dma_start3A_66 : memref<128xi32, #tpu.memory_space<vmem>>) semaphore(%arg11 : memref<!tpu.dma_semaphore, #tpu.memory_space<semaphore_mem>>)
    %while3A_70 = arith.constant 0 : i32
    %while3A_71 = arith.constant 0 : i32
    %while3A_72 = arith.subi %select_n3A_20, %while3A_70 : i32
    %while3A_73 = arith.addi %while3A_70, %while3A_72 : i32
    %while3A_74 = arith.constant 1 : i32
    %while3A_75 = arith.divsi %while3A_72, %while3A_74 : i32
    %while3A_76 = arith.muli %while3A_75, %while3A_74 : i32
    %while3A_77 = arith.addi %while3A_70, %while3A_76 : i32
    %while3A_78 = arith.constant 1 : i32
    %while3A_79 = scf.for %while3A_143 = %while3A_70 to %while3A_77 step %while3A_78 iter_args(%while3A_144 = %while3A_71) -> (i32)  : i32 {
      %rem3A_145 = arith.constant 2 : i32
      %rem3A_146 = arith.remsi %while3A_143, %rem3A_145 : i32
      %dma_wait3A = arith.constant 0 : i32
      %dma_wait3A_147 = arith.constant 0 : i32
      %dma_wait3A_148 = tpu.memref_slice %arg8[%rem3A_146, %dma_wait3A, %dma_wait3A_147] : memref<2x128x128xf32, #tpu.memory_space<vmem>> -> memref<1x128x128xf32, #tpu.memory_space<vmem>>
      %dma_wait3A_149 = tpu.memref_squeeze %dma_wait3A_148 : memref<1x128x128xf32, #tpu.memory_space<vmem>> -> memref<128x128xf32, #tpu.memory_space<vmem>>
      %dma_wait3A_150 = arith.constant 0 : i32
      %dma_wait3A_151 = tpu.memref_slice %arg9[%while3A_143, %dma_wait3A_150] : memref<32x128xi32, #tpu.memory_space<vmem>> -> memref<1x128xi32, #tpu.memory_space<vmem>>
      %dma_wait3A_152 = tpu.memref_squeeze %dma_wait3A_151 : memref<1x128xi32, #tpu.memory_space<vmem>> -> memref<128xi32, #tpu.memory_space<vmem>>
      %dma_wait3A_153 = arith.constant 0 : i32
      %dma_wait3A_154 = arith.constant 0 : i32
      %dma_wait3A_155 = tpu.memref_slice %arg2[%dma_wait3A_153, %dma_wait3A_154] : memref<10240x128xf32, #tpu.memory_space<hbm>> -> memref<10240x128xf32, #tpu.memory_space<hbm>>
      tpu.wait_indirect_dma semaphore(%arg11 : memref<!tpu.dma_semaphore, #tpu.memory_space<semaphore_mem>>) src(%dma_wait3A_155 : memref<10240x128xf32, #tpu.memory_space<hbm>>) dst(%dma_wait3A_149 : memref<128x128xf32, #tpu.memory_space<vmem>>)
      %add3A_156 = arith.constant 1 : i32
      %add3A_157 = arith.addi %while3A_143, %add3A_156 : i32
      %lt3A = arith.cmpi slt, %add3A_157, %select_n3A_20 : i32
      %convert_element_type3A = arith.extui %lt3A : i1 to i32
      %cond3A = arith.constant 0 : i32
      %cond3A_158 = arith.cmpi ne, %convert_element_type3A, %cond3A : i32
      scf.if %cond3A_158 {
        %add3A_160 = arith.constant 1 : i32
        %add3A_161 = arith.addi %while3A_143, %add3A_160 : i32
        %sub3A_162 = arith.constant 1 : i32
        %sub3A_163 = arith.subi %sub3A_162, %rem3A_146 : i32
        %dma_start3A_164 = arith.constant 0 : i32
        %dma_start3A_165 = arith.constant 0 : i32
        %dma_start3A_166 = tpu.memref_slice %arg8[%sub3A_163, %dma_start3A_164, %dma_start3A_165] : memref<2x128x128xf32, #tpu.memory_space<vmem>> -> memref<1x128x128xf32, #tpu.memory_space<vmem>>
        %dma_start3A_167 = tpu.memref_squeeze %dma_start3A_166 : memref<1x128x128xf32, #tpu.memory_space<vmem>> -> memref<128x128xf32, #tpu.memory_space<vmem>>
        %dma_start3A_168 = arith.constant 0 : i32
        %dma_start3A_169 = tpu.memref_slice %arg9[%add3A_161, %dma_start3A_168] : memref<32x128xi32, #tpu.memory_space<vmem>> -> memref<1x128xi32, #tpu.memory_space<vmem>>
        %dma_start3A_170 = tpu.memref_squeeze %dma_start3A_169 : memref<1x128xi32, #tpu.memory_space<vmem>> -> memref<128xi32, #tpu.memory_space<vmem>>
        %dma_start3A_171 = arith.constant 0 : i32
        %dma_start3A_172 = arith.constant 0 : i32
        %dma_start3A_173 = tpu.memref_slice %arg2[%dma_start3A_171, %dma_start3A_172] : memref<10240x128xf32, #tpu.memory_space<hbm>> -> memref<10240x128xf32, #tpu.memory_space<hbm>>
        tpu.enqueue_indirect_dma source(%dma_start3A_173 : memref<10240x128xf32, #tpu.memory_space<hbm>>) target(%dma_start3A_167 : memref<128x128xf32, #tpu.memory_space<vmem>>) offsets(%dma_start3A_170 : memref<128xi32, #tpu.memory_space<vmem>>) semaphore(%arg11 : memref<!tpu.dma_semaphore, #tpu.memory_space<semaphore_mem>>)
      } else {
      }
      "tpu.region"() ({
        %run_scoped3A = tpu.sem_alloc : memref<!tpu.dma_semaphore, #tpu.memory_space<semaphore_mem>>
        %dma_start3A_160 = arith.constant 0 : i32
        %dma_start3A_161 = arith.constant 0 : i32
        %dma_start3A_162 = tpu.memref_slice %arg8[%rem3A_146, %dma_start3A_160, %dma_start3A_161] : memref<2x128x128xf32, #tpu.memory_space<vmem>> -> memref<1x128x128xf32, #tpu.memory_space<vmem>>
        %dma_start3A_163 = tpu.memref_squeeze %dma_start3A_162 : memref<1x128x128xf32, #tpu.memory_space<vmem>> -> memref<128x128xf32, #tpu.memory_space<vmem>>
        %dma_start3A_164 = arith.constant 0 : i32
        %dma_start3A_165 = tpu.memref_slice %arg10[%while3A_143, %dma_start3A_164] : memref<32x128xi32, #tpu.memory_space<vmem>> -> memref<1x128xi32, #tpu.memory_space<vmem>>
        %dma_start3A_166 = tpu.memref_squeeze %dma_start3A_165 : memref<1x128xi32, #tpu.memory_space<vmem>> -> memref<128xi32, #tpu.memory_space<vmem>>
        %dma_start3A_167 = arith.constant 0 : i32
        %dma_start3A_168 = arith.constant 0 : i32
        %dma_start3A_169 = tpu.memref_slice %arg7[%dma_start3A_167, %dma_start3A_168] : memref<10240x128xf32, #tpu.memory_space<vmem_shared>> -> memref<10240x128xf32, #tpu.memory_space<vmem_shared>>
        tpu.enqueue_indirect_dma source(%dma_start3A_163 : memref<128x128xf32, #tpu.memory_space<vmem>>) target(%dma_start3A_169 : memref<10240x128xf32, #tpu.memory_space<vmem_shared>>) offsets(%dma_start3A_166 : memref<128xi32, #tpu.memory_space<vmem>>) semaphore(%run_scoped3A : memref<!tpu.dma_semaphore, #tpu.memory_space<semaphore_mem>>) {add = true}
        %dma_wait3A_170 = arith.constant 0 : i32
        %dma_wait3A_171 = arith.constant 0 : i32
        %dma_wait3A_172 = tpu.memref_slice %arg8[%rem3A_146, %dma_wait3A_170, %dma_wait3A_171] : memref<2x128x128xf32, #tpu.memory_space<vmem>> -> memref<1x128x128xf32, #tpu.memory_space<vmem>>
        %dma_wait3A_173 = tpu.memref_squeeze %dma_wait3A_172 : memref<1x128x128xf32, #tpu.memory_space<vmem>> -> memref<128x128xf32, #tpu.memory_space<vmem>>
        %dma_wait3A_174 = arith.constant 0 : i32
        %dma_wait3A_175 = tpu.memref_slice %arg10[%while3A_143, %dma_wait3A_174] : memref<32x128xi32, #tpu.memory_space<vmem>> -> memref<1x128xi32, #tpu.memory_space<vmem>>
        %dma_wait3A_176 = tpu.memref_squeeze %dma_wait3A_175 : memref<1x128xi32, #tpu.memory_space<vmem>> -> memref<128xi32, #tpu.memory_space<vmem>>
        %dma_wait3A_177 = arith.constant 0 : i32
        %dma_wait3A_178 = arith.constant 0 : i32
        %dma_wait3A_179 = tpu.memref_slice %arg7[%dma_wait3A_177, %dma_wait3A_178] : memref<10240x128xf32, #tpu.memory_space<vmem_shared>> -> memref<10240x128xf32, #tpu.memory_space<vmem_shared>>
        tpu.wait_indirect_dma semaphore(%run_scoped3A : memref<!tpu.dma_semaphore, #tpu.memory_space<semaphore_mem>>) src(%dma_wait3A_173 : memref<128x128xf32, #tpu.memory_space<vmem>>) dst(%dma_wait3A_179 : memref<10240x128xf32, #tpu.memory_space<vmem_shared>>)
        tpu.yield
      }) : () -> ()
      %while3A_159 = arith.constant 0 : i32
      scf.yield %while3A_159 : i32
    }
    %while3A_80 = arith.constant 1 : i32
    %while3A_81 = scf.for %while3A_143 = %while3A_77 to %while3A_73 step %while3A_80 iter_args(%while3A_144 = %while3A_79) -> (i32)  : i32 {
      %rem3A_145 = arith.constant 2 : i32
      %rem3A_146 = arith.remsi %while3A_143, %rem3A_145 : i32
      %dma_wait3A = arith.constant 0 : i32
      %dma_wait3A_147 = arith.constant 0 : i32
      %dma_wait3A_148 = tpu.memref_slice %arg8[%rem3A_146, %dma_wait3A, %dma_wait3A_147] : memref<2x128x128xf32, #tpu.memory_space<vmem>> -> memref<1x128x128xf32, #tpu.memory_space<vmem>>
      %dma_wait3A_149 = tpu.memref_squeeze %dma_wait3A_148 : memref<1x128x128xf32, #tpu.memory_space<vmem>> -> memref<128x128xf32, #tpu.memory_space<vmem>>
      %dma_wait3A_150 = arith.constant 0 : i32
      %dma_wait3A_151 = tpu.memref_slice %arg9[%while3A_143, %dma_wait3A_150] : memref<32x128xi32, #tpu.memory_space<vmem>> -> memref<1x128xi32, #tpu.memory_space<vmem>>
      %dma_wait3A_152 = tpu.memref_squeeze %dma_wait3A_151 : memref<1x128xi32, #tpu.memory_space<vmem>> -> memref<128xi32, #tpu.memory_space<vmem>>
      %dma_wait3A_153 = arith.constant 0 : i32
      %dma_wait3A_154 = arith.constant 0 : i32
      %dma_wait3A_155 = tpu.memref_slice %arg2[%dma_wait3A_153, %dma_wait3A_154] : memref<10240x128xf32, #tpu.memory_space<hbm>> -> memref<10240x128xf32, #tpu.memory_space<hbm>>
      tpu.wait_indirect_dma semaphore(%arg11 : memref<!tpu.dma_semaphore, #tpu.memory_space<semaphore_mem>>) src(%dma_wait3A_155 : memref<10240x128xf32, #tpu.memory_space<hbm>>) dst(%dma_wait3A_149 : memref<128x128xf32, #tpu.memory_space<vmem>>)
      %add3A_156 = arith.constant 1 : i32
      %add3A_157 = arith.addi %while3A_143, %add3A_156 : i32
      %lt3A = arith.cmpi slt, %add3A_157, %select_n3A_20 : i32
      %convert_element_type3A = arith.extui %lt3A : i1 to i32
      %cond3A = arith.constant 0 : i32
      %cond3A_158 = arith.cmpi ne, %convert_element_type3A, %cond3A : i32
      scf.if %cond3A_158 {
        %add3A_160 = arith.constant 1 : i32
        %add3A_161 = arith.addi %while3A_143, %add3A_160 : i32
        %sub3A_162 = arith.constant 1 : i32
        %sub3A_163 = arith.subi %sub3A_162, %rem3A_146 : i32
        %dma_start3A_164 = arith.constant 0 : i32
        %dma_start3A_165 = arith.constant 0 : i32
        %dma_start3A_166 = tpu.memref_slice %arg8[%sub3A_163, %dma_start3A_164, %dma_start3A_165] : memref<2x128x128xf32, #tpu.memory_space<vmem>> -> memref<1x128x128xf32, #tpu.memory_space<vmem>>
        %dma_start3A_167 = tpu.memref_squeeze %dma_start3A_166 : memref<1x128x128xf32, #tpu.memory_space<vmem>> -> memref<128x128xf32, #tpu.memory_space<vmem>>
        %dma_start3A_168 = arith.constant 0 : i32
        %dma_start3A_169 = tpu.memref_slice %arg9[%add3A_161, %dma_start3A_168] : memref<32x128xi32, #tpu.memory_space<vmem>> -> memref<1x128xi32, #tpu.memory_space<vmem>>
        %dma_start3A_170 = tpu.memref_squeeze %dma_start3A_169 : memref<1x128xi32, #tpu.memory_space<vmem>> -> memref<128xi32, #tpu.memory_space<vmem>>
        %dma_start3A_171 = arith.constant 0 : i32
        %dma_start3A_172 = arith.constant 0 : i32
        %dma_start3A_173 = tpu.memref_slice %arg2[%dma_start3A_171, %dma_start3A_172] : memref<10240x128xf32, #tpu.memory_space<hbm>> -> memref<10240x128xf32, #tpu.memory_space<hbm>>
        tpu.enqueue_indirect_dma source(%dma_start3A_173 : memref<10240x128xf32, #tpu.memory_space<hbm>>) target(%dma_start3A_167 : memref<128x128xf32, #tpu.memory_space<vmem>>) offsets(%dma_start3A_170 : memref<128xi32, #tpu.memory_space<vmem>>) semaphore(%arg11 : memref<!tpu.dma_semaphore, #tpu.memory_space<semaphore_mem>>)
      } else {
      }
      "tpu.region"() ({
        %run_scoped3A = tpu.sem_alloc : memref<!tpu.dma_semaphore, #tpu.memory_space<semaphore_mem>>
        %dma_start3A_160 = arith.constant 0 : i32
        %dma_start3A_161 = arith.constant 0 : i32
        %dma_start3A_162 = tpu.memref_slice %arg8[%rem3A_146, %dma_start3A_160, %dma_start3A_161] : memref<2x128x128xf32, #tpu.memory_space<vmem>> -> memref<1x128x128xf32, #tpu.memory_space<vmem>>
        %dma_start3A_163 = tpu.memref_squeeze %dma_start3A_162 : memref<1x128x128xf32, #tpu.memory_space<vmem>> -> memref<128x128xf32, #tpu.memory_space<vmem>>
        %dma_start3A_164 = arith.constant 0 : i32
        %dma_start3A_165 = tpu.memref_slice %arg10[%while3A_143, %dma_start3A_164] : memref<32x128xi32, #tpu.memory_space<vmem>> -> memref<1x128xi32, #tpu.memory_space<vmem>>
        %dma_start3A_166 = tpu.memref_squeeze %dma_start3A_165 : memref<1x128xi32, #tpu.memory_space<vmem>> -> memref<128xi32, #tpu.memory_space<vmem>>
        %dma_start3A_167 = arith.constant 0 : i32
        %dma_start3A_168 = arith.constant 0 : i32
        %dma_start3A_169 = tpu.memref_slice %arg7[%dma_start3A_167, %dma_start3A_168] : memref<10240x128xf32, #tpu.memory_space<vmem_shared>> -> memref<10240x128xf32, #tpu.memory_space<vmem_shared>>
        tpu.enqueue_indirect_dma source(%dma_start3A_163 : memref<128x128xf32, #tpu.memory_space<vmem>>) target(%dma_start3A_169 : memref<10240x128xf32, #tpu.memory_space<vmem_shared>>) offsets(%dma_start3A_166 : memref<128xi32, #tpu.memory_space<vmem>>) semaphore(%run_scoped3A : memref<!tpu.dma_semaphore, #tpu.memory_space<semaphore_mem>>) {add = true}
        %dma_wait3A_170 = arith.constant 0 : i32
        %dma_wait3A_171 = arith.constant 0 : i32
        %dma_wait3A_172 = tpu.memref_slice %arg8[%rem3A_146, %dma_wait3A_170, %dma_wait3A_171] : memref<2x128x128xf32, #tpu.memory_space<vmem>> -> memref<1x128x128xf32, #tpu.memory_space<vmem>>
        %dma_wait3A_173 = tpu.memref_squeeze %dma_wait3A_172 : memref<1x128x128xf32, #tpu.memory_space<vmem>> -> memref<128x128xf32, #tpu.memory_space<vmem>>
        %dma_wait3A_174 = arith.constant 0 : i32
        %dma_wait3A_175 = tpu.memref_slice %arg10[%while3A_143, %dma_wait3A_174] : memref<32x128xi32, #tpu.memory_space<vmem>> -> memref<1x128xi32, #tpu.memory_space<vmem>>
        %dma_wait3A_176 = tpu.memref_squeeze %dma_wait3A_175 : memref<1x128xi32, #tpu.memory_space<vmem>> -> memref<128xi32, #tpu.memory_space<vmem>>
        %dma_wait3A_177 = arith.constant 0 : i32
        %dma_wait3A_178 = arith.constant 0 : i32
        %dma_wait3A_179 = tpu.memref_slice %arg7[%dma_wait3A_177, %dma_wait3A_178] : memref<10240x128xf32, #tpu.memory_space<vmem_shared>> -> memref<10240x128xf32, #tpu.memory_space<vmem_shared>>
        tpu.wait_indirect_dma semaphore(%run_scoped3A : memref<!tpu.dma_semaphore, #tpu.memory_space<semaphore_mem>>) src(%dma_wait3A_173 : memref<128x128xf32, #tpu.memory_space<vmem>>) dst(%dma_wait3A_179 : memref<10240x128xf32, #tpu.memory_space<vmem_shared>>)
        tpu.yield
      }) : () -> ()
      %while3A_159 = arith.constant 0 : i32
      scf.yield %while3A_159 : i32
    }
    %mul3A_82 = arith.constant 2 : i32
    %mul3A_83 = arith.muli %mul3A_82, %select_n3A_20 : i32
    %add3A_84 = arith.addi %select_n3A_28, %mul3A_83 : i32
    %multiple_of3A_85 = tpu.assume_multiple %add3A_84, 8 : i32
    "tpu.region"() ({
      %run_scoped3A = tpu.sem_alloc : memref<!tpu.dma_semaphore, #tpu.memory_space<semaphore_mem>>
      %dma_start3A_143 = arith.constant 0 : i32
      %dma_start3A_144 = tpu.memref_slice %arg3[%multiple_of3A_85, %dma_start3A_143] : memref<2624x128xi32, #tpu.memory_space<hbm>> -> memref<32x128xi32, #tpu.memory_space<hbm>>
      %dma_start3A_145 = arith.constant 0 : i32
      %dma_start3A_146 = tpu.memref_slice %arg3[%multiple_of3A_85, %dma_start3A_145] : memref<2624x128xi32, #tpu.memory_space<hbm>> -> memref<32x128xi32, #tpu.memory_space<hbm>>
      tpu.enqueue_dma source(%dma_start3A_146 : memref<32x128xi32, #tpu.memory_space<hbm>>) target(%arg9 : memref<32x128xi32, #tpu.memory_space<vmem>>) target_semaphore(%run_scoped3A : memref<!tpu.dma_semaphore, #tpu.memory_space<semaphore_mem>>)
      %dma_wait3A = arith.constant 0 : i32
      %dma_wait3A_147 = tpu.memref_slice %arg3[%multiple_of3A_85, %dma_wait3A] : memref<2624x128xi32, #tpu.memory_space<hbm>> -> memref<32x128xi32, #tpu.memory_space<hbm>>
      %dma_wait3A_148 = arith.constant 0 : i32
      %dma_wait3A_149 = tpu.memref_slice %arg3[%multiple_of3A_85, %dma_wait3A_148] : memref<2624x128xi32, #tpu.memory_space<hbm>> -> memref<32x128xi32, #tpu.memory_space<hbm>>
      tpu.wait_dma2 semaphore(%run_scoped3A : memref<!tpu.dma_semaphore, #tpu.memory_space<semaphore_mem>>) src(%dma_wait3A_149 : memref<32x128xi32, #tpu.memory_space<hbm>>) dst(%arg9 : memref<32x128xi32, #tpu.memory_space<vmem>>)
      tpu.yield
    }) : () -> ()
    "tpu.region"() ({
      %run_scoped3A = tpu.sem_alloc : memref<!tpu.dma_semaphore, #tpu.memory_space<semaphore_mem>>
      %dma_start3A_143 = arith.constant 0 : i32
      %dma_start3A_144 = tpu.memref_slice %arg4[%multiple_of3A_85, %dma_start3A_143] : memref<2624x128xi32, #tpu.memory_space<hbm>> -> memref<32x128xi32, #tpu.memory_space<hbm>>
      %dma_start3A_145 = arith.constant 0 : i32
      %dma_start3A_146 = tpu.memref_slice %arg4[%multiple_of3A_85, %dma_start3A_145] : memref<2624x128xi32, #tpu.memory_space<hbm>> -> memref<32x128xi32, #tpu.memory_space<hbm>>
      tpu.enqueue_dma source(%dma_start3A_146 : memref<32x128xi32, #tpu.memory_space<hbm>>) target(%arg10 : memref<32x128xi32, #tpu.memory_space<vmem>>) target_semaphore(%run_scoped3A : memref<!tpu.dma_semaphore, #tpu.memory_space<semaphore_mem>>)
      %dma_wait3A = arith.constant 0 : i32
      %dma_wait3A_147 = tpu.memref_slice %arg4[%multiple_of3A_85, %dma_wait3A] : memref<2624x128xi32, #tpu.memory_space<hbm>> -> memref<32x128xi32, #tpu.memory_space<hbm>>
      %dma_wait3A_148 = arith.constant 0 : i32
      %dma_wait3A_149 = tpu.memref_slice %arg4[%multiple_of3A_85, %dma_wait3A_148] : memref<2624x128xi32, #tpu.memory_space<hbm>> -> memref<32x128xi32, #tpu.memory_space<hbm>>
      tpu.wait_dma2 semaphore(%run_scoped3A : memref<!tpu.dma_semaphore, #tpu.memory_space<semaphore_mem>>) src(%dma_wait3A_149 : memref<32x128xi32, #tpu.memory_space<hbm>>) dst(%arg10 : memref<32x128xi32, #tpu.memory_space<vmem>>)
      tpu.yield
    }) : () -> ()
    %dma_start3A_86 = arith.constant 0 : i32
    %dma_start3A_87 = arith.constant 0 : i32
    %dma_start3A_88 = arith.constant 0 : i32
    %dma_start3A_89 = arith.constant 0 : i32
    %dma_start3A_90 = tpu.memref_slice %arg8[%dma_start3A_87, %dma_start3A_88, %dma_start3A_89] : memref<2x128x128xf32, #tpu.memory_space<vmem>> -> memref<1x128x128xf32, #tpu.memory_space<vmem>>
    %dma_start3A_91 = tpu.memref_squeeze %dma_start3A_90 : memref<1x128x128xf32, #tpu.memory_space<vmem>> -> memref<128x128xf32, #tpu.memory_space<vmem>>
    %dma_start3A_92 = arith.constant 0 : i32
    %dma_start3A_93 = tpu.memref_slice %arg9[%dma_start3A_86, %dma_start3A_92] : memref<32x128xi32, #tpu.memory_space<vmem>> -> memref<1x128xi32, #tpu.memory_space<vmem>>
    %dma_start3A_94 = tpu.memref_squeeze %dma_start3A_93 : memref<1x128xi32, #tpu.memory_space<vmem>> -> memref<128xi32, #tpu.memory_space<vmem>>
    %dma_start3A_95 = arith.constant 0 : i32
    %dma_start3A_96 = arith.constant 0 : i32
    %dma_start3A_97 = tpu.memref_slice %arg2[%dma_start3A_95, %dma_start3A_96] : memref<10240x128xf32, #tpu.memory_space<hbm>> -> memref<10240x128xf32, #tpu.memory_space<hbm>>
    tpu.enqueue_indirect_dma source(%dma_start3A_97 : memref<10240x128xf32, #tpu.memory_space<hbm>>) target(%dma_start3A_91 : memref<128x128xf32, #tpu.memory_space<vmem>>) offsets(%dma_start3A_94 : memref<128xi32, #tpu.memory_space<vmem>>) semaphore(%arg11 : memref<!tpu.dma_semaphore, #tpu.memory_space<semaphore_mem>>)
    %while3A_98 = arith.constant 0 : i32
    %while3A_99 = arith.constant 0 : i32
    %while3A_100 = arith.subi %select_n3A_20, %while3A_98 : i32
    %while3A_101 = arith.addi %while3A_98, %while3A_100 : i32
    %while3A_102 = arith.constant 1 : i32
    %while3A_103 = arith.divsi %while3A_100, %while3A_102 : i32
    %while3A_104 = arith.muli %while3A_103, %while3A_102 : i32
    %while3A_105 = arith.addi %while3A_98, %while3A_104 : i32
    %while3A_106 = arith.constant 1 : i32
    %while3A_107 = scf.for %while3A_143 = %while3A_98 to %while3A_105 step %while3A_106 iter_args(%while3A_144 = %while3A_99) -> (i32)  : i32 {
      %rem3A_145 = arith.constant 2 : i32
      %rem3A_146 = arith.remsi %while3A_143, %rem3A_145 : i32
      %dma_wait3A = arith.constant 0 : i32
      %dma_wait3A_147 = arith.constant 0 : i32
      %dma_wait3A_148 = tpu.memref_slice %arg8[%rem3A_146, %dma_wait3A, %dma_wait3A_147] : memref<2x128x128xf32, #tpu.memory_space<vmem>> -> memref<1x128x128xf32, #tpu.memory_space<vmem>>
      %dma_wait3A_149 = tpu.memref_squeeze %dma_wait3A_148 : memref<1x128x128xf32, #tpu.memory_space<vmem>> -> memref<128x128xf32, #tpu.memory_space<vmem>>
      %dma_wait3A_150 = arith.constant 0 : i32
      %dma_wait3A_151 = tpu.memref_slice %arg9[%while3A_143, %dma_wait3A_150] : memref<32x128xi32, #tpu.memory_space<vmem>> -> memref<1x128xi32, #tpu.memory_space<vmem>>
      %dma_wait3A_152 = tpu.memref_squeeze %dma_wait3A_151 : memref<1x128xi32, #tpu.memory_space<vmem>> -> memref<128xi32, #tpu.memory_space<vmem>>
      %dma_wait3A_153 = arith.constant 0 : i32
      %dma_wait3A_154 = arith.constant 0 : i32
      %dma_wait3A_155 = tpu.memref_slice %arg2[%dma_wait3A_153, %dma_wait3A_154] : memref<10240x128xf32, #tpu.memory_space<hbm>> -> memref<10240x128xf32, #tpu.memory_space<hbm>>
      tpu.wait_indirect_dma semaphore(%arg11 : memref<!tpu.dma_semaphore, #tpu.memory_space<semaphore_mem>>) src(%dma_wait3A_155 : memref<10240x128xf32, #tpu.memory_space<hbm>>) dst(%dma_wait3A_149 : memref<128x128xf32, #tpu.memory_space<vmem>>)
      %add3A_156 = arith.constant 1 : i32
      %add3A_157 = arith.addi %while3A_143, %add3A_156 : i32
      %lt3A = arith.cmpi slt, %add3A_157, %select_n3A_20 : i32
      %convert_element_type3A = arith.extui %lt3A : i1 to i32
      %cond3A = arith.constant 0 : i32
      %cond3A_158 = arith.cmpi ne, %convert_element_type3A, %cond3A : i32
      scf.if %cond3A_158 {
        %add3A_160 = arith.constant 1 : i32
        %add3A_161 = arith.addi %while3A_143, %add3A_160 : i32
        %sub3A_162 = arith.constant 1 : i32
        %sub3A_163 = arith.subi %sub3A_162, %rem3A_146 : i32
        %dma_start3A_164 = arith.constant 0 : i32
        %dma_start3A_165 = arith.constant 0 : i32
        %dma_start3A_166 = tpu.memref_slice %arg8[%sub3A_163, %dma_start3A_164, %dma_start3A_165] : memref<2x128x128xf32, #tpu.memory_space<vmem>> -> memref<1x128x128xf32, #tpu.memory_space<vmem>>
        %dma_start3A_167 = tpu.memref_squeeze %dma_start3A_166 : memref<1x128x128xf32, #tpu.memory_space<vmem>> -> memref<128x128xf32, #tpu.memory_space<vmem>>
        %dma_start3A_168 = arith.constant 0 : i32
        %dma_start3A_169 = tpu.memref_slice %arg9[%add3A_161, %dma_start3A_168] : memref<32x128xi32, #tpu.memory_space<vmem>> -> memref<1x128xi32, #tpu.memory_space<vmem>>
        %dma_start3A_170 = tpu.memref_squeeze %dma_start3A_169 : memref<1x128xi32, #tpu.memory_space<vmem>> -> memref<128xi32, #tpu.memory_space<vmem>>
        %dma_start3A_171 = arith.constant 0 : i32
        %dma_start3A_172 = arith.constant 0 : i32
        %dma_start3A_173 = tpu.memref_slice %arg2[%dma_start3A_171, %dma_start3A_172] : memref<10240x128xf32, #tpu.memory_space<hbm>> -> memref<10240x128xf32, #tpu.memory_space<hbm>>
        tpu.enqueue_indirect_dma source(%dma_start3A_173 : memref<10240x128xf32, #tpu.memory_space<hbm>>) target(%dma_start3A_167 : memref<128x128xf32, #tpu.memory_space<vmem>>) offsets(%dma_start3A_170 : memref<128xi32, #tpu.memory_space<vmem>>) semaphore(%arg11 : memref<!tpu.dma_semaphore, #tpu.memory_space<semaphore_mem>>)
      } else {
      }
      "tpu.region"() ({
        %run_scoped3A = tpu.sem_alloc : memref<!tpu.dma_semaphore, #tpu.memory_space<semaphore_mem>>
        %dma_start3A_160 = arith.constant 0 : i32
        %dma_start3A_161 = arith.constant 0 : i32
        %dma_start3A_162 = tpu.memref_slice %arg8[%rem3A_146, %dma_start3A_160, %dma_start3A_161] : memref<2x128x128xf32, #tpu.memory_space<vmem>> -> memref<1x128x128xf32, #tpu.memory_space<vmem>>
        %dma_start3A_163 = tpu.memref_squeeze %dma_start3A_162 : memref<1x128x128xf32, #tpu.memory_space<vmem>> -> memref<128x128xf32, #tpu.memory_space<vmem>>
        %dma_start3A_164 = arith.constant 0 : i32
        %dma_start3A_165 = tpu.memref_slice %arg10[%while3A_143, %dma_start3A_164] : memref<32x128xi32, #tpu.memory_space<vmem>> -> memref<1x128xi32, #tpu.memory_space<vmem>>
        %dma_start3A_166 = tpu.memref_squeeze %dma_start3A_165 : memref<1x128xi32, #tpu.memory_space<vmem>> -> memref<128xi32, #tpu.memory_space<vmem>>
        %dma_start3A_167 = arith.constant 0 : i32
        %dma_start3A_168 = arith.constant 0 : i32
        %dma_start3A_169 = tpu.memref_slice %arg7[%dma_start3A_167, %dma_start3A_168] : memref<10240x128xf32, #tpu.memory_space<vmem_shared>> -> memref<10240x128xf32, #tpu.memory_space<vmem_shared>>
        tpu.enqueue_indirect_dma source(%dma_start3A_163 : memref<128x128xf32, #tpu.memory_space<vmem>>) target(%dma_start3A_169 : memref<10240x128xf32, #tpu.memory_space<vmem_shared>>) offsets(%dma_start3A_166 : memref<128xi32, #tpu.memory_space<vmem>>) semaphore(%run_scoped3A : memref<!tpu.dma_semaphore, #tpu.memory_space<semaphore_mem>>) {add = true}
        %dma_wait3A_170 = arith.constant 0 : i32
        %dma_wait3A_171 = arith.constant 0 : i32
        %dma_wait3A_172 = tpu.memref_slice %arg8[%rem3A_146, %dma_wait3A_170, %dma_wait3A_171] : memref<2x128x128xf32, #tpu.memory_space<vmem>> -> memref<1x128x128xf32, #tpu.memory_space<vmem>>
        %dma_wait3A_173 = tpu.memref_squeeze %dma_wait3A_172 : memref<1x128x128xf32, #tpu.memory_space<vmem>> -> memref<128x128xf32, #tpu.memory_space<vmem>>
        %dma_wait3A_174 = arith.constant 0 : i32
        %dma_wait3A_175 = tpu.memref_slice %arg10[%while3A_143, %dma_wait3A_174] : memref<32x128xi32, #tpu.memory_space<vmem>> -> memref<1x128xi32, #tpu.memory_space<vmem>>
        %dma_wait3A_176 = tpu.memref_squeeze %dma_wait3A_175 : memref<1x128xi32, #tpu.memory_space<vmem>> -> memref<128xi32, #tpu.memory_space<vmem>>
        %dma_wait3A_177 = arith.constant 0 : i32
        %dma_wait3A_178 = arith.constant 0 : i32
        %dma_wait3A_179 = tpu.memref_slice %arg7[%dma_wait3A_177, %dma_wait3A_178] : memref<10240x128xf32, #tpu.memory_space<vmem_shared>> -> memref<10240x128xf32, #tpu.memory_space<vmem_shared>>
        tpu.wait_indirect_dma semaphore(%run_scoped3A : memref<!tpu.dma_semaphore, #tpu.memory_space<semaphore_mem>>) src(%dma_wait3A_173 : memref<128x128xf32, #tpu.memory_space<vmem>>) dst(%dma_wait3A_179 : memref<10240x128xf32, #tpu.memory_space<vmem_shared>>)
        tpu.yield
      }) : () -> ()
      %while3A_159 = arith.constant 0 : i32
      scf.yield %while3A_159 : i32
    }
    %while3A_108 = arith.constant 1 : i32
    %while3A_109 = scf.for %while3A_143 = %while3A_105 to %while3A_101 step %while3A_108 iter_args(%while3A_144 = %while3A_107) -> (i32)  : i32 {
      %rem3A_145 = arith.constant 2 : i32
      %rem3A_146 = arith.remsi %while3A_143, %rem3A_145 : i32
      %dma_wait3A = arith.constant 0 : i32
      %dma_wait3A_147 = arith.constant 0 : i32
      %dma_wait3A_148 = tpu.memref_slice %arg8[%rem3A_146, %dma_wait3A, %dma_wait3A_147] : memref<2x128x128xf32, #tpu.memory_space<vmem>> -> memref<1x128x128xf32, #tpu.memory_space<vmem>>
      %dma_wait3A_149 = tpu.memref_squeeze %dma_wait3A_148 : memref<1x128x128xf32, #tpu.memory_space<vmem>> -> memref<128x128xf32, #tpu.memory_space<vmem>>
      %dma_wait3A_150 = arith.constant 0 : i32
      %dma_wait3A_151 = tpu.memref_slice %arg9[%while3A_143, %dma_wait3A_150] : memref<32x128xi32, #tpu.memory_space<vmem>> -> memref<1x128xi32, #tpu.memory_space<vmem>>
      %dma_wait3A_152 = tpu.memref_squeeze %dma_wait3A_151 : memref<1x128xi32, #tpu.memory_space<vmem>> -> memref<128xi32, #tpu.memory_space<vmem>>
      %dma_wait3A_153 = arith.constant 0 : i32
      %dma_wait3A_154 = arith.constant 0 : i32
      %dma_wait3A_155 = tpu.memref_slice %arg2[%dma_wait3A_153, %dma_wait3A_154] : memref<10240x128xf32, #tpu.memory_space<hbm>> -> memref<10240x128xf32, #tpu.memory_space<hbm>>
      tpu.wait_indirect_dma semaphore(%arg11 : memref<!tpu.dma_semaphore, #tpu.memory_space<semaphore_mem>>) src(%dma_wait3A_155 : memref<10240x128xf32, #tpu.memory_space<hbm>>) dst(%dma_wait3A_149 : memref<128x128xf32, #tpu.memory_space<vmem>>)
      %add3A_156 = arith.constant 1 : i32
      %add3A_157 = arith.addi %while3A_143, %add3A_156 : i32
      %lt3A = arith.cmpi slt, %add3A_157, %select_n3A_20 : i32
      %convert_element_type3A = arith.extui %lt3A : i1 to i32
      %cond3A = arith.constant 0 : i32
      %cond3A_158 = arith.cmpi ne, %convert_element_type3A, %cond3A : i32
      scf.if %cond3A_158 {
        %add3A_160 = arith.constant 1 : i32
        %add3A_161 = arith.addi %while3A_143, %add3A_160 : i32
        %sub3A_162 = arith.constant 1 : i32
        %sub3A_163 = arith.subi %sub3A_162, %rem3A_146 : i32
        %dma_start3A_164 = arith.constant 0 : i32
        %dma_start3A_165 = arith.constant 0 : i32
        %dma_start3A_166 = tpu.memref_slice %arg8[%sub3A_163, %dma_start3A_164, %dma_start3A_165] : memref<2x128x128xf32, #tpu.memory_space<vmem>> -> memref<1x128x128xf32, #tpu.memory_space<vmem>>
        %dma_start3A_167 = tpu.memref_squeeze %dma_start3A_166 : memref<1x128x128xf32, #tpu.memory_space<vmem>> -> memref<128x128xf32, #tpu.memory_space<vmem>>
        %dma_start3A_168 = arith.constant 0 : i32
        %dma_start3A_169 = tpu.memref_slice %arg9[%add3A_161, %dma_start3A_168] : memref<32x128xi32, #tpu.memory_space<vmem>> -> memref<1x128xi32, #tpu.memory_space<vmem>>
        %dma_start3A_170 = tpu.memref_squeeze %dma_start3A_169 : memref<1x128xi32, #tpu.memory_space<vmem>> -> memref<128xi32, #tpu.memory_space<vmem>>
        %dma_start3A_171 = arith.constant 0 : i32
        %dma_start3A_172 = arith.constant 0 : i32
        %dma_start3A_173 = tpu.memref_slice %arg2[%dma_start3A_171, %dma_start3A_172] : memref<10240x128xf32, #tpu.memory_space<hbm>> -> memref<10240x128xf32, #tpu.memory_space<hbm>>
        tpu.enqueue_indirect_dma source(%dma_start3A_173 : memref<10240x128xf32, #tpu.memory_space<hbm>>) target(%dma_start3A_167 : memref<128x128xf32, #tpu.memory_space<vmem>>) offsets(%dma_start3A_170 : memref<128xi32, #tpu.memory_space<vmem>>) semaphore(%arg11 : memref<!tpu.dma_semaphore, #tpu.memory_space<semaphore_mem>>)
      } else {
      }
      "tpu.region"() ({
        %run_scoped3A = tpu.sem_alloc : memref<!tpu.dma_semaphore, #tpu.memory_space<semaphore_mem>>
        %dma_start3A_160 = arith.constant 0 : i32
        %dma_start3A_161 = arith.constant 0 : i32
        %dma_start3A_162 = tpu.memref_slice %arg8[%rem3A_146, %dma_start3A_160, %dma_start3A_161] : memref<2x128x128xf32, #tpu.memory_space<vmem>> -> memref<1x128x128xf32, #tpu.memory_space<vmem>>
        %dma_start3A_163 = tpu.memref_squeeze %dma_start3A_162 : memref<1x128x128xf32, #tpu.memory_space<vmem>> -> memref<128x128xf32, #tpu.memory_space<vmem>>
        %dma_start3A_164 = arith.constant 0 : i32
        %dma_start3A_165 = tpu.memref_slice %arg10[%while3A_143, %dma_start3A_164] : memref<32x128xi32, #tpu.memory_space<vmem>> -> memref<1x128xi32, #tpu.memory_space<vmem>>
        %dma_start3A_166 = tpu.memref_squeeze %dma_start3A_165 : memref<1x128xi32, #tpu.memory_space<vmem>> -> memref<128xi32, #tpu.memory_space<vmem>>
        %dma_start3A_167 = arith.constant 0 : i32
        %dma_start3A_168 = arith.constant 0 : i32
        %dma_start3A_169 = tpu.memref_slice %arg7[%dma_start3A_167, %dma_start3A_168] : memref<10240x128xf32, #tpu.memory_space<vmem_shared>> -> memref<10240x128xf32, #tpu.memory_space<vmem_shared>>
        tpu.enqueue_indirect_dma source(%dma_start3A_163 : memref<128x128xf32, #tpu.memory_space<vmem>>) target(%dma_start3A_169 : memref<10240x128xf32, #tpu.memory_space<vmem_shared>>) offsets(%dma_start3A_166 : memref<128xi32, #tpu.memory_space<vmem>>) semaphore(%run_scoped3A : memref<!tpu.dma_semaphore, #tpu.memory_space<semaphore_mem>>) {add = true}
        %dma_wait3A_170 = arith.constant 0 : i32
        %dma_wait3A_171 = arith.constant 0 : i32
        %dma_wait3A_172 = tpu.memref_slice %arg8[%rem3A_146, %dma_wait3A_170, %dma_wait3A_171] : memref<2x128x128xf32, #tpu.memory_space<vmem>> -> memref<1x128x128xf32, #tpu.memory_space<vmem>>
        %dma_wait3A_173 = tpu.memref_squeeze %dma_wait3A_172 : memref<1x128x128xf32, #tpu.memory_space<vmem>> -> memref<128x128xf32, #tpu.memory_space<vmem>>
        %dma_wait3A_174 = arith.constant 0 : i32
        %dma_wait3A_175 = tpu.memref_slice %arg10[%while3A_143, %dma_wait3A_174] : memref<32x128xi32, #tpu.memory_space<vmem>> -> memref<1x128xi32, #tpu.memory_space<vmem>>
        %dma_wait3A_176 = tpu.memref_squeeze %dma_wait3A_175 : memref<1x128xi32, #tpu.memory_space<vmem>> -> memref<128xi32, #tpu.memory_space<vmem>>
        %dma_wait3A_177 = arith.constant 0 : i32
        %dma_wait3A_178 = arith.constant 0 : i32
        %dma_wait3A_179 = tpu.memref_slice %arg7[%dma_wait3A_177, %dma_wait3A_178] : memref<10240x128xf32, #tpu.memory_space<vmem_shared>> -> memref<10240x128xf32, #tpu.memory_space<vmem_shared>>
        tpu.wait_indirect_dma semaphore(%run_scoped3A : memref<!tpu.dma_semaphore, #tpu.memory_space<semaphore_mem>>) src(%dma_wait3A_173 : memref<128x128xf32, #tpu.memory_space<vmem>>) dst(%dma_wait3A_179 : memref<10240x128xf32, #tpu.memory_space<vmem_shared>>)
        tpu.yield
      }) : () -> ()
      %while3A_159 = arith.constant 0 : i32
      scf.yield %while3A_159 : i32
    }
    %mul3A_110 = arith.constant 3 : i32
    %mul3A_111 = arith.muli %mul3A_110, %select_n3A_20 : i32
    %add3A_112 = arith.addi %select_n3A_28, %mul3A_111 : i32
    %multiple_of3A_113 = tpu.assume_multiple %add3A_112, 8 : i32
    "tpu.region"() ({
      %run_scoped3A = tpu.sem_alloc : memref<!tpu.dma_semaphore, #tpu.memory_space<semaphore_mem>>
      %dma_start3A_143 = arith.constant 0 : i32
      %dma_start3A_144 = tpu.memref_slice %arg3[%multiple_of3A_113, %dma_start3A_143] : memref<2624x128xi32, #tpu.memory_space<hbm>> -> memref<32x128xi32, #tpu.memory_space<hbm>>
      %dma_start3A_145 = arith.constant 0 : i32
      %dma_start3A_146 = tpu.memref_slice %arg3[%multiple_of3A_113, %dma_start3A_145] : memref<2624x128xi32, #tpu.memory_space<hbm>> -> memref<32x128xi32, #tpu.memory_space<hbm>>
      tpu.enqueue_dma source(%dma_start3A_146 : memref<32x128xi32, #tpu.memory_space<hbm>>) target(%arg9 : memref<32x128xi32, #tpu.memory_space<vmem>>) target_semaphore(%run_scoped3A : memref<!tpu.dma_semaphore, #tpu.memory_space<semaphore_mem>>)
      %dma_wait3A = arith.constant 0 : i32
      %dma_wait3A_147 = tpu.memref_slice %arg3[%multiple_of3A_113, %dma_wait3A] : memref<2624x128xi32, #tpu.memory_space<hbm>> -> memref<32x128xi32, #tpu.memory_space<hbm>>
      %dma_wait3A_148 = arith.constant 0 : i32
      %dma_wait3A_149 = tpu.memref_slice %arg3[%multiple_of3A_113, %dma_wait3A_148] : memref<2624x128xi32, #tpu.memory_space<hbm>> -> memref<32x128xi32, #tpu.memory_space<hbm>>
      tpu.wait_dma2 semaphore(%run_scoped3A : memref<!tpu.dma_semaphore, #tpu.memory_space<semaphore_mem>>) src(%dma_wait3A_149 : memref<32x128xi32, #tpu.memory_space<hbm>>) dst(%arg9 : memref<32x128xi32, #tpu.memory_space<vmem>>)
      tpu.yield
    }) : () -> ()
    "tpu.region"() ({
      %run_scoped3A = tpu.sem_alloc : memref<!tpu.dma_semaphore, #tpu.memory_space<semaphore_mem>>
      %dma_start3A_143 = arith.constant 0 : i32
      %dma_start3A_144 = tpu.memref_slice %arg4[%multiple_of3A_113, %dma_start3A_143] : memref<2624x128xi32, #tpu.memory_space<hbm>> -> memref<32x128xi32, #tpu.memory_space<hbm>>
      %dma_start3A_145 = arith.constant 0 : i32
      %dma_start3A_146 = tpu.memref_slice %arg4[%multiple_of3A_113, %dma_start3A_145] : memref<2624x128xi32, #tpu.memory_space<hbm>> -> memref<32x128xi32, #tpu.memory_space<hbm>>
      tpu.enqueue_dma source(%dma_start3A_146 : memref<32x128xi32, #tpu.memory_space<hbm>>) target(%arg10 : memref<32x128xi32, #tpu.memory_space<vmem>>) target_semaphore(%run_scoped3A : memref<!tpu.dma_semaphore, #tpu.memory_space<semaphore_mem>>)
      %dma_wait3A = arith.constant 0 : i32
      %dma_wait3A_147 = tpu.memref_slice %arg4[%multiple_of3A_113, %dma_wait3A] : memref<2624x128xi32, #tpu.memory_space<hbm>> -> memref<32x128xi32, #tpu.memory_space<hbm>>
      %dma_wait3A_148 = arith.constant 0 : i32
      %dma_wait3A_149 = tpu.memref_slice %arg4[%multiple_of3A_113, %dma_wait3A_148] : memref<2624x128xi32, #tpu.memory_space<hbm>> -> memref<32x128xi32, #tpu.memory_space<hbm>>
      tpu.wait_dma2 semaphore(%run_scoped3A : memref<!tpu.dma_semaphore, #tpu.memory_space<semaphore_mem>>) src(%dma_wait3A_149 : memref<32x128xi32, #tpu.memory_space<hbm>>) dst(%arg10 : memref<32x128xi32, #tpu.memory_space<vmem>>)
      tpu.yield
    }) : () -> ()
    %dma_start3A_114 = arith.constant 0 : i32
    %dma_start3A_115 = arith.constant 0 : i32
    %dma_start3A_116 = arith.constant 0 : i32
    %dma_start3A_117 = arith.constant 0 : i32
    %dma_start3A_118 = tpu.memref_slice %arg8[%dma_start3A_115, %dma_start3A_116, %dma_start3A_117] : memref<2x128x128xf32, #tpu.memory_space<vmem>> -> memref<1x128x128xf32, #tpu.memory_space<vmem>>
    %dma_start3A_119 = tpu.memref_squeeze %dma_start3A_118 : memref<1x128x128xf32, #tpu.memory_space<vmem>> -> memref<128x128xf32, #tpu.memory_space<vmem>>
    %dma_start3A_120 = arith.constant 0 : i32
    %dma_start3A_121 = tpu.memref_slice %arg9[%dma_start3A_114, %dma_start3A_120] : memref<32x128xi32, #tpu.memory_space<vmem>> -> memref<1x128xi32, #tpu.memory_space<vmem>>
    %dma_start3A_122 = tpu.memref_squeeze %dma_start3A_121 : memref<1x128xi32, #tpu.memory_space<vmem>> -> memref<128xi32, #tpu.memory_space<vmem>>
    %dma_start3A_123 = arith.constant 0 : i32
    %dma_start3A_124 = arith.constant 0 : i32
    %dma_start3A_125 = tpu.memref_slice %arg2[%dma_start3A_123, %dma_start3A_124] : memref<10240x128xf32, #tpu.memory_space<hbm>> -> memref<10240x128xf32, #tpu.memory_space<hbm>>
    tpu.enqueue_indirect_dma source(%dma_start3A_125 : memref<10240x128xf32, #tpu.memory_space<hbm>>) target(%dma_start3A_119 : memref<128x128xf32, #tpu.memory_space<vmem>>) offsets(%dma_start3A_122 : memref<128xi32, #tpu.memory_space<vmem>>) semaphore(%arg11 : memref<!tpu.dma_semaphore, #tpu.memory_space<semaphore_mem>>)
    %while3A_126 = arith.constant 0 : i32
    %while3A_127 = arith.constant 0 : i32
    %while3A_128 = arith.subi %select_n3A_20, %while3A_126 : i32
    %while3A_129 = arith.addi %while3A_126, %while3A_128 : i32
    %while3A_130 = arith.constant 1 : i32
    %while3A_131 = arith.divsi %while3A_128, %while3A_130 : i32
    %while3A_132 = arith.muli %while3A_131, %while3A_130 : i32
    %while3A_133 = arith.addi %while3A_126, %while3A_132 : i32
    %while3A_134 = arith.constant 1 : i32
    %while3A_135 = scf.for %while3A_143 = %while3A_126 to %while3A_133 step %while3A_134 iter_args(%while3A_144 = %while3A_127) -> (i32)  : i32 {
      %rem3A_145 = arith.constant 2 : i32
      %rem3A_146 = arith.remsi %while3A_143, %rem3A_145 : i32
      %dma_wait3A = arith.constant 0 : i32
      %dma_wait3A_147 = arith.constant 0 : i32
      %dma_wait3A_148 = tpu.memref_slice %arg8[%rem3A_146, %dma_wait3A, %dma_wait3A_147] : memref<2x128x128xf32, #tpu.memory_space<vmem>> -> memref<1x128x128xf32, #tpu.memory_space<vmem>>
      %dma_wait3A_149 = tpu.memref_squeeze %dma_wait3A_148 : memref<1x128x128xf32, #tpu.memory_space<vmem>> -> memref<128x128xf32, #tpu.memory_space<vmem>>
      %dma_wait3A_150 = arith.constant 0 : i32
      %dma_wait3A_151 = tpu.memref_slice %arg9[%while3A_143, %dma_wait3A_150] : memref<32x128xi32, #tpu.memory_space<vmem>> -> memref<1x128xi32, #tpu.memory_space<vmem>>
      %dma_wait3A_152 = tpu.memref_squeeze %dma_wait3A_151 : memref<1x128xi32, #tpu.memory_space<vmem>> -> memref<128xi32, #tpu.memory_space<vmem>>
      %dma_wait3A_153 = arith.constant 0 : i32
      %dma_wait3A_154 = arith.constant 0 : i32
      %dma_wait3A_155 = tpu.memref_slice %arg2[%dma_wait3A_153, %dma_wait3A_154] : memref<10240x128xf32, #tpu.memory_space<hbm>> -> memref<10240x128xf32, #tpu.memory_space<hbm>>
      tpu.wait_indirect_dma semaphore(%arg11 : memref<!tpu.dma_semaphore, #tpu.memory_space<semaphore_mem>>) src(%dma_wait3A_155 : memref<10240x128xf32, #tpu.memory_space<hbm>>) dst(%dma_wait3A_149 : memref<128x128xf32, #tpu.memory_space<vmem>>)
      %add3A_156 = arith.constant 1 : i32
      %add3A_157 = arith.addi %while3A_143, %add3A_156 : i32
      %lt3A = arith.cmpi slt, %add3A_157, %select_n3A_20 : i32
      %convert_element_type3A = arith.extui %lt3A : i1 to i32
      %cond3A = arith.constant 0 : i32
      %cond3A_158 = arith.cmpi ne, %convert_element_type3A, %cond3A : i32
      scf.if %cond3A_158 {
        %add3A_160 = arith.constant 1 : i32
        %add3A_161 = arith.addi %while3A_143, %add3A_160 : i32
        %sub3A_162 = arith.constant 1 : i32
        %sub3A_163 = arith.subi %sub3A_162, %rem3A_146 : i32
        %dma_start3A_164 = arith.constant 0 : i32
        %dma_start3A_165 = arith.constant 0 : i32
        %dma_start3A_166 = tpu.memref_slice %arg8[%sub3A_163, %dma_start3A_164, %dma_start3A_165] : memref<2x128x128xf32, #tpu.memory_space<vmem>> -> memref<1x128x128xf32, #tpu.memory_space<vmem>>
        %dma_start3A_167 = tpu.memref_squeeze %dma_start3A_166 : memref<1x128x128xf32, #tpu.memory_space<vmem>> -> memref<128x128xf32, #tpu.memory_space<vmem>>
        %dma_start3A_168 = arith.constant 0 : i32
        %dma_start3A_169 = tpu.memref_slice %arg9[%add3A_161, %dma_start3A_168] : memref<32x128xi32, #tpu.memory_space<vmem>> -> memref<1x128xi32, #tpu.memory_space<vmem>>
        %dma_start3A_170 = tpu.memref_squeeze %dma_start3A_169 : memref<1x128xi32, #tpu.memory_space<vmem>> -> memref<128xi32, #tpu.memory_space<vmem>>
        %dma_start3A_171 = arith.constant 0 : i32
        %dma_start3A_172 = arith.constant 0 : i32
        %dma_start3A_173 = tpu.memref_slice %arg2[%dma_start3A_171, %dma_start3A_172] : memref<10240x128xf32, #tpu.memory_space<hbm>> -> memref<10240x128xf32, #tpu.memory_space<hbm>>
        tpu.enqueue_indirect_dma source(%dma_start3A_173 : memref<10240x128xf32, #tpu.memory_space<hbm>>) target(%dma_start3A_167 : memref<128x128xf32, #tpu.memory_space<vmem>>) offsets(%dma_start3A_170 : memref<128xi32, #tpu.memory_space<vmem>>) semaphore(%arg11 : memref<!tpu.dma_semaphore, #tpu.memory_space<semaphore_mem>>)
      } else {
      }
      "tpu.region"() ({
        %run_scoped3A = tpu.sem_alloc : memref<!tpu.dma_semaphore, #tpu.memory_space<semaphore_mem>>
        %dma_start3A_160 = arith.constant 0 : i32
        %dma_start3A_161 = arith.constant 0 : i32
        %dma_start3A_162 = tpu.memref_slice %arg8[%rem3A_146, %dma_start3A_160, %dma_start3A_161] : memref<2x128x128xf32, #tpu.memory_space<vmem>> -> memref<1x128x128xf32, #tpu.memory_space<vmem>>
        %dma_start3A_163 = tpu.memref_squeeze %dma_start3A_162 : memref<1x128x128xf32, #tpu.memory_space<vmem>> -> memref<128x128xf32, #tpu.memory_space<vmem>>
        %dma_start3A_164 = arith.constant 0 : i32
        %dma_start3A_165 = tpu.memref_slice %arg10[%while3A_143, %dma_start3A_164] : memref<32x128xi32, #tpu.memory_space<vmem>> -> memref<1x128xi32, #tpu.memory_space<vmem>>
        %dma_start3A_166 = tpu.memref_squeeze %dma_start3A_165 : memref<1x128xi32, #tpu.memory_space<vmem>> -> memref<128xi32, #tpu.memory_space<vmem>>
        %dma_start3A_167 = arith.constant 0 : i32
        %dma_start3A_168 = arith.constant 0 : i32
        %dma_start3A_169 = tpu.memref_slice %arg7[%dma_start3A_167, %dma_start3A_168] : memref<10240x128xf32, #tpu.memory_space<vmem_shared>> -> memref<10240x128xf32, #tpu.memory_space<vmem_shared>>
        tpu.enqueue_indirect_dma source(%dma_start3A_163 : memref<128x128xf32, #tpu.memory_space<vmem>>) target(%dma_start3A_169 : memref<10240x128xf32, #tpu.memory_space<vmem_shared>>) offsets(%dma_start3A_166 : memref<128xi32, #tpu.memory_space<vmem>>) semaphore(%run_scoped3A : memref<!tpu.dma_semaphore, #tpu.memory_space<semaphore_mem>>) {add = true}
        %dma_wait3A_170 = arith.constant 0 : i32
        %dma_wait3A_171 = arith.constant 0 : i32
        %dma_wait3A_172 = tpu.memref_slice %arg8[%rem3A_146, %dma_wait3A_170, %dma_wait3A_171] : memref<2x128x128xf32, #tpu.memory_space<vmem>> -> memref<1x128x128xf32, #tpu.memory_space<vmem>>
        %dma_wait3A_173 = tpu.memref_squeeze %dma_wait3A_172 : memref<1x128x128xf32, #tpu.memory_space<vmem>> -> memref<128x128xf32, #tpu.memory_space<vmem>>
        %dma_wait3A_174 = arith.constant 0 : i32
        %dma_wait3A_175 = tpu.memref_slice %arg10[%while3A_143, %dma_wait3A_174] : memref<32x128xi32, #tpu.memory_space<vmem>> -> memref<1x128xi32, #tpu.memory_space<vmem>>
        %dma_wait3A_176 = tpu.memref_squeeze %dma_wait3A_175 : memref<1x128xi32, #tpu.memory_space<vmem>> -> memref<128xi32, #tpu.memory_space<vmem>>
        %dma_wait3A_177 = arith.constant 0 : i32
        %dma_wait3A_178 = arith.constant 0 : i32
        %dma_wait3A_179 = tpu.memref_slice %arg7[%dma_wait3A_177, %dma_wait3A_178] : memref<10240x128xf32, #tpu.memory_space<vmem_shared>> -> memref<10240x128xf32, #tpu.memory_space<vmem_shared>>
        tpu.wait_indirect_dma semaphore(%run_scoped3A : memref<!tpu.dma_semaphore, #tpu.memory_space<semaphore_mem>>) src(%dma_wait3A_173 : memref<128x128xf32, #tpu.memory_space<vmem>>) dst(%dma_wait3A_179 : memref<10240x128xf32, #tpu.memory_space<vmem_shared>>)
        tpu.yield
      }) : () -> ()
      %while3A_159 = arith.constant 0 : i32
      scf.yield %while3A_159 : i32
    }
    %while3A_136 = arith.constant 1 : i32
    %while3A_137 = scf.for %while3A_143 = %while3A_133 to %while3A_129 step %while3A_136 iter_args(%while3A_144 = %while3A_135) -> (i32)  : i32 {
      %rem3A_145 = arith.constant 2 : i32
      %rem3A_146 = arith.remsi %while3A_143, %rem3A_145 : i32
      %dma_wait3A = arith.constant 0 : i32
      %dma_wait3A_147 = arith.constant 0 : i32
      %dma_wait3A_148 = tpu.memref_slice %arg8[%rem3A_146, %dma_wait3A, %dma_wait3A_147] : memref<2x128x128xf32, #tpu.memory_space<vmem>> -> memref<1x128x128xf32, #tpu.memory_space<vmem>>
      %dma_wait3A_149 = tpu.memref_squeeze %dma_wait3A_148 : memref<1x128x128xf32, #tpu.memory_space<vmem>> -> memref<128x128xf32, #tpu.memory_space<vmem>>
      %dma_wait3A_150 = arith.constant 0 : i32
      %dma_wait3A_151 = tpu.memref_slice %arg9[%while3A_143, %dma_wait3A_150] : memref<32x128xi32, #tpu.memory_space<vmem>> -> memref<1x128xi32, #tpu.memory_space<vmem>>
      %dma_wait3A_152 = tpu.memref_squeeze %dma_wait3A_151 : memref<1x128xi32, #tpu.memory_space<vmem>> -> memref<128xi32, #tpu.memory_space<vmem>>
      %dma_wait3A_153 = arith.constant 0 : i32
      %dma_wait3A_154 = arith.constant 0 : i32
      %dma_wait3A_155 = tpu.memref_slice %arg2[%dma_wait3A_153, %dma_wait3A_154] : memref<10240x128xf32, #tpu.memory_space<hbm>> -> memref<10240x128xf32, #tpu.memory_space<hbm>>
      tpu.wait_indirect_dma semaphore(%arg11 : memref<!tpu.dma_semaphore, #tpu.memory_space<semaphore_mem>>) src(%dma_wait3A_155 : memref<10240x128xf32, #tpu.memory_space<hbm>>) dst(%dma_wait3A_149 : memref<128x128xf32, #tpu.memory_space<vmem>>)
      %add3A_156 = arith.constant 1 : i32
      %add3A_157 = arith.addi %while3A_143, %add3A_156 : i32
      %lt3A = arith.cmpi slt, %add3A_157, %select_n3A_20 : i32
      %convert_element_type3A = arith.extui %lt3A : i1 to i32
      %cond3A = arith.constant 0 : i32
      %cond3A_158 = arith.cmpi ne, %convert_element_type3A, %cond3A : i32
      scf.if %cond3A_158 {
        %add3A_160 = arith.constant 1 : i32
        %add3A_161 = arith.addi %while3A_143, %add3A_160 : i32
        %sub3A_162 = arith.constant 1 : i32
        %sub3A_163 = arith.subi %sub3A_162, %rem3A_146 : i32
        %dma_start3A_164 = arith.constant 0 : i32
        %dma_start3A_165 = arith.constant 0 : i32
        %dma_start3A_166 = tpu.memref_slice %arg8[%sub3A_163, %dma_start3A_164, %dma_start3A_165] : memref<2x128x128xf32, #tpu.memory_space<vmem>> -> memref<1x128x128xf32, #tpu.memory_space<vmem>>
        %dma_start3A_167 = tpu.memref_squeeze %dma_start3A_166 : memref<1x128x128xf32, #tpu.memory_space<vmem>> -> memref<128x128xf32, #tpu.memory_space<vmem>>
        %dma_start3A_168 = arith.constant 0 : i32
        %dma_start3A_169 = tpu.memref_slice %arg9[%add3A_161, %dma_start3A_168] : memref<32x128xi32, #tpu.memory_space<vmem>> -> memref<1x128xi32, #tpu.memory_space<vmem>>
        %dma_start3A_170 = tpu.memref_squeeze %dma_start3A_169 : memref<1x128xi32, #tpu.memory_space<vmem>> -> memref<128xi32, #tpu.memory_space<vmem>>
        %dma_start3A_171 = arith.constant 0 : i32
        %dma_start3A_172 = arith.constant 0 : i32
        %dma_start3A_173 = tpu.memref_slice %arg2[%dma_start3A_171, %dma_start3A_172] : memref<10240x128xf32, #tpu.memory_space<hbm>> -> memref<10240x128xf32, #tpu.memory_space<hbm>>
        tpu.enqueue_indirect_dma source(%dma_start3A_173 : memref<10240x128xf32, #tpu.memory_space<hbm>>) target(%dma_start3A_167 : memref<128x128xf32, #tpu.memory_space<vmem>>) offsets(%dma_start3A_170 : memref<128xi32, #tpu.memory_space<vmem>>) semaphore(%arg11 : memref<!tpu.dma_semaphore, #tpu.memory_space<semaphore_mem>>)
      } else {
      }
      "tpu.region"() ({
        %run_scoped3A = tpu.sem_alloc : memref<!tpu.dma_semaphore, #tpu.memory_space<semaphore_mem>>
        %dma_start3A_160 = arith.constant 0 : i32
        %dma_start3A_161 = arith.constant 0 : i32
        %dma_start3A_162 = tpu.memref_slice %arg8[%rem3A_146, %dma_start3A_160, %dma_start3A_161] : memref<2x128x128xf32, #tpu.memory_space<vmem>> -> memref<1x128x128xf32, #tpu.memory_space<vmem>>
        %dma_start3A_163 = tpu.memref_squeeze %dma_start3A_162 : memref<1x128x128xf32, #tpu.memory_space<vmem>> -> memref<128x128xf32, #tpu.memory_space<vmem>>
        %dma_start3A_164 = arith.constant 0 : i32
        %dma_start3A_165 = tpu.memref_slice %arg10[%while3A_143, %dma_start3A_164] : memref<32x128xi32, #tpu.memory_space<vmem>> -> memref<1x128xi32, #tpu.memory_space<vmem>>
        %dma_start3A_166 = tpu.memref_squeeze %dma_start3A_165 : memref<1x128xi32, #tpu.memory_space<vmem>> -> memref<128xi32, #tpu.memory_space<vmem>>
        %dma_start3A_167 = arith.constant 0 : i32
        %dma_start3A_168 = arith.constant 0 : i32
        %dma_start3A_169 = tpu.memref_slice %arg7[%dma_start3A_167, %dma_start3A_168] : memref<10240x128xf32, #tpu.memory_space<vmem_shared>> -> memref<10240x128xf32, #tpu.memory_space<vmem_shared>>
        tpu.enqueue_indirect_dma source(%dma_start3A_163 : memref<128x128xf32, #tpu.memory_space<vmem>>) target(%dma_start3A_169 : memref<10240x128xf32, #tpu.memory_space<vmem_shared>>) offsets(%dma_start3A_166 : memref<128xi32, #tpu.memory_space<vmem>>) semaphore(%run_scoped3A : memref<!tpu.dma_semaphore, #tpu.memory_space<semaphore_mem>>) {add = true}
        %dma_wait3A_170 = arith.constant 0 : i32
        %dma_wait3A_171 = arith.constant 0 : i32
        %dma_wait3A_172 = tpu.memref_slice %arg8[%rem3A_146, %dma_wait3A_170, %dma_wait3A_171] : memref<2x128x128xf32, #tpu.memory_space<vmem>> -> memref<1x128x128xf32, #tpu.memory_space<vmem>>
        %dma_wait3A_173 = tpu.memref_squeeze %dma_wait3A_172 : memref<1x128x128xf32, #tpu.memory_space<vmem>> -> memref<128x128xf32, #tpu.memory_space<vmem>>
        %dma_wait3A_174 = arith.constant 0 : i32
        %dma_wait3A_175 = tpu.memref_slice %arg10[%while3A_143, %dma_wait3A_174] : memref<32x128xi32, #tpu.memory_space<vmem>> -> memref<1x128xi32, #tpu.memory_space<vmem>>
        %dma_wait3A_176 = tpu.memref_squeeze %dma_wait3A_175 : memref<1x128xi32, #tpu.memory_space<vmem>> -> memref<128xi32, #tpu.memory_space<vmem>>
        %dma_wait3A_177 = arith.constant 0 : i32
        %dma_wait3A_178 = arith.constant 0 : i32
        %dma_wait3A_179 = tpu.memref_slice %arg7[%dma_wait3A_177, %dma_wait3A_178] : memref<10240x128xf32, #tpu.memory_space<vmem_shared>> -> memref<10240x128xf32, #tpu.memory_space<vmem_shared>>
        tpu.wait_indirect_dma semaphore(%run_scoped3A : memref<!tpu.dma_semaphore, #tpu.memory_space<semaphore_mem>>) src(%dma_wait3A_173 : memref<128x128xf32, #tpu.memory_space<vmem>>) dst(%dma_wait3A_179 : memref<10240x128xf32, #tpu.memory_space<vmem_shared>>)
        tpu.yield
      }) : () -> ()
      %while3A_159 = arith.constant 0 : i32
      scf.yield %while3A_159 : i32
    }
    %barrier3A_138 = arith.constant 0 : index
    tpu.barrier barrier_id(%barrier3A_138)
    %mul3A_139 = arith.constant 640 : i32
    %mul3A_140 = arith.muli %arg1, %mul3A_139 : i32
    %mul3A_141 = arith.constant 640 : i32
    %mul3A_142 = arith.muli %arg1, %mul3A_141 : i32
    "tpu.region"() ({
      %run_scoped3A = tpu.sem_alloc : memref<!tpu.dma_semaphore, #tpu.memory_space<semaphore_mem>>
      %dma_start3A_143 = arith.constant 0 : i32
      %dma_start3A_144 = tpu.memref_slice %arg6[%arg0, %mul3A_142, %dma_start3A_143] : memref<2x10240x128xf32, #tpu.memory_space<hbm>> -> memref<1x640x128xf32, #tpu.memory_space<hbm>>
      %dma_start3A_145 = tpu.memref_squeeze %dma_start3A_144 : memref<1x640x128xf32, #tpu.memory_space<hbm>> -> memref<640x128xf32, #tpu.memory_space<hbm>>
      %dma_start3A_146 = arith.constant 0 : i32
      %dma_start3A_147 = tpu.memref_slice %arg7[%mul3A_140, %dma_start3A_146] : memref<10240x128xf32, #tpu.memory_space<vmem_shared>> -> memref<640x128xf32, #tpu.memory_space<vmem_shared>>
      tpu.enqueue_dma source(%dma_start3A_147 : memref<640x128xf32, #tpu.memory_space<vmem_shared>>) target(%dma_start3A_145 : memref<640x128xf32, #tpu.memory_space<hbm>>) target_semaphore(%run_scoped3A : memref<!tpu.dma_semaphore, #tpu.memory_space<semaphore_mem>>)
      %dma_wait3A = arith.constant 0 : i32
      %dma_wait3A_148 = tpu.memref_slice %arg6[%arg0, %mul3A_142, %dma_wait3A] : memref<2x10240x128xf32, #tpu.memory_space<hbm>> -> memref<1x640x128xf32, #tpu.memory_space<hbm>>
      %dma_wait3A_149 = tpu.memref_squeeze %dma_wait3A_148 : memref<1x640x128xf32, #tpu.memory_space<hbm>> -> memref<640x128xf32, #tpu.memory_space<hbm>>
      %dma_wait3A_150 = arith.constant 0 : i32
      %dma_wait3A_151 = tpu.memref_slice %arg7[%mul3A_140, %dma_wait3A_150] : memref<10240x128xf32, #tpu.memory_space<vmem_shared>> -> memref<640x128xf32, #tpu.memory_space<vmem_shared>>
      tpu.wait_dma2 semaphore(%run_scoped3A : memref<!tpu.dma_semaphore, #tpu.memory_space<semaphore_mem>>) src(%dma_wait3A_151 : memref<640x128xf32, #tpu.memory_space<vmem_shared>>) dst(%dma_wait3A_149 : memref<640x128xf32, #tpu.memory_space<hbm>>)
      tpu.yield
    }) : () -> ()
    return
  }
}

#map = affine_map<(d0, d1) -> (0, 0)>
#map1 = affine_map<(d0, d1) -> (0, 0, 0)>
module attributes {stable_mosaic.version = 14 : i64} {
  func.func @_scat_body(%arg0: i32, %arg1: i32, %arg2: memref<10240x128xf32, #tpu.memory_space<hbm>>, %arg3: memref<2624x128xi32, #tpu.memory_space<hbm>>, %arg4: memref<2624x128xi32, #tpu.memory_space<hbm>>, %arg5: memref<10240x128xf32, #tpu.memory_space<hbm>>, %arg6: memref<2x10240x128xf32, #tpu.memory_space<hbm>>, %arg7: memref<10240x128xf32, #tpu.memory_space<vmem_shared>>, %arg8: memref<2x128x128xf32, #tpu.memory_space<vmem>>, %arg9: memref<32x128xi32, #tpu.memory_space<vmem>>, %arg10: memref<32x128xi32, #tpu.memory_space<vmem>>, %arg11: memref<!tpu.dma_semaphore, #tpu.memory_space<semaphore_mem>>) attributes {dimension_semantics = [#tpu.dimension_semantics<core_parallel>, #tpu.dimension_semantics<subcore_parallel>], iteration_bounds = array<i64: 2, 16>, scalar_prefetch = 0 : i64, scratch_operands = 5 : i64, tpu.core_type = #tpu.core_type<sc_vector_subcore>, window_params = [{transform_indices = #map}, {transform_indices = #map}, {transform_indices = #map}, {transform_indices = #map}, {transform_indices = #map1}]} {
    %mul3A = arith.constant 640 : i32
    %mul3A_0 = arith.muli %arg1, %mul3A : i32
    "tpu.region"() ({
      %run_scoped3A = tpu.sem_alloc : memref<!tpu.dma_semaphore, #tpu.memory_space<semaphore_mem>>
      %dma_start3A_143 = arith.constant 0 : i32
      %dma_start3A_144 = tpu.memref_slice %arg7[%mul3A_0, %dma_start3A_143] : memref<10240x128xf32, #tpu.memory_space<vmem_shared>> -> memref<640x128xf32, #tpu.memory_space<vmem_shared>>
      %dma_start3A_145 = arith.constant 0 : i32
      %dma_start3A_146 = tpu.memref_slice %arg5[%mul3A_0, %dma_start3A_145] : memref<10240x128xf32, #tpu.memory_space<hbm>> -> memref<640x128xf32, #tpu.memory_space<hbm>>
      tpu.enqueue_dma source(%dma_start3A_146 : memref<640x128xf32, #tpu.memory_space<hbm>>) target(%dma_start3A_144 : memref<640x128xf32, #tpu.memory_space<vmem_shared>>) target_semaphore(%run_scoped3A : memref<!tpu.dma_semaphore, #tpu.memory_space<semaphore_mem>>)
      %dma_wait3A = arith.constant 0 : i32
      %dma_wait3A_147 = tpu.memref_slice %arg7[%mul3A_0, %dma_wait3A] : memref<10240x128xf32, #tpu.memory_space<vmem_shared>> -> memref<640x128xf32, #tpu.memory_space<vmem_shared>>
      %dma_wait3A_148 = arith.constant 0 : i32
      %dma_wait3A_149 = tpu.memref_slice %arg5[%mul3A_0, %dma_wait3A_148] : memref<10240x128xf32, #tpu.memory_space<hbm>> -> memref<640x128xf32, #tpu.memory_space<hbm>>
      tpu.wait_dma2 semaphore(%run_scoped3A : memref<!tpu.dma_semaphore, #tpu.memory_space<semaphore_mem>>) src(%dma_wait3A_149 : memref<640x128xf32, #tpu.memory_space<hbm>>) dst(%dma_wait3A_147 : memref<640x128xf32, #tpu.memory_space<vmem_shared>>)
      tpu.yield
    }) : () -> ()
    %barrier3A = arith.constant 0 : index
    tpu.barrier barrier_id(%barrier3A)
    %eq3A = arith.constant 0 : i32
    %eq3A_1 = arith.cmpi eq, %arg0, %eq3A : i32
    %jit3A = arith.constant 128 : i32
    %jit3A_2 = arith.constant 32 : i32
    %select_n3A = arith.select %eq3A_1, %jit3A, %jit3A_2 : i32
    %jit3A_3 = arith.constant 4 : i32
    %div3A = arith.divsi %select_n3A, %jit3A_3 : i32
    %sign3A = arith.constant 0 : i32
    %sign3A_4 = arith.cmpi sgt, %select_n3A, %sign3A : i32
    %sign3A_5 = arith.extui %sign3A_4 : i1 to i32
    %sign3A_6 = arith.constant 0 : i32
    %sign3A_7 = arith.cmpi slt, %select_n3A, %sign3A_6 : i32
    %sign3A_8 = arith.extui %sign3A_7 : i1 to i32
    %sign3A_9 = arith.subi %sign3A_5, %sign3A_8 : i32
    %sign3A_10 = arith.constant 0 : i32
    %sign3A_11 = arith.cmpi sgt, %jit3A_3, %sign3A_10 : i32
    %sign3A_12 = arith.extui %sign3A_11 : i1 to i32
    %sign3A_13 = arith.constant 0 : i32
    %sign3A_14 = arith.cmpi slt, %jit3A_3, %sign3A_13 : i32
    %sign3A_15 = arith.extui %sign3A_14 : i1 to i32
    %sign3A_16 = arith.subi %sign3A_12, %sign3A_15 : i32
    %ne3A = arith.cmpi ne, %sign3A_9, %sign3A_16 : i32
    %rem3A = arith.remsi %select_n3A, %jit3A_3 : i32
    %ne3A_17 = arith.constant 0 : i32
    %ne3A_18 = arith.cmpi ne, %rem3A, %ne3A_17 : i32
    %and3A = arith.andi %ne3A, %ne3A_18 : i1
    %sub3A = arith.constant 1 : i32
    %sub3A_19 = arith.subi %div3A, %sub3A : i32
    %select_n3A_20 = arith.select %and3A, %sub3A_19, %div3A : i32
    %eq3A_21 = arith.constant 0 : i32
    %eq3A_22 = arith.cmpi eq, %arg0, %eq3A_21 : i32
    %mul3A_23 = arith.constant 128 : i32
    %mul3A_24 = arith.muli %arg1, %mul3A_23 : i32
    %mul3A_25 = arith.constant 32 : i32
    %mul3A_26 = arith.muli %arg1, %mul3A_25 : i32
    %add3A = arith.constant 2048 : i32
    %add3A_27 = arith.addi %add3A, %mul3A_26 : i32
    %select_n3A_28 = arith.select %eq3A_22, %mul3A_24, %add3A_27 : i32
    %mul3A_29 = arith.constant 0 : i32
    %mul3A_30 = arith.muli %mul3A_29, %select_n3A_20 : i32
    %add3A_31 = arith.addi %select_n3A_28, %mul3A_30 : i32
    %multiple_of3A = tpu.assume_multiple %add3A_31, 8 : i32
    "tpu.region"() ({
      %run_scoped3A = tpu.sem_alloc : memref<!tpu.dma_semaphore, #tpu.memory_space<semaphore_mem>>
      %dma_start3A_143 = arith.constant 0 : i32
      %dma_start3A_144 = tpu.memref_slice %arg3[%multiple_of3A, %dma_start3A_143] : memref<2624x128xi32, #tpu.memory_space<hbm>> -> memref<32x128xi32, #tpu.memory_space<hbm>>
      %dma_start3A_145 = arith.constant 0 : i32
      %dma_start3A_146 = tpu.memref_slice %arg3[%multiple_of3A, %dma_start3A_145] : memref<2624x128xi32, #tpu.memory_space<hbm>> -> memref<32x128xi32, #tpu.memory_space<hbm>>
      tpu.enqueue_dma source(%dma_start3A_146 : memref<32x128xi32, #tpu.memory_space<hbm>>) target(%arg9 : memref<32x128xi32, #tpu.memory_space<vmem>>) target_semaphore(%run_scoped3A : memref<!tpu.dma_semaphore, #tpu.memory_space<semaphore_mem>>)
      %dma_wait3A = arith.constant 0 : i32
      %dma_wait3A_147 = tpu.memref_slice %arg3[%multiple_of3A, %dma_wait3A] : memref<2624x128xi32, #tpu.memory_space<hbm>> -> memref<32x128xi32, #tpu.memory_space<hbm>>
      %dma_wait3A_148 = arith.constant 0 : i32
      %dma_wait3A_149 = tpu.memref_slice %arg3[%multiple_of3A, %dma_wait3A_148] : memref<2624x128xi32, #tpu.memory_space<hbm>> -> memref<32x128xi32, #tpu.memory_space<hbm>>
      tpu.wait_dma2 semaphore(%run_scoped3A : memref<!tpu.dma_semaphore, #tpu.memory_space<semaphore_mem>>) src(%dma_wait3A_149 : memref<32x128xi32, #tpu.memory_space<hbm>>) dst(%arg9 : memref<32x128xi32, #tpu.memory_space<vmem>>)
      tpu.yield
    }) : () -> ()
    "tpu.region"() ({
      %run_scoped3A = tpu.sem_alloc : memref<!tpu.dma_semaphore, #tpu.memory_space<semaphore_mem>>
      %dma_start3A_143 = arith.constant 0 : i32
      %dma_start3A_144 = tpu.memref_slice %arg4[%multiple_of3A, %dma_start3A_143] : memref<2624x128xi32, #tpu.memory_space<hbm>> -> memref<32x128xi32, #tpu.memory_space<hbm>>
      %dma_start3A_145 = arith.constant 0 : i32
      %dma_start3A_146 = tpu.memref_slice %arg4[%multiple_of3A, %dma_start3A_145] : memref<2624x128xi32, #tpu.memory_space<hbm>> -> memref<32x128xi32, #tpu.memory_space<hbm>>
      tpu.enqueue_dma source(%dma_start3A_146 : memref<32x128xi32, #tpu.memory_space<hbm>>) target(%arg10 : memref<32x128xi32, #tpu.memory_space<vmem>>) target_semaphore(%run_scoped3A : memref<!tpu.dma_semaphore, #tpu.memory_space<semaphore_mem>>)
      %dma_wait3A = arith.constant 0 : i32
      %dma_wait3A_147 = tpu.memref_slice %arg4[%multiple_of3A, %dma_wait3A] : memref<2624x128xi32, #tpu.memory_space<hbm>> -> memref<32x128xi32, #tpu.memory_space<hbm>>
      %dma_wait3A_148 = arith.constant 0 : i32
      %dma_wait3A_149 = tpu.memref_slice %arg4[%multiple_of3A, %dma_wait3A_148] : memref<2624x128xi32, #tpu.memory_space<hbm>> -> memref<32x128xi32, #tpu.memory_space<hbm>>
      tpu.wait_dma2 semaphore(%run_scoped3A : memref<!tpu.dma_semaphore, #tpu.memory_space<semaphore_mem>>) src(%dma_wait3A_149 : memref<32x128xi32, #tpu.memory_space<hbm>>) dst(%arg10 : memref<32x128xi32, #tpu.memory_space<vmem>>)
      tpu.yield
    }) : () -> ()
    %dma_start3A = arith.constant 0 : i32
    %dma_start3A_32 = arith.constant 0 : i32
    %dma_start3A_33 = arith.constant 0 : i32
    %dma_start3A_34 = arith.constant 0 : i32
    %dma_start3A_35 = tpu.memref_slice %arg8[%dma_start3A_32, %dma_start3A_33, %dma_start3A_34] : memref<2x128x128xf32, #tpu.memory_space<vmem>> -> memref<1x128x128xf32, #tpu.memory_space<vmem>>
    %dma_start3A_36 = tpu.memref_squeeze %dma_start3A_35 : memref<1x128x128xf32, #tpu.memory_space<vmem>> -> memref<128x128xf32, #tpu.memory_space<vmem>>
    %dma_start3A_37 = arith.constant 0 : i32
    %dma_start3A_38 = tpu.memref_slice %arg9[%dma_start3A, %dma_start3A_37] : memref<32x128xi32, #tpu.memory_space<vmem>> -> memref<1x128xi32, #tpu.memory_space<vmem>>
    %dma_start3A_39 = tpu.memref_squeeze %dma_start3A_38 : memref<1x128xi32, #tpu.memory_space<vmem>> -> memref<128xi32, #tpu.memory_space<vmem>>
    %dma_start3A_40 = arith.constant 0 : i32
    %dma_start3A_41 = arith.constant 0 : i32
    %dma_start3A_42 = tpu.memref_slice %arg2[%dma_start3A_40, %dma_start3A_41] : memref<10240x128xf32, #tpu.memory_space<hbm>> -> memref<10240x128xf32, #tpu.memory_space<hbm>>
    tpu.enqueue_indirect_dma source(%dma_start3A_42 : memref<10240x128xf32, #tpu.memory_space<hbm>>) target(%dma_start3A_36 : memref<128x128xf32, #tpu.memory_space<vmem>>) offsets(%dma_start3A_39 : memref<128xi32, #tpu.memory_space<vmem>>) semaphore(%arg11 : memref<!tpu.dma_semaphore, #tpu.memory_space<semaphore_mem>>)
    %while3A = arith.constant 0 : i32
    %while3A_43 = arith.constant 0 : i32
    %while3A_44 = arith.subi %select_n3A_20, %while3A : i32
    %while3A_45 = arith.addi %while3A, %while3A_44 : i32
    %while3A_46 = arith.constant 1 : i32
    %while3A_47 = arith.divsi %while3A_44, %while3A_46 : i32
    %while3A_48 = arith.muli %while3A_47, %while3A_46 : i32
    %while3A_49 = arith.addi %while3A, %while3A_48 : i32
    %while3A_50 = arith.constant 1 : i32
    %while3A_51 = scf.for %while3A_143 = %while3A to %while3A_49 step %while3A_50 iter_args(%while3A_144 = %while3A_43) -> (i32)  : i32 {
      %rem3A_145 = arith.constant 2 : i32
      %rem3A_146 = arith.remsi %while3A_143, %rem3A_145 : i32
      %dma_wait3A = arith.constant 0 : i32
      %dma_wait3A_147 = arith.constant 0 : i32
      %dma_wait3A_148 = tpu.memref_slice %arg8[%rem3A_146, %dma_wait3A, %dma_wait3A_147] : memref<2x128x128xf32, #tpu.memory_space<vmem>> -> memref<1x128x128xf32, #tpu.memory_space<vmem>>
      %dma_wait3A_149 = tpu.memref_squeeze %dma_wait3A_148 : memref<1x128x128xf32, #tpu.memory_space<vmem>> -> memref<128x128xf32, #tpu.memory_space<vmem>>
      %dma_wait3A_150 = arith.constant 0 : i32
      %dma_wait3A_151 = tpu.memref_slice %arg9[%while3A_143, %dma_wait3A_150] : memref<32x128xi32, #tpu.memory_space<vmem>> -> memref<1x128xi32, #tpu.memory_space<vmem>>
      %dma_wait3A_152 = tpu.memref_squeeze %dma_wait3A_151 : memref<1x128xi32, #tpu.memory_space<vmem>> -> memref<128xi32, #tpu.memory_space<vmem>>
      %dma_wait3A_153 = arith.constant 0 : i32
      %dma_wait3A_154 = arith.constant 0 : i32
      %dma_wait3A_155 = tpu.memref_slice %arg2[%dma_wait3A_153, %dma_wait3A_154] : memref<10240x128xf32, #tpu.memory_space<hbm>> -> memref<10240x128xf32, #tpu.memory_space<hbm>>
      tpu.wait_indirect_dma semaphore(%arg11 : memref<!tpu.dma_semaphore, #tpu.memory_space<semaphore_mem>>) src(%dma_wait3A_155 : memref<10240x128xf32, #tpu.memory_space<hbm>>) dst(%dma_wait3A_149 : memref<128x128xf32, #tpu.memory_space<vmem>>)
      %add3A_156 = arith.constant 1 : i32
      %add3A_157 = arith.addi %while3A_143, %add3A_156 : i32
      %lt3A = arith.cmpi slt, %add3A_157, %select_n3A_20 : i32
      %convert_element_type3A = arith.extui %lt3A : i1 to i32
      %cond3A = arith.constant 0 : i32
      %cond3A_158 = arith.cmpi ne, %convert_element_type3A, %cond3A : i32
      scf.if %cond3A_158 {
        %add3A_160 = arith.constant 1 : i32
        %add3A_161 = arith.addi %while3A_143, %add3A_160 : i32
        %sub3A_162 = arith.constant 1 : i32
        %sub3A_163 = arith.subi %sub3A_162, %rem3A_146 : i32
        %dma_start3A_164 = arith.constant 0 : i32
        %dma_start3A_165 = arith.constant 0 : i32
        %dma_start3A_166 = tpu.memref_slice %arg8[%sub3A_163, %dma_start3A_164, %dma_start3A_165] : memref<2x128x128xf32, #tpu.memory_space<vmem>> -> memref<1x128x128xf32, #tpu.memory_space<vmem>>
        %dma_start3A_167 = tpu.memref_squeeze %dma_start3A_166 : memref<1x128x128xf32, #tpu.memory_space<vmem>> -> memref<128x128xf32, #tpu.memory_space<vmem>>
        %dma_start3A_168 = arith.constant 0 : i32
        %dma_start3A_169 = tpu.memref_slice %arg9[%add3A_161, %dma_start3A_168] : memref<32x128xi32, #tpu.memory_space<vmem>> -> memref<1x128xi32, #tpu.memory_space<vmem>>
        %dma_start3A_170 = tpu.memref_squeeze %dma_start3A_169 : memref<1x128xi32, #tpu.memory_space<vmem>> -> memref<128xi32, #tpu.memory_space<vmem>>
        %dma_start3A_171 = arith.constant 0 : i32
        %dma_start3A_172 = arith.constant 0 : i32
        %dma_start3A_173 = tpu.memref_slice %arg2[%dma_start3A_171, %dma_start3A_172] : memref<10240x128xf32, #tpu.memory_space<hbm>> -> memref<10240x128xf32, #tpu.memory_space<hbm>>
        tpu.enqueue_indirect_dma source(%dma_start3A_173 : memref<10240x128xf32, #tpu.memory_space<hbm>>) target(%dma_start3A_167 : memref<128x128xf32, #tpu.memory_space<vmem>>) offsets(%dma_start3A_170 : memref<128xi32, #tpu.memory_space<vmem>>) semaphore(%arg11 : memref<!tpu.dma_semaphore, #tpu.memory_space<semaphore_mem>>)
      } else {
      }
      "tpu.region"() ({
        %run_scoped3A = tpu.sem_alloc : memref<!tpu.dma_semaphore, #tpu.memory_space<semaphore_mem>>
        %dma_start3A_160 = arith.constant 0 : i32
        %dma_start3A_161 = arith.constant 0 : i32
        %dma_start3A_162 = tpu.memref_slice %arg8[%rem3A_146, %dma_start3A_160, %dma_start3A_161] : memref<2x128x128xf32, #tpu.memory_space<vmem>> -> memref<1x128x128xf32, #tpu.memory_space<vmem>>
        %dma_start3A_163 = tpu.memref_squeeze %dma_start3A_162 : memref<1x128x128xf32, #tpu.memory_space<vmem>> -> memref<128x128xf32, #tpu.memory_space<vmem>>
        %dma_start3A_164 = arith.constant 0 : i32
        %dma_start3A_165 = tpu.memref_slice %arg10[%while3A_143, %dma_start3A_164] : memref<32x128xi32, #tpu.memory_space<vmem>> -> memref<1x128xi32, #tpu.memory_space<vmem>>
        %dma_start3A_166 = tpu.memref_squeeze %dma_start3A_165 : memref<1x128xi32, #tpu.memory_space<vmem>> -> memref<128xi32, #tpu.memory_space<vmem>>
        %dma_start3A_167 = arith.constant 0 : i32
        %dma_start3A_168 = arith.constant 0 : i32
        %dma_start3A_169 = tpu.memref_slice %arg7[%dma_start3A_167, %dma_start3A_168] : memref<10240x128xf32, #tpu.memory_space<vmem_shared>> -> memref<10240x128xf32, #tpu.memory_space<vmem_shared>>
        tpu.enqueue_indirect_dma source(%dma_start3A_163 : memref<128x128xf32, #tpu.memory_space<vmem>>) target(%dma_start3A_169 : memref<10240x128xf32, #tpu.memory_space<vmem_shared>>) offsets(%dma_start3A_166 : memref<128xi32, #tpu.memory_space<vmem>>) semaphore(%run_scoped3A : memref<!tpu.dma_semaphore, #tpu.memory_space<semaphore_mem>>) {add = true}
        %dma_wait3A_170 = arith.constant 0 : i32
        %dma_wait3A_171 = arith.constant 0 : i32
        %dma_wait3A_172 = tpu.memref_slice %arg8[%rem3A_146, %dma_wait3A_170, %dma_wait3A_171] : memref<2x128x128xf32, #tpu.memory_space<vmem>> -> memref<1x128x128xf32, #tpu.memory_space<vmem>>
        %dma_wait3A_173 = tpu.memref_squeeze %dma_wait3A_172 : memref<1x128x128xf32, #tpu.memory_space<vmem>> -> memref<128x128xf32, #tpu.memory_space<vmem>>
        %dma_wait3A_174 = arith.constant 0 : i32
        %dma_wait3A_175 = tpu.memref_slice %arg10[%while3A_143, %dma_wait3A_174] : memref<32x128xi32, #tpu.memory_space<vmem>> -> memref<1x128xi32, #tpu.memory_space<vmem>>
        %dma_wait3A_176 = tpu.memref_squeeze %dma_wait3A_175 : memref<1x128xi32, #tpu.memory_space<vmem>> -> memref<128xi32, #tpu.memory_space<vmem>>
        %dma_wait3A_177 = arith.constant 0 : i32
        %dma_wait3A_178 = arith.constant 0 : i32
        %dma_wait3A_179 = tpu.memref_slice %arg7[%dma_wait3A_177, %dma_wait3A_178] : memref<10240x128xf32, #tpu.memory_space<vmem_shared>> -> memref<10240x128xf32, #tpu.memory_space<vmem_shared>>
        tpu.wait_indirect_dma semaphore(%run_scoped3A : memref<!tpu.dma_semaphore, #tpu.memory_space<semaphore_mem>>) src(%dma_wait3A_173 : memref<128x128xf32, #tpu.memory_space<vmem>>) dst(%dma_wait3A_179 : memref<10240x128xf32, #tpu.memory_space<vmem_shared>>)
        tpu.yield
      }) : () -> ()
      %while3A_159 = arith.constant 0 : i32
      scf.yield %while3A_159 : i32
    }
    %while3A_52 = arith.constant 1 : i32
    %while3A_53 = scf.for %while3A_143 = %while3A_49 to %while3A_45 step %while3A_52 iter_args(%while3A_144 = %while3A_51) -> (i32)  : i32 {
      %rem3A_145 = arith.constant 2 : i32
      %rem3A_146 = arith.remsi %while3A_143, %rem3A_145 : i32
      %dma_wait3A = arith.constant 0 : i32
      %dma_wait3A_147 = arith.constant 0 : i32
      %dma_wait3A_148 = tpu.memref_slice %arg8[%rem3A_146, %dma_wait3A, %dma_wait3A_147] : memref<2x128x128xf32, #tpu.memory_space<vmem>> -> memref<1x128x128xf32, #tpu.memory_space<vmem>>
      %dma_wait3A_149 = tpu.memref_squeeze %dma_wait3A_148 : memref<1x128x128xf32, #tpu.memory_space<vmem>> -> memref<128x128xf32, #tpu.memory_space<vmem>>
      %dma_wait3A_150 = arith.constant 0 : i32
      %dma_wait3A_151 = tpu.memref_slice %arg9[%while3A_143, %dma_wait3A_150] : memref<32x128xi32, #tpu.memory_space<vmem>> -> memref<1x128xi32, #tpu.memory_space<vmem>>
      %dma_wait3A_152 = tpu.memref_squeeze %dma_wait3A_151 : memref<1x128xi32, #tpu.memory_space<vmem>> -> memref<128xi32, #tpu.memory_space<vmem>>
      %dma_wait3A_153 = arith.constant 0 : i32
      %dma_wait3A_154 = arith.constant 0 : i32
      %dma_wait3A_155 = tpu.memref_slice %arg2[%dma_wait3A_153, %dma_wait3A_154] : memref<10240x128xf32, #tpu.memory_space<hbm>> -> memref<10240x128xf32, #tpu.memory_space<hbm>>
      tpu.wait_indirect_dma semaphore(%arg11 : memref<!tpu.dma_semaphore, #tpu.memory_space<semaphore_mem>>) src(%dma_wait3A_155 : memref<10240x128xf32, #tpu.memory_space<hbm>>) dst(%dma_wait3A_149 : memref<128x128xf32, #tpu.memory_space<vmem>>)
      %add3A_156 = arith.constant 1 : i32
      %add3A_157 = arith.addi %while3A_143, %add3A_156 : i32
      %lt3A = arith.cmpi slt, %add3A_157, %select_n3A_20 : i32
      %convert_element_type3A = arith.extui %lt3A : i1 to i32
      %cond3A = arith.constant 0 : i32
      %cond3A_158 = arith.cmpi ne, %convert_element_type3A, %cond3A : i32
      scf.if %cond3A_158 {
        %add3A_160 = arith.constant 1 : i32
        %add3A_161 = arith.addi %while3A_143, %add3A_160 : i32
        %sub3A_162 = arith.constant 1 : i32
        %sub3A_163 = arith.subi %sub3A_162, %rem3A_146 : i32
        %dma_start3A_164 = arith.constant 0 : i32
        %dma_start3A_165 = arith.constant 0 : i32
        %dma_start3A_166 = tpu.memref_slice %arg8[%sub3A_163, %dma_start3A_164, %dma_start3A_165] : memref<2x128x128xf32, #tpu.memory_space<vmem>> -> memref<1x128x128xf32, #tpu.memory_space<vmem>>
        %dma_start3A_167 = tpu.memref_squeeze %dma_start3A_166 : memref<1x128x128xf32, #tpu.memory_space<vmem>> -> memref<128x128xf32, #tpu.memory_space<vmem>>
        %dma_start3A_168 = arith.constant 0 : i32
        %dma_start3A_169 = tpu.memref_slice %arg9[%add3A_161, %dma_start3A_168] : memref<32x128xi32, #tpu.memory_space<vmem>> -> memref<1x128xi32, #tpu.memory_space<vmem>>
        %dma_start3A_170 = tpu.memref_squeeze %dma_start3A_169 : memref<1x128xi32, #tpu.memory_space<vmem>> -> memref<128xi32, #tpu.memory_space<vmem>>
        %dma_start3A_171 = arith.constant 0 : i32
        %dma_start3A_172 = arith.constant 0 : i32
        %dma_start3A_173 = tpu.memref_slice %arg2[%dma_start3A_171, %dma_start3A_172] : memref<10240x128xf32, #tpu.memory_space<hbm>> -> memref<10240x128xf32, #tpu.memory_space<hbm>>
        tpu.enqueue_indirect_dma source(%dma_start3A_173 : memref<10240x128xf32, #tpu.memory_space<hbm>>) target(%dma_start3A_167 : memref<128x128xf32, #tpu.memory_space<vmem>>) offsets(%dma_start3A_170 : memref<128xi32, #tpu.memory_space<vmem>>) semaphore(%arg11 : memref<!tpu.dma_semaphore, #tpu.memory_space<semaphore_mem>>)
      } else {
      }
      "tpu.region"() ({
        %run_scoped3A = tpu.sem_alloc : memref<!tpu.dma_semaphore, #tpu.memory_space<semaphore_mem>>
        %dma_start3A_160 = arith.constant 0 : i32
        %dma_start3A_161 = arith.constant 0 : i32
        %dma_start3A_162 = tpu.memref_slice %arg8[%rem3A_146, %dma_start3A_160, %dma_start3A_161] : memref<2x128x128xf32, #tpu.memory_space<vmem>> -> memref<1x128x128xf32, #tpu.memory_space<vmem>>
        %dma_start3A_163 = tpu.memref_squeeze %dma_start3A_162 : memref<1x128x128xf32, #tpu.memory_space<vmem>> -> memref<128x128xf32, #tpu.memory_space<vmem>>
        %dma_start3A_164 = arith.constant 0 : i32
        %dma_start3A_165 = tpu.memref_slice %arg10[%while3A_143, %dma_start3A_164] : memref<32x128xi32, #tpu.memory_space<vmem>> -> memref<1x128xi32, #tpu.memory_space<vmem>>
        %dma_start3A_166 = tpu.memref_squeeze %dma_start3A_165 : memref<1x128xi32, #tpu.memory_space<vmem>> -> memref<128xi32, #tpu.memory_space<vmem>>
        %dma_start3A_167 = arith.constant 0 : i32
        %dma_start3A_168 = arith.constant 0 : i32
        %dma_start3A_169 = tpu.memref_slice %arg7[%dma_start3A_167, %dma_start3A_168] : memref<10240x128xf32, #tpu.memory_space<vmem_shared>> -> memref<10240x128xf32, #tpu.memory_space<vmem_shared>>
        tpu.enqueue_indirect_dma source(%dma_start3A_163 : memref<128x128xf32, #tpu.memory_space<vmem>>) target(%dma_start3A_169 : memref<10240x128xf32, #tpu.memory_space<vmem_shared>>) offsets(%dma_start3A_166 : memref<128xi32, #tpu.memory_space<vmem>>) semaphore(%run_scoped3A : memref<!tpu.dma_semaphore, #tpu.memory_space<semaphore_mem>>) {add = true}
        %dma_wait3A_170 = arith.constant 0 : i32
        %dma_wait3A_171 = arith.constant 0 : i32
        %dma_wait3A_172 = tpu.memref_slice %arg8[%rem3A_146, %dma_wait3A_170, %dma_wait3A_171] : memref<2x128x128xf32, #tpu.memory_space<vmem>> -> memref<1x128x128xf32, #tpu.memory_space<vmem>>
        %dma_wait3A_173 = tpu.memref_squeeze %dma_wait3A_172 : memref<1x128x128xf32, #tpu.memory_space<vmem>> -> memref<128x128xf32, #tpu.memory_space<vmem>>
        %dma_wait3A_174 = arith.constant 0 : i32
        %dma_wait3A_175 = tpu.memref_slice %arg10[%while3A_143, %dma_wait3A_174] : memref<32x128xi32, #tpu.memory_space<vmem>> -> memref<1x128xi32, #tpu.memory_space<vmem>>
        %dma_wait3A_176 = tpu.memref_squeeze %dma_wait3A_175 : memref<1x128xi32, #tpu.memory_space<vmem>> -> memref<128xi32, #tpu.memory_space<vmem>>
        %dma_wait3A_177 = arith.constant 0 : i32
        %dma_wait3A_178 = arith.constant 0 : i32
        %dma_wait3A_179 = tpu.memref_slice %arg7[%dma_wait3A_177, %dma_wait3A_178] : memref<10240x128xf32, #tpu.memory_space<vmem_shared>> -> memref<10240x128xf32, #tpu.memory_space<vmem_shared>>
        tpu.wait_indirect_dma semaphore(%run_scoped3A : memref<!tpu.dma_semaphore, #tpu.memory_space<semaphore_mem>>) src(%dma_wait3A_173 : memref<128x128xf32, #tpu.memory_space<vmem>>) dst(%dma_wait3A_179 : memref<10240x128xf32, #tpu.memory_space<vmem_shared>>)
        tpu.yield
      }) : () -> ()
      %while3A_159 = arith.constant 0 : i32
      scf.yield %while3A_159 : i32
    }
    %mul3A_54 = arith.constant 1 : i32
    %mul3A_55 = arith.muli %mul3A_54, %select_n3A_20 : i32
    %add3A_56 = arith.addi %select_n3A_28, %mul3A_55 : i32
    %multiple_of3A_57 = tpu.assume_multiple %add3A_56, 8 : i32
    "tpu.region"() ({
      %run_scoped3A = tpu.sem_alloc : memref<!tpu.dma_semaphore, #tpu.memory_space<semaphore_mem>>
      %dma_start3A_143 = arith.constant 0 : i32
      %dma_start3A_144 = tpu.memref_slice %arg3[%multiple_of3A_57, %dma_start3A_143] : memref<2624x128xi32, #tpu.memory_space<hbm>> -> memref<32x128xi32, #tpu.memory_space<hbm>>
      %dma_start3A_145 = arith.constant 0 : i32
      %dma_start3A_146 = tpu.memref_slice %arg3[%multiple_of3A_57, %dma_start3A_145] : memref<2624x128xi32, #tpu.memory_space<hbm>> -> memref<32x128xi32, #tpu.memory_space<hbm>>
      tpu.enqueue_dma source(%dma_start3A_146 : memref<32x128xi32, #tpu.memory_space<hbm>>) target(%arg9 : memref<32x128xi32, #tpu.memory_space<vmem>>) target_semaphore(%run_scoped3A : memref<!tpu.dma_semaphore, #tpu.memory_space<semaphore_mem>>)
      %dma_wait3A = arith.constant 0 : i32
      %dma_wait3A_147 = tpu.memref_slice %arg3[%multiple_of3A_57, %dma_wait3A] : memref<2624x128xi32, #tpu.memory_space<hbm>> -> memref<32x128xi32, #tpu.memory_space<hbm>>
      %dma_wait3A_148 = arith.constant 0 : i32
      %dma_wait3A_149 = tpu.memref_slice %arg3[%multiple_of3A_57, %dma_wait3A_148] : memref<2624x128xi32, #tpu.memory_space<hbm>> -> memref<32x128xi32, #tpu.memory_space<hbm>>
      tpu.wait_dma2 semaphore(%run_scoped3A : memref<!tpu.dma_semaphore, #tpu.memory_space<semaphore_mem>>) src(%dma_wait3A_149 : memref<32x128xi32, #tpu.memory_space<hbm>>) dst(%arg9 : memref<32x128xi32, #tpu.memory_space<vmem>>)
      tpu.yield
    }) : () -> ()
    "tpu.region"() ({
      %run_scoped3A = tpu.sem_alloc : memref<!tpu.dma_semaphore, #tpu.memory_space<semaphore_mem>>
      %dma_start3A_143 = arith.constant 0 : i32
      %dma_start3A_144 = tpu.memref_slice %arg4[%multiple_of3A_57, %dma_start3A_143] : memref<2624x128xi32, #tpu.memory_space<hbm>> -> memref<32x128xi32, #tpu.memory_space<hbm>>
      %dma_start3A_145 = arith.constant 0 : i32
      %dma_start3A_146 = tpu.memref_slice %arg4[%multiple_of3A_57, %dma_start3A_145] : memref<2624x128xi32, #tpu.memory_space<hbm>> -> memref<32x128xi32, #tpu.memory_space<hbm>>
      tpu.enqueue_dma source(%dma_start3A_146 : memref<32x128xi32, #tpu.memory_space<hbm>>) target(%arg10 : memref<32x128xi32, #tpu.memory_space<vmem>>) target_semaphore(%run_scoped3A : memref<!tpu.dma_semaphore, #tpu.memory_space<semaphore_mem>>)
      %dma_wait3A = arith.constant 0 : i32
      %dma_wait3A_147 = tpu.memref_slice %arg4[%multiple_of3A_57, %dma_wait3A] : memref<2624x128xi32, #tpu.memory_space<hbm>> -> memref<32x128xi32, #tpu.memory_space<hbm>>
      %dma_wait3A_148 = arith.constant 0 : i32
      %dma_wait3A_149 = tpu.memref_slice %arg4[%multiple_of3A_57, %dma_wait3A_148] : memref<2624x128xi32, #tpu.memory_space<hbm>> -> memref<32x128xi32, #tpu.memory_space<hbm>>
      tpu.wait_dma2 semaphore(%run_scoped3A : memref<!tpu.dma_semaphore, #tpu.memory_space<semaphore_mem>>) src(%dma_wait3A_149 : memref<32x128xi32, #tpu.memory_space<hbm>>) dst(%arg10 : memref<32x128xi32, #tpu.memory_space<vmem>>)
      tpu.yield
    }) : () -> ()
    %dma_start3A_58 = arith.constant 0 : i32
    %dma_start3A_59 = arith.constant 0 : i32
    %dma_start3A_60 = arith.constant 0 : i32
    %dma_start3A_61 = arith.constant 0 : i32
    %dma_start3A_62 = tpu.memref_slice %arg8[%dma_start3A_59, %dma_start3A_60, %dma_start3A_61] : memref<2x128x128xf32, #tpu.memory_space<vmem>> -> memref<1x128x128xf32, #tpu.memory_space<vmem>>
    %dma_start3A_63 = tpu.memref_squeeze %dma_start3A_62 : memref<1x128x128xf32, #tpu.memory_space<vmem>> -> memref<128x128xf32, #tpu.memory_space<vmem>>
    %dma_start3A_64 = arith.constant 0 : i32
    %dma_start3A_65 = tpu.memref_slice %arg9[%dma_start3A_58, %dma_start3A_64] : memref<32x128xi32, #tpu.memory_space<vmem>> -> memref<1x128xi32, #tpu.memory_space<vmem>>
    %dma_start3A_66 = tpu.memref_squeeze %dma_start3A_65 : memref<1x128xi32, #tpu.memory_space<vmem>> -> memref<128xi32, #tpu.memory_space<vmem>>
    %dma_start3A_67 = arith.constant 0 : i32
    %dma_start3A_68 = arith.constant 0 : i32
    %dma_start3A_69 = tpu.memref_slice %arg2[%dma_start3A_67, %dma_start3A_68] : memref<10240x128xf32, #tpu.memory_space<hbm>> -> memref<10240x128xf32, #tpu.memory_space<hbm>>
    tpu.enqueue_indirect_dma source(%dma_start3A_69 : memref<10240x128xf32, #tpu.memory_space<hbm>>) target(%dma_start3A_63 : memref<128x128xf32, #tpu.memory_space<vmem>>) offsets(%dma_start3A_66 : memref<128xi32, #tpu.memory_space<vmem>>) semaphore(%arg11 : memref<!tpu.dma_semaphore, #tpu.memory_space<semaphore_mem>>)
    %while3A_70 = arith.constant 0 : i32
    %while3A_71 = arith.constant 0 : i32
    %while3A_72 = arith.subi %select_n3A_20, %while3A_70 : i32
    %while3A_73 = arith.addi %while3A_70, %while3A_72 : i32
    %while3A_74 = arith.constant 1 : i32
    %while3A_75 = arith.divsi %while3A_72, %while3A_74 : i32
    %while3A_76 = arith.muli %while3A_75, %while3A_74 : i32
    %while3A_77 = arith.addi %while3A_70, %while3A_76 : i32
    %while3A_78 = arith.constant 1 : i32
    %while3A_79 = scf.for %while3A_143 = %while3A_70 to %while3A_77 step %while3A_78 iter_args(%while3A_144 = %while3A_71) -> (i32)  : i32 {
      %rem3A_145 = arith.constant 2 : i32
      %rem3A_146 = arith.remsi %while3A_143, %rem3A_145 : i32
      %dma_wait3A = arith.constant 0 : i32
      %dma_wait3A_147 = arith.constant 0 : i32
      %dma_wait3A_148 = tpu.memref_slice %arg8[%rem3A_146, %dma_wait3A, %dma_wait3A_147] : memref<2x128x128xf32, #tpu.memory_space<vmem>> -> memref<1x128x128xf32, #tpu.memory_space<vmem>>
      %dma_wait3A_149 = tpu.memref_squeeze %dma_wait3A_148 : memref<1x128x128xf32, #tpu.memory_space<vmem>> -> memref<128x128xf32, #tpu.memory_space<vmem>>
      %dma_wait3A_150 = arith.constant 0 : i32
      %dma_wait3A_151 = tpu.memref_slice %arg9[%while3A_143, %dma_wait3A_150] : memref<32x128xi32, #tpu.memory_space<vmem>> -> memref<1x128xi32, #tpu.memory_space<vmem>>
      %dma_wait3A_152 = tpu.memref_squeeze %dma_wait3A_151 : memref<1x128xi32, #tpu.memory_space<vmem>> -> memref<128xi32, #tpu.memory_space<vmem>>
      %dma_wait3A_153 = arith.constant 0 : i32
      %dma_wait3A_154 = arith.constant 0 : i32
      %dma_wait3A_155 = tpu.memref_slice %arg2[%dma_wait3A_153, %dma_wait3A_154] : memref<10240x128xf32, #tpu.memory_space<hbm>> -> memref<10240x128xf32, #tpu.memory_space<hbm>>
      tpu.wait_indirect_dma semaphore(%arg11 : memref<!tpu.dma_semaphore, #tpu.memory_space<semaphore_mem>>) src(%dma_wait3A_155 : memref<10240x128xf32, #tpu.memory_space<hbm>>) dst(%dma_wait3A_149 : memref<128x128xf32, #tpu.memory_space<vmem>>)
      %add3A_156 = arith.constant 1 : i32
      %add3A_157 = arith.addi %while3A_143, %add3A_156 : i32
      %lt3A = arith.cmpi slt, %add3A_157, %select_n3A_20 : i32
      %convert_element_type3A = arith.extui %lt3A : i1 to i32
      %cond3A = arith.constant 0 : i32
      %cond3A_158 = arith.cmpi ne, %convert_element_type3A, %cond3A : i32
      scf.if %cond3A_158 {
        %add3A_160 = arith.constant 1 : i32
        %add3A_161 = arith.addi %while3A_143, %add3A_160 : i32
        %sub3A_162 = arith.constant 1 : i32
        %sub3A_163 = arith.subi %sub3A_162, %rem3A_146 : i32
        %dma_start3A_164 = arith.constant 0 : i32
        %dma_start3A_165 = arith.constant 0 : i32
        %dma_start3A_166 = tpu.memref_slice %arg8[%sub3A_163, %dma_start3A_164, %dma_start3A_165] : memref<2x128x128xf32, #tpu.memory_space<vmem>> -> memref<1x128x128xf32, #tpu.memory_space<vmem>>
        %dma_start3A_167 = tpu.memref_squeeze %dma_start3A_166 : memref<1x128x128xf32, #tpu.memory_space<vmem>> -> memref<128x128xf32, #tpu.memory_space<vmem>>
        %dma_start3A_168 = arith.constant 0 : i32
        %dma_start3A_169 = tpu.memref_slice %arg9[%add3A_161, %dma_start3A_168] : memref<32x128xi32, #tpu.memory_space<vmem>> -> memref<1x128xi32, #tpu.memory_space<vmem>>
        %dma_start3A_170 = tpu.memref_squeeze %dma_start3A_169 : memref<1x128xi32, #tpu.memory_space<vmem>> -> memref<128xi32, #tpu.memory_space<vmem>>
        %dma_start3A_171 = arith.constant 0 : i32
        %dma_start3A_172 = arith.constant 0 : i32
        %dma_start3A_173 = tpu.memref_slice %arg2[%dma_start3A_171, %dma_start3A_172] : memref<10240x128xf32, #tpu.memory_space<hbm>> -> memref<10240x128xf32, #tpu.memory_space<hbm>>
        tpu.enqueue_indirect_dma source(%dma_start3A_173 : memref<10240x128xf32, #tpu.memory_space<hbm>>) target(%dma_start3A_167 : memref<128x128xf32, #tpu.memory_space<vmem>>) offsets(%dma_start3A_170 : memref<128xi32, #tpu.memory_space<vmem>>) semaphore(%arg11 : memref<!tpu.dma_semaphore, #tpu.memory_space<semaphore_mem>>)
      } else {
      }
      "tpu.region"() ({
        %run_scoped3A = tpu.sem_alloc : memref<!tpu.dma_semaphore, #tpu.memory_space<semaphore_mem>>
        %dma_start3A_160 = arith.constant 0 : i32
        %dma_start3A_161 = arith.constant 0 : i32
        %dma_start3A_162 = tpu.memref_slice %arg8[%rem3A_146, %dma_start3A_160, %dma_start3A_161] : memref<2x128x128xf32, #tpu.memory_space<vmem>> -> memref<1x128x128xf32, #tpu.memory_space<vmem>>
        %dma_start3A_163 = tpu.memref_squeeze %dma_start3A_162 : memref<1x128x128xf32, #tpu.memory_space<vmem>> -> memref<128x128xf32, #tpu.memory_space<vmem>>
        %dma_start3A_164 = arith.constant 0 : i32
        %dma_start3A_165 = tpu.memref_slice %arg10[%while3A_143, %dma_start3A_164] : memref<32x128xi32, #tpu.memory_space<vmem>> -> memref<1x128xi32, #tpu.memory_space<vmem>>
        %dma_start3A_166 = tpu.memref_squeeze %dma_start3A_165 : memref<1x128xi32, #tpu.memory_space<vmem>> -> memref<128xi32, #tpu.memory_space<vmem>>
        %dma_start3A_167 = arith.constant 0 : i32
        %dma_start3A_168 = arith.constant 0 : i32
        %dma_start3A_169 = tpu.memref_slice %arg7[%dma_start3A_167, %dma_start3A_168] : memref<10240x128xf32, #tpu.memory_space<vmem_shared>> -> memref<10240x128xf32, #tpu.memory_space<vmem_shared>>
        tpu.enqueue_indirect_dma source(%dma_start3A_163 : memref<128x128xf32, #tpu.memory_space<vmem>>) target(%dma_start3A_169 : memref<10240x128xf32, #tpu.memory_space<vmem_shared>>) offsets(%dma_start3A_166 : memref<128xi32, #tpu.memory_space<vmem>>) semaphore(%run_scoped3A : memref<!tpu.dma_semaphore, #tpu.memory_space<semaphore_mem>>) {add = true}
        %dma_wait3A_170 = arith.constant 0 : i32
        %dma_wait3A_171 = arith.constant 0 : i32
        %dma_wait3A_172 = tpu.memref_slice %arg8[%rem3A_146, %dma_wait3A_170, %dma_wait3A_171] : memref<2x128x128xf32, #tpu.memory_space<vmem>> -> memref<1x128x128xf32, #tpu.memory_space<vmem>>
        %dma_wait3A_173 = tpu.memref_squeeze %dma_wait3A_172 : memref<1x128x128xf32, #tpu.memory_space<vmem>> -> memref<128x128xf32, #tpu.memory_space<vmem>>
        %dma_wait3A_174 = arith.constant 0 : i32
        %dma_wait3A_175 = tpu.memref_slice %arg10[%while3A_143, %dma_wait3A_174] : memref<32x128xi32, #tpu.memory_space<vmem>> -> memref<1x128xi32, #tpu.memory_space<vmem>>
        %dma_wait3A_176 = tpu.memref_squeeze %dma_wait3A_175 : memref<1x128xi32, #tpu.memory_space<vmem>> -> memref<128xi32, #tpu.memory_space<vmem>>
        %dma_wait3A_177 = arith.constant 0 : i32
        %dma_wait3A_178 = arith.constant 0 : i32
        %dma_wait3A_179 = tpu.memref_slice %arg7[%dma_wait3A_177, %dma_wait3A_178] : memref<10240x128xf32, #tpu.memory_space<vmem_shared>> -> memref<10240x128xf32, #tpu.memory_space<vmem_shared>>
        tpu.wait_indirect_dma semaphore(%run_scoped3A : memref<!tpu.dma_semaphore, #tpu.memory_space<semaphore_mem>>) src(%dma_wait3A_173 : memref<128x128xf32, #tpu.memory_space<vmem>>) dst(%dma_wait3A_179 : memref<10240x128xf32, #tpu.memory_space<vmem_shared>>)
        tpu.yield
      }) : () -> ()
      %while3A_159 = arith.constant 0 : i32
      scf.yield %while3A_159 : i32
    }
    %while3A_80 = arith.constant 1 : i32
    %while3A_81 = scf.for %while3A_143 = %while3A_77 to %while3A_73 step %while3A_80 iter_args(%while3A_144 = %while3A_79) -> (i32)  : i32 {
      %rem3A_145 = arith.constant 2 : i32
      %rem3A_146 = arith.remsi %while3A_143, %rem3A_145 : i32
      %dma_wait3A = arith.constant 0 : i32
      %dma_wait3A_147 = arith.constant 0 : i32
      %dma_wait3A_148 = tpu.memref_slice %arg8[%rem3A_146, %dma_wait3A, %dma_wait3A_147] : memref<2x128x128xf32, #tpu.memory_space<vmem>> -> memref<1x128x128xf32, #tpu.memory_space<vmem>>
      %dma_wait3A_149 = tpu.memref_squeeze %dma_wait3A_148 : memref<1x128x128xf32, #tpu.memory_space<vmem>> -> memref<128x128xf32, #tpu.memory_space<vmem>>
      %dma_wait3A_150 = arith.constant 0 : i32
      %dma_wait3A_151 = tpu.memref_slice %arg9[%while3A_143, %dma_wait3A_150] : memref<32x128xi32, #tpu.memory_space<vmem>> -> memref<1x128xi32, #tpu.memory_space<vmem>>
      %dma_wait3A_152 = tpu.memref_squeeze %dma_wait3A_151 : memref<1x128xi32, #tpu.memory_space<vmem>> -> memref<128xi32, #tpu.memory_space<vmem>>
      %dma_wait3A_153 = arith.constant 0 : i32
      %dma_wait3A_154 = arith.constant 0 : i32
      %dma_wait3A_155 = tpu.memref_slice %arg2[%dma_wait3A_153, %dma_wait3A_154] : memref<10240x128xf32, #tpu.memory_space<hbm>> -> memref<10240x128xf32, #tpu.memory_space<hbm>>
      tpu.wait_indirect_dma semaphore(%arg11 : memref<!tpu.dma_semaphore, #tpu.memory_space<semaphore_mem>>) src(%dma_wait3A_155 : memref<10240x128xf32, #tpu.memory_space<hbm>>) dst(%dma_wait3A_149 : memref<128x128xf32, #tpu.memory_space<vmem>>)
      %add3A_156 = arith.constant 1 : i32
      %add3A_157 = arith.addi %while3A_143, %add3A_156 : i32
      %lt3A = arith.cmpi slt, %add3A_157, %select_n3A_20 : i32
      %convert_element_type3A = arith.extui %lt3A : i1 to i32
      %cond3A = arith.constant 0 : i32
      %cond3A_158 = arith.cmpi ne, %convert_element_type3A, %cond3A : i32
      scf.if %cond3A_158 {
        %add3A_160 = arith.constant 1 : i32
        %add3A_161 = arith.addi %while3A_143, %add3A_160 : i32
        %sub3A_162 = arith.constant 1 : i32
        %sub3A_163 = arith.subi %sub3A_162, %rem3A_146 : i32
        %dma_start3A_164 = arith.constant 0 : i32
        %dma_start3A_165 = arith.constant 0 : i32
        %dma_start3A_166 = tpu.memref_slice %arg8[%sub3A_163, %dma_start3A_164, %dma_start3A_165] : memref<2x128x128xf32, #tpu.memory_space<vmem>> -> memref<1x128x128xf32, #tpu.memory_space<vmem>>
        %dma_start3A_167 = tpu.memref_squeeze %dma_start3A_166 : memref<1x128x128xf32, #tpu.memory_space<vmem>> -> memref<128x128xf32, #tpu.memory_space<vmem>>
        %dma_start3A_168 = arith.constant 0 : i32
        %dma_start3A_169 = tpu.memref_slice %arg9[%add3A_161, %dma_start3A_168] : memref<32x128xi32, #tpu.memory_space<vmem>> -> memref<1x128xi32, #tpu.memory_space<vmem>>
        %dma_start3A_170 = tpu.memref_squeeze %dma_start3A_169 : memref<1x128xi32, #tpu.memory_space<vmem>> -> memref<128xi32, #tpu.memory_space<vmem>>
        %dma_start3A_171 = arith.constant 0 : i32
        %dma_start3A_172 = arith.constant 0 : i32
        %dma_start3A_173 = tpu.memref_slice %arg2[%dma_start3A_171, %dma_start3A_172] : memref<10240x128xf32, #tpu.memory_space<hbm>> -> memref<10240x128xf32, #tpu.memory_space<hbm>>
        tpu.enqueue_indirect_dma source(%dma_start3A_173 : memref<10240x128xf32, #tpu.memory_space<hbm>>) target(%dma_start3A_167 : memref<128x128xf32, #tpu.memory_space<vmem>>) offsets(%dma_start3A_170 : memref<128xi32, #tpu.memory_space<vmem>>) semaphore(%arg11 : memref<!tpu.dma_semaphore, #tpu.memory_space<semaphore_mem>>)
      } else {
      }
      "tpu.region"() ({
        %run_scoped3A = tpu.sem_alloc : memref<!tpu.dma_semaphore, #tpu.memory_space<semaphore_mem>>
        %dma_start3A_160 = arith.constant 0 : i32
        %dma_start3A_161 = arith.constant 0 : i32
        %dma_start3A_162 = tpu.memref_slice %arg8[%rem3A_146, %dma_start3A_160, %dma_start3A_161] : memref<2x128x128xf32, #tpu.memory_space<vmem>> -> memref<1x128x128xf32, #tpu.memory_space<vmem>>
        %dma_start3A_163 = tpu.memref_squeeze %dma_start3A_162 : memref<1x128x128xf32, #tpu.memory_space<vmem>> -> memref<128x128xf32, #tpu.memory_space<vmem>>
        %dma_start3A_164 = arith.constant 0 : i32
        %dma_start3A_165 = tpu.memref_slice %arg10[%while3A_143, %dma_start3A_164] : memref<32x128xi32, #tpu.memory_space<vmem>> -> memref<1x128xi32, #tpu.memory_space<vmem>>
        %dma_start3A_166 = tpu.memref_squeeze %dma_start3A_165 : memref<1x128xi32, #tpu.memory_space<vmem>> -> memref<128xi32, #tpu.memory_space<vmem>>
        %dma_start3A_167 = arith.constant 0 : i32
        %dma_start3A_168 = arith.constant 0 : i32
        %dma_start3A_169 = tpu.memref_slice %arg7[%dma_start3A_167, %dma_start3A_168] : memref<10240x128xf32, #tpu.memory_space<vmem_shared>> -> memref<10240x128xf32, #tpu.memory_space<vmem_shared>>
        tpu.enqueue_indirect_dma source(%dma_start3A_163 : memref<128x128xf32, #tpu.memory_space<vmem>>) target(%dma_start3A_169 : memref<10240x128xf32, #tpu.memory_space<vmem_shared>>) offsets(%dma_start3A_166 : memref<128xi32, #tpu.memory_space<vmem>>) semaphore(%run_scoped3A : memref<!tpu.dma_semaphore, #tpu.memory_space<semaphore_mem>>) {add = true}
        %dma_wait3A_170 = arith.constant 0 : i32
        %dma_wait3A_171 = arith.constant 0 : i32
        %dma_wait3A_172 = tpu.memref_slice %arg8[%rem3A_146, %dma_wait3A_170, %dma_wait3A_171] : memref<2x128x128xf32, #tpu.memory_space<vmem>> -> memref<1x128x128xf32, #tpu.memory_space<vmem>>
        %dma_wait3A_173 = tpu.memref_squeeze %dma_wait3A_172 : memref<1x128x128xf32, #tpu.memory_space<vmem>> -> memref<128x128xf32, #tpu.memory_space<vmem>>
        %dma_wait3A_174 = arith.constant 0 : i32
        %dma_wait3A_175 = tpu.memref_slice %arg10[%while3A_143, %dma_wait3A_174] : memref<32x128xi32, #tpu.memory_space<vmem>> -> memref<1x128xi32, #tpu.memory_space<vmem>>
        %dma_wait3A_176 = tpu.memref_squeeze %dma_wait3A_175 : memref<1x128xi32, #tpu.memory_space<vmem>> -> memref<128xi32, #tpu.memory_space<vmem>>
        %dma_wait3A_177 = arith.constant 0 : i32
        %dma_wait3A_178 = arith.constant 0 : i32
        %dma_wait3A_179 = tpu.memref_slice %arg7[%dma_wait3A_177, %dma_wait3A_178] : memref<10240x128xf32, #tpu.memory_space<vmem_shared>> -> memref<10240x128xf32, #tpu.memory_space<vmem_shared>>
        tpu.wait_indirect_dma semaphore(%run_scoped3A : memref<!tpu.dma_semaphore, #tpu.memory_space<semaphore_mem>>) src(%dma_wait3A_173 : memref<128x128xf32, #tpu.memory_space<vmem>>) dst(%dma_wait3A_179 : memref<10240x128xf32, #tpu.memory_space<vmem_shared>>)
        tpu.yield
      }) : () -> ()
      %while3A_159 = arith.constant 0 : i32
      scf.yield %while3A_159 : i32
    }
    %mul3A_82 = arith.constant 2 : i32
    %mul3A_83 = arith.muli %mul3A_82, %select_n3A_20 : i32
    %add3A_84 = arith.addi %select_n3A_28, %mul3A_83 : i32
    %multiple_of3A_85 = tpu.assume_multiple %add3A_84, 8 : i32
    "tpu.region"() ({
      %run_scoped3A = tpu.sem_alloc : memref<!tpu.dma_semaphore, #tpu.memory_space<semaphore_mem>>
      %dma_start3A_143 = arith.constant 0 : i32
      %dma_start3A_144 = tpu.memref_slice %arg3[%multiple_of3A_85, %dma_start3A_143] : memref<2624x128xi32, #tpu.memory_space<hbm>> -> memref<32x128xi32, #tpu.memory_space<hbm>>
      %dma_start3A_145 = arith.constant 0 : i32
      %dma_start3A_146 = tpu.memref_slice %arg3[%multiple_of3A_85, %dma_start3A_145] : memref<2624x128xi32, #tpu.memory_space<hbm>> -> memref<32x128xi32, #tpu.memory_space<hbm>>
      tpu.enqueue_dma source(%dma_start3A_146 : memref<32x128xi32, #tpu.memory_space<hbm>>) target(%arg9 : memref<32x128xi32, #tpu.memory_space<vmem>>) target_semaphore(%run_scoped3A : memref<!tpu.dma_semaphore, #tpu.memory_space<semaphore_mem>>)
      %dma_wait3A = arith.constant 0 : i32
      %dma_wait3A_147 = tpu.memref_slice %arg3[%multiple_of3A_85, %dma_wait3A] : memref<2624x128xi32, #tpu.memory_space<hbm>> -> memref<32x128xi32, #tpu.memory_space<hbm>>
      %dma_wait3A_148 = arith.constant 0 : i32
      %dma_wait3A_149 = tpu.memref_slice %arg3[%multiple_of3A_85, %dma_wait3A_148] : memref<2624x128xi32, #tpu.memory_space<hbm>> -> memref<32x128xi32, #tpu.memory_space<hbm>>
      tpu.wait_dma2 semaphore(%run_scoped3A : memref<!tpu.dma_semaphore, #tpu.memory_space<semaphore_mem>>) src(%dma_wait3A_149 : memref<32x128xi32, #tpu.memory_space<hbm>>) dst(%arg9 : memref<32x128xi32, #tpu.memory_space<vmem>>)
      tpu.yield
    }) : () -> ()
    "tpu.region"() ({
      %run_scoped3A = tpu.sem_alloc : memref<!tpu.dma_semaphore, #tpu.memory_space<semaphore_mem>>
      %dma_start3A_143 = arith.constant 0 : i32
      %dma_start3A_144 = tpu.memref_slice %arg4[%multiple_of3A_85, %dma_start3A_143] : memref<2624x128xi32, #tpu.memory_space<hbm>> -> memref<32x128xi32, #tpu.memory_space<hbm>>
      %dma_start3A_145 = arith.constant 0 : i32
      %dma_start3A_146 = tpu.memref_slice %arg4[%multiple_of3A_85, %dma_start3A_145] : memref<2624x128xi32, #tpu.memory_space<hbm>> -> memref<32x128xi32, #tpu.memory_space<hbm>>
      tpu.enqueue_dma source(%dma_start3A_146 : memref<32x128xi32, #tpu.memory_space<hbm>>) target(%arg10 : memref<32x128xi32, #tpu.memory_space<vmem>>) target_semaphore(%run_scoped3A : memref<!tpu.dma_semaphore, #tpu.memory_space<semaphore_mem>>)
      %dma_wait3A = arith.constant 0 : i32
      %dma_wait3A_147 = tpu.memref_slice %arg4[%multiple_of3A_85, %dma_wait3A] : memref<2624x128xi32, #tpu.memory_space<hbm>> -> memref<32x128xi32, #tpu.memory_space<hbm>>
      %dma_wait3A_148 = arith.constant 0 : i32
      %dma_wait3A_149 = tpu.memref_slice %arg4[%multiple_of3A_85, %dma_wait3A_148] : memref<2624x128xi32, #tpu.memory_space<hbm>> -> memref<32x128xi32, #tpu.memory_space<hbm>>
      tpu.wait_dma2 semaphore(%run_scoped3A : memref<!tpu.dma_semaphore, #tpu.memory_space<semaphore_mem>>) src(%dma_wait3A_149 : memref<32x128xi32, #tpu.memory_space<hbm>>) dst(%arg10 : memref<32x128xi32, #tpu.memory_space<vmem>>)
      tpu.yield
    }) : () -> ()
    %dma_start3A_86 = arith.constant 0 : i32
    %dma_start3A_87 = arith.constant 0 : i32
    %dma_start3A_88 = arith.constant 0 : i32
    %dma_start3A_89 = arith.constant 0 : i32
    %dma_start3A_90 = tpu.memref_slice %arg8[%dma_start3A_87, %dma_start3A_88, %dma_start3A_89] : memref<2x128x128xf32, #tpu.memory_space<vmem>> -> memref<1x128x128xf32, #tpu.memory_space<vmem>>
    %dma_start3A_91 = tpu.memref_squeeze %dma_start3A_90 : memref<1x128x128xf32, #tpu.memory_space<vmem>> -> memref<128x128xf32, #tpu.memory_space<vmem>>
    %dma_start3A_92 = arith.constant 0 : i32
    %dma_start3A_93 = tpu.memref_slice %arg9[%dma_start3A_86, %dma_start3A_92] : memref<32x128xi32, #tpu.memory_space<vmem>> -> memref<1x128xi32, #tpu.memory_space<vmem>>
    %dma_start3A_94 = tpu.memref_squeeze %dma_start3A_93 : memref<1x128xi32, #tpu.memory_space<vmem>> -> memref<128xi32, #tpu.memory_space<vmem>>
    %dma_start3A_95 = arith.constant 0 : i32
    %dma_start3A_96 = arith.constant 0 : i32
    %dma_start3A_97 = tpu.memref_slice %arg2[%dma_start3A_95, %dma_start3A_96] : memref<10240x128xf32, #tpu.memory_space<hbm>> -> memref<10240x128xf32, #tpu.memory_space<hbm>>
    tpu.enqueue_indirect_dma source(%dma_start3A_97 : memref<10240x128xf32, #tpu.memory_space<hbm>>) target(%dma_start3A_91 : memref<128x128xf32, #tpu.memory_space<vmem>>) offsets(%dma_start3A_94 : memref<128xi32, #tpu.memory_space<vmem>>) semaphore(%arg11 : memref<!tpu.dma_semaphore, #tpu.memory_space<semaphore_mem>>)
    %while3A_98 = arith.constant 0 : i32
    %while3A_99 = arith.constant 0 : i32
    %while3A_100 = arith.subi %select_n3A_20, %while3A_98 : i32
    %while3A_101 = arith.addi %while3A_98, %while3A_100 : i32
    %while3A_102 = arith.constant 1 : i32
    %while3A_103 = arith.divsi %while3A_100, %while3A_102 : i32
    %while3A_104 = arith.muli %while3A_103, %while3A_102 : i32
    %while3A_105 = arith.addi %while3A_98, %while3A_104 : i32
    %while3A_106 = arith.constant 1 : i32
    %while3A_107 = scf.for %while3A_143 = %while3A_98 to %while3A_105 step %while3A_106 iter_args(%while3A_144 = %while3A_99) -> (i32)  : i32 {
      %rem3A_145 = arith.constant 2 : i32
      %rem3A_146 = arith.remsi %while3A_143, %rem3A_145 : i32
      %dma_wait3A = arith.constant 0 : i32
      %dma_wait3A_147 = arith.constant 0 : i32
      %dma_wait3A_148 = tpu.memref_slice %arg8[%rem3A_146, %dma_wait3A, %dma_wait3A_147] : memref<2x128x128xf32, #tpu.memory_space<vmem>> -> memref<1x128x128xf32, #tpu.memory_space<vmem>>
      %dma_wait3A_149 = tpu.memref_squeeze %dma_wait3A_148 : memref<1x128x128xf32, #tpu.memory_space<vmem>> -> memref<128x128xf32, #tpu.memory_space<vmem>>
      %dma_wait3A_150 = arith.constant 0 : i32
      %dma_wait3A_151 = tpu.memref_slice %arg9[%while3A_143, %dma_wait3A_150] : memref<32x128xi32, #tpu.memory_space<vmem>> -> memref<1x128xi32, #tpu.memory_space<vmem>>
      %dma_wait3A_152 = tpu.memref_squeeze %dma_wait3A_151 : memref<1x128xi32, #tpu.memory_space<vmem>> -> memref<128xi32, #tpu.memory_space<vmem>>
      %dma_wait3A_153 = arith.constant 0 : i32
      %dma_wait3A_154 = arith.constant 0 : i32
      %dma_wait3A_155 = tpu.memref_slice %arg2[%dma_wait3A_153, %dma_wait3A_154] : memref<10240x128xf32, #tpu.memory_space<hbm>> -> memref<10240x128xf32, #tpu.memory_space<hbm>>
      tpu.wait_indirect_dma semaphore(%arg11 : memref<!tpu.dma_semaphore, #tpu.memory_space<semaphore_mem>>) src(%dma_wait3A_155 : memref<10240x128xf32, #tpu.memory_space<hbm>>) dst(%dma_wait3A_149 : memref<128x128xf32, #tpu.memory_space<vmem>>)
      %add3A_156 = arith.constant 1 : i32
      %add3A_157 = arith.addi %while3A_143, %add3A_156 : i32
      %lt3A = arith.cmpi slt, %add3A_157, %select_n3A_20 : i32
      %convert_element_type3A = arith.extui %lt3A : i1 to i32
      %cond3A = arith.constant 0 : i32
      %cond3A_158 = arith.cmpi ne, %convert_element_type3A, %cond3A : i32
      scf.if %cond3A_158 {
        %add3A_160 = arith.constant 1 : i32
        %add3A_161 = arith.addi %while3A_143, %add3A_160 : i32
        %sub3A_162 = arith.constant 1 : i32
        %sub3A_163 = arith.subi %sub3A_162, %rem3A_146 : i32
        %dma_start3A_164 = arith.constant 0 : i32
        %dma_start3A_165 = arith.constant 0 : i32
        %dma_start3A_166 = tpu.memref_slice %arg8[%sub3A_163, %dma_start3A_164, %dma_start3A_165] : memref<2x128x128xf32, #tpu.memory_space<vmem>> -> memref<1x128x128xf32, #tpu.memory_space<vmem>>
        %dma_start3A_167 = tpu.memref_squeeze %dma_start3A_166 : memref<1x128x128xf32, #tpu.memory_space<vmem>> -> memref<128x128xf32, #tpu.memory_space<vmem>>
        %dma_start3A_168 = arith.constant 0 : i32
        %dma_start3A_169 = tpu.memref_slice %arg9[%add3A_161, %dma_start3A_168] : memref<32x128xi32, #tpu.memory_space<vmem>> -> memref<1x128xi32, #tpu.memory_space<vmem>>
        %dma_start3A_170 = tpu.memref_squeeze %dma_start3A_169 : memref<1x128xi32, #tpu.memory_space<vmem>> -> memref<128xi32, #tpu.memory_space<vmem>>
        %dma_start3A_171 = arith.constant 0 : i32
        %dma_start3A_172 = arith.constant 0 : i32
        %dma_start3A_173 = tpu.memref_slice %arg2[%dma_start3A_171, %dma_start3A_172] : memref<10240x128xf32, #tpu.memory_space<hbm>> -> memref<10240x128xf32, #tpu.memory_space<hbm>>
        tpu.enqueue_indirect_dma source(%dma_start3A_173 : memref<10240x128xf32, #tpu.memory_space<hbm>>) target(%dma_start3A_167 : memref<128x128xf32, #tpu.memory_space<vmem>>) offsets(%dma_start3A_170 : memref<128xi32, #tpu.memory_space<vmem>>) semaphore(%arg11 : memref<!tpu.dma_semaphore, #tpu.memory_space<semaphore_mem>>)
      } else {
      }
      "tpu.region"() ({
        %run_scoped3A = tpu.sem_alloc : memref<!tpu.dma_semaphore, #tpu.memory_space<semaphore_mem>>
        %dma_start3A_160 = arith.constant 0 : i32
        %dma_start3A_161 = arith.constant 0 : i32
        %dma_start3A_162 = tpu.memref_slice %arg8[%rem3A_146, %dma_start3A_160, %dma_start3A_161] : memref<2x128x128xf32, #tpu.memory_space<vmem>> -> memref<1x128x128xf32, #tpu.memory_space<vmem>>
        %dma_start3A_163 = tpu.memref_squeeze %dma_start3A_162 : memref<1x128x128xf32, #tpu.memory_space<vmem>> -> memref<128x128xf32, #tpu.memory_space<vmem>>
        %dma_start3A_164 = arith.constant 0 : i32
        %dma_start3A_165 = tpu.memref_slice %arg10[%while3A_143, %dma_start3A_164] : memref<32x128xi32, #tpu.memory_space<vmem>> -> memref<1x128xi32, #tpu.memory_space<vmem>>
        %dma_start3A_166 = tpu.memref_squeeze %dma_start3A_165 : memref<1x128xi32, #tpu.memory_space<vmem>> -> memref<128xi32, #tpu.memory_space<vmem>>
        %dma_start3A_167 = arith.constant 0 : i32
        %dma_start3A_168 = arith.constant 0 : i32
        %dma_start3A_169 = tpu.memref_slice %arg7[%dma_start3A_167, %dma_start3A_168] : memref<10240x128xf32, #tpu.memory_space<vmem_shared>> -> memref<10240x128xf32, #tpu.memory_space<vmem_shared>>
        tpu.enqueue_indirect_dma source(%dma_start3A_163 : memref<128x128xf32, #tpu.memory_space<vmem>>) target(%dma_start3A_169 : memref<10240x128xf32, #tpu.memory_space<vmem_shared>>) offsets(%dma_start3A_166 : memref<128xi32, #tpu.memory_space<vmem>>) semaphore(%run_scoped3A : memref<!tpu.dma_semaphore, #tpu.memory_space<semaphore_mem>>) {add = true}
        %dma_wait3A_170 = arith.constant 0 : i32
        %dma_wait3A_171 = arith.constant 0 : i32
        %dma_wait3A_172 = tpu.memref_slice %arg8[%rem3A_146, %dma_wait3A_170, %dma_wait3A_171] : memref<2x128x128xf32, #tpu.memory_space<vmem>> -> memref<1x128x128xf32, #tpu.memory_space<vmem>>
        %dma_wait3A_173 = tpu.memref_squeeze %dma_wait3A_172 : memref<1x128x128xf32, #tpu.memory_space<vmem>> -> memref<128x128xf32, #tpu.memory_space<vmem>>
        %dma_wait3A_174 = arith.constant 0 : i32
        %dma_wait3A_175 = tpu.memref_slice %arg10[%while3A_143, %dma_wait3A_174] : memref<32x128xi32, #tpu.memory_space<vmem>> -> memref<1x128xi32, #tpu.memory_space<vmem>>
        %dma_wait3A_176 = tpu.memref_squeeze %dma_wait3A_175 : memref<1x128xi32, #tpu.memory_space<vmem>> -> memref<128xi32, #tpu.memory_space<vmem>>
        %dma_wait3A_177 = arith.constant 0 : i32
        %dma_wait3A_178 = arith.constant 0 : i32
        %dma_wait3A_179 = tpu.memref_slice %arg7[%dma_wait3A_177, %dma_wait3A_178] : memref<10240x128xf32, #tpu.memory_space<vmem_shared>> -> memref<10240x128xf32, #tpu.memory_space<vmem_shared>>
        tpu.wait_indirect_dma semaphore(%run_scoped3A : memref<!tpu.dma_semaphore, #tpu.memory_space<semaphore_mem>>) src(%dma_wait3A_173 : memref<128x128xf32, #tpu.memory_space<vmem>>) dst(%dma_wait3A_179 : memref<10240x128xf32, #tpu.memory_space<vmem_shared>>)
        tpu.yield
      }) : () -> ()
      %while3A_159 = arith.constant 0 : i32
      scf.yield %while3A_159 : i32
    }
    %while3A_108 = arith.constant 1 : i32
    %while3A_109 = scf.for %while3A_143 = %while3A_105 to %while3A_101 step %while3A_108 iter_args(%while3A_144 = %while3A_107) -> (i32)  : i32 {
      %rem3A_145 = arith.constant 2 : i32
      %rem3A_146 = arith.remsi %while3A_143, %rem3A_145 : i32
      %dma_wait3A = arith.constant 0 : i32
      %dma_wait3A_147 = arith.constant 0 : i32
      %dma_wait3A_148 = tpu.memref_slice %arg8[%rem3A_146, %dma_wait3A, %dma_wait3A_147] : memref<2x128x128xf32, #tpu.memory_space<vmem>> -> memref<1x128x128xf32, #tpu.memory_space<vmem>>
      %dma_wait3A_149 = tpu.memref_squeeze %dma_wait3A_148 : memref<1x128x128xf32, #tpu.memory_space<vmem>> -> memref<128x128xf32, #tpu.memory_space<vmem>>
      %dma_wait3A_150 = arith.constant 0 : i32
      %dma_wait3A_151 = tpu.memref_slice %arg9[%while3A_143, %dma_wait3A_150] : memref<32x128xi32, #tpu.memory_space<vmem>> -> memref<1x128xi32, #tpu.memory_space<vmem>>
      %dma_wait3A_152 = tpu.memref_squeeze %dma_wait3A_151 : memref<1x128xi32, #tpu.memory_space<vmem>> -> memref<128xi32, #tpu.memory_space<vmem>>
      %dma_wait3A_153 = arith.constant 0 : i32
      %dma_wait3A_154 = arith.constant 0 : i32
      %dma_wait3A_155 = tpu.memref_slice %arg2[%dma_wait3A_153, %dma_wait3A_154] : memref<10240x128xf32, #tpu.memory_space<hbm>> -> memref<10240x128xf32, #tpu.memory_space<hbm>>
      tpu.wait_indirect_dma semaphore(%arg11 : memref<!tpu.dma_semaphore, #tpu.memory_space<semaphore_mem>>) src(%dma_wait3A_155 : memref<10240x128xf32, #tpu.memory_space<hbm>>) dst(%dma_wait3A_149 : memref<128x128xf32, #tpu.memory_space<vmem>>)
      %add3A_156 = arith.constant 1 : i32
      %add3A_157 = arith.addi %while3A_143, %add3A_156 : i32
      %lt3A = arith.cmpi slt, %add3A_157, %select_n3A_20 : i32
      %convert_element_type3A = arith.extui %lt3A : i1 to i32
      %cond3A = arith.constant 0 : i32
      %cond3A_158 = arith.cmpi ne, %convert_element_type3A, %cond3A : i32
      scf.if %cond3A_158 {
        %add3A_160 = arith.constant 1 : i32
        %add3A_161 = arith.addi %while3A_143, %add3A_160 : i32
        %sub3A_162 = arith.constant 1 : i32
        %sub3A_163 = arith.subi %sub3A_162, %rem3A_146 : i32
        %dma_start3A_164 = arith.constant 0 : i32
        %dma_start3A_165 = arith.constant 0 : i32
        %dma_start3A_166 = tpu.memref_slice %arg8[%sub3A_163, %dma_start3A_164, %dma_start3A_165] : memref<2x128x128xf32, #tpu.memory_space<vmem>> -> memref<1x128x128xf32, #tpu.memory_space<vmem>>
        %dma_start3A_167 = tpu.memref_squeeze %dma_start3A_166 : memref<1x128x128xf32, #tpu.memory_space<vmem>> -> memref<128x128xf32, #tpu.memory_space<vmem>>
        %dma_start3A_168 = arith.constant 0 : i32
        %dma_start3A_169 = tpu.memref_slice %arg9[%add3A_161, %dma_start3A_168] : memref<32x128xi32, #tpu.memory_space<vmem>> -> memref<1x128xi32, #tpu.memory_space<vmem>>
        %dma_start3A_170 = tpu.memref_squeeze %dma_start3A_169 : memref<1x128xi32, #tpu.memory_space<vmem>> -> memref<128xi32, #tpu.memory_space<vmem>>
        %dma_start3A_171 = arith.constant 0 : i32
        %dma_start3A_172 = arith.constant 0 : i32
        %dma_start3A_173 = tpu.memref_slice %arg2[%dma_start3A_171, %dma_start3A_172] : memref<10240x128xf32, #tpu.memory_space<hbm>> -> memref<10240x128xf32, #tpu.memory_space<hbm>>
        tpu.enqueue_indirect_dma source(%dma_start3A_173 : memref<10240x128xf32, #tpu.memory_space<hbm>>) target(%dma_start3A_167 : memref<128x128xf32, #tpu.memory_space<vmem>>) offsets(%dma_start3A_170 : memref<128xi32, #tpu.memory_space<vmem>>) semaphore(%arg11 : memref<!tpu.dma_semaphore, #tpu.memory_space<semaphore_mem>>)
      } else {
      }
      "tpu.region"() ({
        %run_scoped3A = tpu.sem_alloc : memref<!tpu.dma_semaphore, #tpu.memory_space<semaphore_mem>>
        %dma_start3A_160 = arith.constant 0 : i32
        %dma_start3A_161 = arith.constant 0 : i32
        %dma_start3A_162 = tpu.memref_slice %arg8[%rem3A_146, %dma_start3A_160, %dma_start3A_161] : memref<2x128x128xf32, #tpu.memory_space<vmem>> -> memref<1x128x128xf32, #tpu.memory_space<vmem>>
        %dma_start3A_163 = tpu.memref_squeeze %dma_start3A_162 : memref<1x128x128xf32, #tpu.memory_space<vmem>> -> memref<128x128xf32, #tpu.memory_space<vmem>>
        %dma_start3A_164 = arith.constant 0 : i32
        %dma_start3A_165 = tpu.memref_slice %arg10[%while3A_143, %dma_start3A_164] : memref<32x128xi32, #tpu.memory_space<vmem>> -> memref<1x128xi32, #tpu.memory_space<vmem>>
        %dma_start3A_166 = tpu.memref_squeeze %dma_start3A_165 : memref<1x128xi32, #tpu.memory_space<vmem>> -> memref<128xi32, #tpu.memory_space<vmem>>
        %dma_start3A_167 = arith.constant 0 : i32
        %dma_start3A_168 = arith.constant 0 : i32
        %dma_start3A_169 = tpu.memref_slice %arg7[%dma_start3A_167, %dma_start3A_168] : memref<10240x128xf32, #tpu.memory_space<vmem_shared>> -> memref<10240x128xf32, #tpu.memory_space<vmem_shared>>
        tpu.enqueue_indirect_dma source(%dma_start3A_163 : memref<128x128xf32, #tpu.memory_space<vmem>>) target(%dma_start3A_169 : memref<10240x128xf32, #tpu.memory_space<vmem_shared>>) offsets(%dma_start3A_166 : memref<128xi32, #tpu.memory_space<vmem>>) semaphore(%run_scoped3A : memref<!tpu.dma_semaphore, #tpu.memory_space<semaphore_mem>>) {add = true}
        %dma_wait3A_170 = arith.constant 0 : i32
        %dma_wait3A_171 = arith.constant 0 : i32
        %dma_wait3A_172 = tpu.memref_slice %arg8[%rem3A_146, %dma_wait3A_170, %dma_wait3A_171] : memref<2x128x128xf32, #tpu.memory_space<vmem>> -> memref<1x128x128xf32, #tpu.memory_space<vmem>>
        %dma_wait3A_173 = tpu.memref_squeeze %dma_wait3A_172 : memref<1x128x128xf32, #tpu.memory_space<vmem>> -> memref<128x128xf32, #tpu.memory_space<vmem>>
        %dma_wait3A_174 = arith.constant 0 : i32
        %dma_wait3A_175 = tpu.memref_slice %arg10[%while3A_143, %dma_wait3A_174] : memref<32x128xi32, #tpu.memory_space<vmem>> -> memref<1x128xi32, #tpu.memory_space<vmem>>
        %dma_wait3A_176 = tpu.memref_squeeze %dma_wait3A_175 : memref<1x128xi32, #tpu.memory_space<vmem>> -> memref<128xi32, #tpu.memory_space<vmem>>
        %dma_wait3A_177 = arith.constant 0 : i32
        %dma_wait3A_178 = arith.constant 0 : i32
        %dma_wait3A_179 = tpu.memref_slice %arg7[%dma_wait3A_177, %dma_wait3A_178] : memref<10240x128xf32, #tpu.memory_space<vmem_shared>> -> memref<10240x128xf32, #tpu.memory_space<vmem_shared>>
        tpu.wait_indirect_dma semaphore(%run_scoped3A : memref<!tpu.dma_semaphore, #tpu.memory_space<semaphore_mem>>) src(%dma_wait3A_173 : memref<128x128xf32, #tpu.memory_space<vmem>>) dst(%dma_wait3A_179 : memref<10240x128xf32, #tpu.memory_space<vmem_shared>>)
        tpu.yield
      }) : () -> ()
      %while3A_159 = arith.constant 0 : i32
      scf.yield %while3A_159 : i32
    }
    %mul3A_110 = arith.constant 3 : i32
    %mul3A_111 = arith.muli %mul3A_110, %select_n3A_20 : i32
    %add3A_112 = arith.addi %select_n3A_28, %mul3A_111 : i32
    %multiple_of3A_113 = tpu.assume_multiple %add3A_112, 8 : i32
    "tpu.region"() ({
      %run_scoped3A = tpu.sem_alloc : memref<!tpu.dma_semaphore, #tpu.memory_space<semaphore_mem>>
      %dma_start3A_143 = arith.constant 0 : i32
      %dma_start3A_144 = tpu.memref_slice %arg3[%multiple_of3A_113, %dma_start3A_143] : memref<2624x128xi32, #tpu.memory_space<hbm>> -> memref<32x128xi32, #tpu.memory_space<hbm>>
      %dma_start3A_145 = arith.constant 0 : i32
      %dma_start3A_146 = tpu.memref_slice %arg3[%multiple_of3A_113, %dma_start3A_145] : memref<2624x128xi32, #tpu.memory_space<hbm>> -> memref<32x128xi32, #tpu.memory_space<hbm>>
      tpu.enqueue_dma source(%dma_start3A_146 : memref<32x128xi32, #tpu.memory_space<hbm>>) target(%arg9 : memref<32x128xi32, #tpu.memory_space<vmem>>) target_semaphore(%run_scoped3A : memref<!tpu.dma_semaphore, #tpu.memory_space<semaphore_mem>>)
      %dma_wait3A = arith.constant 0 : i32
      %dma_wait3A_147 = tpu.memref_slice %arg3[%multiple_of3A_113, %dma_wait3A] : memref<2624x128xi32, #tpu.memory_space<hbm>> -> memref<32x128xi32, #tpu.memory_space<hbm>>
      %dma_wait3A_148 = arith.constant 0 : i32
      %dma_wait3A_149 = tpu.memref_slice %arg3[%multiple_of3A_113, %dma_wait3A_148] : memref<2624x128xi32, #tpu.memory_space<hbm>> -> memref<32x128xi32, #tpu.memory_space<hbm>>
      tpu.wait_dma2 semaphore(%run_scoped3A : memref<!tpu.dma_semaphore, #tpu.memory_space<semaphore_mem>>) src(%dma_wait3A_149 : memref<32x128xi32, #tpu.memory_space<hbm>>) dst(%arg9 : memref<32x128xi32, #tpu.memory_space<vmem>>)
      tpu.yield
    }) : () -> ()
    "tpu.region"() ({
      %run_scoped3A = tpu.sem_alloc : memref<!tpu.dma_semaphore, #tpu.memory_space<semaphore_mem>>
      %dma_start3A_143 = arith.constant 0 : i32
      %dma_start3A_144 = tpu.memref_slice %arg4[%multiple_of3A_113, %dma_start3A_143] : memref<2624x128xi32, #tpu.memory_space<hbm>> -> memref<32x128xi32, #tpu.memory_space<hbm>>
      %dma_start3A_145 = arith.constant 0 : i32
      %dma_start3A_146 = tpu.memref_slice %arg4[%multiple_of3A_113, %dma_start3A_145] : memref<2624x128xi32, #tpu.memory_space<hbm>> -> memref<32x128xi32, #tpu.memory_space<hbm>>
      tpu.enqueue_dma source(%dma_start3A_146 : memref<32x128xi32, #tpu.memory_space<hbm>>) target(%arg10 : memref<32x128xi32, #tpu.memory_space<vmem>>) target_semaphore(%run_scoped3A : memref<!tpu.dma_semaphore, #tpu.memory_space<semaphore_mem>>)
      %dma_wait3A = arith.constant 0 : i32
      %dma_wait3A_147 = tpu.memref_slice %arg4[%multiple_of3A_113, %dma_wait3A] : memref<2624x128xi32, #tpu.memory_space<hbm>> -> memref<32x128xi32, #tpu.memory_space<hbm>>
      %dma_wait3A_148 = arith.constant 0 : i32
      %dma_wait3A_149 = tpu.memref_slice %arg4[%multiple_of3A_113, %dma_wait3A_148] : memref<2624x128xi32, #tpu.memory_space<hbm>> -> memref<32x128xi32, #tpu.memory_space<hbm>>
      tpu.wait_dma2 semaphore(%run_scoped3A : memref<!tpu.dma_semaphore, #tpu.memory_space<semaphore_mem>>) src(%dma_wait3A_149 : memref<32x128xi32, #tpu.memory_space<hbm>>) dst(%arg10 : memref<32x128xi32, #tpu.memory_space<vmem>>)
      tpu.yield
    }) : () -> ()
    %dma_start3A_114 = arith.constant 0 : i32
    %dma_start3A_115 = arith.constant 0 : i32
    %dma_start3A_116 = arith.constant 0 : i32
    %dma_start3A_117 = arith.constant 0 : i32
    %dma_start3A_118 = tpu.memref_slice %arg8[%dma_start3A_115, %dma_start3A_116, %dma_start3A_117] : memref<2x128x128xf32, #tpu.memory_space<vmem>> -> memref<1x128x128xf32, #tpu.memory_space<vmem>>
    %dma_start3A_119 = tpu.memref_squeeze %dma_start3A_118 : memref<1x128x128xf32, #tpu.memory_space<vmem>> -> memref<128x128xf32, #tpu.memory_space<vmem>>
    %dma_start3A_120 = arith.constant 0 : i32
    %dma_start3A_121 = tpu.memref_slice %arg9[%dma_start3A_114, %dma_start3A_120] : memref<32x128xi32, #tpu.memory_space<vmem>> -> memref<1x128xi32, #tpu.memory_space<vmem>>
    %dma_start3A_122 = tpu.memref_squeeze %dma_start3A_121 : memref<1x128xi32, #tpu.memory_space<vmem>> -> memref<128xi32, #tpu.memory_space<vmem>>
    %dma_start3A_123 = arith.constant 0 : i32
    %dma_start3A_124 = arith.constant 0 : i32
    %dma_start3A_125 = tpu.memref_slice %arg2[%dma_start3A_123, %dma_start3A_124] : memref<10240x128xf32, #tpu.memory_space<hbm>> -> memref<10240x128xf32, #tpu.memory_space<hbm>>
    tpu.enqueue_indirect_dma source(%dma_start3A_125 : memref<10240x128xf32, #tpu.memory_space<hbm>>) target(%dma_start3A_119 : memref<128x128xf32, #tpu.memory_space<vmem>>) offsets(%dma_start3A_122 : memref<128xi32, #tpu.memory_space<vmem>>) semaphore(%arg11 : memref<!tpu.dma_semaphore, #tpu.memory_space<semaphore_mem>>)
    %while3A_126 = arith.constant 0 : i32
    %while3A_127 = arith.constant 0 : i32
    %while3A_128 = arith.subi %select_n3A_20, %while3A_126 : i32
    %while3A_129 = arith.addi %while3A_126, %while3A_128 : i32
    %while3A_130 = arith.constant 1 : i32
    %while3A_131 = arith.divsi %while3A_128, %while3A_130 : i32
    %while3A_132 = arith.muli %while3A_131, %while3A_130 : i32
    %while3A_133 = arith.addi %while3A_126, %while3A_132 : i32
    %while3A_134 = arith.constant 1 : i32
    %while3A_135 = scf.for %while3A_143 = %while3A_126 to %while3A_133 step %while3A_134 iter_args(%while3A_144 = %while3A_127) -> (i32)  : i32 {
      %rem3A_145 = arith.constant 2 : i32
      %rem3A_146 = arith.remsi %while3A_143, %rem3A_145 : i32
      %dma_wait3A = arith.constant 0 : i32
      %dma_wait3A_147 = arith.constant 0 : i32
      %dma_wait3A_148 = tpu.memref_slice %arg8[%rem3A_146, %dma_wait3A, %dma_wait3A_147] : memref<2x128x128xf32, #tpu.memory_space<vmem>> -> memref<1x128x128xf32, #tpu.memory_space<vmem>>
      %dma_wait3A_149 = tpu.memref_squeeze %dma_wait3A_148 : memref<1x128x128xf32, #tpu.memory_space<vmem>> -> memref<128x128xf32, #tpu.memory_space<vmem>>
      %dma_wait3A_150 = arith.constant 0 : i32
      %dma_wait3A_151 = tpu.memref_slice %arg9[%while3A_143, %dma_wait3A_150] : memref<32x128xi32, #tpu.memory_space<vmem>> -> memref<1x128xi32, #tpu.memory_space<vmem>>
      %dma_wait3A_152 = tpu.memref_squeeze %dma_wait3A_151 : memref<1x128xi32, #tpu.memory_space<vmem>> -> memref<128xi32, #tpu.memory_space<vmem>>
      %dma_wait3A_153 = arith.constant 0 : i32
      %dma_wait3A_154 = arith.constant 0 : i32
      %dma_wait3A_155 = tpu.memref_slice %arg2[%dma_wait3A_153, %dma_wait3A_154] : memref<10240x128xf32, #tpu.memory_space<hbm>> -> memref<10240x128xf32, #tpu.memory_space<hbm>>
      tpu.wait_indirect_dma semaphore(%arg11 : memref<!tpu.dma_semaphore, #tpu.memory_space<semaphore_mem>>) src(%dma_wait3A_155 : memref<10240x128xf32, #tpu.memory_space<hbm>>) dst(%dma_wait3A_149 : memref<128x128xf32, #tpu.memory_space<vmem>>)
      %add3A_156 = arith.constant 1 : i32
      %add3A_157 = arith.addi %while3A_143, %add3A_156 : i32
      %lt3A = arith.cmpi slt, %add3A_157, %select_n3A_20 : i32
      %convert_element_type3A = arith.extui %lt3A : i1 to i32
      %cond3A = arith.constant 0 : i32
      %cond3A_158 = arith.cmpi ne, %convert_element_type3A, %cond3A : i32
      scf.if %cond3A_158 {
        %add3A_160 = arith.constant 1 : i32
        %add3A_161 = arith.addi %while3A_143, %add3A_160 : i32
        %sub3A_162 = arith.constant 1 : i32
        %sub3A_163 = arith.subi %sub3A_162, %rem3A_146 : i32
        %dma_start3A_164 = arith.constant 0 : i32
        %dma_start3A_165 = arith.constant 0 : i32
        %dma_start3A_166 = tpu.memref_slice %arg8[%sub3A_163, %dma_start3A_164, %dma_start3A_165] : memref<2x128x128xf32, #tpu.memory_space<vmem>> -> memref<1x128x128xf32, #tpu.memory_space<vmem>>
        %dma_start3A_167 = tpu.memref_squeeze %dma_start3A_166 : memref<1x128x128xf32, #tpu.memory_space<vmem>> -> memref<128x128xf32, #tpu.memory_space<vmem>>
        %dma_start3A_168 = arith.constant 0 : i32
        %dma_start3A_169 = tpu.memref_slice %arg9[%add3A_161, %dma_start3A_168] : memref<32x128xi32, #tpu.memory_space<vmem>> -> memref<1x128xi32, #tpu.memory_space<vmem>>
        %dma_start3A_170 = tpu.memref_squeeze %dma_start3A_169 : memref<1x128xi32, #tpu.memory_space<vmem>> -> memref<128xi32, #tpu.memory_space<vmem>>
        %dma_start3A_171 = arith.constant 0 : i32
        %dma_start3A_172 = arith.constant 0 : i32
        %dma_start3A_173 = tpu.memref_slice %arg2[%dma_start3A_171, %dma_start3A_172] : memref<10240x128xf32, #tpu.memory_space<hbm>> -> memref<10240x128xf32, #tpu.memory_space<hbm>>
        tpu.enqueue_indirect_dma source(%dma_start3A_173 : memref<10240x128xf32, #tpu.memory_space<hbm>>) target(%dma_start3A_167 : memref<128x128xf32, #tpu.memory_space<vmem>>) offsets(%dma_start3A_170 : memref<128xi32, #tpu.memory_space<vmem>>) semaphore(%arg11 : memref<!tpu.dma_semaphore, #tpu.memory_space<semaphore_mem>>)
      } else {
      }
      "tpu.region"() ({
        %run_scoped3A = tpu.sem_alloc : memref<!tpu.dma_semaphore, #tpu.memory_space<semaphore_mem>>
        %dma_start3A_160 = arith.constant 0 : i32
        %dma_start3A_161 = arith.constant 0 : i32
        %dma_start3A_162 = tpu.memref_slice %arg8[%rem3A_146, %dma_start3A_160, %dma_start3A_161] : memref<2x128x128xf32, #tpu.memory_space<vmem>> -> memref<1x128x128xf32, #tpu.memory_space<vmem>>
        %dma_start3A_163 = tpu.memref_squeeze %dma_start3A_162 : memref<1x128x128xf32, #tpu.memory_space<vmem>> -> memref<128x128xf32, #tpu.memory_space<vmem>>
        %dma_start3A_164 = arith.constant 0 : i32
        %dma_start3A_165 = tpu.memref_slice %arg10[%while3A_143, %dma_start3A_164] : memref<32x128xi32, #tpu.memory_space<vmem>> -> memref<1x128xi32, #tpu.memory_space<vmem>>
        %dma_start3A_166 = tpu.memref_squeeze %dma_start3A_165 : memref<1x128xi32, #tpu.memory_space<vmem>> -> memref<128xi32, #tpu.memory_space<vmem>>
        %dma_start3A_167 = arith.constant 0 : i32
        %dma_start3A_168 = arith.constant 0 : i32
        %dma_start3A_169 = tpu.memref_slice %arg7[%dma_start3A_167, %dma_start3A_168] : memref<10240x128xf32, #tpu.memory_space<vmem_shared>> -> memref<10240x128xf32, #tpu.memory_space<vmem_shared>>
        tpu.enqueue_indirect_dma source(%dma_start3A_163 : memref<128x128xf32, #tpu.memory_space<vmem>>) target(%dma_start3A_169 : memref<10240x128xf32, #tpu.memory_space<vmem_shared>>) offsets(%dma_start3A_166 : memref<128xi32, #tpu.memory_space<vmem>>) semaphore(%run_scoped3A : memref<!tpu.dma_semaphore, #tpu.memory_space<semaphore_mem>>) {add = true}
        %dma_wait3A_170 = arith.constant 0 : i32
        %dma_wait3A_171 = arith.constant 0 : i32
        %dma_wait3A_172 = tpu.memref_slice %arg8[%rem3A_146, %dma_wait3A_170, %dma_wait3A_171] : memref<2x128x128xf32, #tpu.memory_space<vmem>> -> memref<1x128x128xf32, #tpu.memory_space<vmem>>
        %dma_wait3A_173 = tpu.memref_squeeze %dma_wait3A_172 : memref<1x128x128xf32, #tpu.memory_space<vmem>> -> memref<128x128xf32, #tpu.memory_space<vmem>>
        %dma_wait3A_174 = arith.constant 0 : i32
        %dma_wait3A_175 = tpu.memref_slice %arg10[%while3A_143, %dma_wait3A_174] : memref<32x128xi32, #tpu.memory_space<vmem>> -> memref<1x128xi32, #tpu.memory_space<vmem>>
        %dma_wait3A_176 = tpu.memref_squeeze %dma_wait3A_175 : memref<1x128xi32, #tpu.memory_space<vmem>> -> memref<128xi32, #tpu.memory_space<vmem>>
        %dma_wait3A_177 = arith.constant 0 : i32
        %dma_wait3A_178 = arith.constant 0 : i32
        %dma_wait3A_179 = tpu.memref_slice %arg7[%dma_wait3A_177, %dma_wait3A_178] : memref<10240x128xf32, #tpu.memory_space<vmem_shared>> -> memref<10240x128xf32, #tpu.memory_space<vmem_shared>>
        tpu.wait_indirect_dma semaphore(%run_scoped3A : memref<!tpu.dma_semaphore, #tpu.memory_space<semaphore_mem>>) src(%dma_wait3A_173 : memref<128x128xf32, #tpu.memory_space<vmem>>) dst(%dma_wait3A_179 : memref<10240x128xf32, #tpu.memory_space<vmem_shared>>)
        tpu.yield
      }) : () -> ()
      %while3A_159 = arith.constant 0 : i32
      scf.yield %while3A_159 : i32
    }
    %while3A_136 = arith.constant 1 : i32
    %while3A_137 = scf.for %while3A_143 = %while3A_133 to %while3A_129 step %while3A_136 iter_args(%while3A_144 = %while3A_135) -> (i32)  : i32 {
      %rem3A_145 = arith.constant 2 : i32
      %rem3A_146 = arith.remsi %while3A_143, %rem3A_145 : i32
      %dma_wait3A = arith.constant 0 : i32
      %dma_wait3A_147 = arith.constant 0 : i32
      %dma_wait3A_148 = tpu.memref_slice %arg8[%rem3A_146, %dma_wait3A, %dma_wait3A_147] : memref<2x128x128xf32, #tpu.memory_space<vmem>> -> memref<1x128x128xf32, #tpu.memory_space<vmem>>
      %dma_wait3A_149 = tpu.memref_squeeze %dma_wait3A_148 : memref<1x128x128xf32, #tpu.memory_space<vmem>> -> memref<128x128xf32, #tpu.memory_space<vmem>>
      %dma_wait3A_150 = arith.constant 0 : i32
      %dma_wait3A_151 = tpu.memref_slice %arg9[%while3A_143, %dma_wait3A_150] : memref<32x128xi32, #tpu.memory_space<vmem>> -> memref<1x128xi32, #tpu.memory_space<vmem>>
      %dma_wait3A_152 = tpu.memref_squeeze %dma_wait3A_151 : memref<1x128xi32, #tpu.memory_space<vmem>> -> memref<128xi32, #tpu.memory_space<vmem>>
      %dma_wait3A_153 = arith.constant 0 : i32
      %dma_wait3A_154 = arith.constant 0 : i32
      %dma_wait3A_155 = tpu.memref_slice %arg2[%dma_wait3A_153, %dma_wait3A_154] : memref<10240x128xf32, #tpu.memory_space<hbm>> -> memref<10240x128xf32, #tpu.memory_space<hbm>>
      tpu.wait_indirect_dma semaphore(%arg11 : memref<!tpu.dma_semaphore, #tpu.memory_space<semaphore_mem>>) src(%dma_wait3A_155 : memref<10240x128xf32, #tpu.memory_space<hbm>>) dst(%dma_wait3A_149 : memref<128x128xf32, #tpu.memory_space<vmem>>)
      %add3A_156 = arith.constant 1 : i32
      %add3A_157 = arith.addi %while3A_143, %add3A_156 : i32
      %lt3A = arith.cmpi slt, %add3A_157, %select_n3A_20 : i32
      %convert_element_type3A = arith.extui %lt3A : i1 to i32
      %cond3A = arith.constant 0 : i32
      %cond3A_158 = arith.cmpi ne, %convert_element_type3A, %cond3A : i32
      scf.if %cond3A_158 {
        %add3A_160 = arith.constant 1 : i32
        %add3A_161 = arith.addi %while3A_143, %add3A_160 : i32
        %sub3A_162 = arith.constant 1 : i32
        %sub3A_163 = arith.subi %sub3A_162, %rem3A_146 : i32
        %dma_start3A_164 = arith.constant 0 : i32
        %dma_start3A_165 = arith.constant 0 : i32
        %dma_start3A_166 = tpu.memref_slice %arg8[%sub3A_163, %dma_start3A_164, %dma_start3A_165] : memref<2x128x128xf32, #tpu.memory_space<vmem>> -> memref<1x128x128xf32, #tpu.memory_space<vmem>>
        %dma_start3A_167 = tpu.memref_squeeze %dma_start3A_166 : memref<1x128x128xf32, #tpu.memory_space<vmem>> -> memref<128x128xf32, #tpu.memory_space<vmem>>
        %dma_start3A_168 = arith.constant 0 : i32
        %dma_start3A_169 = tpu.memref_slice %arg9[%add3A_161, %dma_start3A_168] : memref<32x128xi32, #tpu.memory_space<vmem>> -> memref<1x128xi32, #tpu.memory_space<vmem>>
        %dma_start3A_170 = tpu.memref_squeeze %dma_start3A_169 : memref<1x128xi32, #tpu.memory_space<vmem>> -> memref<128xi32, #tpu.memory_space<vmem>>
        %dma_start3A_171 = arith.constant 0 : i32
        %dma_start3A_172 = arith.constant 0 : i32
        %dma_start3A_173 = tpu.memref_slice %arg2[%dma_start3A_171, %dma_start3A_172] : memref<10240x128xf32, #tpu.memory_space<hbm>> -> memref<10240x128xf32, #tpu.memory_space<hbm>>
        tpu.enqueue_indirect_dma source(%dma_start3A_173 : memref<10240x128xf32, #tpu.memory_space<hbm>>) target(%dma_start3A_167 : memref<128x128xf32, #tpu.memory_space<vmem>>) offsets(%dma_start3A_170 : memref<128xi32, #tpu.memory_space<vmem>>) semaphore(%arg11 : memref<!tpu.dma_semaphore, #tpu.memory_space<semaphore_mem>>)
      } else {
      }
      "tpu.region"() ({
        %run_scoped3A = tpu.sem_alloc : memref<!tpu.dma_semaphore, #tpu.memory_space<semaphore_mem>>
        %dma_start3A_160 = arith.constant 0 : i32
        %dma_start3A_161 = arith.constant 0 : i32
        %dma_start3A_162 = tpu.memref_slice %arg8[%rem3A_146, %dma_start3A_160, %dma_start3A_161] : memref<2x128x128xf32, #tpu.memory_space<vmem>> -> memref<1x128x128xf32, #tpu.memory_space<vmem>>
        %dma_start3A_163 = tpu.memref_squeeze %dma_start3A_162 : memref<1x128x128xf32, #tpu.memory_space<vmem>> -> memref<128x128xf32, #tpu.memory_space<vmem>>
        %dma_start3A_164 = arith.constant 0 : i32
        %dma_start3A_165 = tpu.memref_slice %arg10[%while3A_143, %dma_start3A_164] : memref<32x128xi32, #tpu.memory_space<vmem>> -> memref<1x128xi32, #tpu.memory_space<vmem>>
        %dma_start3A_166 = tpu.memref_squeeze %dma_start3A_165 : memref<1x128xi32, #tpu.memory_space<vmem>> -> memref<128xi32, #tpu.memory_space<vmem>>
        %dma_start3A_167 = arith.constant 0 : i32
        %dma_start3A_168 = arith.constant 0 : i32
        %dma_start3A_169 = tpu.memref_slice %arg7[%dma_start3A_167, %dma_start3A_168] : memref<10240x128xf32, #tpu.memory_space<vmem_shared>> -> memref<10240x128xf32, #tpu.memory_space<vmem_shared>>
        tpu.enqueue_indirect_dma source(%dma_start3A_163 : memref<128x128xf32, #tpu.memory_space<vmem>>) target(%dma_start3A_169 : memref<10240x128xf32, #tpu.memory_space<vmem_shared>>) offsets(%dma_start3A_166 : memref<128xi32, #tpu.memory_space<vmem>>) semaphore(%run_scoped3A : memref<!tpu.dma_semaphore, #tpu.memory_space<semaphore_mem>>) {add = true}
        %dma_wait3A_170 = arith.constant 0 : i32
        %dma_wait3A_171 = arith.constant 0 : i32
        %dma_wait3A_172 = tpu.memref_slice %arg8[%rem3A_146, %dma_wait3A_170, %dma_wait3A_171] : memref<2x128x128xf32, #tpu.memory_space<vmem>> -> memref<1x128x128xf32, #tpu.memory_space<vmem>>
        %dma_wait3A_173 = tpu.memref_squeeze %dma_wait3A_172 : memref<1x128x128xf32, #tpu.memory_space<vmem>> -> memref<128x128xf32, #tpu.memory_space<vmem>>
        %dma_wait3A_174 = arith.constant 0 : i32
        %dma_wait3A_175 = tpu.memref_slice %arg10[%while3A_143, %dma_wait3A_174] : memref<32x128xi32, #tpu.memory_space<vmem>> -> memref<1x128xi32, #tpu.memory_space<vmem>>
        %dma_wait3A_176 = tpu.memref_squeeze %dma_wait3A_175 : memref<1x128xi32, #tpu.memory_space<vmem>> -> memref<128xi32, #tpu.memory_space<vmem>>
        %dma_wait3A_177 = arith.constant 0 : i32
        %dma_wait3A_178 = arith.constant 0 : i32
        %dma_wait3A_179 = tpu.memref_slice %arg7[%dma_wait3A_177, %dma_wait3A_178] : memref<10240x128xf32, #tpu.memory_space<vmem_shared>> -> memref<10240x128xf32, #tpu.memory_space<vmem_shared>>
        tpu.wait_indirect_dma semaphore(%run_scoped3A : memref<!tpu.dma_semaphore, #tpu.memory_space<semaphore_mem>>) src(%dma_wait3A_173 : memref<128x128xf32, #tpu.memory_space<vmem>>) dst(%dma_wait3A_179 : memref<10240x128xf32, #tpu.memory_space<vmem_shared>>)
        tpu.yield
      }) : () -> ()
      %while3A_159 = arith.constant 0 : i32
      scf.yield %while3A_159 : i32
    }
    %barrier3A_138 = arith.constant 0 : index
    tpu.barrier barrier_id(%barrier3A_138)
    %mul3A_139 = arith.constant 640 : i32
    %mul3A_140 = arith.muli %arg1, %mul3A_139 : i32
    %mul3A_141 = arith.constant 640 : i32
    %mul3A_142 = arith.muli %arg1, %mul3A_141 : i32
    "tpu.region"() ({
      %run_scoped3A = tpu.sem_alloc : memref<!tpu.dma_semaphore, #tpu.memory_space<semaphore_mem>>
      %dma_start3A_143 = arith.constant 0 : i32
      %dma_start3A_144 = tpu.memref_slice %arg6[%arg0, %mul3A_142, %dma_start3A_143] : memref<2x10240x128xf32, #tpu.memory_space<hbm>> -> memref<1x640x128xf32, #tpu.memory_space<hbm>>
      %dma_start3A_145 = tpu.memref_squeeze %dma_start3A_144 : memref<1x640x128xf32, #tpu.memory_space<hbm>> -> memref<640x128xf32, #tpu.memory_space<hbm>>
      %dma_start3A_146 = arith.constant 0 : i32
      %dma_start3A_147 = tpu.memref_slice %arg7[%mul3A_140, %dma_start3A_146] : memref<10240x128xf32, #tpu.memory_space<vmem_shared>> -> memref<640x128xf32, #tpu.memory_space<vmem_shared>>
      tpu.enqueue_dma source(%dma_start3A_147 : memref<640x128xf32, #tpu.memory_space<vmem_shared>>) target(%dma_start3A_145 : memref<640x128xf32, #tpu.memory_space<hbm>>) target_semaphore(%run_scoped3A : memref<!tpu.dma_semaphore, #tpu.memory_space<semaphore_mem>>)
      %dma_wait3A = arith.constant 0 : i32
      %dma_wait3A_148 = tpu.memref_slice %arg6[%arg0, %mul3A_142, %dma_wait3A] : memref<2x10240x128xf32, #tpu.memory_space<hbm>> -> memref<1x640x128xf32, #tpu.memory_space<hbm>>
      %dma_wait3A_149 = tpu.memref_squeeze %dma_wait3A_148 : memref<1x640x128xf32, #tpu.memory_space<hbm>> -> memref<640x128xf32, #tpu.memory_space<hbm>>
      %dma_wait3A_150 = arith.constant 0 : i32
      %dma_wait3A_151 = tpu.memref_slice %arg7[%mul3A_140, %dma_wait3A_150] : memref<10240x128xf32, #tpu.memory_space<vmem_shared>> -> memref<640x128xf32, #tpu.memory_space<vmem_shared>>
      tpu.wait_dma2 semaphore(%run_scoped3A : memref<!tpu.dma_semaphore, #tpu.memory_space<semaphore_mem>>) src(%dma_wait3A_151 : memref<640x128xf32, #tpu.memory_space<vmem_shared>>) dst(%dma_wait3A_149 : memref<640x128xf32, #tpu.memory_space<hbm>>)
      tpu.yield
    }) : () -> ()
    return
  }
}

module attributes {stable_mosaic.version = 14 : i64} {
  func.func @_l1_body(%arg0: i32, %arg1: memref<32x1024xf32, #tpu.memory_space<vmem>>, %arg2: memref<1024x128xf32, #tpu.memory_space<vmem>>, %arg3: memref<128x128xf32, #tpu.memory_space<vmem>>, %arg4: memref<1024x1xf32, #tpu.memory_space<vmem>>, %arg5: memref<1024x128xf32, #tpu.memory_space<vmem>>) attributes {dimension_semantics = [#tpu.dimension_semantics<arbitrary>], iteration_bounds = array<i64: 10>, scalar_prefetch = 0 : i64, scratch_operands = 0 : i64, tpu.core_type = #tpu.core_type<tc>, window_params = [{transform_indices = @transform_0, window_bounds = array<i64: 32, 1024>}, {transform_indices = @transform_1, window_bounds = array<i64: 1024, 128>}, {pipeline_mode = #tpu.pipeline_mode<synchronous>, transform_indices = @transform_2, window_bounds = array<i64: 128, 128>}, {transform_indices = @transform_3, window_bounds = array<i64: 1024, 1>}, {transform_indices = @transform_4, window_bounds = array<i64: 1024, 128>}]} {
    %get3A = arith.constant 0 : index
    %get3A_0 = arith.constant 0 : index
    %get3A_1 = vector.load %arg1[%get3A, %get3A_0] : memref<32x1024xf32, #tpu.memory_space<vmem>>, vector<32x1024xf32>
    %reduce_sum3A = arith.constant dense<0.000000e+00> : vector<1024xf32>
    %reduce_sum3A_2 = vector.multi_reduction <add>, %get3A_1, %reduce_sum3A [0] : vector<32x1024xf32> to vector<1024xf32>
    %add3A = arith.constant 1.000000e+00 : f32
    %add3A_3 = vector.broadcast %add3A : f32 to vector<1024xf32>
    %add3A_4 = arith.addf %reduce_sum3A_2, %add3A_3 : vector<1024xf32>
    %rsqrt3A = math.rsqrt %add3A_4 : vector<1024xf32>
    %broadcast_in_dim3A = vector.shape_cast %rsqrt3A : vector<1024xf32> to vector<1024x1xf32>
    %swap3A = arith.constant 0 : index
    %swap3A_5 = arith.constant 0 : index
    %swap3A_6 = vector.load %arg4[%swap3A, %swap3A_5] : memref<1024x1xf32, #tpu.memory_space<vmem>>, vector<1024x1xf32>
    tpu.vector_store %arg4[%swap3A, %swap3A_5], %broadcast_in_dim3A {strides = array<i32>} : memref<1024x1xf32, #tpu.memory_space<vmem>>, vector<1024x1xf32>,
    %get3A_7 = arith.constant 0 : index
    %get3A_8 = arith.constant 0 : index
    %get3A_9 = vector.load %arg2[%get3A_7, %get3A_8] : memref<1024x128xf32, #tpu.memory_space<vmem>>, vector<1024x128xf32>
    %get3A_10 = arith.constant 0 : index
    %get3A_11 = arith.constant 0 : index
    %get3A_12 = vector.load %arg3[%get3A_10, %get3A_11] : memref<128x128xf32, #tpu.memory_space<vmem>>, vector<128x128xf32>
    %dot_general3A = arith.constant dense<0.000000e+00> : vector<1024x128xf32>
    %dot_general3A_13 = tpu.matmul %get3A_9, %get3A_12, %dot_general3A {dimension_numbers = #tpu.dot_dimension_numbers<[1], [0], [0], [1], [0, 0, 1, 1], [], []>, transpose_lhs_hint = false} : vector<1024x128xf32>, vector<128x128xf32>, vector<1024x128xf32> -> vector<1024x128xf32>
    %broadcast_in_dim3A_14 = vector.shape_cast %rsqrt3A : vector<1024xf32> to vector<1024x1xf32>
    %mul3A = vector.broadcast %broadcast_in_dim3A_14 : vector<1024x1xf32> to vector<1024x128xf32>
    %mul3A_15 = arith.mulf %dot_general3A_13, %mul3A : vector<1024x128xf32>
    %swap3A_16 = arith.constant 0 : index
    %swap3A_17 = arith.constant 0 : index
    %swap3A_18 = vector.load %arg5[%swap3A_16, %swap3A_17] : memref<1024x128xf32, #tpu.memory_space<vmem>>, vector<1024x128xf32>
    tpu.vector_store %arg5[%swap3A_16, %swap3A_17], %mul3A_15 {strides = array<i32>} : memref<1024x128xf32, #tpu.memory_space<vmem>>, vector<1024x128xf32>,
    return
  }
  func.func @transform_0(%arg0: i32) -> (i32, i32) {
    %c0_i32 = arith.constant 0 : i32
    %c0_i32_0 = arith.constant 0 : i32
    return %c0_i32, %arg0 : i32, i32
  }
  func.func @transform_1(%arg0: i32) -> (i32, i32) {
    %c0_i32 = arith.constant 0 : i32
    %c0_i32_0 = arith.constant 0 : i32
    return %arg0, %c0_i32 : i32, i32
  }
  func.func @transform_2(%arg0: i32) -> (i32, i32) {
    %c0_i32 = arith.constant 0 : i32
    %c0_i32_0 = arith.constant 0 : i32
    %c0_i32_1 = arith.constant 0 : i32
    return %c0_i32, %c0_i32_0 : i32, i32
  }
  func.func @transform_3(%arg0: i32) -> (i32, i32) {
    %c0_i32 = arith.constant 0 : i32
    %c0_i32_0 = arith.constant 0 : i32
    return %arg0, %c0_i32 : i32, i32
  }
  func.func @transform_4(%arg0: i32) -> (i32, i32) {
    %c0_i32 = arith.constant 0 : i32
    %c0_i32_0 = arith.constant 0 : i32
    return %arg0, %c0_i32 : i32, i32
  }
}

module attributes {stable_mosaic.version = 14 : i64} {
  func.func @_mid_body(%arg0: i32, %arg1: memref<2x1024x128xf32, #tpu.memory_space<vmem>>, %arg2: memref<1024x128xf32, #tpu.memory_space<vmem>>, %arg3: memref<1024x1xf32, #tpu.memory_space<vmem>>, %arg4: memref<1x128xf32, #tpu.memory_space<vmem>>, %arg5: memref<128x128xf32, #tpu.memory_space<vmem>>, %arg6: memref<1024x128xf32, #tpu.memory_space<vmem>>) attributes {dimension_semantics = [#tpu.dimension_semantics<arbitrary>], iteration_bounds = array<i64: 10>, scalar_prefetch = 0 : i64, scratch_operands = 0 : i64, tpu.core_type = #tpu.core_type<tc>, window_params = [{transform_indices = @transform_0, window_bounds = array<i64: 2, 1024, 128>}, {transform_indices = @transform_1, window_bounds = array<i64: 1024, 128>}, {transform_indices = @transform_2, window_bounds = array<i64: 1024, 1>}, {pipeline_mode = #tpu.pipeline_mode<synchronous>, transform_indices = @transform_3, window_bounds = array<i64: 1, 128>}, {pipeline_mode = #tpu.pipeline_mode<synchronous>, transform_indices = @transform_4, window_bounds = array<i64: 128, 128>}, {transform_indices = @transform_5, window_bounds = array<i64: 1024, 128>}]} {
    %get3A = arith.constant 0 : index
    %get3A_0 = arith.constant 0 : index
    %get3A_1 = vector.load %arg3[%get3A, %get3A_0] : memref<1024x1xf32, #tpu.memory_space<vmem>>, vector<1024x1xf32>
    %get3A_2 = arith.constant 0 : index
    %get3A_3 = arith.constant 0 : index
    %get3A_4 = arith.constant 0 : index
    %get3A_5 = vector.load %arg1[%get3A_2, %get3A_3, %get3A_4] : memref<2x1024x128xf32, #tpu.memory_space<vmem>>, vector<1x1024x128xf32>
    %get3A_6 = vector.shape_cast %get3A_5 : vector<1x1024x128xf32> to vector<1024x128xf32>
    %get3A_7 = arith.constant 1 : index
    %get3A_8 = arith.constant 0 : index
    %get3A_9 = arith.constant 0 : index
    %get3A_10 = vector.load %arg1[%get3A_7, %get3A_8, %get3A_9] : memref<2x1024x128xf32, #tpu.memory_space<vmem>>, vector<1x1024x128xf32>
    %get3A_11 = vector.shape_cast %get3A_10 : vector<1x1024x128xf32> to vector<1024x128xf32>
    %add3A = arith.addf %get3A_6, %get3A_11 : vector<1024x128xf32>
    %get3A_12 = arith.constant 0 : index
    %get3A_13 = arith.constant 0 : index
    %get3A_14 = vector.load %arg2[%get3A_12, %get3A_13] : memref<1024x128xf32, #tpu.memory_space<vmem>>, vector<1024x128xf32>
    %add3A_15 = arith.addf %add3A, %get3A_14 : vector<1024x128xf32>
    %mul3A = vector.broadcast %get3A_1 : vector<1024x1xf32> to vector<1024x128xf32>
    %mul3A_16 = arith.mulf %mul3A, %add3A_15 : vector<1024x128xf32>
    %get3A_17 = arith.constant 0 : index
    %get3A_18 = arith.constant 0 : index
    %get3A_19 = vector.load %arg4[%get3A_17, %get3A_18] : memref<1x128xf32, #tpu.memory_space<vmem>>, vector<1x128xf32>
    %add3A_20 = vector.broadcast %get3A_19 : vector<1x128xf32> to vector<1024x128xf32>
    %add3A_21 = arith.addf %mul3A_16, %add3A_20 : vector<1024x128xf32>
    %max3A = arith.constant 0.000000e+00 : f32
    %max3A_22 = vector.broadcast %max3A : f32 to vector<1024x128xf32>
    %max3A_23 = arith.maximumf %add3A_21, %max3A_22 : vector<1024x128xf32>
    %get3A_24 = arith.constant 0 : index
    %get3A_25 = arith.constant 0 : index
    %get3A_26 = vector.load %arg5[%get3A_24, %get3A_25] : memref<128x128xf32, #tpu.memory_space<vmem>>, vector<128x128xf32>
    %dot_general3A = arith.constant dense<0.000000e+00> : vector<1024x128xf32>
    %dot_general3A_27 = tpu.matmul %max3A_23, %get3A_26, %dot_general3A {dimension_numbers = #tpu.dot_dimension_numbers<[1], [0], [0], [1], [0, 0, 1, 1], [], []>, transpose_lhs_hint = false} : vector<1024x128xf32>, vector<128x128xf32>, vector<1024x128xf32> -> vector<1024x128xf32>
    %get3A_28 = arith.constant 0 : index
    %get3A_29 = arith.constant 0 : index
    %get3A_30 = vector.load %arg3[%get3A_28, %get3A_29] : memref<1024x1xf32, #tpu.memory_space<vmem>>, vector<1024x1xf32>
    %mul3A_31 = vector.broadcast %get3A_30 : vector<1024x1xf32> to vector<1024x128xf32>
    %mul3A_32 = arith.mulf %dot_general3A_27, %mul3A_31 : vector<1024x128xf32>
    %swap3A = arith.constant 0 : index
    %swap3A_33 = arith.constant 0 : index
    %swap3A_34 = vector.load %arg6[%swap3A, %swap3A_33] : memref<1024x128xf32, #tpu.memory_space<vmem>>, vector<1024x128xf32>
    tpu.vector_store %arg6[%swap3A, %swap3A_33], %mul3A_32 {strides = array<i32>} : memref<1024x128xf32, #tpu.memory_space<vmem>>, vector<1024x128xf32>,
    return
  }
  func.func @transform_0(%arg0: i32) -> (i32, i32, i32) {
    %c0_i32 = arith.constant 0 : i32
    %c0_i32_0 = arith.constant 0 : i32
    %c0_i32_1 = arith.constant 0 : i32
    return %c0_i32, %arg0, %c0_i32_0 : i32, i32, i32
  }
  func.func @transform_1(%arg0: i32) -> (i32, i32) {
    %c0_i32 = arith.constant 0 : i32
    %c0_i32_0 = arith.constant 0 : i32
    return %arg0, %c0_i32 : i32, i32
  }
  func.func @transform_2(%arg0: i32) -> (i32, i32) {
    %c0_i32 = arith.constant 0 : i32
    %c0_i32_0 = arith.constant 0 : i32
    return %arg0, %c0_i32 : i32, i32
  }
  func.func @transform_3(%arg0: i32) -> (i32, i32) {
    %c0_i32 = arith.constant 0 : i32
    %c0_i32_0 = arith.constant 0 : i32
    %c0_i32_1 = arith.constant 0 : i32
    return %c0_i32, %c0_i32_0 : i32, i32
  }
  func.func @transform_4(%arg0: i32) -> (i32, i32) {
    %c0_i32 = arith.constant 0 : i32
    %c0_i32_0 = arith.constant 0 : i32
    %c0_i32_1 = arith.constant 0 : i32
    return %c0_i32, %c0_i32_0 : i32, i32
  }
  func.func @transform_5(%arg0: i32) -> (i32, i32) {
    %c0_i32 = arith.constant 0 : i32
    %c0_i32_0 = arith.constant 0 : i32
    return %arg0, %c0_i32 : i32, i32
  }
}

module attributes {stable_mosaic.version = 14 : i64} {
  func.func @_fin_body(%arg0: i32, %arg1: memref<2x1024x128xf32, #tpu.memory_space<vmem>>, %arg2: memref<1024x128xf32, #tpu.memory_space<vmem>>, %arg3: memref<1024x1xf32, #tpu.memory_space<vmem>>, %arg4: memref<1x128xf32, #tpu.memory_space<vmem>>, %arg5: memref<1x1024xi32, #tpu.memory_space<vmem>>, %arg6: memref<128x128xf32, #tpu.memory_space<vmem>>, %arg7: memref<1x128xf32, #tpu.memory_space<vmem>>, %arg8: memref<128x1xf32, #tpu.memory_space<vmem>>, %arg9: memref<1x1xf32, #tpu.memory_space<vmem>>, %arg10: memref<64x1xf32, #tpu.memory_space<vmem>>, %arg11: memref<64x128xf32, #tpu.memory_space<vmem>>, %arg12: memref<64x1xf32, #tpu.memory_space<vmem>>) attributes {dimension_semantics = [#tpu.dimension_semantics<arbitrary>], iteration_bounds = array<i64: 10>, scalar_prefetch = 0 : i64, scratch_operands = 2 : i64, tpu.core_type = #tpu.core_type<tc>, window_params = [{transform_indices = @transform_0, window_bounds = array<i64: 2, 1024, 128>}, {transform_indices = @transform_1, window_bounds = array<i64: 1024, 128>}, {transform_indices = @transform_2, window_bounds = array<i64: 1024, 1>}, {pipeline_mode = #tpu.pipeline_mode<synchronous>, transform_indices = @transform_3, window_bounds = array<i64: 1, 128>}, {transform_indices = @transform_4, window_bounds = array<i64: 1, 1024>}, {pipeline_mode = #tpu.pipeline_mode<synchronous>, transform_indices = @transform_5, window_bounds = array<i64: 128, 128>}, {pipeline_mode = #tpu.pipeline_mode<synchronous>, transform_indices = @transform_6, window_bounds = array<i64: 1, 128>}, {pipeline_mode = #tpu.pipeline_mode<synchronous>, transform_indices = @transform_7, window_bounds = array<i64: 128, 1>}, {pipeline_mode = #tpu.pipeline_mode<synchronous>, transform_indices = @transform_8, window_bounds = array<i64: 1, 1>}, {pipeline_mode = #tpu.pipeline_mode<synchronous>, transform_indices = @transform_9, window_bounds = array<i64: 64, 1>}]} {
    %get3A = arith.constant 0 : index
    %get3A_0 = arith.constant 0 : index
    %get3A_1 = vector.load %arg3[%get3A, %get3A_0] : memref<1024x1xf32, #tpu.memory_space<vmem>>, vector<1024x1xf32>
    %get3A_2 = arith.constant 0 : index
    %get3A_3 = arith.constant 0 : index
    %get3A_4 = arith.constant 0 : index
    %get3A_5 = vector.load %arg1[%get3A_2, %get3A_3, %get3A_4] : memref<2x1024x128xf32, #tpu.memory_space<vmem>>, vector<1x1024x128xf32>
    %get3A_6 = vector.shape_cast %get3A_5 : vector<1x1024x128xf32> to vector<1024x128xf32>
    %get3A_7 = arith.constant 1 : index
    %get3A_8 = arith.constant 0 : index
    %get3A_9 = arith.constant 0 : index
    %get3A_10 = vector.load %arg1[%get3A_7, %get3A_8, %get3A_9] : memref<2x1024x128xf32, #tpu.memory_space<vmem>>, vector<1x1024x128xf32>
    %get3A_11 = vector.shape_cast %get3A_10 : vector<1x1024x128xf32> to vector<1024x128xf32>
    %add3A = arith.addf %get3A_6, %get3A_11 : vector<1024x128xf32>
    %get3A_12 = arith.constant 0 : index
    %get3A_13 = arith.constant 0 : index
    %get3A_14 = vector.load %arg2[%get3A_12, %get3A_13] : memref<1024x128xf32, #tpu.memory_space<vmem>>, vector<1024x128xf32>
    %add3A_15 = arith.addf %add3A, %get3A_14 : vector<1024x128xf32>
    %mul3A = vector.broadcast %get3A_1 : vector<1024x1xf32> to vector<1024x128xf32>
    %mul3A_16 = arith.mulf %mul3A, %add3A_15 : vector<1024x128xf32>
    %get3A_17 = arith.constant 0 : index
    %get3A_18 = arith.constant 0 : index
    %get3A_19 = vector.load %arg4[%get3A_17, %get3A_18] : memref<1x128xf32, #tpu.memory_space<vmem>>, vector<1x128xf32>
    %add3A_20 = vector.broadcast %get3A_19 : vector<1x128xf32> to vector<1024x128xf32>
    %add3A_21 = arith.addf %mul3A_16, %add3A_20 : vector<1024x128xf32>
    %max3A = arith.constant 0.000000e+00 : f32
    %max3A_22 = vector.broadcast %max3A : f32 to vector<1024x128xf32>
    %max3A_23 = arith.maximumf %add3A_21, %max3A_22 : vector<1024x128xf32>
    %iota3A = tpu.iota {dimensions = array<i32: 0>} : vector<64x1xi32>
    %get3A_24 = arith.constant 0 : index
    %get3A_25 = arith.constant 0 : index
    %get3A_26 = vector.load %arg5[%get3A_24, %get3A_25] : memref<1x1024xi32, #tpu.memory_space<vmem>>, vector<1x1024xi32>
    %eq3A = vector.broadcast %get3A_26 : vector<1x1024xi32> to vector<64x1024xi32>
    %eq3A_27 = vector.broadcast %iota3A : vector<64x1xi32> to vector<64x1024xi32>
    %eq3A_28 = arith.cmpi eq, %eq3A, %eq3A_27 : vector<64x1024xi32>
    %convert_element_type3A = arith.extui %eq3A_28 : vector<64x1024xi1> to vector<64x1024xi32>
    %convert_element_type3A_29 = arith.sitofp %convert_element_type3A : vector<64x1024xi32> to vector<64x1024xf32>
    %dot_general3A = arith.constant dense<0.000000e+00> : vector<64x128xf32>
    %dot_general3A_30 = tpu.matmul %convert_element_type3A_29, %max3A_23, %dot_general3A {dimension_numbers = #tpu.dot_dimension_numbers<[1], [0], [0], [1], [0, 0, 1, 1], [], []>, transpose_lhs_hint = false} : vector<64x1024xf32>, vector<1024x128xf32>, vector<64x128xf32> -> vector<64x128xf32>
    %reduce_sum3A = arith.constant dense<0.000000e+00> : vector<64xf32>
    %reduce_sum3A_31 = vector.multi_reduction <add>, %convert_element_type3A_29, %reduce_sum3A [1] : vector<64x1024xf32> to vector<64xf32>
    %broadcast_in_dim3A = vector.shape_cast %reduce_sum3A_31 : vector<64xf32> to vector<64x1xf32>
    %eq3A_32 = arith.constant 0 : i32
    %eq3A_33 = arith.cmpi eq, %arg0, %eq3A_32 : i32
    %convert_element_type3A_34 = arith.extui %eq3A_33 : i1 to i32
    %cond3A = arith.constant 0 : i32
    %cond3A_35 = arith.cmpi ne, %convert_element_type3A_34, %cond3A : i32
    scf.if %cond3A_35 {
      %swap3A = arith.constant 0 : index
      %swap3A_45 = arith.constant 0 : index
      %swap3A_46 = vector.load %arg11[%swap3A, %swap3A_45] : memref<64x128xf32, #tpu.memory_space<vmem>>, vector<64x128xf32>
      tpu.vector_store %arg11[%swap3A, %swap3A_45], %dot_general3A_30 {strides = array<i32>} : memref<64x128xf32, #tpu.memory_space<vmem>>, vector<64x128xf32>,
      %swap3A_47 = arith.constant 0 : index
      %swap3A_48 = arith.constant 0 : index
      %swap3A_49 = vector.load %arg12[%swap3A_47, %swap3A_48] : memref<64x1xf32, #tpu.memory_space<vmem>>, vector<64x1xf32>
      tpu.vector_store %arg12[%swap3A_47, %swap3A_48], %broadcast_in_dim3A {strides = array<i32>} : memref<64x1xf32, #tpu.memory_space<vmem>>, vector<64x1xf32>,
    } else {
    }
    %gt3A = arith.constant 0 : i32
    %gt3A_36 = arith.cmpi sgt, %arg0, %gt3A : i32
    %convert_element_type3A_37 = arith.extui %gt3A_36 : i1 to i32
    %cond3A_38 = arith.constant 0 : i32
    %cond3A_39 = arith.cmpi ne, %convert_element_type3A_37, %cond3A_38 : i32
    scf.if %cond3A_39 {
      %get3A_45 = arith.constant 0 : index
      %get3A_46 = arith.constant 0 : index
      %get3A_47 = vector.load %arg11[%get3A_45, %get3A_46] : memref<64x128xf32, #tpu.memory_space<vmem>>, vector<64x128xf32>
      %add3A_48 = arith.addf %get3A_47, %dot_general3A_30 : vector<64x128xf32>
      %swap3A = arith.constant 0 : index
      %swap3A_49 = arith.constant 0 : index
      %swap3A_50 = vector.load %arg11[%swap3A, %swap3A_49] : memref<64x128xf32, #tpu.memory_space<vmem>>, vector<64x128xf32>
      tpu.vector_store %arg11[%swap3A, %swap3A_49], %add3A_48 {strides = array<i32>} : memref<64x128xf32, #tpu.memory_space<vmem>>, vector<64x128xf32>,
      %get3A_51 = arith.constant 0 : index
      %get3A_52 = arith.constant 0 : index
      %get3A_53 = vector.load %arg12[%get3A_51, %get3A_52] : memref<64x1xf32, #tpu.memory_space<vmem>>, vector<64x1xf32>
      %add3A_54 = arith.addf %get3A_53, %broadcast_in_dim3A : vector<64x1xf32>
      %swap3A_55 = arith.constant 0 : index
      %swap3A_56 = arith.constant 0 : index
      %swap3A_57 = vector.load %arg12[%swap3A_55, %swap3A_56] : memref<64x1xf32, #tpu.memory_space<vmem>>, vector<64x1xf32>
      tpu.vector_store %arg12[%swap3A_55, %swap3A_56], %add3A_54 {strides = array<i32>} : memref<64x1xf32, #tpu.memory_space<vmem>>, vector<64x1xf32>,
    } else {
    }
    %eq3A_40 = arith.constant 9 : i32
    %eq3A_41 = arith.cmpi eq, %arg0, %eq3A_40 : i32
    %convert_element_type3A_42 = arith.extui %eq3A_41 : i1 to i32
    %cond3A_43 = arith.constant 0 : i32
    %cond3A_44 = arith.cmpi ne, %convert_element_type3A_42, %cond3A_43 : i32
    scf.if %cond3A_44 {
      %get3A_45 = arith.constant 0 : index
      %get3A_46 = arith.constant 0 : index
      %get3A_47 = vector.load %arg11[%get3A_45, %get3A_46] : memref<64x128xf32, #tpu.memory_space<vmem>>, vector<64x128xf32>
      %get3A_48 = arith.constant 0 : index
      %get3A_49 = arith.constant 0 : index
      %get3A_50 = vector.load %arg12[%get3A_48, %get3A_49] : memref<64x1xf32, #tpu.memory_space<vmem>>, vector<64x1xf32>
      %max3A_51 = arith.constant 1.000000e+00 : f32
      %max3A_52 = vector.broadcast %max3A_51 : f32 to vector<64x1xf32>
      %max3A_53 = arith.maximumf %get3A_50, %max3A_52 : vector<64x1xf32>
      %div3A = vector.broadcast %max3A_53 : vector<64x1xf32> to vector<64x128xf32>
      %div3A_54 = arith.divf %get3A_47, %div3A : vector<64x128xf32>
      %get3A_55 = arith.constant 0 : index
      %get3A_56 = arith.constant 0 : index
      %get3A_57 = vector.load %arg6[%get3A_55, %get3A_56] : memref<128x128xf32, #tpu.memory_space<vmem>>, vector<128x128xf32>
      %dot_general3A_58 = arith.constant dense<0.000000e+00> : vector<64x128xf32>
      %dot_general3A_59 = tpu.matmul %div3A_54, %get3A_57, %dot_general3A_58 {dimension_numbers = #tpu.dot_dimension_numbers<[1], [0], [0], [1], [0, 0, 1, 1], [], []>, transpose_lhs_hint = false} : vector<64x128xf32>, vector<128x128xf32>, vector<64x128xf32> -> vector<64x128xf32>
      %get3A_60 = arith.constant 0 : index
      %get3A_61 = arith.constant 0 : index
      %get3A_62 = vector.load %arg7[%get3A_60, %get3A_61] : memref<1x128xf32, #tpu.memory_space<vmem>>, vector<1x128xf32>
      %add3A_63 = vector.broadcast %get3A_62 : vector<1x128xf32> to vector<64x128xf32>
      %add3A_64 = arith.addf %dot_general3A_59, %add3A_63 : vector<64x128xf32>
      %max3A_65 = arith.constant 0.000000e+00 : f32
      %max3A_66 = vector.broadcast %max3A_65 : f32 to vector<64x128xf32>
      %max3A_67 = arith.maximumf %add3A_64, %max3A_66 : vector<64x128xf32>
      %get3A_68 = arith.constant 0 : index
      %get3A_69 = arith.constant 0 : index
      %get3A_70 = vector.load %arg8[%get3A_68, %get3A_69] : memref<128x1xf32, #tpu.memory_space<vmem>>, vector<128x1xf32>
      %dot_general3A_71 = arith.constant dense<0.000000e+00> : vector<64x1xf32>
      %dot_general3A_72 = tpu.matmul %max3A_67, %get3A_70, %dot_general3A_71 {dimension_numbers = #tpu.dot_dimension_numbers<[1], [0], [0], [1], [0, 0, 1, 1], [], []>, transpose_lhs_hint = false} : vector<64x128xf32>, vector<128x1xf32>, vector<64x1xf32> -> vector<64x1xf32>
      %get3A_73 = arith.constant 0 : index
      %get3A_74 = arith.constant 0 : index
      %get3A_75 = vector.load %arg9[%get3A_73, %get3A_74] : memref<1x1xf32, #tpu.memory_space<vmem>>, vector<1x1xf32>
      %add3A_76 = vector.broadcast %get3A_75 : vector<1x1xf32> to vector<64x1xf32>
      %add3A_77 = arith.addf %dot_general3A_72, %add3A_76 : vector<64x1xf32>
      %swap3A = arith.constant 0 : index
      %swap3A_78 = arith.constant 0 : index
      %swap3A_79 = vector.load %arg10[%swap3A, %swap3A_78] : memref<64x1xf32, #tpu.memory_space<vmem>>, vector<64x1xf32>
      tpu.vector_store %arg10[%swap3A, %swap3A_78], %add3A_77 {strides = array<i32>} : memref<64x1xf32, #tpu.memory_space<vmem>>, vector<64x1xf32>,
    } else {
    }
    return
  }
  func.func @transform_0(%arg0: i32) -> (i32, i32, i32) {
    %c0_i32 = arith.constant 0 : i32
    %c0_i32_0 = arith.constant 0 : i32
    %c0_i32_1 = arith.constant 0 : i32
    return %c0_i32, %arg0, %c0_i32_0 : i32, i32, i32
  }
  func.func @transform_1(%arg0: i32) -> (i32, i32) {
    %c0_i32 = arith.constant 0 : i32
    %c0_i32_0 = arith.constant 0 : i32
    return %arg0, %c0_i32 : i32, i32
  }
  func.func @transform_2(%arg0: i32) -> (i32, i32) {
    %c0_i32 = arith.constant 0 : i32
    %c0_i32_0 = arith.constant 0 : i32
    return %arg0, %c0_i32 : i32, i32
  }
  func.func @transform_3(%arg0: i32) -> (i32, i32) {
    %c0_i32 = arith.constant 0 : i32
    %c0_i32_0 = arith.constant 0 : i32
    %c0_i32_1 = arith.constant 0 : i32
    return %c0_i32, %c0_i32_0 : i32, i32
  }
  func.func @transform_4(%arg0: i32) -> (i32, i32) {
    %c0_i32 = arith.constant 0 : i32
    %c0_i32_0 = arith.constant 0 : i32
    return %c0_i32, %arg0 : i32, i32
  }
  func.func @transform_5(%arg0: i32) -> (i32, i32) {
    %c0_i32 = arith.constant 0 : i32
    %c0_i32_0 = arith.constant 0 : i32
    %c0_i32_1 = arith.constant 0 : i32
    return %c0_i32, %c0_i32_0 : i32, i32
  }
  func.func @transform_6(%arg0: i32) -> (i32, i32) {
    %c0_i32 = arith.constant 0 : i32
    %c0_i32_0 = arith.constant 0 : i32
    %c0_i32_1 = arith.constant 0 : i32
    return %c0_i32, %c0_i32_0 : i32, i32
  }
  func.func @transform_7(%arg0: i32) -> (i32, i32) {
    %c0_i32 = arith.constant 0 : i32
    %c0_i32_0 = arith.constant 0 : i32
    %c0_i32_1 = arith.constant 0 : i32
    return %c0_i32, %c0_i32_0 : i32, i32
  }
  func.func @transform_8(%arg0: i32) -> (i32, i32) {
    %c0_i32 = arith.constant 0 : i32
    %c0_i32_0 = arith.constant 0 : i32
    %c0_i32_1 = arith.constant 0 : i32
    return %c0_i32, %c0_i32_0 : i32, i32
  }
  func.func @transform_9(%arg0: i32) -> (i32, i32) {
    %c0_i32 = arith.constant 0 : i32
    %c0_i32_0 = arith.constant 0 : i32
    %c0_i32_1 = arith.constant 0 : i32
    return %c0_i32, %c0_i32_0 : i32, i32
  }
}

</mosaic_0001>

<sc_bundles>
// kernel: kernel.10.cloned.1.call-start
scs
__scs_entry_jumppad:
0x0: {  	(pc) =	sbr.rel $0x88, $3  }
0x1: {  	(tag) =	ssettag $0x0;
	lr =	simm.s32 $0x1  }
0x2: {  	[smem:$0x3F96] =	sst lr;
	_ =	strace $0xD0000000  }
0x3: {  	_ = 	snop  }
0x4: {  	_ = 	snop  }
0x5: {  	_ = 	snop  }
0x6: {  	_ = 	snop  }
0x7: {  	_ = 	snop  }
__scs_overlays_trampoline_lowered:
0x8: {  	[smem:$0x3FA5] =	sst s0  }
0x9: {  	[smem:$0x3FA6] =	sst s1  }
0xa: {  	[smem:$0x3FA7] =	sst s2  }
0xb: {  	[smem:$0x3FA8] =	sst s3  }
0xc: {  	[smem:$0x3FA9] =	sst s4  }
0xd: {  	[smem:$0x3FAA] =	sst s5  }
0xe: {  	[smem:$0x3FAB] =	sst s6  }
0xf: {  	[smem:$0x3FAC] =	sst s7  }
0x10: {  	[smem:$0x3FAD] =	sst s8  }
0x11: {  	[smem:$0x3FAE] =	sst s9;
	s0 =	simm.s32 @!p0 $0x0  }
0x12: {  	s1 =	sld [smem:$0x3F94];
	s0 =	simm.s32 @p0 $0x1  }
0x13: {  	[smem:$0x3FAF] =	sst s0;
	s0 =	simm.s32 @!p1 $0x0  }
0x14: {  	s2 =	sld [smem:$0x3F93];
	s0 =	simm.s32 @p1 $0x1  }
0x15: {  	[smem:$0x3FB0] =	sst s0;
	s0 =	simm.s32 @!p2 $0x0  }
0x16: {  	s3 =	sld [smem:$0x3FDB];
	s0 =	simm.s32 @p2 $0x1  }
0x17: {  	s4 =	simm.s32 $0x1BF5;
	[smem:$0x3FB2] =	sst s0  }
0x18: {  	s0 =	sld [smem:$0x3F95];
	_ =	swait.ge [sflag:s4], $0x0  }
0x19: {  	s7 =	sld [smem:$0x3F96]  }
0x1a: {  	s8 =	sadd.s32 $0xFFFFE003, lr  }
0x1b: {  	s9 =	sadd.s32 $0xFFFFFEF7, lr;
	s5 =	simm.s32 $0xFFFFFFFF;
	p2 =	slt.u32 s8, $0xFFFFF086  }
0x1c: {  	p1 =	slt.u32 s9, $0xF7A;
	s5 =	simm.s32 @!p2 $0x0  }
0x1d: {  	s5 =	simm.s32 @p1 $0x1;
	p0 =	seq.s32 s7, s2  }
0x1e: {  	s7 =	smul.u32 @!p0 $0xF7A, s2;
	p2 =	seq.s32 @!p0 s5, $0x0  }
0x1f: {  	s9 =	smul.u32 $0xF7A, s1;
	s8 =	simm.s32 @!p0 $0x1BF5;
	p2 =	por !p2, p0  }
0x20: {  	[sflag:s8] =	ssyncset.s32 @!p0 $0xFFFFF086;
	s6 =	sadd.s32 @!p0 s3, s7;
	s7 =	simm.s32 @!p0 $0x108  }
0x21: {  	s3 =	sadd.s32 s3, s9;
	s6 =	sadd.s32 @!p0 $0x88, s6;
	s7 =	simm.s32 @p2 $0x1082  }
0x22: {  	[simem:s7], [sflag:s8] =	dma.local @!p0 [hbm:s6], $0xF7A  }
0x23: {  	s9 =	sor.u32 $0xD0000000, s2;
	s6 =	simm.s32 $0x108;
	_ =	swait.ge @!p0 [sflag:s8], $0x0  }
0x24: {  	s3 =	sadd.s32 $0x88, s3;
	s6 =	simm.s32 @!p1 $0x1082;
	[sflag:s4] =	ssyncset.s32 $0xFFFFF086  }
0x25: {  	[simem:s6], [sflag:s4] =	dma.local [hbm:s3], $0xF7A  }
0x26: {  	[smem:$0x3F96] =	sst s1;
	(tag) =	ssettag s2;
	_ =	strace s9  }
0x27: {  	s1 =	sld [smem:$0x3FA6]  }
0x28: {  	s2 =	sld [smem:$0x3FA7]  }
0x29: {  	s4 =	sld [smem:$0x3FA9]  }
0x2a: {  	p0 =	seq.s32 s5, $0x0;
	s5 =	sld [smem:$0x3FAA]  }
0x2b: {  	s6 =	sld [smem:$0x3FAB]  }
0x2c: {  	s7 =	sld [smem:$0x3FAC]  }
0x2d: {  	s3 =	simm.s32 $0x108;
	s8 =	sld [smem:$0x3FAD]  }
0x2e: {  	s3 =	simm.s32 @!p0 $0x1082;
	s9 =	sld [smem:$0x3FAE]  }
0x2f: {  	lr =	sadd.s32 s0, s3;
	s0 =	sld [smem:$0x3FA5]  }
0x30: {  	s3 =	sld [smem:$0x3FA8]  }
0x31: {  	[smem:$0x3FB1] =	sst s10  }
0x32: {  	s10 =	sld [smem:$0x3FAF];
	_ =	sdelay $0x3  }
0x33: {  	p0 =	seq.s32 s10, $0x1;
	s10 =	sld [smem:$0x3FB1];
	_ =	sdelay $0x3  }
0x34: {  	[smem:$0x3FB1] =	sst s10  }
0x35: {  	s10 =	sld [smem:$0x3FB0];
	_ =	sdelay $0x3  }
0x36: {  	p1 =	seq.s32 s10, $0x1;
	s10 =	sld [smem:$0x3FB1];
	_ =	sdelay $0x3  }
0x37: {  	[smem:$0x3FB1] =	sst s10  }
0x38: {  	s10 =	sld [smem:$0x3FB2]  }
0x39: {  	_ = 	snop;
	(pc) =	sbr.ind lr, $3  }
0x3a: {  	_ = 	snop  }
0x3b: {  	_ = 	snop  }
0x3c: {  	p2 =	seq.s32 s10, $0x1;
	s10 =	sld [smem:$0x3FB1]  }
0x3d: {  	_ =	shalt  }
0x3e: {  	_ =	shalt  }
0x3f: {  	_ =	shalt  }
0x40: {  	_ =	shalt  }
0x41: {  	_ =	shalt  }
0x42: {  	_ =	shalt  }
0x43: {  	_ =	shalt  }
0x44: {  	_ =	shalt  }
0x45: {  	_ =	shalt  }
0x46: {  	_ =	shalt  }
0x47: {  	_ =	shalt  }
0x48: {  	_ =	shalt  }
0x49: {  	_ =	shalt  }
0x4a: {  	_ =	shalt  }
0x4b: {  	_ =	shalt  }
0x4c: {  	_ =	shalt  }
0x4d: {  	_ =	shalt  }
0x4e: {  	_ =	shalt  }
0x4f: {  	_ =	shalt  }
0x50: {  	_ =	shalt  }
0x51: {  	_ =	shalt  }
0x52: {  	_ =	shalt  }
0x53: {  	_ =	shalt  }
0x54: {  	_ =	shalt  }
0x55: {  	_ =	shalt  }
0x56: {  	_ =	shalt  }
0x57: {  	_ =	shalt  }
0x58: {  	_ =	shalt  }
0x59: {  	_ =	shalt  }
0x5a: {  	_ =	shalt  }
0x5b: {  	_ =	shalt  }
0x5c: {  	_ =	shalt  }
0x5d: {  	_ =	shalt  }
0x5e: {  	_ =	shalt  }
0x5f: {  	_ =	shalt  }
0x60: {  	_ =	shalt  }
0x61: {  	_ =	shalt  }
0x62: {  	_ =	shalt  }
0x63: {  	_ =	shalt  }
0x64: {  	_ =	shalt  }
0x65: {  	_ =	shalt  }
0x66: {  	_ =	shalt  }
0x67: {  	_ =	shalt  }
0x68: {  	_ =	shalt  }
0x69: {  	_ =	shalt  }
0x6a: {  	_ =	shalt  }
0x6b: {  	_ =	shalt  }
0x6c: {  	_ =	shalt  }
0x6d: {  	_ =	shalt  }
0x6e: {  	_ =	shalt  }
0x6f: {  	_ =	shalt  }
0x70: {  	_ =	shalt  }
0x71: {  	_ =	shalt  }
0x72: {  	_ =	shalt  }
0x73: {  	_ =	shalt  }
0x74: {  	_ =	shalt  }
0x75: {  	_ =	shalt  }
0x76: {  	_ =	shalt  }
0x77: {  	_ =	shalt  }
0x78: {  	_ =	shalt  }
0x79: {  	_ =	shalt  }
0x7a: {  	_ =	shalt  }
0x7b: {  	_ =	shalt  }
0x7c: {  	_ =	shalt  }
0x7d: {  	_ =	shalt  }
0x7e: {  	_ =	shalt  }
0x7f: {  	_ =	shalt  }
0x80: {  	_ =	shalt  }
0x81: {  	_ =	shalt  }
0x82: {  	_ =	shalt  }
0x83: {  	_ =	shalt  }
0x84: {  	_ =	shalt  }
0x85: {  	_ =	shalt  }
0x86: {  	_ =	shalt  }
0x87: {  	_ =	shalt  }
.Lfunc_end0:
.L_simem_size_0:
called_computation_lowered:
.L_overlay_start_0:
0x88: {  	s2 =	sld [smem:$0x3FD9]  }
0x89: {  	s3 =	sld [smem:$0x3FFE];
	_ =	sdelay $0x1  }
0x8a: {  	s1 =	srdreg.scid  }
0x8b: {  	s0 =	sand.u32 $0x1, s1  }
0x8c: {  	s16 =	sshll.u32 s0, $0xA;
	s2 =	sadd.s32 s3, s2  }
0x8d: {  	s2 =	sadd.s32 s2, s16  }
0x8e: {  	[smem:$0x3FBD] =	sst s2  }
0x8f: {  	_ = 	snop  }
0x90: {  	(tm) =	ssettm $0x1  }
0x91: {  	s17 =	sld [smem:$0x3FFB];
	_ =	sdelay $0x3  }
0x92: {  	_ =	strace s17  }
0x93: {  	s2 =	sld [smem:$0x3FFC];
	_ =	sdelay $0x3  }
0x94: {  	_ =	strace s2  }
0x95: {  	s2 =	sld [smem:$0x3FFD];
	_ =	sdelay $0x3  }
0x96: {  	_ =	strace s2  }
0x97: {  	_ =	strace $0x8FFFFFFF  }
0x98: {  	s18 =	sld [smem:$0x3FDB];
	_ =	sdelay $0x1  }
0x99: {  	s19 =	simm.s32 $_scs_section_size  }
0x9a: {  	s4 =	simm.s32 $_size__tile_overlayer_lowered;
	s5 =	simm.s32 $_tile_overlayer_lowered  }
0x9b: {  	s22 =	simm.s32 $0x1BFF;
	s21 =	sshll.u32 s5, $0x1;
	s2 =	sadd.s32 s19, s18  }
0x9c: {  	s6 =	simm.s32 $0x0;
	s20 =	sshll.u32 s4, $0x1;
	s4 =	sadd.s32 s21, s2  }
0x9d: {  	[timem:s6], [sflag:s22] =	dma.local [hbm:s4], s20  }
0x9e: {  	_ =	swait.ge [sflag:s22], s20  }
0x9f: {  	s3 =	ssub.s32 $0x0, s20;
	[sflag:s22] =	ssyncset.done $0x0  }
0xa0: {  	[sflag:s22] =	ssyncadd.s32 s3;
	_ =	sdelay $0x1  }
0xa1: {  	s23 =	simm.s32 $0x1B8B  }
0xa2: {  	_ =	swait.ge [sflag:s23], $0x1  }
0xa3: {  	[sflag:s23] =	ssyncset.done $0x0  }
0xa4: {  	s25 =	simm.s32 $0x1B8E;
	s24 =	sld [smem:$0x3FFE];
	[sflag:s23] =	ssyncadd.s32 $0xFFFFFFFF  }
0xa5: {  	s26 =	simm.s32 $execute0_lowered;
	[smem:$0x3FD2] =	sst s25  }
0xa6: {  	s4 =	sshll.u32 s26, $0x1;
	_ =	strace $0x80000046;
	[dreg:$0x1] =	wrdreg $0xFFFFFFFF  }
0xa7: {  	s28 =	simm.s32 $_size_execute0_lowered;
	s2 =	sadd.s32 s2, s4;
	[dreg:$0x0] =	wrdreg $0x0  }
0xa8: {  	s4 =	sshll.u32 s28, $0x1;
	[dreg:$0x2] =	wrdreg s2  }
0xa9: {  	[dreg:$0x3] =	wrdreg s4  }
0xaa: {  	[dreg:$0x4] =	wrdreg $0xC0  }
0xab: {  	_ =	task [dreg:s6], $0x5FFFF  }
0xac: {  	[dreg:$0x1] =	wrdreg $0xFFFFFFFF  }
0xad: {  	[dreg:$0x0] =	wrdreg $0x60  }
0xae: {  	[dreg:$0x2] =	wrdreg s24  }
0xaf: {  	[dreg:$0x3] =	wrdreg $0x9  }
0xb0: {  	_ =	task.clear_ibuf [dreg:s6], $0x4FFFF;
	_ =	strace $0x90000046  }
0xb1: {  	s29 =	simm.s32 $0x9;
	_ =	strace $0x80000048  }
0xb2: {  	_ =	swait.ge [sflag:s29], $0x1  }
0xb3: {  	[sflag:s29] =	ssyncadd.s32 $0xFFFFFFFF  }
0xb4: {  	_ =	strace $0x90000048  }
0xb5: {  	_ =	sfence  }
0xb6: {  	s30 =	sld [smem:$0x0];
	_ =	sdelay $0x2  }
0xb7: {  	s31 =	sshll.u32 s1, $0xD;
	s1 =	sshrl.u32 s1, $0x2  }
0xb8: {  	s3 =	sand.u32 $0x4000, s31;
	s1 =	sadd.s32 s1, s30  }
0xb9: {  	s0 =	sor.u32 s3, s0;
	s1 =	sshll.u32 s1, $0x11  }
0xba: {  	s0 =	sor.u32 s1, s0  }
0xbb: {  	s0 =	sadd.s32 $0x8F2B, s0  }
0xbc: {  	[sflag:s0] =	ssyncadd.remote.s32 $0x1  }
0xbd: {  	_ =	sfence.sel $0xFFFF  }
0xbe: {  	[dreg:$0x0] =	wrdreg $0xFFFFFFFF;
	(pc) =	sbr.abs _section_cstart, $3  }
0xbf: {  	[dreg:$0x1] =	wrdreg $0xFFFFFFFF  }
0xc0: {  	_ =	task.clear_ibuf [dreg:s6], $0x2FFFF;
	_ =	strace $0x9FFFFFFF  }
0xc1: {  	(tm) =	ssettm $0x7FFFFFFF  }
tec
execute0_lowered:
.L_overlay_start_1:
0x0: {  	(tag) =	ssettag $0x1  }
0x1: {  	s1 =	srdreg.scid  }
0x2: {  	s0 =	stileid.u32;
	s3 =	rddreg [dreg:$0x0];
	s8 =	simm.s32 $0x80  }
0x3: {  	s9 =	simm.s32 $0x400;
	s10 =	simm.s32 $0x2;
	s11 =	simm.s32 $0x0  }
0x4: {  	s4 =	sand.u32 $0x1, s1;
	s2 =	sshll.u32 s0, $0x1;
	s1 =	rddreg [dreg:$0x1]  }
0x5: {  	s6 =	sshrl.u32 s0, $0x2;
	s5 =	sor.u32 s4, s2;
	s2 =	simm.s32 $0x0  }
0x6: {  	s6 =	smul.u32 $0x14000, s6;
	s4 =	ssub.s32 $0x2, s4;
	s7 =	sshll.u32 s5, $0x7  }
0x7: {  	[smem:$0x7FF] =	sst s2;
	s5 =	smul.u32 $0x500, s5;
	s7 =	sand.u32 $0x380, s7  }
0x8: {  	s31 =	sshrl.u32 s4, $0x1;
	_ =	strace $0x80000047;
	s6 =	sor.u32 s6, s7  }
0x9: {  	s5 =	sadd.s32 s5, s3;
	s7 =	ssub.s32 s4, s31;
	s6 =	sshrl.u32 s6, $0x3  }
0xa: {  	s6 =	sadd.s32 s6, s3;
	s3 =	sadd.s32 $0x3800, s5;
	s5 =	smax.u32 s7, $0x1  }
0xb: {  	v0 =	vimm.f32 $0.0e+00;
	v1 =	vimm.f32 $1.000000000e+00;
	s7 =	simm.s32 $0x1;
	s4 =	sadd.s32 $0xD800, s6;
	s6 =	simm.s32 $0x2800  }
.LBB2_1:
0xc: {  	s12 =	simm.s32 $0x40;
	s13 =	simm.s32 $0x0  }
.LBB2_2:
0xd: {  	p0 =	sne.s32 s12, $0x9FC0;
	[tilespmem:s13+$0x0] =	vst v0;
	s13 =	smov.u32 s12;
	s12 =	sadd.s32 $0x40, s12  }
.Ltmp0:
0xe: {  	(pc) =	sbr.rel @p0 .LBB2_2-.Ltmp0, $2  }
0xf: {  	_ =	sdelay $0x2  }
0x10: {  	s13 =	sshra.s32 s13, $0x2  }
0x11: {  	[tilespmem:s13+$0x0] =	vst v0;
	s12 =	simm.s32 $0x0  }
0x12: {  	[tilespmem:s6], [sflag:$0x1] =	stream.linear.gather [hbm4b:s3+s12], $0x2800, $0x38;
	[tilespmem:$0x5000] =	vst v63  }
0x13: {  	_ =	swait.ge [sflag:s7], $0x2800  }
0x14: {  	[sflag:s7] =	ssyncset.done $0x0  }
0x15: {  	s13 =	simm.s32 $0x0;
	s12 =	simm.s32 $0x40;
	[sflag:s7] =	ssyncadd.s32 $0xFFFFD800  }
.LBB2_4:
0x16: {  	p0 =	sne.s32 s12, $0x9FC0;
	v2 =	vld [tilespmem:s13+$0x2800];
	_ =	sdelay $0x3  }
.Ltmp1:
0x17: {  	(pc) =	sbr.rel @p0 .LBB2_4-.Ltmp1, $2  }
0x18: {  	_ =	sdelay $0x2  }
0x19: {  	s13 =	sshra.s32 s12, $0x2;
	s12 =	sadd.s32 $0x40, s12;
	[tilespmem:v2+s2+$0x0] =	vst.idx.add.f32.msk $0xffff, v1  }
0x1a: {  	v2 =	vld [tilespmem:s13+$0x2800];
	_ =	sdelay $0x5  }
0x1b: {  	s11 =	sadd.s32 $0x1, s11  }
0x1c: {  	p0 =	sne.s32 s11, s5  }
.Ltmp2:
0x1d: {  	[tilespmem:v2+s2+$0x0] =	vst.idx.add.f32.msk $0xffff, v1;
	(pc) =	sbr.rel @p0 .LBB2_1-.Ltmp2, $4  }
0x1e: {  	[hbm4b:s4+s8] =	stream.strided.scatter [tilespmem:s2], [sflag:$0x2], $0x2800, s9, s8, $0x38;
	[tilespmem:$0x5000] =	vst v63  }
0x1f: {  	_ =	swait.ge [sflag:s10], $0x2800  }
0x20: {  	[sflag:s10] =	ssyncset.done $0x0  }
0x21: {  	[sflag:s10] =	ssyncadd.s32 $0xFFFFD800  }
0x22: {  	_ =	sfence.sel $0x180000  }
0x23: {  	[bflag:$0x0] =	sbarrier.arrive $0xFFFF  }
0x24: {  	p0 =	sne.s32 s0, $0x0;
	_ =	strace $0x90000047  }
0x25: {  	s0 =	sadd.s32 @!p0 $0x100000, s1;
	[bflag:$0x2] =	sbarrier.arrive $0xFFFF  }
0x26: {  	[sflag:s0] =	ssyncadd.tile.s32 @!p0 $0x1;
	_ =	shalt  }
.Lfunc_end2:
_tile_overlayer_lowered:
.L_overlay_start_2:
0x27: {  	(tag) =	ssettag $0x2  }
0x28: {  	s0 =	rddreg [dreg:$0x0];
	s2 =	stileid.u32  }
0x29: {  	s1 =	rddreg [dreg:$0x1];
	p0 =	sne.s32 s2, $0x0  }
0x2a: {  	s3 =	rddreg [dreg:$0x2];
	[bflag:$0x3] =	sbarrier.arrive $0xFFFF;
	s2 =	simm.s32 @!p0 $0x1C02  }
0x2b: {  	[timem:s3], [sflag:s2] =	dma.local @!p0 [hbm:s0], s1  }
0x2c: {  	s0 =	simm.s32 @!p0 $0x2  }
0x2d: {  	_ =	swait.ge @!p0 [sflag:s0], s1  }
0x2e: {  	s1 =	ssub.s32 @!p0 $0x0, s1;
	[sflag:s0] =	ssyncset.done @!p0 $0x0  }
0x2f: {  	[sflag:s0] =	ssyncadd.s32 @!p0 s1  }
0x30: {  	[bflag:$0x3] =	sbarrier.arrive $0xFFFF  }
0x31: {  	_ =	shalt  }

// kernel: kernel.13.cloned.1.call-start
scs
__scs_entry_jumppad:
0x0: {  	(pc) =	sbr.rel $0x88, $3  }
0x1: {  	(tag) =	ssettag $0x0;
	lr =	simm.s32 $0x1  }
0x2: {  	[smem:$0x3F96] =	sst lr;
	_ =	strace $0xD0000000  }
0x3: {  	_ = 	snop  }
0x4: {  	_ = 	snop  }
0x5: {  	_ = 	snop  }
0x6: {  	_ = 	snop  }
0x7: {  	_ = 	snop  }
__scs_overlays_trampoline_lowered:
0x8: {  	[smem:$0x3FA5] =	sst s0  }
0x9: {  	[smem:$0x3FA6] =	sst s1  }
0xa: {  	[smem:$0x3FA7] =	sst s2  }
0xb: {  	[smem:$0x3FA8] =	sst s3  }
0xc: {  	[smem:$0x3FA9] =	sst s4  }
0xd: {  	[smem:$0x3FAA] =	sst s5  }
0xe: {  	[smem:$0x3FAB] =	sst s6  }
0xf: {  	[smem:$0x3FAC] =	sst s7  }
0x10: {  	[smem:$0x3FAD] =	sst s8  }
0x11: {  	[smem:$0x3FAE] =	sst s9;
	s0 =	simm.s32 @!p0 $0x0  }
0x12: {  	s1 =	sld [smem:$0x3F94];
	s0 =	simm.s32 @p0 $0x1  }
0x13: {  	[smem:$0x3FAF] =	sst s0;
	s0 =	simm.s32 @!p1 $0x0  }
0x14: {  	s2 =	sld [smem:$0x3F93];
	s0 =	simm.s32 @p1 $0x1  }
0x15: {  	[smem:$0x3FB0] =	sst s0;
	s0 =	simm.s32 @!p2 $0x0  }
0x16: {  	s3 =	sld [smem:$0x3FDB];
	s0 =	simm.s32 @p2 $0x1  }
0x17: {  	s4 =	simm.s32 $0x1BF5;
	[smem:$0x3FB2] =	sst s0  }
0x18: {  	s0 =	sld [smem:$0x3F95];
	_ =	swait.ge [sflag:s4], $0x0  }
0x19: {  	s7 =	sld [smem:$0x3F96]  }
0x1a: {  	s8 =	sadd.s32 $0xFFFFE003, lr  }
0x1b: {  	s9 =	sadd.s32 $0xFFFFFEF7, lr;
	s5 =	simm.s32 $0xFFFFFFFF;
	p2 =	slt.u32 s8, $0xFFFFF086  }
0x1c: {  	p1 =	slt.u32 s9, $0xF7A;
	s5 =	simm.s32 @!p2 $0x0  }
0x1d: {  	s5 =	simm.s32 @p1 $0x1;
	p0 =	seq.s32 s7, s2  }
0x1e: {  	s7 =	smul.u32 @!p0 $0xF7A, s2;
	p2 =	seq.s32 @!p0 s5, $0x0  }
0x1f: {  	s9 =	smul.u32 $0xF7A, s1;
	s8 =	simm.s32 @!p0 $0x1BF5;
	p2 =	por !p2, p0  }
0x20: {  	[sflag:s8] =	ssyncset.s32 @!p0 $0xFFFFF086;
	s6 =	sadd.s32 @!p0 s3, s7;
	s7 =	simm.s32 @!p0 $0x108  }
0x21: {  	s3 =	sadd.s32 s3, s9;
	s6 =	sadd.s32 @!p0 $0x88, s6;
	s7 =	simm.s32 @p2 $0x1082  }
0x22: {  	[simem:s7], [sflag:s8] =	dma.local @!p0 [hbm:s6], $0xF7A  }
0x23: {  	s9 =	sor.u32 $0xD0000000, s2;
	s6 =	simm.s32 $0x108;
	_ =	swait.ge @!p0 [sflag:s8], $0x0  }
0x24: {  	s3 =	sadd.s32 $0x88, s3;
	s6 =	simm.s32 @!p1 $0x1082;
	[sflag:s4] =	ssyncset.s32 $0xFFFFF086  }
0x25: {  	[simem:s6], [sflag:s4] =	dma.local [hbm:s3], $0xF7A  }
0x26: {  	[smem:$0x3F96] =	sst s1;
	(tag) =	ssettag s2;
	_ =	strace s9  }
0x27: {  	s1 =	sld [smem:$0x3FA6]  }
0x28: {  	s2 =	sld [smem:$0x3FA7]  }
0x29: {  	s4 =	sld [smem:$0x3FA9]  }
0x2a: {  	p0 =	seq.s32 s5, $0x0;
	s5 =	sld [smem:$0x3FAA]  }
0x2b: {  	s6 =	sld [smem:$0x3FAB]  }
0x2c: {  	s7 =	sld [smem:$0x3FAC]  }
0x2d: {  	s3 =	simm.s32 $0x108;
	s8 =	sld [smem:$0x3FAD]  }
0x2e: {  	s3 =	simm.s32 @!p0 $0x1082;
	s9 =	sld [smem:$0x3FAE]  }
0x2f: {  	lr =	sadd.s32 s0, s3;
	s0 =	sld [smem:$0x3FA5]  }
0x30: {  	s3 =	sld [smem:$0x3FA8]  }
0x31: {  	[smem:$0x3FB1] =	sst s10  }
0x32: {  	s10 =	sld [smem:$0x3FAF];
	_ =	sdelay $0x3  }
0x33: {  	p0 =	seq.s32 s10, $0x1;
	s10 =	sld [smem:$0x3FB1];
	_ =	sdelay $0x3  }
0x34: {  	[smem:$0x3FB1] =	sst s10  }
0x35: {  	s10 =	sld [smem:$0x3FB0];
	_ =	sdelay $0x3  }
0x36: {  	p1 =	seq.s32 s10, $0x1;
	s10 =	sld [smem:$0x3FB1];
	_ =	sdelay $0x3  }
0x37: {  	[smem:$0x3FB1] =	sst s10  }
0x38: {  	s10 =	sld [smem:$0x3FB2]  }
0x39: {  	_ = 	snop;
	(pc) =	sbr.ind lr, $3  }
0x3a: {  	_ = 	snop  }
0x3b: {  	_ = 	snop  }
0x3c: {  	p2 =	seq.s32 s10, $0x1;
	s10 =	sld [smem:$0x3FB1]  }
0x3d: {  	_ =	shalt  }
0x3e: {  	_ =	shalt  }
0x3f: {  	_ =	shalt  }
0x40: {  	_ =	shalt  }
0x41: {  	_ =	shalt  }
0x42: {  	_ =	shalt  }
0x43: {  	_ =	shalt  }
0x44: {  	_ =	shalt  }
0x45: {  	_ =	shalt  }
0x46: {  	_ =	shalt  }
0x47: {  	_ =	shalt  }
0x48: {  	_ =	shalt  }
0x49: {  	_ =	shalt  }
0x4a: {  	_ =	shalt  }
0x4b: {  	_ =	shalt  }
0x4c: {  	_ =	shalt  }
0x4d: {  	_ =	shalt  }
0x4e: {  	_ =	shalt  }
0x4f: {  	_ =	shalt  }
0x50: {  	_ =	shalt  }
0x51: {  	_ =	shalt  }
0x52: {  	_ =	shalt  }
0x53: {  	_ =	shalt  }
0x54: {  	_ =	shalt  }
0x55: {  	_ =	shalt  }
0x56: {  	_ =	shalt  }
0x57: {  	_ =	shalt  }
0x58: {  	_ =	shalt  }
0x59: {  	_ =	shalt  }
0x5a: {  	_ =	shalt  }
0x5b: {  	_ =	shalt  }
0x5c: {  	_ =	shalt  }
0x5d: {  	_ =	shalt  }
0x5e: {  	_ =	shalt  }
0x5f: {  	_ =	shalt  }
0x60: {  	_ =	shalt  }
0x61: {  	_ =	shalt  }
0x62: {  	_ =	shalt  }
0x63: {  	_ =	shalt  }
0x64: {  	_ =	shalt  }
0x65: {  	_ =	shalt  }
0x66: {  	_ =	shalt  }
0x67: {  	_ =	shalt  }
0x68: {  	_ =	shalt  }
0x69: {  	_ =	shalt  }
0x6a: {  	_ =	shalt  }
0x6b: {  	_ =	shalt  }
0x6c: {  	_ =	shalt  }
0x6d: {  	_ =	shalt  }
0x6e: {  	_ =	shalt  }
0x6f: {  	_ =	shalt  }
0x70: {  	_ =	shalt  }
0x71: {  	_ =	shalt  }
0x72: {  	_ =	shalt  }
0x73: {  	_ =	shalt  }
0x74: {  	_ =	shalt  }
0x75: {  	_ =	shalt  }
0x76: {  	_ =	shalt  }
0x77: {  	_ =	shalt  }
0x78: {  	_ =	shalt  }
0x79: {  	_ =	shalt  }
0x7a: {  	_ =	shalt  }
0x7b: {  	_ =	shalt  }
0x7c: {  	_ =	shalt  }
0x7d: {  	_ =	shalt  }
0x7e: {  	_ =	shalt  }
0x7f: {  	_ =	shalt  }
0x80: {  	_ =	shalt  }
0x81: {  	_ =	shalt  }
0x82: {  	_ =	shalt  }
0x83: {  	_ =	shalt  }
0x84: {  	_ =	shalt  }
0x85: {  	_ =	shalt  }
0x86: {  	_ =	shalt  }
0x87: {  	_ =	shalt  }
.Lfunc_end0:
.L_simem_size_0:
called_computation.1_lowered:
.L_overlay_start_0:
0x88: {  	s2 =	sld [smem:$0x3FD9]  }
0x89: {  	s3 =	sld [smem:$0x3FFE];
	_ =	sdelay $0x1  }
0x8a: {  	s1 =	srdreg.scid  }
0x8b: {  	s0 =	sand.u32 $0x1, s1  }
0x8c: {  	s16 =	sshll.u32 s0, $0xA;
	s2 =	sadd.s32 s3, s2  }
0x8d: {  	s2 =	sadd.s32 s2, s16  }
0x8e: {  	[smem:$0x3FBD] =	sst s2  }
0x8f: {  	_ = 	snop  }
0x90: {  	(tm) =	ssettm $0x1  }
0x91: {  	s17 =	sld [smem:$0x3FFB];
	_ =	sdelay $0x3  }
0x92: {  	_ =	strace s17  }
0x93: {  	s2 =	sld [smem:$0x3FFC];
	_ =	sdelay $0x3  }
0x94: {  	_ =	strace s2  }
0x95: {  	s2 =	sld [smem:$0x3FFD];
	_ =	sdelay $0x3  }
0x96: {  	_ =	strace s2  }
0x97: {  	_ =	strace $0x8FFFFFFF  }
0x98: {  	s18 =	sld [smem:$0x3FDB];
	_ =	sdelay $0x1  }
0x99: {  	s19 =	simm.s32 $_scs_section_size  }
0x9a: {  	s4 =	simm.s32 $_size__tile_overlayer_lowered;
	s5 =	simm.s32 $_tile_overlayer_lowered  }
0x9b: {  	s22 =	simm.s32 $0x1BFF;
	s21 =	sshll.u32 s5, $0x1;
	s2 =	sadd.s32 s19, s18  }
0x9c: {  	s6 =	simm.s32 $0x0;
	s20 =	sshll.u32 s4, $0x1;
	s4 =	sadd.s32 s21, s2  }
0x9d: {  	[timem:s6], [sflag:s22] =	dma.local [hbm:s4], s20  }
0x9e: {  	_ =	swait.ge [sflag:s22], s20  }
0x9f: {  	s3 =	ssub.s32 $0x0, s20;
	[sflag:s22] =	ssyncset.done $0x0  }
0xa0: {  	[sflag:s22] =	ssyncadd.s32 s3;
	_ =	sdelay $0x1  }
0xa1: {  	s23 =	simm.s32 $0x1B8B  }
0xa2: {  	_ =	swait.ge [sflag:s23], $0x1  }
0xa3: {  	[sflag:s23] =	ssyncset.done $0x0  }
0xa4: {  	s25 =	simm.s32 $0x1B8E;
	s24 =	sld [smem:$0x3FFE];
	[sflag:s23] =	ssyncadd.s32 $0xFFFFFFFF  }
0xa5: {  	s26 =	simm.s32 $execute0_lowered;
	[smem:$0x3FD2] =	sst s25  }
0xa6: {  	s4 =	sshll.u32 s26, $0x1;
	_ =	strace $0x80000049;
	[dreg:$0x1] =	wrdreg $0xFFFFFFFF  }
0xa7: {  	s28 =	simm.s32 $_size_execute0_lowered;
	s2 =	sadd.s32 s2, s4;
	[dreg:$0x0] =	wrdreg $0x0  }
0xa8: {  	s4 =	sshll.u32 s28, $0x1;
	[dreg:$0x2] =	wrdreg s2  }
0xa9: {  	[dreg:$0x3] =	wrdreg s4  }
0xaa: {  	[dreg:$0x4] =	wrdreg $0xC0  }
0xab: {  	_ =	task [dreg:s6], $0x5FFFF  }
0xac: {  	[dreg:$0x1] =	wrdreg $0xFFFFFFFF  }
0xad: {  	[dreg:$0x0] =	wrdreg $0x60  }
0xae: {  	[dreg:$0x2] =	wrdreg s24  }
0xaf: {  	[dreg:$0x3] =	wrdreg $0x0  }
0xb0: {  	[dreg:$0x4] =	wrdreg $0x9  }
0xb1: {  	_ =	task.clear_ibuf [dreg:s6], $0x5FFFF;
	_ =	strace $0x90000049  }
0xb2: {  	s29 =	simm.s32 $0x9;
	_ =	strace $0x8000004B  }
0xb3: {  	_ =	swait.ge [sflag:s29], $0x1  }
0xb4: {  	[sflag:s29] =	ssyncadd.s32 $0xFFFFFFFF  }
0xb5: {  	_ =	strace $0x9000004B  }
0xb6: {  	_ =	sfence  }
0xb7: {  	s30 =	sld [smem:$0x0];
	_ =	sdelay $0x2  }
0xb8: {  	s31 =	sshll.u32 s1, $0xD;
	s1 =	sshrl.u32 s1, $0x2  }
0xb9: {  	s3 =	sand.u32 $0x4000, s31;
	s1 =	sadd.s32 s1, s30  }
0xba: {  	s0 =	sor.u32 s3, s0;
	s1 =	sshll.u32 s1, $0x11  }
0xbb: {  	s0 =	sor.u32 s1, s0  }
0xbc: {  	s0 =	sadd.s32 $0x8F2B, s0  }
0xbd: {  	[sflag:s0] =	ssyncadd.remote.s32 $0x1  }
0xbe: {  	_ =	sfence.sel $0xFFFF  }
0xbf: {  	[dreg:$0x0] =	wrdreg $0xFFFFFFFF;
	(pc) =	sbr.abs _section_cstart, $3  }
0xc0: {  	[dreg:$0x1] =	wrdreg $0xFFFFFFFF  }
0xc1: {  	_ =	task.clear_ibuf [dreg:s6], $0x2FFFF;
	_ =	strace $0x9FFFFFFF  }
0xc2: {  	(tm) =	ssettm $0x7FFFFFFF  }
0xc3: {  	_ =	shalt  }
tec
execute0_lowered:
.L_overlay_start_1:
0x0: {  	(tag) =	ssettag $0x1  }
0x1: {  	s0 =	rddreg [dreg:$0x0]  }
0x2: {  	s2 =	rddreg [dreg:$0x1];
	s3 =	simm.s32 $0x0  }
0x3: {  	s1 =	stileid.u32;
	s4 =	srdreg.scid;
	s20 =	simm.s32 $0x1C000  }
0x4: {  	s21 =	simm.s32 $0x80;
	s22 =	simm.s32 $0x14000;
	s23 =	simm.s32 $0x1  }
0x5: {  	s24 =	simm.s32 $0x0;
	[smem:$0x7FF] =	sst s3;
	s5 =	smul.u32 $0x14000, s1  }
0x6: {  	s7 =	sand.u32 $0x1, s4;
	s4 =	sadd.s32 $0x2C000, s0;
	s15 =	sadd.s32 $0x17800, s0  }
0x7: {  	s16 =	sadd.s32 $0x21C00, s0;
	s25 =	smul.u32 $0x50000, s1;
	s30 =	sshll.u32 s1, $0x6  }
0x8: {  	s11 =	sshll.u32 s1, $0x5;
	s12 =	sshll.u32 s1, $0x7;
	_ =	strace $0x8000004A  }
0x9: {  	s6 =	smul.u32 $0x140000, s7;
	s9 =	ssub.s32 $0x2, s7;
	p0 =	seq.s32 s7, $0x0  }
0xa: {  	s7 =	simm.s32 $0x20;
	s14 =	sor.u32 $0x20, s12;
	s17 =	sor.u32 $0x808, s11  }
0xb: {  	s8 =	sshrl.u32 s5, $0x3;
	s26 =	sshrl.u32 s9, $0x1;
	s7 =	simm.s32 @!p0 $0x8  }
0xc: {  	s17 =	smov.u32 @p0 s14;
	s5 =	sadd.s32 s5, s6;
	s8 =	sadd.s32 s8, s0  }
0xd: {  	s6 =	sshrl.u32 s25, $0x2;
	s18 =	ssub.s32 s9, s26;
	s9 =	sor.u32 $0x800, s11  }
0xe: {  	s14 =	sshll.u32 s17, $0x4;
	s17 =	sor.u32 $0x818, s11;
	s19 =	sshll.u32 s7, $0x5  }
0xf: {  	s5 =	sshrl.u32 s5, $0x3;
	s28 =	sadd.s32 s6, s2;
	s29 =	sadd.s32 $0x54000, s8  }
0x10: {  	s8 =	sor.u32 $0x1C02, s30;
	s9 =	smov.u32 @p0 s12;
	s12 =	sor.u32 $0x60, s12  }
0x11: {  	s11 =	sadd.s32 s15, s14;
	s18 =	smax.u32 s18, $0x1;
	[dreg:$0x3] =	wrdreg s28  }
0x12: {  	s0 =	sadd.s32 s5, s0;
	[dreg:$0x4] =	wrdreg s29;
	s13 =	sshll.u32 s9, $0x4  }
0x13: {  	s17 =	smov.u32 @p0 s12;
	s12 =	sadd.s32 s16, s14;
	s9 =	sadd.s32 s15, s13  }
0x14: {  	s10 =	sadd.s32 s16, s13;
	s31 =	sadd.s32 s19, s13;
	s17 =	sshll.u32 s17, $0x4  }
0x15: {  	s19 =	simm.s32 $0x2;
	s13 =	sadd.s32 s15, s31;
	s14 =	sadd.s32 s16, s31  }
0x16: {  	s15 =	sadd.s32 s15, s17;
	s16 =	sadd.s32 s16, s17;
	s17 =	sadd.s32 $0x7C000, s0  }
.LBB2_1:
0x17: {  	s0 =	rddreg [dreg:$0x3]  }
0x18: {  	s26 =	rddreg [dreg:$0x4];
	s25 =	sshrl.u32 s0, $0x3  }
0x19: {  	[spmem:s25], [sflag:s8] =	dma.local [hbm:s26], $0x2800  }
0x1a: {  	_ =	swait.ge [sflag:s19], $0x2800  }
0x1b: {  	[sflag:s19] =	ssyncset.done $0x0  }
0x1c: {  	[sflag:s19] =	ssyncadd.s32 $0xFFFFD800  }
0x1d: {  	[bflag:$0x0] =	sbarrier.arrive $0xFFFF  }
0x1e: {  	[tilespmem:s20], [sflag:$0x2] =	stream.linear.gather [hbm4b:s9+s3], $0x1000, $0x38;
	[tilespmem:$0x1E000] =	vst v63  }
0x1f: {  	_ =	swait.ge [sflag:s19], $0x1000  }
0x20: {  	[sflag:s19] =	ssyncset.done $0x0  }
0x21: {  	s26 =	simm.s32 $0x1D000;
	[sflag:s19] =	ssyncadd.s32 $0xFFFFF000  }
0x22: {  	[tilespmem:s26], [sflag:$0x2] =	stream.linear.gather [hbm4b:s10+s3], $0x1000, $0x38;
	[tilespmem:$0x1E000] =	vst v63  }
0x23: {  	_ =	swait.ge [sflag:s19], $0x1000  }
0x24: {  	[sflag:s19] =	ssyncset.done $0x0  }
0x25: {  	s28 =	simm.s32 $0x1C080;
	[sflag:s19] =	ssyncadd.s32 $0xFFFFF000  }
0x26: {  	[tilespmem:s22], [sflag:$0x1] =	stream.indirect.gather [hbm4b:s4+s21], $0x80, s20, s21, $0xb8;
	[tilespmem:$0x1E000] =	vst v63  }
0x27: {  	p0 =	sle.u32 s7, $0x1;
	s0 =	sand.u32 $0x1, s3;
	_ =	swait.ge [sflag:s23], $0x4000  }
0x28: {  	s29 =	sshll.u32 s0, $0xE;
	s0 =	sshll.u32 @!p0 s0, $0xE;
	[sflag:s23] =	ssyncset.done $0x0  }
0x29: {  	s30 =	simm.s32 @!p0 $0x80;
	s0 =	ssub.s32 @!p0 $0x18000, s0;
	[sflag:s23] =	ssyncadd.s32 $0xFFFFC000  }
0x2a: {  	[tilespmem:s0], [sflag:$0x1] =	stream.indirect.gather @!p0 [hbm4b:s4+s30], $0x80, s28, s30, $0xb8;
	[tilespmem:$0x1E000] =	vst v63  }
0x2b: {  	p0 =	sne.s32 s7, $0x1  }
.Ltmp0:
0x2c: {  	s31 =	sadd.s32 $0x14000, s29;
	(pc) =	sbr.rel @!p0 .LBB2_3-.Ltmp0, $4  }
0x2d: {  	[spmem:s2] =	stream.indirect.scatter.add.f32 [tilespmem:s31], [sflag:$0x2], $0x80, s26, s21, $0xb8;
	[tilespmem:$0x1E000] =	vst v63  }
0x2e: {  	_ =	swait.ge [sflag:s19], $0x4000  }
0x2f: {  	s29 =	simm.s32 $0x1;
	[sflag:s19] =	ssyncset.done $0x0  }
0x30: {  	s30 =	simm.s32 $0x1D000;
	s0 =	simm.s32 $0x1C080;
	[sflag:s19] =	ssyncadd.s32 $0xFFFFC000  }
.LBB2_2:
0x31: {  	s30 =	sadd.s32 $0x80, s30  }
0x32: {  	s0 =	sadd.s32 $0x80, s0;
	s31 =	smov.u32 s29;
	s29 =	sadd.s32 $0x1, s29  }
0x33: {  	s31 =	sand.u32 $0x1, s31;
	_ =	swait.ge [sflag:s23], $0x4000;
	p0 =	sge.u32 s29, s7  }
0x34: {  	s1 =	sshll.u32 s31, $0xE;
	[sflag:s23] =	ssyncset.done $0x0;
	s31 =	sshll.u32 @!p0 s31, $0xE  }
0x35: {  	s5 =	simm.s32 @!p0 $0x80;
	[sflag:s23] =	ssyncadd.s32 $0xFFFFC000;
	s31 =	ssub.s32 @!p0 $0x18000, s31  }
0x36: {  	[tilespmem:s31], [sflag:$0x1] =	stream.indirect.gather @!p0 [hbm4b:s4+s5], $0x80, s0, s5, $0xb8;
	[tilespmem:$0x1E000] =	vst v63  }
0x37: {  	p0 =	sne.s32 s7, s29  }
.Ltmp1:
0x38: {  	s1 =	sadd.s32 $0x14000, s1;
	(pc) =	sbr.rel @p0 .LBB2_2-.Ltmp1, $4  }
0x39: {  	[spmem:s2] =	stream.indirect.scatter.add.f32 [tilespmem:s1], [sflag:$0x2], $0x80, s30, s21, $0xb8;
	[tilespmem:$0x1E000] =	vst v63  }
0x3a: {  	_ =	swait.ge [sflag:s19], $0x4000  }
0x3b: {  	[sflag:s19] =	ssyncset.done $0x0  }
0x3c: {  	[sflag:s19] =	ssyncadd.s32 $0xFFFFC000  }
.LBB2_3:
0x3d: {  	s29 =	simm.s32 $0x0  }
0x3e: {  	[tilespmem:s20], [sflag:$0x2] =	stream.linear.gather [hbm4b:s11+s29], $0x1000, $0x38;
	[tilespmem:$0x1E000] =	vst v63  }
0x3f: {  	_ =	swait.ge [sflag:s19], $0x1000  }
0x40: {  	[sflag:s19] =	ssyncset.done $0x0  }
0x41: {  	[sflag:s19] =	ssyncadd.s32 $0xFFFFF000  }
0x42: {  	[tilespmem:s26], [sflag:$0x2] =	stream.linear.gather [hbm4b:s12+s29], $0x1000, $0x38;
	[tilespmem:$0x1E000] =	vst v63  }
0x43: {  	_ =	swait.ge [sflag:s19], $0x1000  }
0x44: {  	[sflag:s19] =	ssyncset.done $0x0  }
0x45: {  	[sflag:s19] =	ssyncadd.s32 $0xFFFFF000  }
0x46: {  	[tilespmem:s22], [sflag:$0x1] =	stream.indirect.gather [hbm4b:s4+s21], $0x80, s20, s21, $0xb8;
	[tilespmem:$0x1E000] =	vst v63  }
0x47: {  	p0 =	sle.u32 s7, $0x1;
	s30 =	sand.u32 $0x1, s29;
	_ =	swait.ge [sflag:s23], $0x4000  }
0x48: {  	s1 =	sshll.u32 @!p0 s30, $0xE;
	[sflag:s23] =	ssyncset.done $0x0  }
0x49: {  	s5 =	simm.s32 @!p0 $0x80;
	s1 =	ssub.s32 @!p0 $0x18000, s1;
	[sflag:s23] =	ssyncadd.s32 $0xFFFFC000  }
0x4a: {  	[tilespmem:s1], [sflag:$0x1] =	stream.indirect.gather @!p0 [hbm4b:s4+s5], $0x80, s28, s5, $0xb8;
	[tilespmem:$0x1E000] =	vst v63  }
0x4b: {  	s0 =	sshll.u32 s30, $0xE;
	p0 =	sne.s32 s7, $0x1  }
.Ltmp2:
0x4c: {  	s31 =	sadd.s32 $0x14000, s0;
	(pc) =	sbr.rel @!p0 .LBB2_5-.Ltmp2, $4  }
0x4d: {  	[spmem:s2] =	stream.indirect.scatter.add.f32 [tilespmem:s31], [sflag:$0x2], $0x80, s26, s21, $0xb8;
	[tilespmem:$0x1E000] =	vst v63  }
0x4e: {  	_ =	swait.ge [sflag:s19], $0x4000  }
0x4f: {  	[sflag:s19] =	ssyncset.done $0x0  }
0x50: {  	s0 =	simm.s32 $0x1;
	[sflag:s19] =	ssyncadd.s32 $0xFFFFC000  }
.LBB2_4:
0x51: {  	s26 =	sadd.s32 $0x80, s26  }
0x52: {  	s28 =	sadd.s32 $0x80, s28;
	s1 =	smov.u32 s0;
	s0 =	sadd.s32 $0x1, s0  }
0x53: {  	s1 =	sand.u32 $0x1, s1;
	_ =	swait.ge [sflag:s23], $0x4000;
	p0 =	sge.u32 s0, s7  }
0x54: {  	s5 =	sshll.u32 s1, $0xE;
	[sflag:s23] =	ssyncset.done $0x0;
	s1 =	sshll.u32 @!p0 s1, $0xE  }
0x55: {  	s6 =	simm.s32 @!p0 $0x80;
	[sflag:s23] =	ssyncadd.s32 $0xFFFFC000;
	s1 =	ssub.s32 @!p0 $0x18000, s1  }
0x56: {  	[tilespmem:s1], [sflag:$0x1] =	stream.indirect.gather @!p0 [hbm4b:s4+s6], $0x80, s28, s6, $0xb8;
	[tilespmem:$0x1E000] =	vst v63  }
0x57: {  	p0 =	sne.s32 s7, s0  }
.Ltmp3:
0x58: {  	s1 =	sadd.s32 $0x14000, s5;
	(pc) =	sbr.rel @p0 .LBB2_4-.Ltmp3, $4  }
0x59: {  	[spmem:s2] =	stream.indirect.scatter.add.f32 [tilespmem:s1], [sflag:$0x2], $0x80, s26, s21, $0xb8;
	[tilespmem:$0x1E000] =	vst v63  }
0x5a: {  	_ =	swait.ge [sflag:s19], $0x4000  }
0x5b: {  	[sflag:s19] =	ssyncset.done $0x0  }
0x5c: {  	[sflag:s19] =	ssyncadd.s32 $0xFFFFC000  }
.LBB2_5:
0x5d: {  	[tilespmem:s20], [sflag:$0x2] =	stream.linear.gather [hbm4b:s13+s29], $0x1000, $0x38;
	[tilespmem:$0x1E000] =	vst v63  }
0x5e: {  	_ =	swait.ge [sflag:s19], $0x1000  }
0x5f: {  	[sflag:s19] =	ssyncset.done $0x0  }
0x60: {  	s26 =	simm.s32 $0x1D000;
	[sflag:s19] =	ssyncadd.s32 $0xFFFFF000  }
0x61: {  	[tilespmem:s26], [sflag:$0x2] =	stream.linear.gather [hbm4b:s14+s29], $0x1000, $0x38;
	[tilespmem:$0x1E000] =	vst v63  }
0x62: {  	_ =	swait.ge [sflag:s19], $0x1000  }
0x63: {  	[sflag:s19] =	ssyncset.done $0x0  }
0x64: {  	[sflag:s19] =	ssyncadd.s32 $0xFFFFF000  }
0x65: {  	[tilespmem:s22], [sflag:$0x1] =	stream.indirect.gather [hbm4b:s4+s21], $0x80, s20, s21, $0xb8;
	[tilespmem:$0x1E000] =	vst v63  }
0x66: {  	p0 =	sle.u32 s7, $0x1;
	_ =	swait.ge [sflag:s23], $0x4000  }
0x67: {  	s28 =	simm.s32 $0x1C080;
	s0 =	sshll.u32 @!p0 s30, $0xE;
	[sflag:s23] =	ssyncset.done $0x0  }
0x68: {  	s1 =	simm.s32 @!p0 $0x80;
	s0 =	ssub.s32 @!p0 $0x18000, s0;
	[sflag:s23] =	ssyncadd.s32 $0xFFFFC000  }
0x69: {  	[tilespmem:s0], [sflag:$0x1] =	stream.indirect.gather @!p0 [hbm4b:s4+s1], $0x80, s28, s1, $0xb8;
	[tilespmem:$0x1E000] =	vst v63  }
0x6a: {  	p0 =	sne.s32 s7, $0x1  }
.Ltmp4:
0x6b: {  	_ = 	snop;
	(pc) =	sbr.rel @!p0 .LBB2_7-.Ltmp4, $4  }
0x6c: {  	[spmem:s2] =	stream.indirect.scatter.add.f32 [tilespmem:s31], [sflag:$0x2], $0x80, s26, s21, $0xb8;
	[tilespmem:$0x1E000] =	vst v63  }
0x6d: {  	_ =	swait.ge [sflag:s19], $0x4000  }
0x6e: {  	s30 =	simm.s32 $0x1C080;
	[sflag:s19] =	ssyncset.done $0x0  }
0x6f: {  	s29 =	simm.s32 $0x1;
	s0 =	simm.s32 $0x1D000;
	[sflag:s19] =	ssyncadd.s32 $0xFFFFC000  }
.LBB2_6:
0x70: {  	s0 =	sadd.s32 $0x80, s0  }
0x71: {  	s30 =	sadd.s32 $0x80, s30;
	s1 =	smov.u32 s29;
	s29 =	sadd.s32 $0x1, s29  }
0x72: {  	s1 =	sand.u32 $0x1, s1;
	_ =	swait.ge [sflag:s23], $0x4000;
	p0 =	sge.u32 s29, s7  }
0x73: {  	s5 =	sshll.u32 s1, $0xE;
	[sflag:s23] =	ssyncset.done $0x0;
	s1 =	sshll.u32 @!p0 s1, $0xE  }
0x74: {  	s6 =	simm.s32 @!p0 $0x80;
	[sflag:s23] =	ssyncadd.s32 $0xFFFFC000;
	s1 =	ssub.s32 @!p0 $0x18000, s1  }
0x75: {  	[tilespmem:s1], [sflag:$0x1] =	stream.indirect.gather @!p0 [hbm4b:s4+s6], $0x80, s30, s6, $0xb8;
	[tilespmem:$0x1E000] =	vst v63  }
0x76: {  	p0 =	sne.s32 s7, s29  }
.Ltmp5:
0x77: {  	s1 =	sadd.s32 $0x14000, s5;
	(pc) =	sbr.rel @p0 .LBB2_6-.Ltmp5, $4  }
0x78: {  	[spmem:s2] =	stream.indirect.scatter.add.f32 [tilespmem:s1], [sflag:$0x2], $0x80, s0, s21, $0xb8;
	[tilespmem:$0x1E000] =	vst v63  }
0x79: {  	_ =	swait.ge [sflag:s19], $0x4000  }
0x7a: {  	[sflag:s19] =	ssyncset.done $0x0  }
0x7b: {  	[sflag:s19] =	ssyncadd.s32 $0xFFFFC000  }
.LBB2_7:
0x7c: {  	s0 =	simm.s32 $0x0  }
0x7d: {  	[tilespmem:s20], [sflag:$0x2] =	stream.linear.gather [hbm4b:s15+s0], $0x1000, $0x38;
	[tilespmem:$0x1E000] =	vst v63  }
0x7e: {  	_ =	swait.ge [sflag:s19], $0x1000  }
0x7f: {  	[sflag:s19] =	ssyncset.done $0x0  }
0x80: {  	[sflag:s19] =	ssyncadd.s32 $0xFFFFF000  }
0x81: {  	[tilespmem:s26], [sflag:$0x2] =	stream.linear.gather [hbm4b:s16+s0], $0x1000, $0x38;
	[tilespmem:$0x1E000] =	vst v63  }
0x82: {  	_ =	swait.ge [sflag:s19], $0x1000  }
0x83: {  	[sflag:s19] =	ssyncset.done $0x0  }
0x84: {  	[sflag:s19] =	ssyncadd.s32 $0xFFFFF000  }
0x85: {  	[tilespmem:s22], [sflag:$0x1] =	stream.indirect.gather [hbm4b:s4+s21], $0x80, s20, s21, $0xb8;
	[tilespmem:$0x1E000] =	vst v63  }
0x86: {  	p0 =	sle.u32 s7, $0x1;
	s0 =	sand.u32 $0x1, s0;
	_ =	swait.ge [sflag:s23], $0x4000  }
0x87: {  	s1 =	sshll.u32 s0, $0xE;
	s0 =	sshll.u32 @!p0 s0, $0xE;
	[sflag:s23] =	ssyncset.done $0x0  }
0x88: {  	s5 =	simm.s32 @!p0 $0x80;
	s0 =	ssub.s32 @!p0 $0x18000, s0;
	[sflag:s23] =	ssyncadd.s32 $0xFFFFC000  }
0x89: {  	[tilespmem:s0], [sflag:$0x1] =	stream.indirect.gather @!p0 [hbm4b:s4+s5], $0x80, s28, s5, $0xb8;
	[tilespmem:$0x1E000] =	vst v63  }
0x8a: {  	p0 =	sne.s32 s7, $0x1  }
.Ltmp6:
0x8b: {  	s31 =	sadd.s32 $0x14000, s1;
	(pc) =	sbr.rel @!p0 .LBB2_9-.Ltmp6, $4  }
0x8c: {  	[spmem:s2] =	stream.indirect.scatter.add.f32 [tilespmem:s31], [sflag:$0x2], $0x80, s26, s21, $0xb8;
	[tilespmem:$0x1E000] =	vst v63  }
0x8d: {  	_ =	swait.ge [sflag:s19], $0x4000  }
0x8e: {  	[sflag:s19] =	ssyncset.done $0x0  }
0x8f: {  	s0 =	simm.s32 $0x1;
	[sflag:s19] =	ssyncadd.s32 $0xFFFFC000  }
.LBB2_8:
0x90: {  	s26 =	sadd.s32 $0x80, s26  }
0x91: {  	s28 =	sadd.s32 $0x80, s28;
	s1 =	smov.u32 s0;
	s0 =	sadd.s32 $0x1, s0  }
0x92: {  	s1 =	sand.u32 $0x1, s1;
	_ =	swait.ge [sflag:s23], $0x4000;
	p0 =	sge.u32 s0, s7  }
0x93: {  	s5 =	sshll.u32 s1, $0xE;
	[sflag:s23] =	ssyncset.done $0x0;
	s1 =	sshll.u32 @!p0 s1, $0xE  }
0x94: {  	s6 =	simm.s32 @!p0 $0x80;
	[sflag:s23] =	ssyncadd.s32 $0xFFFFC000;
	s1 =	ssub.s32 @!p0 $0x18000, s1  }
0x95: {  	[tilespmem:s1], [sflag:$0x1] =	stream.indirect.gather @!p0 [hbm4b:s4+s6], $0x80, s28, s6, $0xb8;
	[tilespmem:$0x1E000] =	vst v63  }
0x96: {  	p0 =	sne.s32 s7, s0  }
.Ltmp7:
0x97: {  	s1 =	sadd.s32 $0x14000, s5;
	(pc) =	sbr.rel @p0 .LBB2_8-.Ltmp7, $4  }
0x98: {  	[spmem:s2] =	stream.indirect.scatter.add.f32 [tilespmem:s1], [sflag:$0x2], $0x80, s26, s21, $0xb8;
	[tilespmem:$0x1E000] =	vst v63  }
0x99: {  	_ =	swait.ge [sflag:s19], $0x4000  }
0x9a: {  	[sflag:s19] =	ssyncset.done $0x0  }
0x9b: {  	[sflag:s19] =	ssyncadd.s32 $0xFFFFC000  }
.LBB2_9:
0x9c: {  	s24 =	sadd.s32 $0x1, s24  }
0x9d: {  	p0 =	sne.s32 s24, s18  }
.Ltmp8:
0x9e: {  	[bflag:$0x0] =	sbarrier.arrive $0xFFFF;
	(pc) =	sbr.rel @p0 .LBB2_1-.Ltmp8, $4  }
0x9f: {  	[hbm:s17], [sflag:s8] =	dma.local [spmem:s25], $0x2800  }
0xa0: {  	_ =	swait.ge [sflag:s19], $0x2800  }
0xa1: {  	[sflag:s19] =	ssyncset.done $0x0  }
0xa2: {  	[sflag:s19] =	ssyncadd.s32 $0xFFFFD800  }
0xa3: {  	_ =	sfence.sel $0x180000  }
0xa4: {  	[bflag:$0x0] =	sbarrier.arrive $0xFFFF  }
0xa5: {  	_ =	strace $0x9000004A  }
0xa6: {  	s0 =	stileid.u32;
	[bflag:$0x2] =	sbarrier.arrive $0xFFFF  }
0xa7: {  	p0 =	sne.s32 s0, $0x0;
	s0 =	rddreg [dreg:$0x2]  }
0xa8: {  	s0 =	sadd.s32 @!p0 $0x100000, s0  }
0xa9: {  	[sflag:s0] =	ssyncadd.tile.s32 @!p0 $0x1;
	_ =	shalt  }
.Lfunc_end2:
_tile_overlayer_lowered:
.L_overlay_start_2:
0xaa: {  	(tag) =	ssettag $0x2  }
0xab: {  	s0 =	rddreg [dreg:$0x0];
	s2 =	stileid.u32  }
0xac: {  	s1 =	rddreg [dreg:$0x1];
	p0 =	sne.s32 s2, $0x0  }
0xad: {  	s3 =	rddreg [dreg:$0x2];
	[bflag:$0x3] =	sbarrier.arrive $0xFFFF;
	s2 =	simm.s32 @!p0 $0x1C02  }
0xae: {  	[timem:s3], [sflag:s2] =	dma.local @!p0 [hbm:s0], s1  }
0xaf: {  	s0 =	simm.s32 @!p0 $0x2  }
0xb0: {  	_ =	swait.ge @!p0 [sflag:s0], s1  }
0xb1: {  	s1 =	ssub.s32 @!p0 $0x0, s1;
	[sflag:s0] =	ssyncset.done @!p0 $0x0  }
0xb2: {  	[sflag:s0] =	ssyncadd.s32 @!p0 s1  }
0xb3: {  	[bflag:$0x3] =	sbarrier.arrive $0xFFFF  }
0xb4: {  	_ =	shalt  }

// kernel: kernel.16.cloned.1.call-start
scs
__scs_entry_jumppad:
0x0: {  	(pc) =	sbr.rel $0x88, $3  }
0x1: {  	(tag) =	ssettag $0x0;
	lr =	simm.s32 $0x1  }
0x2: {  	[smem:$0x3F96] =	sst lr;
	_ =	strace $0xD0000000  }
0x3: {  	_ = 	snop  }
0x4: {  	_ = 	snop  }
0x5: {  	_ = 	snop  }
0x6: {  	_ = 	snop  }
0x7: {  	_ = 	snop  }
__scs_overlays_trampoline_lowered:
0x8: {  	[smem:$0x3FA5] =	sst s0  }
0x9: {  	[smem:$0x3FA6] =	sst s1  }
0xa: {  	[smem:$0x3FA7] =	sst s2  }
0xb: {  	[smem:$0x3FA8] =	sst s3  }
0xc: {  	[smem:$0x3FA9] =	sst s4  }
0xd: {  	[smem:$0x3FAA] =	sst s5  }
0xe: {  	[smem:$0x3FAB] =	sst s6  }
0xf: {  	[smem:$0x3FAC] =	sst s7  }
0x10: {  	[smem:$0x3FAD] =	sst s8  }
0x11: {  	[smem:$0x3FAE] =	sst s9;
	s0 =	simm.s32 @!p0 $0x0  }
0x12: {  	s1 =	sld [smem:$0x3F94];
	s0 =	simm.s32 @p0 $0x1  }
0x13: {  	[smem:$0x3FAF] =	sst s0;
	s0 =	simm.s32 @!p1 $0x0  }
0x14: {  	s2 =	sld [smem:$0x3F93];
	s0 =	simm.s32 @p1 $0x1  }
0x15: {  	[smem:$0x3FB0] =	sst s0;
	s0 =	simm.s32 @!p2 $0x0  }
0x16: {  	s3 =	sld [smem:$0x3FDB];
	s0 =	simm.s32 @p2 $0x1  }
0x17: {  	s4 =	simm.s32 $0x1BF5;
	[smem:$0x3FB2] =	sst s0  }
0x18: {  	s0 =	sld [smem:$0x3F95];
	_ =	swait.ge [sflag:s4], $0x0  }
0x19: {  	s7 =	sld [smem:$0x3F96]  }
0x1a: {  	s8 =	sadd.s32 $0xFFFFE003, lr  }
0x1b: {  	s9 =	sadd.s32 $0xFFFFFEF7, lr;
	s5 =	simm.s32 $0xFFFFFFFF;
	p2 =	slt.u32 s8, $0xFFFFF086  }
0x1c: {  	p1 =	slt.u32 s9, $0xF7A;
	s5 =	simm.s32 @!p2 $0x0  }
0x1d: {  	s5 =	simm.s32 @p1 $0x1;
	p0 =	seq.s32 s7, s2  }
0x1e: {  	s7 =	smul.u32 @!p0 $0xF7A, s2;
	p2 =	seq.s32 @!p0 s5, $0x0  }
0x1f: {  	s9 =	smul.u32 $0xF7A, s1;
	s8 =	simm.s32 @!p0 $0x1BF5;
	p2 =	por !p2, p0  }
0x20: {  	[sflag:s8] =	ssyncset.s32 @!p0 $0xFFFFF086;
	s6 =	sadd.s32 @!p0 s3, s7;
	s7 =	simm.s32 @!p0 $0x108  }
0x21: {  	s3 =	sadd.s32 s3, s9;
	s6 =	sadd.s32 @!p0 $0x88, s6;
	s7 =	simm.s32 @p2 $0x1082  }
0x22: {  	[simem:s7], [sflag:s8] =	dma.local @!p0 [hbm:s6], $0xF7A  }
0x23: {  	s9 =	sor.u32 $0xD0000000, s2;
	s6 =	simm.s32 $0x108;
	_ =	swait.ge @!p0 [sflag:s8], $0x0  }
0x24: {  	s3 =	sadd.s32 $0x88, s3;
	s6 =	simm.s32 @!p1 $0x1082;
	[sflag:s4] =	ssyncset.s32 $0xFFFFF086  }
0x25: {  	[simem:s6], [sflag:s4] =	dma.local [hbm:s3], $0xF7A  }
0x26: {  	[smem:$0x3F96] =	sst s1;
	(tag) =	ssettag s2;
	_ =	strace s9  }
0x27: {  	s1 =	sld [smem:$0x3FA6]  }
0x28: {  	s2 =	sld [smem:$0x3FA7]  }
0x29: {  	s4 =	sld [smem:$0x3FA9]  }
0x2a: {  	p0 =	seq.s32 s5, $0x0;
	s5 =	sld [smem:$0x3FAA]  }
0x2b: {  	s6 =	sld [smem:$0x3FAB]  }
0x2c: {  	s7 =	sld [smem:$0x3FAC]  }
0x2d: {  	s3 =	simm.s32 $0x108;
	s8 =	sld [smem:$0x3FAD]  }
0x2e: {  	s3 =	simm.s32 @!p0 $0x1082;
	s9 =	sld [smem:$0x3FAE]  }
0x2f: {  	lr =	sadd.s32 s0, s3;
	s0 =	sld [smem:$0x3FA5]  }
0x30: {  	s3 =	sld [smem:$0x3FA8]  }
0x31: {  	[smem:$0x3FB1] =	sst s10  }
0x32: {  	s10 =	sld [smem:$0x3FAF];
	_ =	sdelay $0x3  }
0x33: {  	p0 =	seq.s32 s10, $0x1;
	s10 =	sld [smem:$0x3FB1];
	_ =	sdelay $0x3  }
0x34: {  	[smem:$0x3FB1] =	sst s10  }
0x35: {  	s10 =	sld [smem:$0x3FB0];
	_ =	sdelay $0x3  }
0x36: {  	p1 =	seq.s32 s10, $0x1;
	s10 =	sld [smem:$0x3FB1];
	_ =	sdelay $0x3  }
0x37: {  	[smem:$0x3FB1] =	sst s10  }
0x38: {  	s10 =	sld [smem:$0x3FB2]  }
0x39: {  	_ = 	snop;
	(pc) =	sbr.ind lr, $3  }
0x3a: {  	_ = 	snop  }
0x3b: {  	_ = 	snop  }
0x3c: {  	p2 =	seq.s32 s10, $0x1;
	s10 =	sld [smem:$0x3FB1]  }
0x3d: {  	_ =	shalt  }
0x3e: {  	_ =	shalt  }
0x3f: {  	_ =	shalt  }
0x40: {  	_ =	shalt  }
0x41: {  	_ =	shalt  }
0x42: {  	_ =	shalt  }
0x43: {  	_ =	shalt  }
0x44: {  	_ =	shalt  }
0x45: {  	_ =	shalt  }
0x46: {  	_ =	shalt  }
0x47: {  	_ =	shalt  }
0x48: {  	_ =	shalt  }
0x49: {  	_ =	shalt  }
0x4a: {  	_ =	shalt  }
0x4b: {  	_ =	shalt  }
0x4c: {  	_ =	shalt  }
0x4d: {  	_ =	shalt  }
0x4e: {  	_ =	shalt  }
0x4f: {  	_ =	shalt  }
0x50: {  	_ =	shalt  }
0x51: {  	_ =	shalt  }
0x52: {  	_ =	shalt  }
0x53: {  	_ =	shalt  }
0x54: {  	_ =	shalt  }
0x55: {  	_ =	shalt  }
0x56: {  	_ =	shalt  }
0x57: {  	_ =	shalt  }
0x58: {  	_ =	shalt  }
0x59: {  	_ =	shalt  }
0x5a: {  	_ =	shalt  }
0x5b: {  	_ =	shalt  }
0x5c: {  	_ =	shalt  }
0x5d: {  	_ =	shalt  }
0x5e: {  	_ =	shalt  }
0x5f: {  	_ =	shalt  }
0x60: {  	_ =	shalt  }
0x61: {  	_ =	shalt  }
0x62: {  	_ =	shalt  }
0x63: {  	_ =	shalt  }
0x64: {  	_ =	shalt  }
0x65: {  	_ =	shalt  }
0x66: {  	_ =	shalt  }
0x67: {  	_ =	shalt  }
0x68: {  	_ =	shalt  }
0x69: {  	_ =	shalt  }
0x6a: {  	_ =	shalt  }
0x6b: {  	_ =	shalt  }
0x6c: {  	_ =	shalt  }
0x6d: {  	_ =	shalt  }
0x6e: {  	_ =	shalt  }
0x6f: {  	_ =	shalt  }
0x70: {  	_ =	shalt  }
0x71: {  	_ =	shalt  }
0x72: {  	_ =	shalt  }
0x73: {  	_ =	shalt  }
0x74: {  	_ =	shalt  }
0x75: {  	_ =	shalt  }
0x76: {  	_ =	shalt  }
0x77: {  	_ =	shalt  }
0x78: {  	_ =	shalt  }
0x79: {  	_ =	shalt  }
0x7a: {  	_ =	shalt  }
0x7b: {  	_ =	shalt  }
0x7c: {  	_ =	shalt  }
0x7d: {  	_ =	shalt  }
0x7e: {  	_ =	shalt  }
0x7f: {  	_ =	shalt  }
0x80: {  	_ =	shalt  }
0x81: {  	_ =	shalt  }
0x82: {  	_ =	shalt  }
0x83: {  	_ =	shalt  }
0x84: {  	_ =	shalt  }
0x85: {  	_ =	shalt  }
0x86: {  	_ =	shalt  }
0x87: {  	_ =	shalt  }
.Lfunc_end0:
.L_simem_size_0:
called_computation.2_lowered:
.L_overlay_start_0:
0x88: {  	s2 =	sld [smem:$0x3FD9]  }
0x89: {  	s3 =	sld [smem:$0x3FFE];
	_ =	sdelay $0x1  }
0x8a: {  	s1 =	srdreg.scid  }
0x8b: {  	s0 =	sand.u32 $0x1, s1  }
0x8c: {  	s16 =	sshll.u32 s0, $0xA;
	s2 =	sadd.s32 s3, s2  }
0x8d: {  	s2 =	sadd.s32 s2, s16  }
0x8e: {  	[smem:$0x3FBD] =	sst s2  }
0x8f: {  	_ = 	snop  }
0x90: {  	(tm) =	ssettm $0x1  }
0x91: {  	s17 =	sld [smem:$0x3FFB];
	_ =	sdelay $0x3  }
0x92: {  	_ =	strace s17  }
0x93: {  	s2 =	sld [smem:$0x3FFC];
	_ =	sdelay $0x3  }
0x94: {  	_ =	strace s2  }
0x95: {  	s2 =	sld [smem:$0x3FFD];
	_ =	sdelay $0x3  }
0x96: {  	_ =	strace s2  }
0x97: {  	_ =	strace $0x8FFFFFFF  }
0x98: {  	s18 =	sld [smem:$0x3FDB];
	_ =	sdelay $0x1  }
0x99: {  	s19 =	simm.s32 $_scs_section_size  }
0x9a: {  	s4 =	simm.s32 $_size__tile_overlayer_lowered;
	s5 =	simm.s32 $_tile_overlayer_lowered  }
0x9b: {  	s22 =	simm.s32 $0x1BFF;
	s21 =	sshll.u32 s5, $0x1;
	s2 =	sadd.s32 s19, s18  }
0x9c: {  	s6 =	simm.s32 $0x0;
	s20 =	sshll.u32 s4, $0x1;
	s4 =	sadd.s32 s21, s2  }
0x9d: {  	[timem:s6], [sflag:s22] =	dma.local [hbm:s4], s20  }
0x9e: {  	_ =	swait.ge [sflag:s22], s20  }
0x9f: {  	s3 =	ssub.s32 $0x0, s20;
	[sflag:s22] =	ssyncset.done $0x0  }
0xa0: {  	[sflag:s22] =	ssyncadd.s32 s3;
	_ =	sdelay $0x1  }
0xa1: {  	s23 =	simm.s32 $0x1B8B  }
0xa2: {  	_ =	swait.ge [sflag:s23], $0x1  }
0xa3: {  	[sflag:s23] =	ssyncset.done $0x0  }
0xa4: {  	s25 =	simm.s32 $0x1B8E;
	s24 =	sld [smem:$0x3FFE];
	[sflag:s23] =	ssyncadd.s32 $0xFFFFFFFF  }
0xa5: {  	s26 =	simm.s32 $execute0_lowered;
	[smem:$0x3FD2] =	sst s25  }
0xa6: {  	s4 =	sshll.u32 s26, $0x1;
	_ =	strace $0x8000004C;
	[dreg:$0x1] =	wrdreg $0xFFFFFFFF  }
0xa7: {  	s28 =	simm.s32 $_size_execute0_lowered;
	s2 =	sadd.s32 s2, s4;
	[dreg:$0x0] =	wrdreg $0x0  }
0xa8: {  	s4 =	sshll.u32 s28, $0x1;
	[dreg:$0x2] =	wrdreg s2  }
0xa9: {  	[dreg:$0x3] =	wrdreg s4  }
0xaa: {  	[dreg:$0x4] =	wrdreg $0xC0  }
0xab: {  	_ =	task [dreg:s6], $0x5FFFF  }
0xac: {  	[dreg:$0x1] =	wrdreg $0xFFFFFFFF  }
0xad: {  	[dreg:$0x0] =	wrdreg $0x60  }
0xae: {  	[dreg:$0x2] =	wrdreg s24  }
0xaf: {  	[dreg:$0x3] =	wrdreg $0x0  }
0xb0: {  	[dreg:$0x4] =	wrdreg $0x9  }
0xb1: {  	_ =	task.clear_ibuf [dreg:s6], $0x5FFFF;
	_ =	strace $0x9000004C  }
0xb2: {  	s29 =	simm.s32 $0x9;
	_ =	strace $0x8000004E  }
0xb3: {  	_ =	swait.ge [sflag:s29], $0x1  }
0xb4: {  	[sflag:s29] =	ssyncadd.s32 $0xFFFFFFFF  }
0xb5: {  	_ =	strace $0x9000004E  }
0xb6: {  	_ =	sfence  }
0xb7: {  	s30 =	sld [smem:$0x0];
	_ =	sdelay $0x2  }
0xb8: {  	s31 =	sshll.u32 s1, $0xD;
	s1 =	sshrl.u32 s1, $0x2  }
0xb9: {  	s3 =	sand.u32 $0x4000, s31;
	s1 =	sadd.s32 s1, s30  }
0xba: {  	s0 =	sor.u32 s3, s0;
	s1 =	sshll.u32 s1, $0x11  }
0xbb: {  	s0 =	sor.u32 s1, s0  }
0xbc: {  	s0 =	sadd.s32 $0x8F2B, s0  }
0xbd: {  	[sflag:s0] =	ssyncadd.remote.s32 $0x1  }
0xbe: {  	_ =	sfence.sel $0xFFFF  }
0xbf: {  	[dreg:$0x0] =	wrdreg $0xFFFFFFFF;
	(pc) =	sbr.abs _section_cstart, $3  }
0xc0: {  	[dreg:$0x1] =	wrdreg $0xFFFFFFFF  }
0xc1: {  	_ =	task.clear_ibuf [dreg:s6], $0x2FFFF;
	_ =	strace $0x9FFFFFFF  }
0xc2: {  	(tm) =	ssettm $0x7FFFFFFF  }
0xc3: {  	_ =	shalt  }
tec
execute0_lowered:
.L_overlay_start_1:
0x0: {  	(tag) =	ssettag $0x1  }
0x1: {  	s0 =	rddreg [dreg:$0x0]  }
0x2: {  	s2 =	rddreg [dreg:$0x1];
	s3 =	simm.s32 $0x0  }
0x3: {  	s1 =	stileid.u32;
	s4 =	srdreg.scid;
	s20 =	simm.s32 $0x1C000  }
0x4: {  	s21 =	simm.s32 $0x80;
	s22 =	simm.s32 $0x14000;
	s23 =	simm.s32 $0x1  }
0x5: {  	s24 =	simm.s32 $0x0;
	[smem:$0x7FF] =	sst s3;
	s5 =	smul.u32 $0x14000, s1  }
0x6: {  	s7 =	sand.u32 $0x1, s4;
	s4 =	sadd.s32 $0x2C000, s0;
	s15 =	sadd.s32 $0x17800, s0  }
0x7: {  	s16 =	sadd.s32 $0x21C00, s0;
	s25 =	smul.u32 $0x50000, s1;
	s30 =	sshll.u32 s1, $0x6  }
0x8: {  	s11 =	sshll.u32 s1, $0x5;
	s12 =	sshll.u32 s1, $0x7;
	_ =	strace $0x8000004D  }
0x9: {  	s6 =	smul.u32 $0x140000, s7;
	s9 =	ssub.s32 $0x2, s7;
	p0 =	seq.s32 s7, $0x0  }
0xa: {  	s7 =	simm.s32 $0x20;
	s14 =	sor.u32 $0x20, s12;
	s17 =	sor.u32 $0x808, s11  }
0xb: {  	s8 =	sshrl.u32 s5, $0x3;
	s26 =	sshrl.u32 s9, $0x1;
	s7 =	simm.s32 @!p0 $0x8  }
0xc: {  	s17 =	smov.u32 @p0 s14;
	s5 =	sadd.s32 s5, s6;
	s8 =	sadd.s32 s8, s0  }
0xd: {  	s6 =	sshrl.u32 s25, $0x2;
	s18 =	ssub.s32 s9, s26;
	s9 =	sor.u32 $0x800, s11  }
0xe: {  	s14 =	sshll.u32 s17, $0x4;
	s17 =	sor.u32 $0x818, s11;
	s19 =	sshll.u32 s7, $0x5  }
0xf: {  	s5 =	sshrl.u32 s5, $0x3;
	s28 =	sadd.s32 s6, s2;
	s29 =	sadd.s32 $0x54000, s8  }
0x10: {  	s8 =	sor.u32 $0x1C02, s30;
	s9 =	smov.u32 @p0 s12;
	s12 =	sor.u32 $0x60, s12  }
0x11: {  	s11 =	sadd.s32 s15, s14;
	s18 =	smax.u32 s18, $0x1;
	[dreg:$0x3] =	wrdreg s28  }
0x12: {  	s0 =	sadd.s32 s5, s0;
	[dreg:$0x4] =	wrdreg s29;
	s13 =	sshll.u32 s9, $0x4  }
0x13: {  	s17 =	smov.u32 @p0 s12;
	s12 =	sadd.s32 s16, s14;
	s9 =	sadd.s32 s15, s13  }
0x14: {  	s10 =	sadd.s32 s16, s13;
	s31 =	sadd.s32 s19, s13;
	s17 =	sshll.u32 s17, $0x4  }
0x15: {  	s19 =	simm.s32 $0x2;
	s13 =	sadd.s32 s15, s31;
	s14 =	sadd.s32 s16, s31  }
0x16: {  	s15 =	sadd.s32 s15, s17;
	s16 =	sadd.s32 s16, s17;
	s17 =	sadd.s32 $0x7C000, s0  }
.LBB2_1:
0x17: {  	s0 =	rddreg [dreg:$0x3]  }
0x18: {  	s26 =	rddreg [dreg:$0x4];
	s25 =	sshrl.u32 s0, $0x3  }
0x19: {  	[spmem:s25], [sflag:s8] =	dma.local [hbm:s26], $0x2800  }
0x1a: {  	_ =	swait.ge [sflag:s19], $0x2800  }
0x1b: {  	[sflag:s19] =	ssyncset.done $0x0  }
0x1c: {  	[sflag:s19] =	ssyncadd.s32 $0xFFFFD800  }
0x1d: {  	[bflag:$0x0] =	sbarrier.arrive $0xFFFF  }
0x1e: {  	[tilespmem:s20], [sflag:$0x2] =	stream.linear.gather [hbm4b:s9+s3], $0x1000, $0x38;
	[tilespmem:$0x1E000] =	vst v63  }
0x1f: {  	_ =	swait.ge [sflag:s19], $0x1000  }
0x20: {  	[sflag:s19] =	ssyncset.done $0x0  }
0x21: {  	s26 =	simm.s32 $0x1D000;
	[sflag:s19] =	ssyncadd.s32 $0xFFFFF000  }
0x22: {  	[tilespmem:s26], [sflag:$0x2] =	stream.linear.gather [hbm4b:s10+s3], $0x1000, $0x38;
	[tilespmem:$0x1E000] =	vst v63  }
0x23: {  	_ =	swait.ge [sflag:s19], $0x1000  }
0x24: {  	[sflag:s19] =	ssyncset.done $0x0  }
0x25: {  	s28 =	simm.s32 $0x1C080;
	[sflag:s19] =	ssyncadd.s32 $0xFFFFF000  }
0x26: {  	[tilespmem:s22], [sflag:$0x1] =	stream.indirect.gather [hbm4b:s4+s21], $0x80, s20, s21, $0xb8;
	[tilespmem:$0x1E000] =	vst v63  }
0x27: {  	p0 =	sle.u32 s7, $0x1;
	s0 =	sand.u32 $0x1, s3;
	_ =	swait.ge [sflag:s23], $0x4000  }
0x28: {  	s29 =	sshll.u32 s0, $0xE;
	s0 =	sshll.u32 @!p0 s0, $0xE;
	[sflag:s23] =	ssyncset.done $0x0  }
0x29: {  	s30 =	simm.s32 @!p0 $0x80;
	s0 =	ssub.s32 @!p0 $0x18000, s0;
	[sflag:s23] =	ssyncadd.s32 $0xFFFFC000  }
0x2a: {  	[tilespmem:s0], [sflag:$0x1] =	stream.indirect.gather @!p0 [hbm4b:s4+s30], $0x80, s28, s30, $0xb8;
	[tilespmem:$0x1E000] =	vst v63  }
0x2b: {  	p0 =	sne.s32 s7, $0x1  }
.Ltmp0:
0x2c: {  	s31 =	sadd.s32 $0x14000, s29;
	(pc) =	sbr.rel @!p0 .LBB2_3-.Ltmp0, $4  }
0x2d: {  	[spmem:s2] =	stream.indirect.scatter.add.f32 [tilespmem:s31], [sflag:$0x2], $0x80, s26, s21, $0xb8;
	[tilespmem:$0x1E000] =	vst v63  }
0x2e: {  	_ =	swait.ge [sflag:s19], $0x4000  }
0x2f: {  	s29 =	simm.s32 $0x1;
	[sflag:s19] =	ssyncset.done $0x0  }
0x30: {  	s30 =	simm.s32 $0x1D000;
	s0 =	simm.s32 $0x1C080;
	[sflag:s19] =	ssyncadd.s32 $0xFFFFC000  }
.LBB2_2:
0x31: {  	s30 =	sadd.s32 $0x80, s30  }
0x32: {  	s0 =	sadd.s32 $0x80, s0;
	s31 =	smov.u32 s29;
	s29 =	sadd.s32 $0x1, s29  }
0x33: {  	s31 =	sand.u32 $0x1, s31;
	_ =	swait.ge [sflag:s23], $0x4000;
	p0 =	sge.u32 s29, s7  }
0x34: {  	s1 =	sshll.u32 s31, $0xE;
	[sflag:s23] =	ssyncset.done $0x0;
	s31 =	sshll.u32 @!p0 s31, $0xE  }
0x35: {  	s5 =	simm.s32 @!p0 $0x80;
	[sflag:s23] =	ssyncadd.s32 $0xFFFFC000;
	s31 =	ssub.s32 @!p0 $0x18000, s31  }
0x36: {  	[tilespmem:s31], [sflag:$0x1] =	stream.indirect.gather @!p0 [hbm4b:s4+s5], $0x80, s0, s5, $0xb8;
	[tilespmem:$0x1E000] =	vst v63  }
0x37: {  	p0 =	sne.s32 s7, s29  }
.Ltmp1:
0x38: {  	s1 =	sadd.s32 $0x14000, s1;
	(pc) =	sbr.rel @p0 .LBB2_2-.Ltmp1, $4  }
0x39: {  	[spmem:s2] =	stream.indirect.scatter.add.f32 [tilespmem:s1], [sflag:$0x2], $0x80, s30, s21, $0xb8;
	[tilespmem:$0x1E000] =	vst v63  }
0x3a: {  	_ =	swait.ge [sflag:s19], $0x4000  }
0x3b: {  	[sflag:s19] =	ssyncset.done $0x0  }
0x3c: {  	[sflag:s19] =	ssyncadd.s32 $0xFFFFC000  }
.LBB2_3:
0x3d: {  	s29 =	simm.s32 $0x0  }
0x3e: {  	[tilespmem:s20], [sflag:$0x2] =	stream.linear.gather [hbm4b:s11+s29], $0x1000, $0x38;
	[tilespmem:$0x1E000] =	vst v63  }
0x3f: {  	_ =	swait.ge [sflag:s19], $0x1000  }
0x40: {  	[sflag:s19] =	ssyncset.done $0x0  }
0x41: {  	[sflag:s19] =	ssyncadd.s32 $0xFFFFF000  }
0x42: {  	[tilespmem:s26], [sflag:$0x2] =	stream.linear.gather [hbm4b:s12+s29], $0x1000, $0x38;
	[tilespmem:$0x1E000] =	vst v63  }
0x43: {  	_ =	swait.ge [sflag:s19], $0x1000  }
0x44: {  	[sflag:s19] =	ssyncset.done $0x0  }
0x45: {  	[sflag:s19] =	ssyncadd.s32 $0xFFFFF000  }
0x46: {  	[tilespmem:s22], [sflag:$0x1] =	stream.indirect.gather [hbm4b:s4+s21], $0x80, s20, s21, $0xb8;
	[tilespmem:$0x1E000] =	vst v63  }
0x47: {  	p0 =	sle.u32 s7, $0x1;
	s30 =	sand.u32 $0x1, s29;
	_ =	swait.ge [sflag:s23], $0x4000  }
0x48: {  	s1 =	sshll.u32 @!p0 s30, $0xE;
	[sflag:s23] =	ssyncset.done $0x0  }
0x49: {  	s5 =	simm.s32 @!p0 $0x80;
	s1 =	ssub.s32 @!p0 $0x18000, s1;
	[sflag:s23] =	ssyncadd.s32 $0xFFFFC000  }
0x4a: {  	[tilespmem:s1], [sflag:$0x1] =	stream.indirect.gather @!p0 [hbm4b:s4+s5], $0x80, s28, s5, $0xb8;
	[tilespmem:$0x1E000] =	vst v63  }
0x4b: {  	s0 =	sshll.u32 s30, $0xE;
	p0 =	sne.s32 s7, $0x1  }
.Ltmp2:
0x4c: {  	s31 =	sadd.s32 $0x14000, s0;
	(pc) =	sbr.rel @!p0 .LBB2_5-.Ltmp2, $4  }
0x4d: {  	[spmem:s2] =	stream.indirect.scatter.add.f32 [tilespmem:s31], [sflag:$0x2], $0x80, s26, s21, $0xb8;
	[tilespmem:$0x1E000] =	vst v63  }
0x4e: {  	_ =	swait.ge [sflag:s19], $0x4000  }
0x4f: {  	[sflag:s19] =	ssyncset.done $0x0  }
0x50: {  	s0 =	simm.s32 $0x1;
	[sflag:s19] =	ssyncadd.s32 $0xFFFFC000  }
.LBB2_4:
0x51: {  	s26 =	sadd.s32 $0x80, s26  }
0x52: {  	s28 =	sadd.s32 $0x80, s28;
	s1 =	smov.u32 s0;
	s0 =	sadd.s32 $0x1, s0  }
0x53: {  	s1 =	sand.u32 $0x1, s1;
	_ =	swait.ge [sflag:s23], $0x4000;
	p0 =	sge.u32 s0, s7  }
0x54: {  	s5 =	sshll.u32 s1, $0xE;
	[sflag:s23] =	ssyncset.done $0x0;
	s1 =	sshll.u32 @!p0 s1, $0xE  }
0x55: {  	s6 =	simm.s32 @!p0 $0x80;
	[sflag:s23] =	ssyncadd.s32 $0xFFFFC000;
	s1 =	ssub.s32 @!p0 $0x18000, s1  }
0x56: {  	[tilespmem:s1], [sflag:$0x1] =	stream.indirect.gather @!p0 [hbm4b:s4+s6], $0x80, s28, s6, $0xb8;
	[tilespmem:$0x1E000] =	vst v63  }
0x57: {  	p0 =	sne.s32 s7, s0  }
.Ltmp3:
0x58: {  	s1 =	sadd.s32 $0x14000, s5;
	(pc) =	sbr.rel @p0 .LBB2_4-.Ltmp3, $4  }
0x59: {  	[spmem:s2] =	stream.indirect.scatter.add.f32 [tilespmem:s1], [sflag:$0x2], $0x80, s26, s21, $0xb8;
	[tilespmem:$0x1E000] =	vst v63  }
0x5a: {  	_ =	swait.ge [sflag:s19], $0x4000  }
0x5b: {  	[sflag:s19] =	ssyncset.done $0x0  }
0x5c: {  	[sflag:s19] =	ssyncadd.s32 $0xFFFFC000  }
.LBB2_5:
0x5d: {  	[tilespmem:s20], [sflag:$0x2] =	stream.linear.gather [hbm4b:s13+s29], $0x1000, $0x38;
	[tilespmem:$0x1E000] =	vst v63  }
0x5e: {  	_ =	swait.ge [sflag:s19], $0x1000  }
0x5f: {  	[sflag:s19] =	ssyncset.done $0x0  }
0x60: {  	s26 =	simm.s32 $0x1D000;
	[sflag:s19] =	ssyncadd.s32 $0xFFFFF000  }
0x61: {  	[tilespmem:s26], [sflag:$0x2] =	stream.linear.gather [hbm4b:s14+s29], $0x1000, $0x38;
	[tilespmem:$0x1E000] =	vst v63  }
0x62: {  	_ =	swait.ge [sflag:s19], $0x1000  }
0x63: {  	[sflag:s19] =	ssyncset.done $0x0  }
0x64: {  	[sflag:s19] =	ssyncadd.s32 $0xFFFFF000  }
0x65: {  	[tilespmem:s22], [sflag:$0x1] =	stream.indirect.gather [hbm4b:s4+s21], $0x80, s20, s21, $0xb8;
	[tilespmem:$0x1E000] =	vst v63  }
0x66: {  	p0 =	sle.u32 s7, $0x1;
	_ =	swait.ge [sflag:s23], $0x4000  }
0x67: {  	s28 =	simm.s32 $0x1C080;
	s0 =	sshll.u32 @!p0 s30, $0xE;
	[sflag:s23] =	ssyncset.done $0x0  }
0x68: {  	s1 =	simm.s32 @!p0 $0x80;
	s0 =	ssub.s32 @!p0 $0x18000, s0;
	[sflag:s23] =	ssyncadd.s32 $0xFFFFC000  }
0x69: {  	[tilespmem:s0], [sflag:$0x1] =	stream.indirect.gather @!p0 [hbm4b:s4+s1], $0x80, s28, s1, $0xb8;
	[tilespmem:$0x1E000] =	vst v63  }
0x6a: {  	p0 =	sne.s32 s7, $0x1  }
.Ltmp4:
0x6b: {  	_ = 	snop;
	(pc) =	sbr.rel @!p0 .LBB2_7-.Ltmp4, $4  }
0x6c: {  	[spmem:s2] =	stream.indirect.scatter.add.f32 [tilespmem:s31], [sflag:$0x2], $0x80, s26, s21, $0xb8;
	[tilespmem:$0x1E000] =	vst v63  }
0x6d: {  	_ =	swait.ge [sflag:s19], $0x4000  }
0x6e: {  	s30 =	simm.s32 $0x1C080;
	[sflag:s19] =	ssyncset.done $0x0  }
0x6f: {  	s29 =	simm.s32 $0x1;
	s0 =	simm.s32 $0x1D000;
	[sflag:s19] =	ssyncadd.s32 $0xFFFFC000  }
.LBB2_6:
0x70: {  	s0 =	sadd.s32 $0x80, s0  }
0x71: {  	s30 =	sadd.s32 $0x80, s30;
	s1 =	smov.u32 s29;
	s29 =	sadd.s32 $0x1, s29  }
0x72: {  	s1 =	sand.u32 $0x1, s1;
	_ =	swait.ge [sflag:s23], $0x4000;
	p0 =	sge.u32 s29, s7  }
0x73: {  	s5 =	sshll.u32 s1, $0xE;
	[sflag:s23] =	ssyncset.done $0x0;
	s1 =	sshll.u32 @!p0 s1, $0xE  }
0x74: {  	s6 =	simm.s32 @!p0 $0x80;
	[sflag:s23] =	ssyncadd.s32 $0xFFFFC000;
	s1 =	ssub.s32 @!p0 $0x18000, s1  }
0x75: {  	[tilespmem:s1], [sflag:$0x1] =	stream.indirect.gather @!p0 [hbm4b:s4+s6], $0x80, s30, s6, $0xb8;
	[tilespmem:$0x1E000] =	vst v63  }
0x76: {  	p0 =	sne.s32 s7, s29  }
.Ltmp5:
0x77: {  	s1 =	sadd.s32 $0x14000, s5;
	(pc) =	sbr.rel @p0 .LBB2_6-.Ltmp5, $4  }
0x78: {  	[spmem:s2] =	stream.indirect.scatter.add.f32 [tilespmem:s1], [sflag:$0x2], $0x80, s0, s21, $0xb8;
	[tilespmem:$0x1E000] =	vst v63  }
0x79: {  	_ =	swait.ge [sflag:s19], $0x4000  }
0x7a: {  	[sflag:s19] =	ssyncset.done $0x0  }
0x7b: {  	[sflag:s19] =	ssyncadd.s32 $0xFFFFC000  }
.LBB2_7:
0x7c: {  	s0 =	simm.s32 $0x0  }
0x7d: {  	[tilespmem:s20], [sflag:$0x2] =	stream.linear.gather [hbm4b:s15+s0], $0x1000, $0x38;
	[tilespmem:$0x1E000] =	vst v63  }
0x7e: {  	_ =	swait.ge [sflag:s19], $0x1000  }
0x7f: {  	[sflag:s19] =	ssyncset.done $0x0  }
0x80: {  	[sflag:s19] =	ssyncadd.s32 $0xFFFFF000  }
0x81: {  	[tilespmem:s26], [sflag:$0x2] =	stream.linear.gather [hbm4b:s16+s0], $0x1000, $0x38;
	[tilespmem:$0x1E000] =	vst v63  }
0x82: {  	_ =	swait.ge [sflag:s19], $0x1000  }
0x83: {  	[sflag:s19] =	ssyncset.done $0x0  }
0x84: {  	[sflag:s19] =	ssyncadd.s32 $0xFFFFF000  }
0x85: {  	[tilespmem:s22], [sflag:$0x1] =	stream.indirect.gather [hbm4b:s4+s21], $0x80, s20, s21, $0xb8;
	[tilespmem:$0x1E000] =	vst v63  }
0x86: {  	p0 =	sle.u32 s7, $0x1;
	s0 =	sand.u32 $0x1, s0;
	_ =	swait.ge [sflag:s23], $0x4000  }
0x87: {  	s1 =	sshll.u32 s0, $0xE;
	s0 =	sshll.u32 @!p0 s0, $0xE;
	[sflag:s23] =	ssyncset.done $0x0  }
0x88: {  	s5 =	simm.s32 @!p0 $0x80;
	s0 =	ssub.s32 @!p0 $0x18000, s0;
	[sflag:s23] =	ssyncadd.s32 $0xFFFFC000  }
0x89: {  	[tilespmem:s0], [sflag:$0x1] =	stream.indirect.gather @!p0 [hbm4b:s4+s5], $0x80, s28, s5, $0xb8;
	[tilespmem:$0x1E000] =	vst v63  }
0x8a: {  	p0 =	sne.s32 s7, $0x1  }
.Ltmp6:
0x8b: {  	s31 =	sadd.s32 $0x14000, s1;
	(pc) =	sbr.rel @!p0 .LBB2_9-.Ltmp6, $4  }
0x8c: {  	[spmem:s2] =	stream.indirect.scatter.add.f32 [tilespmem:s31], [sflag:$0x2], $0x80, s26, s21, $0xb8;
	[tilespmem:$0x1E000] =	vst v63  }
0x8d: {  	_ =	swait.ge [sflag:s19], $0x4000  }
0x8e: {  	[sflag:s19] =	ssyncset.done $0x0  }
0x8f: {  	s0 =	simm.s32 $0x1;
	[sflag:s19] =	ssyncadd.s32 $0xFFFFC000  }
.LBB2_8:
0x90: {  	s26 =	sadd.s32 $0x80, s26  }
0x91: {  	s28 =	sadd.s32 $0x80, s28;
	s1 =	smov.u32 s0;
	s0 =	sadd.s32 $0x1, s0  }
0x92: {  	s1 =	sand.u32 $0x1, s1;
	_ =	swait.ge [sflag:s23], $0x4000;
	p0 =	sge.u32 s0, s7  }
0x93: {  	s5 =	sshll.u32 s1, $0xE;
	[sflag:s23] =	ssyncset.done $0x0;
	s1 =	sshll.u32 @!p0 s1, $0xE  }
0x94: {  	s6 =	simm.s32 @!p0 $0x80;
	[sflag:s23] =	ssyncadd.s32 $0xFFFFC000;
	s1 =	ssub.s32 @!p0 $0x18000, s1  }
0x95: {  	[tilespmem:s1], [sflag:$0x1] =	stream.indirect.gather @!p0 [hbm4b:s4+s6], $0x80, s28, s6, $0xb8;
	[tilespmem:$0x1E000] =	vst v63  }
0x96: {  	p0 =	sne.s32 s7, s0  }
.Ltmp7:
0x97: {  	s1 =	sadd.s32 $0x14000, s5;
	(pc) =	sbr.rel @p0 .LBB2_8-.Ltmp7, $4  }
0x98: {  	[spmem:s2] =	stream.indirect.scatter.add.f32 [tilespmem:s1], [sflag:$0x2], $0x80, s26, s21, $0xb8;
	[tilespmem:$0x1E000] =	vst v63  }
0x99: {  	_ =	swait.ge [sflag:s19], $0x4000  }
0x9a: {  	[sflag:s19] =	ssyncset.done $0x0  }
0x9b: {  	[sflag:s19] =	ssyncadd.s32 $0xFFFFC000  }
.LBB2_9:
0x9c: {  	s24 =	sadd.s32 $0x1, s24  }
0x9d: {  	p0 =	sne.s32 s24, s18  }
.Ltmp8:
0x9e: {  	[bflag:$0x0] =	sbarrier.arrive $0xFFFF;
	(pc) =	sbr.rel @p0 .LBB2_1-.Ltmp8, $4  }
0x9f: {  	[hbm:s17], [sflag:s8] =	dma.local [spmem:s25], $0x2800  }
0xa0: {  	_ =	swait.ge [sflag:s19], $0x2800  }
0xa1: {  	[sflag:s19] =	ssyncset.done $0x0  }
0xa2: {  	[sflag:s19] =	ssyncadd.s32 $0xFFFFD800  }
0xa3: {  	_ =	sfence.sel $0x180000  }
0xa4: {  	[bflag:$0x0] =	sbarrier.arrive $0xFFFF  }
0xa5: {  	_ =	strace $0x9000004D  }
0xa6: {  	s0 =	stileid.u32;
	[bflag:$0x2] =	sbarrier.arrive $0xFFFF  }
0xa7: {  	p0 =	sne.s32 s0, $0x0;
	s0 =	rddreg [dreg:$0x2]  }
0xa8: {  	s0 =	sadd.s32 @!p0 $0x100000, s0  }
0xa9: {  	[sflag:s0] =	ssyncadd.tile.s32 @!p0 $0x1;
	_ =	shalt  }
.Lfunc_end2:
_tile_overlayer_lowered:
.L_overlay_start_2:
0xaa: {  	(tag) =	ssettag $0x2  }
0xab: {  	s0 =	rddreg [dreg:$0x0];
	s2 =	stileid.u32  }
0xac: {  	s1 =	rddreg [dreg:$0x1];
	p0 =	sne.s32 s2, $0x0  }
0xad: {  	s3 =	rddreg [dreg:$0x2];
	[bflag:$0x3] =	sbarrier.arrive $0xFFFF;
	s2 =	simm.s32 @!p0 $0x1C02  }
0xae: {  	[timem:s3], [sflag:s2] =	dma.local @!p0 [hbm:s0], s1  }
0xaf: {  	s0 =	simm.s32 @!p0 $0x2  }
0xb0: {  	_ =	swait.ge @!p0 [sflag:s0], s1  }
0xb1: {  	s1 =	ssub.s32 @!p0 $0x0, s1;
	[sflag:s0] =	ssyncset.done @!p0 $0x0  }
0xb2: {  	[sflag:s0] =	ssyncadd.s32 @!p0 s1  }
0xb3: {  	[bflag:$0x3] =	sbarrier.arrive $0xFFFF  }
0xb4: {  	_ =	shalt  }

// kernel: kernel.19.cloned.1.call-start
scs
__scs_entry_jumppad:
0x0: {  	(pc) =	sbr.rel $0x88, $3  }
0x1: {  	(tag) =	ssettag $0x0;
	lr =	simm.s32 $0x1  }
0x2: {  	[smem:$0x3F96] =	sst lr;
	_ =	strace $0xD0000000  }
0x3: {  	_ = 	snop  }
0x4: {  	_ = 	snop  }
0x5: {  	_ = 	snop  }
0x6: {  	_ = 	snop  }
0x7: {  	_ = 	snop  }
__scs_overlays_trampoline_lowered:
0x8: {  	[smem:$0x3FA5] =	sst s0  }
0x9: {  	[smem:$0x3FA6] =	sst s1  }
0xa: {  	[smem:$0x3FA7] =	sst s2  }
0xb: {  	[smem:$0x3FA8] =	sst s3  }
0xc: {  	[smem:$0x3FA9] =	sst s4  }
0xd: {  	[smem:$0x3FAA] =	sst s5  }
0xe: {  	[smem:$0x3FAB] =	sst s6  }
0xf: {  	[smem:$0x3FAC] =	sst s7  }
0x10: {  	[smem:$0x3FAD] =	sst s8  }
0x11: {  	[smem:$0x3FAE] =	sst s9;
	s0 =	simm.s32 @!p0 $0x0  }
0x12: {  	s1 =	sld [smem:$0x3F94];
	s0 =	simm.s32 @p0 $0x1  }
0x13: {  	[smem:$0x3FAF] =	sst s0;
	s0 =	simm.s32 @!p1 $0x0  }
0x14: {  	s2 =	sld [smem:$0x3F93];
	s0 =	simm.s32 @p1 $0x1  }
0x15: {  	[smem:$0x3FB0] =	sst s0;
	s0 =	simm.s32 @!p2 $0x0  }
0x16: {  	s3 =	sld [smem:$0x3FDB];
	s0 =	simm.s32 @p2 $0x1  }
0x17: {  	s4 =	simm.s32 $0x1BF5;
	[smem:$0x3FB2] =	sst s0  }
0x18: {  	s0 =	sld [smem:$0x3F95];
	_ =	swait.ge [sflag:s4], $0x0  }
0x19: {  	s7 =	sld [smem:$0x3F96]  }
0x1a: {  	s8 =	sadd.s32 $0xFFFFE003, lr  }
0x1b: {  	s9 =	sadd.s32 $0xFFFFFEF7, lr;
	s5 =	simm.s32 $0xFFFFFFFF;
	p2 =	slt.u32 s8, $0xFFFFF086  }
0x1c: {  	p1 =	slt.u32 s9, $0xF7A;
	s5 =	simm.s32 @!p2 $0x0  }
0x1d: {  	s5 =	simm.s32 @p1 $0x1;
	p0 =	seq.s32 s7, s2  }
0x1e: {  	s7 =	smul.u32 @!p0 $0xF7A, s2;
	p2 =	seq.s32 @!p0 s5, $0x0  }
0x1f: {  	s9 =	smul.u32 $0xF7A, s1;
	s8 =	simm.s32 @!p0 $0x1BF5;
	p2 =	por !p2, p0  }
0x20: {  	[sflag:s8] =	ssyncset.s32 @!p0 $0xFFFFF086;
	s6 =	sadd.s32 @!p0 s3, s7;
	s7 =	simm.s32 @!p0 $0x108  }
0x21: {  	s3 =	sadd.s32 s3, s9;
	s6 =	sadd.s32 @!p0 $0x88, s6;
	s7 =	simm.s32 @p2 $0x1082  }
0x22: {  	[simem:s7], [sflag:s8] =	dma.local @!p0 [hbm:s6], $0xF7A  }
0x23: {  	s9 =	sor.u32 $0xD0000000, s2;
	s6 =	simm.s32 $0x108;
	_ =	swait.ge @!p0 [sflag:s8], $0x0  }
0x24: {  	s3 =	sadd.s32 $0x88, s3;
	s6 =	simm.s32 @!p1 $0x1082;
	[sflag:s4] =	ssyncset.s32 $0xFFFFF086  }
0x25: {  	[simem:s6], [sflag:s4] =	dma.local [hbm:s3], $0xF7A  }
0x26: {  	[smem:$0x3F96] =	sst s1;
	(tag) =	ssettag s2;
	_ =	strace s9  }
0x27: {  	s1 =	sld [smem:$0x3FA6]  }
0x28: {  	s2 =	sld [smem:$0x3FA7]  }
0x29: {  	s4 =	sld [smem:$0x3FA9]  }
0x2a: {  	p0 =	seq.s32 s5, $0x0;
	s5 =	sld [smem:$0x3FAA]  }
0x2b: {  	s6 =	sld [smem:$0x3FAB]  }
0x2c: {  	s7 =	sld [smem:$0x3FAC]  }
0x2d: {  	s3 =	simm.s32 $0x108;
	s8 =	sld [smem:$0x3FAD]  }
0x2e: {  	s3 =	simm.s32 @!p0 $0x1082;
	s9 =	sld [smem:$0x3FAE]  }
0x2f: {  	lr =	sadd.s32 s0, s3;
	s0 =	sld [smem:$0x3FA5]  }
0x30: {  	s3 =	sld [smem:$0x3FA8]  }
0x31: {  	[smem:$0x3FB1] =	sst s10  }
0x32: {  	s10 =	sld [smem:$0x3FAF];
	_ =	sdelay $0x3  }
0x33: {  	p0 =	seq.s32 s10, $0x1;
	s10 =	sld [smem:$0x3FB1];
	_ =	sdelay $0x3  }
0x34: {  	[smem:$0x3FB1] =	sst s10  }
0x35: {  	s10 =	sld [smem:$0x3FB0];
	_ =	sdelay $0x3  }
0x36: {  	p1 =	seq.s32 s10, $0x1;
	s10 =	sld [smem:$0x3FB1];
	_ =	sdelay $0x3  }
0x37: {  	[smem:$0x3FB1] =	sst s10  }
0x38: {  	s10 =	sld [smem:$0x3FB2]  }
0x39: {  	_ = 	snop;
	(pc) =	sbr.ind lr, $3  }
0x3a: {  	_ = 	snop  }
0x3b: {  	_ = 	snop  }
0x3c: {  	p2 =	seq.s32 s10, $0x1;
	s10 =	sld [smem:$0x3FB1]  }
0x3d: {  	_ =	shalt  }
0x3e: {  	_ =	shalt  }
0x3f: {  	_ =	shalt  }
0x40: {  	_ =	shalt  }
0x41: {  	_ =	shalt  }
0x42: {  	_ =	shalt  }
0x43: {  	_ =	shalt  }
0x44: {  	_ =	shalt  }
0x45: {  	_ =	shalt  }
0x46: {  	_ =	shalt  }
0x47: {  	_ =	shalt  }
0x48: {  	_ =	shalt  }
0x49: {  	_ =	shalt  }
0x4a: {  	_ =	shalt  }
0x4b: {  	_ =	shalt  }
0x4c: {  	_ =	shalt  }
0x4d: {  	_ =	shalt  }
0x4e: {  	_ =	shalt  }
0x4f: {  	_ =	shalt  }
0x50: {  	_ =	shalt  }
0x51: {  	_ =	shalt  }
0x52: {  	_ =	shalt  }
0x53: {  	_ =	shalt  }
0x54: {  	_ =	shalt  }
0x55: {  	_ =	shalt  }
0x56: {  	_ =	shalt  }
0x57: {  	_ =	shalt  }
0x58: {  	_ =	shalt  }
0x59: {  	_ =	shalt  }
0x5a: {  	_ =	shalt  }
0x5b: {  	_ =	shalt  }
0x5c: {  	_ =	shalt  }
0x5d: {  	_ =	shalt  }
0x5e: {  	_ =	shalt  }
0x5f: {  	_ =	shalt  }
0x60: {  	_ =	shalt  }
0x61: {  	_ =	shalt  }
0x62: {  	_ =	shalt  }
0x63: {  	_ =	shalt  }
0x64: {  	_ =	shalt  }
0x65: {  	_ =	shalt  }
0x66: {  	_ =	shalt  }
0x67: {  	_ =	shalt  }
0x68: {  	_ =	shalt  }
0x69: {  	_ =	shalt  }
0x6a: {  	_ =	shalt  }
0x6b: {  	_ =	shalt  }
0x6c: {  	_ =	shalt  }
0x6d: {  	_ =	shalt  }
0x6e: {  	_ =	shalt  }
0x6f: {  	_ =	shalt  }
0x70: {  	_ =	shalt  }
0x71: {  	_ =	shalt  }
0x72: {  	_ =	shalt  }
0x73: {  	_ =	shalt  }
0x74: {  	_ =	shalt  }
0x75: {  	_ =	shalt  }
0x76: {  	_ =	shalt  }
0x77: {  	_ =	shalt  }
0x78: {  	_ =	shalt  }
0x79: {  	_ =	shalt  }
0x7a: {  	_ =	shalt  }
0x7b: {  	_ =	shalt  }
0x7c: {  	_ =	shalt  }
0x7d: {  	_ =	shalt  }
0x7e: {  	_ =	shalt  }
0x7f: {  	_ =	shalt  }
0x80: {  	_ =	shalt  }
0x81: {  	_ =	shalt  }
0x82: {  	_ =	shalt  }
0x83: {  	_ =	shalt  }
0x84: {  	_ =	shalt  }
0x85: {  	_ =	shalt  }
0x86: {  	_ =	shalt  }
0x87: {  	_ =	shalt  }
.Lfunc_end0:
.L_simem_size_0:
called_computation.3_lowered:
.L_overlay_start_0:
0x88: {  	s2 =	sld [smem:$0x3FD9]  }
0x89: {  	s3 =	sld [smem:$0x3FFE];
	_ =	sdelay $0x1  }
0x8a: {  	s1 =	srdreg.scid  }
0x8b: {  	s0 =	sand.u32 $0x1, s1  }
0x8c: {  	s16 =	sshll.u32 s0, $0xA;
	s2 =	sadd.s32 s3, s2  }
0x8d: {  	s2 =	sadd.s32 s2, s16  }
0x8e: {  	[smem:$0x3FBD] =	sst s2  }
0x8f: {  	_ = 	snop  }
0x90: {  	(tm) =	ssettm $0x1  }
0x91: {  	s17 =	sld [smem:$0x3FFB];
	_ =	sdelay $0x3  }
0x92: {  	_ =	strace s17  }
0x93: {  	s2 =	sld [smem:$0x3FFC];
	_ =	sdelay $0x3  }
0x94: {  	_ =	strace s2  }
0x95: {  	s2 =	sld [smem:$0x3FFD];
	_ =	sdelay $0x3  }
0x96: {  	_ =	strace s2  }
0x97: {  	_ =	strace $0x8FFFFFFF  }
0x98: {  	s18 =	sld [smem:$0x3FDB];
	_ =	sdelay $0x1  }
0x99: {  	s19 =	simm.s32 $_scs_section_size  }
0x9a: {  	s4 =	simm.s32 $_size__tile_overlayer_lowered;
	s5 =	simm.s32 $_tile_overlayer_lowered  }
0x9b: {  	s22 =	simm.s32 $0x1BFF;
	s21 =	sshll.u32 s5, $0x1;
	s2 =	sadd.s32 s19, s18  }
0x9c: {  	s6 =	simm.s32 $0x0;
	s20 =	sshll.u32 s4, $0x1;
	s4 =	sadd.s32 s21, s2  }
0x9d: {  	[timem:s6], [sflag:s22] =	dma.local [hbm:s4], s20  }
0x9e: {  	_ =	swait.ge [sflag:s22], s20  }
0x9f: {  	s3 =	ssub.s32 $0x0, s20;
	[sflag:s22] =	ssyncset.done $0x0  }
0xa0: {  	[sflag:s22] =	ssyncadd.s32 s3;
	_ =	sdelay $0x1  }
0xa1: {  	s23 =	simm.s32 $0x1B8B  }
0xa2: {  	_ =	swait.ge [sflag:s23], $0x1  }
0xa3: {  	[sflag:s23] =	ssyncset.done $0x0  }
0xa4: {  	s25 =	simm.s32 $0x1B8E;
	s24 =	sld [smem:$0x3FFE];
	[sflag:s23] =	ssyncadd.s32 $0xFFFFFFFF  }
0xa5: {  	s26 =	simm.s32 $execute0_lowered;
	[smem:$0x3FD2] =	sst s25  }
0xa6: {  	s4 =	sshll.u32 s26, $0x1;
	_ =	strace $0x8000004F;
	[dreg:$0x1] =	wrdreg $0xFFFFFFFF  }
0xa7: {  	s28 =	simm.s32 $_size_execute0_lowered;
	s2 =	sadd.s32 s2, s4;
	[dreg:$0x0] =	wrdreg $0x0  }
0xa8: {  	s4 =	sshll.u32 s28, $0x1;
	[dreg:$0x2] =	wrdreg s2  }
0xa9: {  	[dreg:$0x3] =	wrdreg s4  }
0xaa: {  	[dreg:$0x4] =	wrdreg $0xC0  }
0xab: {  	_ =	task [dreg:s6], $0x5FFFF  }
0xac: {  	[dreg:$0x1] =	wrdreg $0xFFFFFFFF  }
0xad: {  	[dreg:$0x0] =	wrdreg $0x60  }
0xae: {  	[dreg:$0x2] =	wrdreg s24  }
0xaf: {  	[dreg:$0x3] =	wrdreg $0x0  }
0xb0: {  	[dreg:$0x4] =	wrdreg $0x9  }
0xb1: {  	_ =	task.clear_ibuf [dreg:s6], $0x5FFFF;
	_ =	strace $0x9000004F  }
0xb2: {  	s29 =	simm.s32 $0x9;
	_ =	strace $0x80000051  }
0xb3: {  	_ =	swait.ge [sflag:s29], $0x1  }
0xb4: {  	[sflag:s29] =	ssyncadd.s32 $0xFFFFFFFF  }
0xb5: {  	_ =	strace $0x90000051  }
0xb6: {  	_ =	sfence  }
0xb7: {  	s30 =	sld [smem:$0x0];
	_ =	sdelay $0x2  }
0xb8: {  	s31 =	sshll.u32 s1, $0xD;
	s1 =	sshrl.u32 s1, $0x2  }
0xb9: {  	s3 =	sand.u32 $0x4000, s31;
	s1 =	sadd.s32 s1, s30  }
0xba: {  	s0 =	sor.u32 s3, s0;
	s1 =	sshll.u32 s1, $0x11  }
0xbb: {  	s0 =	sor.u32 s1, s0  }
0xbc: {  	s0 =	sadd.s32 $0x8F2B, s0  }
0xbd: {  	[sflag:s0] =	ssyncadd.remote.s32 $0x1  }
0xbe: {  	_ =	sfence.sel $0xFFFF  }
0xbf: {  	[dreg:$0x0] =	wrdreg $0xFFFFFFFF;
	(pc) =	sbr.abs _section_cstart, $3  }
0xc0: {  	[dreg:$0x1] =	wrdreg $0xFFFFFFFF  }
0xc1: {  	_ =	task.clear_ibuf [dreg:s6], $0x2FFFF;
	_ =	strace $0x9FFFFFFF  }
0xc2: {  	(tm) =	ssettm $0x7FFFFFFF  }
0xc3: {  	_ =	shalt  }
tec
execute0_lowered:
.L_overlay_start_1:
0x0: {  	(tag) =	ssettag $0x1  }
0x1: {  	s0 =	rddreg [dreg:$0x0]  }
0x2: {  	s2 =	rddreg [dreg:$0x1];
	s3 =	simm.s32 $0x0  }
0x3: {  	s1 =	stileid.u32;
	s4 =	srdreg.scid;
	s20 =	simm.s32 $0x1C000  }
0x4: {  	s21 =	simm.s32 $0x80;
	s22 =	simm.s32 $0x14000;
	s23 =	simm.s32 $0x1  }
0x5: {  	s24 =	simm.s32 $0x0;
	[smem:$0x7FF] =	sst s3;
	s5 =	smul.u32 $0x14000, s1  }
0x6: {  	s7 =	sand.u32 $0x1, s4;
	s4 =	sadd.s32 $0x2C000, s0;
	s15 =	sadd.s32 $0x17800, s0  }
0x7: {  	s16 =	sadd.s32 $0x21C00, s0;
	s25 =	smul.u32 $0x50000, s1;
	s30 =	sshll.u32 s1, $0x6  }
0x8: {  	s11 =	sshll.u32 s1, $0x5;
	s12 =	sshll.u32 s1, $0x7;
	_ =	strace $0x80000050  }
0x9: {  	s6 =	smul.u32 $0x140000, s7;
	s9 =	ssub.s32 $0x2, s7;
	p0 =	seq.s32 s7, $0x0  }
0xa: {  	s7 =	simm.s32 $0x20;
	s14 =	sor.u32 $0x20, s12;
	s17 =	sor.u32 $0x808, s11  }
0xb: {  	s8 =	sshrl.u32 s5, $0x3;
	s26 =	sshrl.u32 s9, $0x1;
	s7 =	simm.s32 @!p0 $0x8  }
0xc: {  	s17 =	smov.u32 @p0 s14;
	s5 =	sadd.s32 s5, s6;
	s8 =	sadd.s32 s8, s0  }
0xd: {  	s6 =	sshrl.u32 s25, $0x2;
	s18 =	ssub.s32 s9, s26;
	s9 =	sor.u32 $0x800, s11  }
0xe: {  	s14 =	sshll.u32 s17, $0x4;
	s17 =	sor.u32 $0x818, s11;
	s19 =	sshll.u32 s7, $0x5  }
0xf: {  	s5 =	sshrl.u32 s5, $0x3;
	s28 =	sadd.s32 s6, s2;
	s29 =	sadd.s32 $0x54000, s8  }
0x10: {  	s8 =	sor.u32 $0x1C02, s30;
	s9 =	smov.u32 @p0 s12;
	s12 =	sor.u32 $0x60, s12  }
0x11: {  	s11 =	sadd.s32 s15, s14;
	s18 =	smax.u32 s18, $0x1;
	[dreg:$0x3] =	wrdreg s28  }
0x12: {  	s0 =	sadd.s32 s5, s0;
	[dreg:$0x4] =	wrdreg s29;
	s13 =	sshll.u32 s9, $0x4  }
0x13: {  	s17 =	smov.u32 @p0 s12;
	s12 =	sadd.s32 s16, s14;
	s9 =	sadd.s32 s15, s13  }
0x14: {  	s10 =	sadd.s32 s16, s13;
	s31 =	sadd.s32 s19, s13;
	s17 =	sshll.u32 s17, $0x4  }
0x15: {  	s19 =	simm.s32 $0x2;
	s13 =	sadd.s32 s15, s31;
	s14 =	sadd.s32 s16, s31  }
0x16: {  	s15 =	sadd.s32 s15, s17;
	s16 =	sadd.s32 s16, s17;
	s17 =	sadd.s32 $0x7C000, s0  }
.LBB2_1:
0x17: {  	s0 =	rddreg [dreg:$0x3]  }
0x18: {  	s26 =	rddreg [dreg:$0x4];
	s25 =	sshrl.u32 s0, $0x3  }
0x19: {  	[spmem:s25], [sflag:s8] =	dma.local [hbm:s26], $0x2800  }
0x1a: {  	_ =	swait.ge [sflag:s19], $0x2800  }
0x1b: {  	[sflag:s19] =	ssyncset.done $0x0  }
0x1c: {  	[sflag:s19] =	ssyncadd.s32 $0xFFFFD800  }
0x1d: {  	[bflag:$0x0] =	sbarrier.arrive $0xFFFF  }
0x1e: {  	[tilespmem:s20], [sflag:$0x2] =	stream.linear.gather [hbm4b:s9+s3], $0x1000, $0x38;
	[tilespmem:$0x1E000] =	vst v63  }
0x1f: {  	_ =	swait.ge [sflag:s19], $0x1000  }
0x20: {  	[sflag:s19] =	ssyncset.done $0x0  }
0x21: {  	s26 =	simm.s32 $0x1D000;
	[sflag:s19] =	ssyncadd.s32 $0xFFFFF000  }
0x22: {  	[tilespmem:s26], [sflag:$0x2] =	stream.linear.gather [hbm4b:s10+s3], $0x1000, $0x38;
	[tilespmem:$0x1E000] =	vst v63  }
0x23: {  	_ =	swait.ge [sflag:s19], $0x1000  }
0x24: {  	[sflag:s19] =	ssyncset.done $0x0  }
0x25: {  	s28 =	simm.s32 $0x1C080;
	[sflag:s19] =	ssyncadd.s32 $0xFFFFF000  }
0x26: {  	[tilespmem:s22], [sflag:$0x1] =	stream.indirect.gather [hbm4b:s4+s21], $0x80, s20, s21, $0xb8;
	[tilespmem:$0x1E000] =	vst v63  }
0x27: {  	p0 =	sle.u32 s7, $0x1;
	s0 =	sand.u32 $0x1, s3;
	_ =	swait.ge [sflag:s23], $0x4000  }
0x28: {  	s29 =	sshll.u32 s0, $0xE;
	s0 =	sshll.u32 @!p0 s0, $0xE;
	[sflag:s23] =	ssyncset.done $0x0  }
0x29: {  	s30 =	simm.s32 @!p0 $0x80;
	s0 =	ssub.s32 @!p0 $0x18000, s0;
	[sflag:s23] =	ssyncadd.s32 $0xFFFFC000  }
0x2a: {  	[tilespmem:s0], [sflag:$0x1] =	stream.indirect.gather @!p0 [hbm4b:s4+s30], $0x80, s28, s30, $0xb8;
	[tilespmem:$0x1E000] =	vst v63  }
0x2b: {  	p0 =	sne.s32 s7, $0x1  }
.Ltmp0:
0x2c: {  	s31 =	sadd.s32 $0x14000, s29;
	(pc) =	sbr.rel @!p0 .LBB2_3-.Ltmp0, $4  }
0x2d: {  	[spmem:s2] =	stream.indirect.scatter.add.f32 [tilespmem:s31], [sflag:$0x2], $0x80, s26, s21, $0xb8;
	[tilespmem:$0x1E000] =	vst v63  }
0x2e: {  	_ =	swait.ge [sflag:s19], $0x4000  }
0x2f: {  	s29 =	simm.s32 $0x1;
	[sflag:s19] =	ssyncset.done $0x0  }
0x30: {  	s30 =	simm.s32 $0x1D000;
	s0 =	simm.s32 $0x1C080;
	[sflag:s19] =	ssyncadd.s32 $0xFFFFC000  }
.LBB2_2:
0x31: {  	s30 =	sadd.s32 $0x80, s30  }
0x32: {  	s0 =	sadd.s32 $0x80, s0;
	s31 =	smov.u32 s29;
	s29 =	sadd.s32 $0x1, s29  }
0x33: {  	s31 =	sand.u32 $0x1, s31;
	_ =	swait.ge [sflag:s23], $0x4000;
	p0 =	sge.u32 s29, s7  }
0x34: {  	s1 =	sshll.u32 s31, $0xE;
	[sflag:s23] =	ssyncset.done $0x0;
	s31 =	sshll.u32 @!p0 s31, $0xE  }
0x35: {  	s5 =	simm.s32 @!p0 $0x80;
	[sflag:s23] =	ssyncadd.s32 $0xFFFFC000;
	s31 =	ssub.s32 @!p0 $0x18000, s31  }
0x36: {  	[tilespmem:s31], [sflag:$0x1] =	stream.indirect.gather @!p0 [hbm4b:s4+s5], $0x80, s0, s5, $0xb8;
	[tilespmem:$0x1E000] =	vst v63  }
0x37: {  	p0 =	sne.s32 s7, s29  }
.Ltmp1:
0x38: {  	s1 =	sadd.s32 $0x14000, s1;
	(pc) =	sbr.rel @p0 .LBB2_2-.Ltmp1, $4  }
0x39: {  	[spmem:s2] =	stream.indirect.scatter.add.f32 [tilespmem:s1], [sflag:$0x2], $0x80, s30, s21, $0xb8;
	[tilespmem:$0x1E000] =	vst v63  }
0x3a: {  	_ =	swait.ge [sflag:s19], $0x4000  }
0x3b: {  	[sflag:s19] =	ssyncset.done $0x0  }
0x3c: {  	[sflag:s19] =	ssyncadd.s32 $0xFFFFC000  }
.LBB2_3:
0x3d: {  	s29 =	simm.s32 $0x0  }
0x3e: {  	[tilespmem:s20], [sflag:$0x2] =	stream.linear.gather [hbm4b:s11+s29], $0x1000, $0x38;
	[tilespmem:$0x1E000] =	vst v63  }
0x3f: {  	_ =	swait.ge [sflag:s19], $0x1000  }
0x40: {  	[sflag:s19] =	ssyncset.done $0x0  }
0x41: {  	[sflag:s19] =	ssyncadd.s32 $0xFFFFF000  }
0x42: {  	[tilespmem:s26], [sflag:$0x2] =	stream.linear.gather [hbm4b:s12+s29], $0x1000, $0x38;
	[tilespmem:$0x1E000] =	vst v63  }
0x43: {  	_ =	swait.ge [sflag:s19], $0x1000  }
0x44: {  	[sflag:s19] =	ssyncset.done $0x0  }
0x45: {  	[sflag:s19] =	ssyncadd.s32 $0xFFFFF000  }
0x46: {  	[tilespmem:s22], [sflag:$0x1] =	stream.indirect.gather [hbm4b:s4+s21], $0x80, s20, s21, $0xb8;
	[tilespmem:$0x1E000] =	vst v63  }
0x47: {  	p0 =	sle.u32 s7, $0x1;
	s30 =	sand.u32 $0x1, s29;
	_ =	swait.ge [sflag:s23], $0x4000  }
0x48: {  	s1 =	sshll.u32 @!p0 s30, $0xE;
	[sflag:s23] =	ssyncset.done $0x0  }
0x49: {  	s5 =	simm.s32 @!p0 $0x80;
	s1 =	ssub.s32 @!p0 $0x18000, s1;
	[sflag:s23] =	ssyncadd.s32 $0xFFFFC000  }
0x4a: {  	[tilespmem:s1], [sflag:$0x1] =	stream.indirect.gather @!p0 [hbm4b:s4+s5], $0x80, s28, s5, $0xb8;
	[tilespmem:$0x1E000] =	vst v63  }
0x4b: {  	s0 =	sshll.u32 s30, $0xE;
	p0 =	sne.s32 s7, $0x1  }
.Ltmp2:
0x4c: {  	s31 =	sadd.s32 $0x14000, s0;
	(pc) =	sbr.rel @!p0 .LBB2_5-.Ltmp2, $4  }
0x4d: {  	[spmem:s2] =	stream.indirect.scatter.add.f32 [tilespmem:s31], [sflag:$0x2], $0x80, s26, s21, $0xb8;
	[tilespmem:$0x1E000] =	vst v63  }
0x4e: {  	_ =	swait.ge [sflag:s19], $0x4000  }
0x4f: {  	[sflag:s19] =	ssyncset.done $0x0  }
0x50: {  	s0 =	simm.s32 $0x1;
	[sflag:s19] =	ssyncadd.s32 $0xFFFFC000  }
.LBB2_4:
0x51: {  	s26 =	sadd.s32 $0x80, s26  }
0x52: {  	s28 =	sadd.s32 $0x80, s28;
	s1 =	smov.u32 s0;
	s0 =	sadd.s32 $0x1, s0  }
0x53: {  	s1 =	sand.u32 $0x1, s1;
	_ =	swait.ge [sflag:s23], $0x4000;
	p0 =	sge.u32 s0, s7  }
0x54: {  	s5 =	sshll.u32 s1, $0xE;
	[sflag:s23] =	ssyncset.done $0x0;
	s1 =	sshll.u32 @!p0 s1, $0xE  }
0x55: {  	s6 =	simm.s32 @!p0 $0x80;
	[sflag:s23] =	ssyncadd.s32 $0xFFFFC000;
	s1 =	ssub.s32 @!p0 $0x18000, s1  }
0x56: {  	[tilespmem:s1], [sflag:$0x1] =	stream.indirect.gather @!p0 [hbm4b:s4+s6], $0x80, s28, s6, $0xb8;
	[tilespmem:$0x1E000] =	vst v63  }
0x57: {  	p0 =	sne.s32 s7, s0  }
.Ltmp3:
0x58: {  	s1 =	sadd.s32 $0x14000, s5;
	(pc) =	sbr.rel @p0 .LBB2_4-.Ltmp3, $4  }
0x59: {  	[spmem:s2] =	stream.indirect.scatter.add.f32 [tilespmem:s1], [sflag:$0x2], $0x80, s26, s21, $0xb8;
	[tilespmem:$0x1E000] =	vst v63  }
0x5a: {  	_ =	swait.ge [sflag:s19], $0x4000  }
0x5b: {  	[sflag:s19] =	ssyncset.done $0x0  }
0x5c: {  	[sflag:s19] =	ssyncadd.s32 $0xFFFFC000  }
.LBB2_5:
0x5d: {  	[tilespmem:s20], [sflag:$0x2] =	stream.linear.gather [hbm4b:s13+s29], $0x1000, $0x38;
	[tilespmem:$0x1E000] =	vst v63  }
0x5e: {  	_ =	swait.ge [sflag:s19], $0x1000  }
0x5f: {  	[sflag:s19] =	ssyncset.done $0x0  }
0x60: {  	s26 =	simm.s32 $0x1D000;
	[sflag:s19] =	ssyncadd.s32 $0xFFFFF000  }
0x61: {  	[tilespmem:s26], [sflag:$0x2] =	stream.linear.gather [hbm4b:s14+s29], $0x1000, $0x38;
	[tilespmem:$0x1E000] =	vst v63  }
0x62: {  	_ =	swait.ge [sflag:s19], $0x1000  }
0x63: {  	[sflag:s19] =	ssyncset.done $0x0  }
0x64: {  	[sflag:s19] =	ssyncadd.s32 $0xFFFFF000  }
0x65: {  	[tilespmem:s22], [sflag:$0x1] =	stream.indirect.gather [hbm4b:s4+s21], $0x80, s20, s21, $0xb8;
	[tilespmem:$0x1E000] =	vst v63  }
0x66: {  	p0 =	sle.u32 s7, $0x1;
	_ =	swait.ge [sflag:s23], $0x4000  }
0x67: {  	s28 =	simm.s32 $0x1C080;
	s0 =	sshll.u32 @!p0 s30, $0xE;
	[sflag:s23] =	ssyncset.done $0x0  }
0x68: {  	s1 =	simm.s32 @!p0 $0x80;
	s0 =	ssub.s32 @!p0 $0x18000, s0;
	[sflag:s23] =	ssyncadd.s32 $0xFFFFC000  }
0x69: {  	[tilespmem:s0], [sflag:$0x1] =	stream.indirect.gather @!p0 [hbm4b:s4+s1], $0x80, s28, s1, $0xb8;
	[tilespmem:$0x1E000] =	vst v63  }
0x6a: {  	p0 =	sne.s32 s7, $0x1  }
.Ltmp4:
0x6b: {  	_ = 	snop;
	(pc) =	sbr.rel @!p0 .LBB2_7-.Ltmp4, $4  }
0x6c: {  	[spmem:s2] =	stream.indirect.scatter.add.f32 [tilespmem:s31], [sflag:$0x2], $0x80, s26, s21, $0xb8;
	[tilespmem:$0x1E000] =	vst v63  }
0x6d: {  	_ =	swait.ge [sflag:s19], $0x4000  }
0x6e: {  	s30 =	simm.s32 $0x1C080;
	[sflag:s19] =	ssyncset.done $0x0  }
0x6f: {  	s29 =	simm.s32 $0x1;
	s0 =	simm.s32 $0x1D000;
	[sflag:s19] =	ssyncadd.s32 $0xFFFFC000  }
.LBB2_6:
0x70: {  	s0 =	sadd.s32 $0x80, s0  }
0x71: {  	s30 =	sadd.s32 $0x80, s30;
	s1 =	smov.u32 s29;
	s29 =	sadd.s32 $0x1, s29  }
0x72: {  	s1 =	sand.u32 $0x1, s1;
	_ =	swait.ge [sflag:s23], $0x4000;
	p0 =	sge.u32 s29, s7  }
0x73: {  	s5 =	sshll.u32 s1, $0xE;
	[sflag:s23] =	ssyncset.done $0x0;
	s1 =	sshll.u32 @!p0 s1, $0xE  }
0x74: {  	s6 =	simm.s32 @!p0 $0x80;
	[sflag:s23] =	ssyncadd.s32 $0xFFFFC000;
	s1 =	ssub.s32 @!p0 $0x18000, s1  }
0x75: {  	[tilespmem:s1], [sflag:$0x1] =	stream.indirect.gather @!p0 [hbm4b:s4+s6], $0x80, s30, s6, $0xb8;
	[tilespmem:$0x1E000] =	vst v63  }
0x76: {  	p0 =	sne.s32 s7, s29  }
.Ltmp5:
0x77: {  	s1 =	sadd.s32 $0x14000, s5;
	(pc) =	sbr.rel @p0 .LBB2_6-.Ltmp5, $4  }
0x78: {  	[spmem:s2] =	stream.indirect.scatter.add.f32 [tilespmem:s1], [sflag:$0x2], $0x80, s0, s21, $0xb8;
	[tilespmem:$0x1E000] =	vst v63  }
0x79: {  	_ =	swait.ge [sflag:s19], $0x4000  }
0x7a: {  	[sflag:s19] =	ssyncset.done $0x0  }
0x7b: {  	[sflag:s19] =	ssyncadd.s32 $0xFFFFC000  }
.LBB2_7:
0x7c: {  	s0 =	simm.s32 $0x0  }
0x7d: {  	[tilespmem:s20], [sflag:$0x2] =	stream.linear.gather [hbm4b:s15+s0], $0x1000, $0x38;
	[tilespmem:$0x1E000] =	vst v63  }
0x7e: {  	_ =	swait.ge [sflag:s19], $0x1000  }
0x7f: {  	[sflag:s19] =	ssyncset.done $0x0  }
0x80: {  	[sflag:s19] =	ssyncadd.s32 $0xFFFFF000  }
0x81: {  	[tilespmem:s26], [sflag:$0x2] =	stream.linear.gather [hbm4b:s16+s0], $0x1000, $0x38;
	[tilespmem:$0x1E000] =	vst v63  }
0x82: {  	_ =	swait.ge [sflag:s19], $0x1000  }
0x83: {  	[sflag:s19] =	ssyncset.done $0x0  }
0x84: {  	[sflag:s19] =	ssyncadd.s32 $0xFFFFF000  }
0x85: {  	[tilespmem:s22], [sflag:$0x1] =	stream.indirect.gather [hbm4b:s4+s21], $0x80, s20, s21, $0xb8;
	[tilespmem:$0x1E000] =	vst v63  }
0x86: {  	p0 =	sle.u32 s7, $0x1;
	s0 =	sand.u32 $0x1, s0;
	_ =	swait.ge [sflag:s23], $0x4000  }
0x87: {  	s1 =	sshll.u32 s0, $0xE;
	s0 =	sshll.u32 @!p0 s0, $0xE;
	[sflag:s23] =	ssyncset.done $0x0  }
0x88: {  	s5 =	simm.s32 @!p0 $0x80;
	s0 =	ssub.s32 @!p0 $0x18000, s0;
	[sflag:s23] =	ssyncadd.s32 $0xFFFFC000  }
0x89: {  	[tilespmem:s0], [sflag:$0x1] =	stream.indirect.gather @!p0 [hbm4b:s4+s5], $0x80, s28, s5, $0xb8;
	[tilespmem:$0x1E000] =	vst v63  }
0x8a: {  	p0 =	sne.s32 s7, $0x1  }
.Ltmp6:
0x8b: {  	s31 =	sadd.s32 $0x14000, s1;
	(pc) =	sbr.rel @!p0 .LBB2_9-.Ltmp6, $4  }
0x8c: {  	[spmem:s2] =	stream.indirect.scatter.add.f32 [tilespmem:s31], [sflag:$0x2], $0x80, s26, s21, $0xb8;
	[tilespmem:$0x1E000] =	vst v63  }
0x8d: {  	_ =	swait.ge [sflag:s19], $0x4000  }
0x8e: {  	[sflag:s19] =	ssyncset.done $0x0  }
0x8f: {  	s0 =	simm.s32 $0x1;
	[sflag:s19] =	ssyncadd.s32 $0xFFFFC000  }
.LBB2_8:
0x90: {  	s26 =	sadd.s32 $0x80, s26  }
0x91: {  	s28 =	sadd.s32 $0x80, s28;
	s1 =	smov.u32 s0;
	s0 =	sadd.s32 $0x1, s0  }
0x92: {  	s1 =	sand.u32 $0x1, s1;
	_ =	swait.ge [sflag:s23], $0x4000;
	p0 =	sge.u32 s0, s7  }
0x93: {  	s5 =	sshll.u32 s1, $0xE;
	[sflag:s23] =	ssyncset.done $0x0;
	s1 =	sshll.u32 @!p0 s1, $0xE  }
0x94: {  	s6 =	simm.s32 @!p0 $0x80;
	[sflag:s23] =	ssyncadd.s32 $0xFFFFC000;
	s1 =	ssub.s32 @!p0 $0x18000, s1  }
0x95: {  	[tilespmem:s1], [sflag:$0x1] =	stream.indirect.gather @!p0 [hbm4b:s4+s6], $0x80, s28, s6, $0xb8;
	[tilespmem:$0x1E000] =	vst v63  }
0x96: {  	p0 =	sne.s32 s7, s0  }
.Ltmp7:
0x97: {  	s1 =	sadd.s32 $0x14000, s5;
	(pc) =	sbr.rel @p0 .LBB2_8-.Ltmp7, $4  }
0x98: {  	[spmem:s2] =	stream.indirect.scatter.add.f32 [tilespmem:s1], [sflag:$0x2], $0x80, s26, s21, $0xb8;
	[tilespmem:$0x1E000] =	vst v63  }
0x99: {  	_ =	swait.ge [sflag:s19], $0x4000  }
0x9a: {  	[sflag:s19] =	ssyncset.done $0x0  }
0x9b: {  	[sflag:s19] =	ssyncadd.s32 $0xFFFFC000  }
.LBB2_9:
0x9c: {  	s24 =	sadd.s32 $0x1, s24  }
0x9d: {  	p0 =	sne.s32 s24, s18  }
.Ltmp8:
0x9e: {  	[bflag:$0x0] =	sbarrier.arrive $0xFFFF;
	(pc) =	sbr.rel @p0 .LBB2_1-.Ltmp8, $4  }
0x9f: {  	[hbm:s17], [sflag:s8] =	dma.local [spmem:s25], $0x2800  }
0xa0: {  	_ =	swait.ge [sflag:s19], $0x2800  }
0xa1: {  	[sflag:s19] =	ssyncset.done $0x0  }
0xa2: {  	[sflag:s19] =	ssyncadd.s32 $0xFFFFD800  }
0xa3: {  	_ =	sfence.sel $0x180000  }
0xa4: {  	[bflag:$0x0] =	sbarrier.arrive $0xFFFF  }
0xa5: {  	_ =	strace $0x90000050  }
0xa6: {  	s0 =	stileid.u32;
	[bflag:$0x2] =	sbarrier.arrive $0xFFFF  }
0xa7: {  	p0 =	sne.s32 s0, $0x0;
	s0 =	rddreg [dreg:$0x2]  }
0xa8: {  	s0 =	sadd.s32 @!p0 $0x100000, s0  }
0xa9: {  	[sflag:s0] =	ssyncadd.tile.s32 @!p0 $0x1;
	_ =	shalt  }
.Lfunc_end2:
_tile_overlayer_lowered:
.L_overlay_start_2:
0xaa: {  	(tag) =	ssettag $0x2  }
0xab: {  	s0 =	rddreg [dreg:$0x0];
	s2 =	stileid.u32  }
0xac: {  	s1 =	rddreg [dreg:$0x1];
	p0 =	sne.s32 s2, $0x0  }
0xad: {  	s3 =	rddreg [dreg:$0x2];
	[bflag:$0x3] =	sbarrier.arrive $0xFFFF;
	s2 =	simm.s32 @!p0 $0x1C02  }
0xae: {  	[timem:s3], [sflag:s2] =	dma.local @!p0 [hbm:s0], s1  }
0xaf: {  	s0 =	simm.s32 @!p0 $0x2  }
0xb0: {  	_ =	swait.ge @!p0 [sflag:s0], s1  }
0xb1: {  	s1 =	ssub.s32 @!p0 $0x0, s1;
	[sflag:s0] =	ssyncset.done @!p0 $0x0  }
0xb2: {  	[sflag:s0] =	ssyncadd.s32 @!p0 s1  }
0xb3: {  	[bflag:$0x3] =	sbarrier.arrive $0xFFFF  }
0xb4: {  	_ =	shalt  }

</sc_bundles>
